<compile_context>
chip_gen: v7x
topology: tpu7x:2x2x1
jax: 0.10.2.dev20260603
libtpu: 0.0.44.dev20260713+nightly
codegen_flags: <defaults>
</compile_context>

<pallas_src>
import functools

import jax
import jax.numpy as jnp
from jax import lax
from jax.experimental import pallas as pl
from jax.experimental.pallas import tpu as pltpu
from jax.experimental.pallas import tpu_sc as plsc

B = 4
N = 8192
P = 1024
R1, R2 = 0.1, 0.2
S1, S2 = 16, 32
CF = 64
CIN = CF + 3
CMID = 32
COUT = 128
EPS = 1e-5
M1 = B * P * S1
M2 = B * P * S2
NSUB = 32
CPW = P // (NSUB // B)
NSTEP = N // 16



def _fps_body(x_ref, y_ref, z_ref, ox_ref, oy_ref, oz_ref, dists_ref):
    gidx = (lax.broadcasted_iota(jnp.int32, (B, 8, N // 8), 1) * (N // 8)
            + lax.broadcasted_iota(jnp.int32, (B, 8, N // 8), 2))

    dists_ref[...] = jnp.full((B, 8, N // 8), 1e10, jnp.float32)
    zf = jnp.zeros((B, 8, N // 8), jnp.float32)

    def extract(iv):
        m = gidx == iv
        lx = jnp.sum(jnp.sum(jnp.where(m, x_ref[...], zf), axis=2,
                             keepdims=True), axis=1, keepdims=True)
        ly = jnp.sum(jnp.sum(jnp.where(m, y_ref[...], zf), axis=2,
                             keepdims=True), axis=1, keepdims=True)
        lz = jnp.sum(jnp.sum(jnp.where(m, z_ref[...], zf), axis=2,
                             keepdims=True), axis=1, keepdims=True)
        return lx, ly, lz

    def store(i, lx, ly, lz):
        ox_ref[:, pl.ds(i, 1), :] = lx
        oy_ref[:, pl.ds(i, 1), :] = ly
        oz_ref[:, pl.ds(i, 1), :] = lz

    lx, ly, lz = extract(jnp.zeros((B, 1, 1), jnp.int32))
    store(0, lx, ly, lz)

    def body(i, carry):
        lx, ly, lz = carry
        dx = x_ref[...] - lx
        dy = y_ref[...] - ly
        dz = z_ref[...] - lz
        d2 = dx * dx + dy * dy + dz * dz
        dm = jnp.minimum(dists_ref[...], d2)
        dists_ref[...] = dm
        mx = jnp.max(jnp.max(dm, axis=2, keepdims=True), axis=1,
                     keepdims=True)
        cand = jnp.where(dm == mx, gidx, N)
        iv = jnp.min(jnp.min(cand, axis=2, keepdims=True), axis=1,
                     keepdims=True)
        lx, ly, lz = extract(iv)
        store(i, lx, ly, lz)
        return (lx, ly, lz)

    lax.fori_loop(1, P, body, (lx, ly, lz))


def _run_fps(xt):
    x = xt[:, 0, :].reshape(B, 8, N // 8)
    y = xt[:, 1, :].reshape(B, 8, N // 8)
    z = xt[:, 2, :].reshape(B, 8, N // 8)
    out = pl.pallas_call(
        _fps_body,
        out_shape=[jax.ShapeDtypeStruct((B, P, 1), jnp.float32)] * 3,
        scratch_shapes=[pltpu.VMEM((B, 8, N // 8), jnp.float32)],
    )(x, y, z)
    return out



def _bq_body(xp_hbm, yp_hbm, zp_hbm, cxp_hbm, cyp_hbm, czp_hbm,
             i1_hbm, g1_hbm, i2_hbm, g2_hbm,
             xv, yv, zv, cxv, cyv, czv, o1i, o2i, o1g, o2g,
             t1i, t1d, t2i, t2d, cntv):
    w = lax.axis_index("c") * 16 + lax.axis_index("s")
    b = w // (NSUB // B)
    p0 = (w % (NSUB // B)) * CPW
    base = b * N

    pltpu.sync_copy(xp_hbm.at[b], xv)
    pltpu.sync_copy(yp_hbm.at[b], yv)
    pltpu.sync_copy(zp_hbm.at[b], zv)
    pltpu.sync_copy(cxp_hbm.at[b, pl.ds(p0, CPW)], cxv.at[pl.ds(0, CPW)])
    pltpu.sync_copy(cyp_hbm.at[b, pl.ds(p0, CPW)], cyv.at[pl.ds(0, CPW)])
    pltpu.sync_copy(czp_hbm.at[b, pl.ds(p0, CPW)], czv.at[pl.ds(0, CPW)])

    lane = lax.broadcasted_iota(jnp.int32, (16,), 0)
    r1sq = jnp.float32(R1 * R1)
    r2sq = jnp.float32(R2 * R2)

    def centroid(c, _):
        cx = cxv[pl.ds(c, 16)][0]
        cy = cyv[pl.ds(c, 16)][0]
        cz = czv[pl.ds(c, 16)][0]
        x0 = xv[pl.ds(0, 16)][0]
        y0 = yv[pl.ds(0, 16)][0]
        z0 = zv[pl.ds(0, 16)][0]
        d20 = ((x0 - cx) * (x0 - cx) + (y0 - cy) * (y0 - cy)
               + (z0 - cz) * (z0 - cz))
        t1i[pl.ds(0, 16)] = jnp.full((16,), base, jnp.int32)
        t1d[pl.ds(0, 16)] = jnp.full((16,), d20, jnp.float32)
        t2i[pl.ds(0, 16)] = jnp.full((16,), base, jnp.int32)
        t2d[pl.ds(0, 16)] = jnp.full((16,), d20, jnp.float32)

        zero16 = jnp.zeros((16,), jnp.int32)
        cntv[pl.ds(0, 16)] = zero16
        cntv[pl.ds(16, 16)] = zero16
        cntv[pl.ds(32, 16)] = zero16
        cntv[pl.ds(48, 16)] = zero16

        def branch(d2s, off4, tbi, tbd, coff, doff, rsq, cap):
            cv = cntv[pl.ds(coff, 16)]
            for k in range(32):
                d2 = d2s[k]
                gi = (base + off4 + 16 * k) + lane
                m = (d2 < rsq) & (cv < cap)
                v = m.astype(jnp.int32)
                inc = plsc.cumsum(v)
                plsc.store_scatter(tbi, [cv + (inc - v)], gi, mask=m)
                plsc.store_scatter(tbd, [cv + (inc - v)], d2, mask=m)
                cv = cv + plsc.all_reduce_population_count(m)
            cntv[pl.ds(coff, 16)] = cv
            cntv[pl.ds(doff, 16)] = (cv >= cap).astype(jnp.int32)

        def chunk(jj, _):
            off4 = jj * 512
            d1 = cntv[pl.ds(32, 16)][0]
            d2f = cntv[pl.ds(48, 16)][0]

            @pl.when(d1 + d2f < 2)
            def _():
                d2s = []
                for k in range(32):
                    xs = xv[pl.ds(off4 + 16 * k, 16)]
                    ys = yv[pl.ds(off4 + 16 * k, 16)]
                    zs = zv[pl.ds(off4 + 16 * k, 16)]
                    dx = xs - cx
                    dy = ys - cy
                    dz = zs - cz
                    d2s.append(dx * dx + dy * dy + dz * dz)

                @pl.when(d1 == 0)
                def _():
                    branch(d2s, off4, t1i, t1d, 0, 32, r1sq, S1)

                @pl.when(d2f == 0)
                def _():
                    branch(d2s, off4, t2i, t2d, 16, 48, r2sq, S2)

            return 0

        lax.fori_loop(0, NSTEP // 32, chunk, 0)
        c1 = jnp.minimum(cntv[pl.ds(0, 16)][0], S1)
        c2 = jnp.minimum(cntv[pl.ds(16, 16)][0], S2)

        cc = jnp.full((16,), c, jnp.int32)
        f_i = t1i[pl.ds(0, 16)][0]
        f_d = t1d[pl.ds(0, 16)][0]
        vi = jnp.where(lane >= c1, f_i, t1i[pl.ds(0, 16)])
        vd = jnp.where(lane >= c1, f_d, t1d[pl.ds(0, 16)])
        o1i[c, :] = vi
        loc = vi - base
        gx = plsc.load_gather(xv, [loc])
        gy = plsc.load_gather(yv, [loc])
        gz = plsc.load_gather(zv, [loc])
        plsc.store_scatter(o1g, [cc, lane, jnp.full((16,), 0, jnp.int32)], gx)
        plsc.store_scatter(o1g, [cc, lane, jnp.full((16,), 1, jnp.int32)], gy)
        plsc.store_scatter(o1g, [cc, lane, jnp.full((16,), 2, jnp.int32)], gz)
        plsc.store_scatter(o1g, [cc, lane, jnp.full((16,), 3, jnp.int32)], vd)
        f_i2 = t2i[pl.ds(0, 16)][0]
        f_d2 = t2d[pl.ds(0, 16)][0]
        for k in range(2):
            lk = lane + (16 * k)
            vi = jnp.where(lk >= c2, f_i2, t2i[pl.ds(16 * k, 16)])
            vd = jnp.where(lk >= c2, f_d2, t2d[pl.ds(16 * k, 16)])
            o2i[c, pl.ds(16 * k, 16)] = vi
            loc = vi - base
            gx = plsc.load_gather(xv, [loc])
            gy = plsc.load_gather(yv, [loc])
            gz = plsc.load_gather(zv, [loc])
            plsc.store_scatter(o2g, [cc, lk, jnp.full((16,), 0, jnp.int32)], gx)
            plsc.store_scatter(o2g, [cc, lk, jnp.full((16,), 1, jnp.int32)], gy)
            plsc.store_scatter(o2g, [cc, lk, jnp.full((16,), 2, jnp.int32)], gz)
            plsc.store_scatter(o2g, [cc, lk, jnp.full((16,), 3, jnp.int32)], vd)
        return 0

    lax.fori_loop(0, CPW, centroid, 0)

    pltpu.sync_copy(o1i, i1_hbm.at[b, pl.ds(p0, CPW)])
    pltpu.sync_copy(o2i, i2_hbm.at[b, pl.ds(p0, CPW)])
    pltpu.sync_copy(o1g, g1_hbm.at[b, pl.ds(p0, CPW)])
    pltpu.sync_copy(o2g, g2_hbm.at[b, pl.ds(p0, CPW)])


def _run_ball_query(planes, cplanes):
    mesh = plsc.VectorSubcoreMesh(core_axis_name="c", subcore_axis_name="s",
                                   num_cores=2, num_subcores=16)
    f = pl.kernel(
        _bq_body,
        out_type=[
            pltpu.HBM((B, P, S1), jnp.int32),
            pltpu.HBM((B, P, S1, 4), jnp.float32),
            pltpu.HBM((B, P, S2), jnp.int32),
            pltpu.HBM((B, P, S2, 4), jnp.float32),
        ],
        mesh=mesh,
        compiler_params=pltpu.CompilerParams(needs_layout_passes=False,
                                             use_tc_tiling_on_sc=False),
        scratch_types=[
            pltpu.VMEM((N,), jnp.float32),
            pltpu.VMEM((N,), jnp.float32),
            pltpu.VMEM((N,), jnp.float32),
            pltpu.VMEM((CPW + 16,), jnp.float32),
            pltpu.VMEM((CPW + 16,), jnp.float32),
            pltpu.VMEM((CPW + 16,), jnp.float32),
            pltpu.VMEM((CPW, S1), jnp.int32),
            pltpu.VMEM((CPW, S2), jnp.int32),
            pltpu.VMEM((CPW, S1, 4), jnp.float32),
            pltpu.VMEM((CPW, S2, 4), jnp.float32),
            pltpu.VMEM((48,), jnp.int32),
            pltpu.VMEM((48,), jnp.float32),
            pltpu.VMEM((48,), jnp.int32),
            pltpu.VMEM((48,), jnp.float32),
            pltpu.VMEM((64,), jnp.int32),
        ],
    )
    return f(*planes, *cplanes)



def _gather_body(table_hbm, i1_hbm, i2_hbm, g1_hbm, g2_hbm,
                 idxv, buf, sem):
    w = lax.axis_index("c") * 16 + lax.axis_index("s")

    def run(idx_hbm, out_hbm, rows_per_sub):
        nchunk = rows_per_sub // 128
        r0 = w * rows_per_sub

        def chunk(c, _):
            rb = r0 + c * 128
            pltpu.sync_copy(idx_hbm.at[pl.ds(rb, 128)], idxv)
            pltpu.async_copy(table_hbm.at[idxv], buf, sem).wait()
            pltpu.sync_copy(buf, out_hbm.at[pl.ds(rb, 128)])
            return 0

        lax.fori_loop(0, nchunk, chunk, 0)

    run(i1_hbm, g1_hbm, M1 // NSUB)
    run(i2_hbm, g2_hbm, M2 // NSUB)


def _run_gather(table, idx1f, idx2f):
    mesh = plsc.VectorSubcoreMesh(core_axis_name="c", subcore_axis_name="s",
                                   num_cores=2, num_subcores=16)
    f = pl.kernel(
        _gather_body,
        out_type=[
            pltpu.HBM((M1, CF), jnp.float32),
            pltpu.HBM((M2, CF), jnp.float32),
        ],
        mesh=mesh,
        compiler_params=pltpu.CompilerParams(needs_layout_passes=False,
                                             use_tc_tiling_on_sc=False),
        scratch_types=[
            pltpu.VMEM((128,), jnp.int32),
            pltpu.VMEM((128, CF), jnp.float32),
            pltpu.SemaphoreType.DMA,
        ],
    )
    return f(table, idx1f, idx2f)



def _geom_h1(geo, cent, w1t, S, bm):
    q = bm // S
    geo3 = geo.reshape(q, S, 4)
    raw = geo3[:, :, 0:3]
    d2 = geo3[:, :, 3:4]
    delta = raw - cent.reshape(q, 1, 3)
    xi = jnp.broadcast_to(geo3[:, 0:1, 0:3], (q, S, 3))
    dist = jnp.sqrt(d2 + 1e-12)
    h10 = jnp.concatenate([dist, xi, raw, delta], axis=-1).reshape(bm, 10)
    h1 = jnp.dot(h10, w1t, preferred_element_type=jnp.float32)
    return h1, delta


def _pass1_body(geo_ref, cent_ref, w1t_ref, acc_ref, *, S, bm):
    h1, _ = _geom_h1(geo_ref[...], cent_ref[...], w1t_ref[...], S, bm)

    @pl.when(pl.program_id(0) == 0)
    def _():
        acc_ref[...] = jnp.zeros((8, 128), jnp.float32)

    acc_ref[0:1, 0:CMID] += jnp.sum(h1, axis=0, keepdims=True)
    acc_ref[1:2, 0:CMID] += jnp.sum(h1 * h1, axis=0, keepdims=True)


def _pass2_body(geo_ref, cent_ref, feat_ref, w1t_ref, acc1_ref, w2pt_ref,
                b2p_ref, m_ref, accy_ref, *, S, bm, mbr):
    q = bm // S
    h1, delta = _geom_h1(geo_ref[...], cent_ref[...], w1t_ref[...], S, bm)
    s1 = acc1_ref[0:1, 0:CMID]
    q1 = acc1_ref[1:2, 0:CMID]
    mu1 = s1 * (1.0 / mbr)
    var1 = q1 * (1.0 / mbr) - mu1 * mu1
    rs1 = lax.rsqrt(var1 + EPS)
    h = jnp.maximum((h1 - mu1) * rs1, 0.0)
    h2 = jnp.dot(h, w2pt_ref[...], preferred_element_type=jnp.float32)
    h2 = h2 + b2p_ref[...]
    x = jnp.concatenate([feat_ref[...].reshape(q, S, CF), delta], axis=-1)
    y3 = h2.reshape(q, S, CIN) * x
    y2 = y3.reshape(bm, CIN)
    m = jnp.max(y3, axis=1)
    m_ref[...] = jnp.concatenate(
        [m, jnp.zeros((q, 128 - CIN), jnp.float32)], axis=-1)

    @pl.when(pl.program_id(0) == 0)
    def _():
        accy_ref[...] = jnp.zeros((8, 128), jnp.float32)

    accy_ref[0:1, 0:CIN] += jnp.sum(y2, axis=0, keepdims=True)
    accy_ref[1:2, 0:CIN] += jnp.sum(y2 * y2, axis=0, keepdims=True)


def _pass3_body(m1_ref, a1_ref, m2_ref, a2_ref, wcrt_ref, o1_ref, o2_ref):
    for m_ref, a_ref, o_ref, mbr in ((m1_ref, a1_ref, o1_ref, M1),
                                     (m2_ref, a2_ref, o2_ref, M2)):
        sy = a_ref[0:1, 0:CIN]
        qy = a_ref[1:2, 0:CIN]
        mu = sy * (1.0 / mbr)
        var = qy * (1.0 / mbr) - mu * mu
        rs = lax.rsqrt(var + EPS)
        x3 = jnp.maximum((m_ref[...][:, 0:CIN] - mu) * rs, 0.0)
        z = jnp.dot(x3, wcrt_ref[...], preferred_element_type=jnp.float32)
        muz = jnp.sum(z, axis=0, keepdims=True) * (1.0 / (B * P))
        varz = jnp.sum(z * z, axis=0, keepdims=True) * (1.0 / (B * P)) \
            - muz * muz
        o_ref[...] = jnp.maximum((z - muz) * lax.rsqrt(varz + EPS), 0.0)


def _run_branch(geo, cent, feat, w1t, w2pt, b2p, S, mbr):
    bm = 4096
    grid = (mbr // bm,)
    q = bm // S
    acc1 = pl.pallas_call(
        functools.partial(_pass1_body, S=S, bm=bm),
        grid=grid,
        in_specs=[
            pl.BlockSpec((bm, 4), lambda i: (i, 0)),
            pl.BlockSpec((q, 3), lambda i: (i, 0)),
            pl.BlockSpec((10, CMID), lambda i: (0, 0)),
        ],
        out_specs=pl.BlockSpec((8, 128), lambda i: (0, 0)),
        out_shape=jax.ShapeDtypeStruct((8, 128), jnp.float32),
    )(geo, cent, w1t)
    m, accy = pl.pallas_call(
        functools.partial(_pass2_body, S=S, bm=bm, mbr=mbr),
        grid=grid,
        in_specs=[
            pl.BlockSpec((bm, 4), lambda i: (i, 0)),
            pl.BlockSpec((q, 3), lambda i: (i, 0)),
            pl.BlockSpec((bm, CF), lambda i: (i, 0)),
            pl.BlockSpec((10, CMID), lambda i: (0, 0)),
            pl.BlockSpec((8, 128), lambda i: (0, 0)),
            pl.BlockSpec((CMID, CIN), lambda i: (0, 0)),
            pl.BlockSpec((1, CIN), lambda i: (0, 0)),
        ],
        out_specs=[
            pl.BlockSpec((q, 128), lambda i: (i, 0)),
            pl.BlockSpec((8, 128), lambda i: (0, 0)),
        ],
        out_shape=[
            jax.ShapeDtypeStruct((B * P, 128), jnp.float32),
            jax.ShapeDtypeStruct((8, 128), jnp.float32),
        ],
    )(geo, cent, feat, w1t, acc1, w2pt, b2p)
    return m, accy



def kernel(xyz, features, w1, b1, w2, b2, wcr, bcr):
    xt = jnp.transpose(xyz, (0, 2, 1))
    ox3, oy3, oz3 = _run_fps(xt)
    new_xyz = jnp.concatenate([ox3, oy3, oz3], axis=-1)

    planes = (xt[:, 0], xt[:, 1], xt[:, 2])
    cplanes = (ox3[..., 0], oy3[..., 0], oz3[..., 0])
    idx1, geo1, idx2, geo2 = _run_ball_query(planes, cplanes)

    table = jnp.transpose(features, (0, 2, 1)).reshape(B * N, CF)
    feat1, feat2 = _run_gather(table, idx1.reshape(M1), idx2.reshape(M2))

    perm = jnp.concatenate(
        [jnp.arange(3, CIN, dtype=jnp.int32),
         jnp.arange(0, 3, dtype=jnp.int32)])
    w1t = jnp.transpose(w1)
    w2pt = jnp.transpose(w2[perm, :])
    b2p = b2[perm].reshape(1, CIN)
    wcrt = jnp.transpose(wcr[:, perm])

    cent = new_xyz.reshape(B * P, 3)
    m1, ay1 = _run_branch(geo1.reshape(M1, 4), cent, feat1,
                          w1t, w2pt, b2p, S1, M1)
    m2, ay2 = _run_branch(geo2.reshape(M2, 4), cent, feat2,
                          w1t, w2pt, b2p, S2, M2)

    o1, o2 = pl.pallas_call(
        _pass3_body,
        out_shape=[jax.ShapeDtypeStruct((B * P, COUT), jnp.float32)] * 2,
    )(m1, ay1, m2, ay2, wcrt)

    f1 = o1.reshape(B, P, COUT).transpose(0, 2, 1)
    f2 = o2.reshape(B, P, COUT).transpose(0, 2, 1)
    return (new_xyz, jnp.concatenate([f1, f2], axis=1))

# --- scband reference (transcript-rebuilt; emitter-appended) ---
"""Pipeline reference for scband-pointnet-samodule-msg-16947940950606 (READ-ONLY COPY).

The authoritative reference and input builder live on the scoring server;
editing this copy changes nothing except your own understanding.
"""

import jax, jax.numpy as jnp
import numpy as np

B = 4
N = 8192
NPOINT = 1024
RADII = (0.1, 0.2)
NSAMPLES = (16, 32)
C_FEAT = 64
C_IN = C_FEAT + 3
C_OUT = 128
C_MID = C_OUT // 4
EPS = 1e-5


def setup_inputs(seed: int = 0):
    key = jax.random.key(seed)
    ks = jax.random.split(key, 8)
    xyz = jax.random.uniform(ks[0], (B, N, 3), dtype=jnp.float32)
    features = jax.random.normal(ks[1], (B, C_FEAT, N), dtype=jnp.float32)
    w1 = jax.random.normal(ks[2], (C_MID, 10), dtype=jnp.float32) * (2.0 / 10) ** 0.5
    b1 = jnp.zeros((C_MID,), jnp.float32)
    w2 = jax.random.normal(ks[3], (C_IN, C_MID), dtype=jnp.float32) * (2.0 / C_MID) ** 0.5
    b2 = jnp.zeros((C_IN,), jnp.float32)
    wcr = jax.random.normal(ks[4], (C_OUT, C_IN), dtype=jnp.float32) * (2.0 / C_IN) ** 0.5
    bcr = jnp.zeros((C_OUT,), jnp.float32)
    return {"xyz": xyz, "features": features, "w1": w1, "b1": b1, "w2": w2, "b2": b2, "wcr": wcr, "bcr": bcr}


def fps(xyz, npoint):
    b, n, _ = xyz.shape
    idxs0 = jnp.zeros((b, npoint), dtype=jnp.int32)
    dists0 = jnp.full((b, n), 1e10, dtype=jnp.float32)
    last0 = jnp.zeros((b,), dtype=jnp.int32)

    def body(i, state):
        idxs, dists, last = state
        last_xyz = jnp.take_along_axis(xyz, last[:, None, None], axis=1)
        d = jnp.sum((xyz - last_xyz) ** 2, axis=-1)
        dists = jnp.minimum(dists, d)
        nxt = jnp.argmax(dists, axis=-1).astype(jnp.int32)
        idxs = idxs.at[:, i].set(nxt)
        return (idxs, dists, nxt)

    idxs, _, _ = jax.lax.fori_loop(1, npoint, body, (idxs0, dists0, last0))
    return idxs


def ball_query(radius, nsample, xyz, new_xyz):
    n = xyz.shape[1]
    d2 = jnp.sum((new_xyz[:, :, None, :] - xyz[:, None, :, :]) ** 2, axis=-1)
    mask = d2 < radius * radius
    keys = jnp.where(mask, jnp.arange(n, dtype=jnp.int32)[None, None, :], n)
    skeys = jnp.sort(keys, axis=-1)[..., :nsample]
    first = skeys[..., 0:1]
    idx = jnp.where(skeys == n, first, skeys)
    idx = jnp.where(idx == n, 0, idx)
    return idx.astype(jnp.int32)


def group(points, idx):
    b, c, n = points.shape
    p, s = idx.shape[1], idx.shape[2]
    flat = idx.reshape(b, 1, p * s)
    out = jnp.take_along_axis(points, jnp.broadcast_to(flat, (b, c, p * s)), axis=2)
    return out.reshape(b, c, p, s)


def bn(x, axes):
    mean = jnp.mean(x, axis=axes, keepdims=True)
    var = jnp.var(x, axis=axes, keepdims=True)
    return (x - mean) / jnp.sqrt(var + EPS)


def rsconv(inp, nsample, w1, b1, w2, b2, wcr, bcr):
    # inp: (B, 3 + 3 + C_FEAT, P, S) = [raw_grouped_xyz, grouped_xyz(delta), grouped_features]
    x = inp[:, 3:, :, :]  # (B, C_IN, P, S)
    abs_coord = inp[:, 0:3, :, :]
    delta_x = inp[:, 3:6, :, :]
    coord_xi = jnp.repeat(abs_coord[:, :, :, 0:1], nsample, axis=3)
    h = jnp.sqrt(jnp.sum(delta_x ** 2, axis=1, keepdims=True) + 1e-12)  # euclidean dist
    h = jnp.concatenate([h, coord_xi, abs_coord, delta_x], axis=1)  # (B,10,P,S), relation_prior=1
    h = jnp.einsum('oc,bcps->bops', w1, h) + b1[None, :, None, None]  # mapping_func1
    h = jax.nn.relu(bn(h, (0, 2, 3)))
    h = jnp.einsum('oc,bcps->bops', w2, h) + b2[None, :, None, None]  # mapping_func2
    x = jax.nn.relu(bn(h * x, (0, 2, 3)))  # rsconv: elementwise relation-weighted features
    x = jnp.max(x, axis=3)  # maxpool over nsample -> (B, C_IN, P)
    x = jnp.einsum('oc,bcp->bop', wcr, x) + bcr[None, :, None]  # cr_mapping (channel raising)
    return jax.nn.relu(bn(x, (0, 2)))


def reference(xyz, features, w1, b1, w2, b2, wcr, bcr):
    fps_idx = fps(jax.lax.stop_gradient(xyz), NPOINT)  # (B, NPOINT) int32
    new_xyz = jnp.take_along_axis(xyz, jnp.broadcast_to(fps_idx[:, :, None], (B, NPOINT, 3)), axis=1)
    xyz_t = jnp.transpose(xyz, (0, 2, 1))  # (B,3,N)
    outs = []
    for radius, nsample in zip(RADII, NSAMPLES):
        idx = ball_query(radius, nsample, jax.lax.stop_gradient(xyz), jax.lax.stop_gradient(new_xyz))
        raw = group(xyz_t, idx)  # (B,3,P,S)
        delta = raw - jnp.transpose(new_xyz, (0, 2, 1))[:, :, :, None]
        gf = group(features, idx)  # (B,C_FEAT,P,S)
        inp = jnp.concatenate([raw, delta, gf], axis=1)
        outs.append(rsconv(inp, nsample, w1, b1, w2, b2, wcr, bcr))
    return (new_xyz, jnp.concatenate(outs, axis=1))

if __name__ == "__main__":
    import jax
    _d = setup_inputs()
    print(jax.jit(kernel)(*tuple(_d.values())))

</pallas_src>

<mosaic_0001>
#map = affine_map<(d0, d1) -> (0, 0)>
#map1 = affine_map<(d0, d1) -> (0)>
module attributes {stable_mosaic.version = 14 : i64} {
  func.func @_gather_body(%arg0: i32, %arg1: i32, %arg2: memref<32768x64xf32, #tpu.memory_space<hbm>>, %arg3: memref<65536xi32, #tpu.memory_space<hbm>>, %arg4: memref<131072xi32, #tpu.memory_space<hbm>>, %arg5: memref<65536x64xf32, #tpu.memory_space<hbm>>, %arg6: memref<131072x64xf32, #tpu.memory_space<hbm>>, %arg7: memref<128xi32, #tpu.memory_space<vmem>>, %arg8: memref<128x64xf32, #tpu.memory_space<vmem>>, %arg9: memref<!tpu.dma_semaphore, #tpu.memory_space<semaphore_mem>>) attributes {dimension_semantics = [#tpu.dimension_semantics<core_parallel>, #tpu.dimension_semantics<subcore_parallel>], iteration_bounds = array<i64: 2, 16>, scalar_prefetch = 0 : i64, scratch_operands = 3 : i64, tpu.core_type = #tpu.core_type<sc_vector_subcore>, window_params = [{transform_indices = #map}, {transform_indices = #map1}, {transform_indices = #map1}, {transform_indices = #map}, {transform_indices = #map}]} {
    %mul3A = arith.constant 16 : i32
    %mul3A_0 = arith.muli %arg0, %mul3A : i32
    %add3A = arith.addi %mul3A_0, %arg1 : i32
    %mul3A_1 = arith.constant 2048 : i32
    %mul3A_2 = arith.muli %add3A, %mul3A_1 : i32
    %scan3A = arith.constant 0 : i32
    %scan3A_3 = arith.constant 0 : i32
    %scan3A_4 = arith.constant 16 : i32
    %scan3A_5 = arith.addi %scan3A_3, %scan3A_4 : i32
    %scan3A_6 = arith.constant 1 : i32
    %scan3A_7 = scf.for %scan3A_18 = %scan3A_3 to %scan3A_5 step %scan3A_6 iter_args(%scan3A_19 = %scan3A) -> (i32)  : i32 {
      %mul3A_20 = arith.constant 128 : i32
      %mul3A_21 = arith.muli %scan3A_18, %mul3A_20 : i32
      %add3A_22 = arith.addi %mul3A_2, %mul3A_21 : i32
      "tpu.region"() ({
        %run_scoped3A = tpu.sem_alloc : memref<!tpu.dma_semaphore, #tpu.memory_space<semaphore_mem>>
        %dma_start3A_28 = tpu.memref_slice %arg3[%add3A_22] : memref<65536xi32, #tpu.memory_space<hbm>> -> memref<128xi32, #tpu.memory_space<hbm>>
        %dma_start3A_29 = tpu.memref_slice %arg3[%add3A_22] : memref<65536xi32, #tpu.memory_space<hbm>> -> memref<128xi32, #tpu.memory_space<hbm>>
        tpu.enqueue_dma source(%dma_start3A_29 : memref<128xi32, #tpu.memory_space<hbm>>) target(%arg7 : memref<128xi32, #tpu.memory_space<vmem>>) target_semaphore(%run_scoped3A : memref<!tpu.dma_semaphore, #tpu.memory_space<semaphore_mem>>)
        %dma_wait3A_30 = tpu.memref_slice %arg3[%add3A_22] : memref<65536xi32, #tpu.memory_space<hbm>> -> memref<128xi32, #tpu.memory_space<hbm>>
        %dma_wait3A_31 = tpu.memref_slice %arg3[%add3A_22] : memref<65536xi32, #tpu.memory_space<hbm>> -> memref<128xi32, #tpu.memory_space<hbm>>
        tpu.wait_dma2 semaphore(%run_scoped3A : memref<!tpu.dma_semaphore, #tpu.memory_space<semaphore_mem>>) src(%dma_wait3A_31 : memref<128xi32, #tpu.memory_space<hbm>>) dst(%arg7 : memref<128xi32, #tpu.memory_space<vmem>>)
        tpu.yield
      }) : () -> ()
      %dma_start3A = arith.constant 0 : i32
      %dma_start3A_23 = arith.constant 0 : i32
      %dma_start3A_24 = tpu.memref_slice %arg2[%dma_start3A, %dma_start3A_23] : memref<32768x64xf32, #tpu.memory_space<hbm>> -> memref<32768x64xf32, #tpu.memory_space<hbm>>
      tpu.enqueue_indirect_dma source(%dma_start3A_24 : memref<32768x64xf32, #tpu.memory_space<hbm>>) target(%arg8 : memref<128x64xf32, #tpu.memory_space<vmem>>) offsets(%arg7 : memref<128xi32, #tpu.memory_space<vmem>>) semaphore(%arg9 : memref<!tpu.dma_semaphore, #tpu.memory_space<semaphore_mem>>)
      %dma_wait3A = arith.constant 0 : i32
      %dma_wait3A_25 = arith.constant 0 : i32
      %dma_wait3A_26 = tpu.memref_slice %arg2[%dma_wait3A, %dma_wait3A_25] : memref<32768x64xf32, #tpu.memory_space<hbm>> -> memref<32768x64xf32, #tpu.memory_space<hbm>>
      tpu.wait_indirect_dma semaphore(%arg9 : memref<!tpu.dma_semaphore, #tpu.memory_space<semaphore_mem>>) src(%dma_wait3A_26 : memref<32768x64xf32, #tpu.memory_space<hbm>>) dst(%arg8 : memref<128x64xf32, #tpu.memory_space<vmem>>)
      "tpu.region"() ({
        %run_scoped3A = tpu.sem_alloc : memref<!tpu.dma_semaphore, #tpu.memory_space<semaphore_mem>>
        %dma_start3A_28 = arith.constant 0 : i32
        %dma_start3A_29 = tpu.memref_slice %arg5[%add3A_22, %dma_start3A_28] : memref<65536x64xf32, #tpu.memory_space<hbm>> -> memref<128x64xf32, #tpu.memory_space<hbm>>
        %dma_start3A_30 = arith.constant 0 : i32
        %dma_start3A_31 = tpu.memref_slice %arg5[%add3A_22, %dma_start3A_30] : memref<65536x64xf32, #tpu.memory_space<hbm>> -> memref<128x64xf32, #tpu.memory_space<hbm>>
        tpu.enqueue_dma source(%arg8 : memref<128x64xf32, #tpu.memory_space<vmem>>) target(%dma_start3A_31 : memref<128x64xf32, #tpu.memory_space<hbm>>) target_semaphore(%run_scoped3A : memref<!tpu.dma_semaphore, #tpu.memory_space<semaphore_mem>>)
        %dma_wait3A_32 = arith.constant 0 : i32
        %dma_wait3A_33 = tpu.memref_slice %arg5[%add3A_22, %dma_wait3A_32] : memref<65536x64xf32, #tpu.memory_space<hbm>> -> memref<128x64xf32, #tpu.memory_space<hbm>>
        %dma_wait3A_34 = arith.constant 0 : i32
        %dma_wait3A_35 = tpu.memref_slice %arg5[%add3A_22, %dma_wait3A_34] : memref<65536x64xf32, #tpu.memory_space<hbm>> -> memref<128x64xf32, #tpu.memory_space<hbm>>
        tpu.wait_dma2 semaphore(%run_scoped3A : memref<!tpu.dma_semaphore, #tpu.memory_space<semaphore_mem>>) src(%arg8 : memref<128x64xf32, #tpu.memory_space<vmem>>) dst(%dma_wait3A_35 : memref<128x64xf32, #tpu.memory_space<hbm>>)
        tpu.yield
      }) : () -> ()
      %scan3A_27 = arith.constant 0 : i32
      scf.yield %scan3A_27 : i32
    }
    %scan3A_8 = arith.constant 16 : i32
    %mul3A_9 = arith.constant 4096 : i32
    %mul3A_10 = arith.muli %add3A, %mul3A_9 : i32
    %scan3A_11 = arith.constant 0 : i32
    %scan3A_12 = arith.constant 0 : i32
    %scan3A_13 = arith.constant 32 : i32
    %scan3A_14 = arith.addi %scan3A_12, %scan3A_13 : i32
    %scan3A_15 = arith.constant 1 : i32
    %scan3A_16 = scf.for %scan3A_18 = %scan3A_12 to %scan3A_14 step %scan3A_15 iter_args(%scan3A_19 = %scan3A_11) -> (i32)  : i32 {
      %mul3A_20 = arith.constant 128 : i32
      %mul3A_21 = arith.muli %scan3A_18, %mul3A_20 : i32
      %add3A_22 = arith.addi %mul3A_10, %mul3A_21 : i32
      "tpu.region"() ({
        %run_scoped3A = tpu.sem_alloc : memref<!tpu.dma_semaphore, #tpu.memory_space<semaphore_mem>>
        %dma_start3A_28 = tpu.memref_slice %arg4[%add3A_22] : memref<131072xi32, #tpu.memory_space<hbm>> -> memref<128xi32, #tpu.memory_space<hbm>>
        %dma_start3A_29 = tpu.memref_slice %arg4[%add3A_22] : memref<131072xi32, #tpu.memory_space<hbm>> -> memref<128xi32, #tpu.memory_space<hbm>>
        tpu.enqueue_dma source(%dma_start3A_29 : memref<128xi32, #tpu.memory_space<hbm>>) target(%arg7 : memref<128xi32, #tpu.memory_space<vmem>>) target_semaphore(%run_scoped3A : memref<!tpu.dma_semaphore, #tpu.memory_space<semaphore_mem>>)
        %dma_wait3A_30 = tpu.memref_slice %arg4[%add3A_22] : memref<131072xi32, #tpu.memory_space<hbm>> -> memref<128xi32, #tpu.memory_space<hbm>>
        %dma_wait3A_31 = tpu.memref_slice %arg4[%add3A_22] : memref<131072xi32, #tpu.memory_space<hbm>> -> memref<128xi32, #tpu.memory_space<hbm>>
        tpu.wait_dma2 semaphore(%run_scoped3A : memref<!tpu.dma_semaphore, #tpu.memory_space<semaphore_mem>>) src(%dma_wait3A_31 : memref<128xi32, #tpu.memory_space<hbm>>) dst(%arg7 : memref<128xi32, #tpu.memory_space<vmem>>)
        tpu.yield
      }) : () -> ()
      %dma_start3A = arith.constant 0 : i32
      %dma_start3A_23 = arith.constant 0 : i32
      %dma_start3A_24 = tpu.memref_slice %arg2[%dma_start3A, %dma_start3A_23] : memref<32768x64xf32, #tpu.memory_space<hbm>> -> memref<32768x64xf32, #tpu.memory_space<hbm>>
      tpu.enqueue_indirect_dma source(%dma_start3A_24 : memref<32768x64xf32, #tpu.memory_space<hbm>>) target(%arg8 : memref<128x64xf32, #tpu.memory_space<vmem>>) offsets(%arg7 : memref<128xi32, #tpu.memory_space<vmem>>) semaphore(%arg9 : memref<!tpu.dma_semaphore, #tpu.memory_space<semaphore_mem>>)
      %dma_wait3A = arith.constant 0 : i32
      %dma_wait3A_25 = arith.constant 0 : i32
      %dma_wait3A_26 = tpu.memref_slice %arg2[%dma_wait3A, %dma_wait3A_25] : memref<32768x64xf32, #tpu.memory_space<hbm>> -> memref<32768x64xf32, #tpu.memory_space<hbm>>
      tpu.wait_indirect_dma semaphore(%arg9 : memref<!tpu.dma_semaphore, #tpu.memory_space<semaphore_mem>>) src(%dma_wait3A_26 : memref<32768x64xf32, #tpu.memory_space<hbm>>) dst(%arg8 : memref<128x64xf32, #tpu.memory_space<vmem>>)
      "tpu.region"() ({
        %run_scoped3A = tpu.sem_alloc : memref<!tpu.dma_semaphore, #tpu.memory_space<semaphore_mem>>
        %dma_start3A_28 = arith.constant 0 : i32
        %dma_start3A_29 = tpu.memref_slice %arg6[%add3A_22, %dma_start3A_28] : memref<131072x64xf32, #tpu.memory_space<hbm>> -> memref<128x64xf32, #tpu.memory_space<hbm>>
        %dma_start3A_30 = arith.constant 0 : i32
        %dma_start3A_31 = tpu.memref_slice %arg6[%add3A_22, %dma_start3A_30] : memref<131072x64xf32, #tpu.memory_space<hbm>> -> memref<128x64xf32, #tpu.memory_space<hbm>>
        tpu.enqueue_dma source(%arg8 : memref<128x64xf32, #tpu.memory_space<vmem>>) target(%dma_start3A_31 : memref<128x64xf32, #tpu.memory_space<hbm>>) target_semaphore(%run_scoped3A : memref<!tpu.dma_semaphore, #tpu.memory_space<semaphore_mem>>)
        %dma_wait3A_32 = arith.constant 0 : i32
        %dma_wait3A_33 = tpu.memref_slice %arg6[%add3A_22, %dma_wait3A_32] : memref<131072x64xf32, #tpu.memory_space<hbm>> -> memref<128x64xf32, #tpu.memory_space<hbm>>
        %dma_wait3A_34 = arith.constant 0 : i32
        %dma_wait3A_35 = tpu.memref_slice %arg6[%add3A_22, %dma_wait3A_34] : memref<131072x64xf32, #tpu.memory_space<hbm>> -> memref<128x64xf32, #tpu.memory_space<hbm>>
        tpu.wait_dma2 semaphore(%run_scoped3A : memref<!tpu.dma_semaphore, #tpu.memory_space<semaphore_mem>>) src(%arg8 : memref<128x64xf32, #tpu.memory_space<vmem>>) dst(%dma_wait3A_35 : memref<128x64xf32, #tpu.memory_space<hbm>>)
        tpu.yield
      }) : () -> ()
      %scan3A_27 = arith.constant 0 : i32
      scf.yield %scan3A_27 : i32
    }
    %scan3A_17 = arith.constant 32 : i32
    return
  }
}

#map = affine_map<(d0, d1) -> (0, 0)>
#map1 = affine_map<(d0, d1) -> (0, 0, 0)>
#map2 = affine_map<(d0, d1) -> (0, 0, 0, 0)>
module attributes {stable_mosaic.version = 14 : i64} {
  func.func @_bq_body(%arg0: i32, %arg1: i32, %arg2: memref<4x8192xf32, #tpu.memory_space<hbm>>, %arg3: memref<4x8192xf32, #tpu.memory_space<hbm>>, %arg4: memref<4x8192xf32, #tpu.memory_space<hbm>>, %arg5: memref<4x1024xf32, #tpu.memory_space<hbm>>, %arg6: memref<4x1024xf32, #tpu.memory_space<hbm>>, %arg7: memref<4x1024xf32, #tpu.memory_space<hbm>>, %arg8: memref<4x1024x16xi32, #tpu.memory_space<hbm>>, %arg9: memref<4x1024x16x4xf32, #tpu.memory_space<hbm>>, %arg10: memref<4x1024x32xi32, #tpu.memory_space<hbm>>, %arg11: memref<4x1024x32x4xf32, #tpu.memory_space<hbm>>, %arg12: memref<8192xf32, #tpu.memory_space<vmem>>, %arg13: memref<8192xf32, #tpu.memory_space<vmem>>, %arg14: memref<8192xf32, #tpu.memory_space<vmem>>, %arg15: memref<144xf32, #tpu.memory_space<vmem>>, %arg16: memref<144xf32, #tpu.memory_space<vmem>>, %arg17: memref<144xf32, #tpu.memory_space<vmem>>, %arg18: memref<128x16xi32, #tpu.memory_space<vmem>>, %arg19: memref<128x32xi32, #tpu.memory_space<vmem>>, %arg20: memref<128x16x4xf32, #tpu.memory_space<vmem>>, %arg21: memref<128x32x4xf32, #tpu.memory_space<vmem>>, %arg22: memref<48xi32, #tpu.memory_space<vmem>>, %arg23: memref<48xf32, #tpu.memory_space<vmem>>, %arg24: memref<48xi32, #tpu.memory_space<vmem>>, %arg25: memref<48xf32, #tpu.memory_space<vmem>>, %arg26: memref<64xi32, #tpu.memory_space<vmem>>) attributes {dimension_semantics = [#tpu.dimension_semantics<core_parallel>, #tpu.dimension_semantics<subcore_parallel>], iteration_bounds = array<i64: 2, 16>, scalar_prefetch = 0 : i64, scratch_operands = 15 : i64, tpu.core_type = #tpu.core_type<sc_vector_subcore>, window_params = [{transform_indices = #map}, {transform_indices = #map}, {transform_indices = #map}, {transform_indices = #map}, {transform_indices = #map}, {transform_indices = #map}, {transform_indices = #map1}, {transform_indices = #map2}, {transform_indices = #map1}, {transform_indices = #map2}]} {
    %mul3A = arith.constant 16 : i32
    %mul3A_0 = arith.muli %arg0, %mul3A : i32
    %add3A = arith.addi %mul3A_0, %arg1 : i32
    %jit3A = arith.constant 8 : i32
    %div3A = arith.divsi %add3A, %jit3A : i32
    %sign3A = arith.constant 0 : i32
    %sign3A_1 = arith.cmpi sgt, %add3A, %sign3A : i32
    %sign3A_2 = arith.extui %sign3A_1 : i1 to i32
    %sign3A_3 = arith.constant 0 : i32
    %sign3A_4 = arith.cmpi slt, %add3A, %sign3A_3 : i32
    %sign3A_5 = arith.extui %sign3A_4 : i1 to i32
    %sign3A_6 = arith.subi %sign3A_2, %sign3A_5 : i32
    %sign3A_7 = arith.constant 0 : i32
    %sign3A_8 = arith.cmpi sgt, %jit3A, %sign3A_7 : i32
    %sign3A_9 = arith.extui %sign3A_8 : i1 to i32
    %sign3A_10 = arith.constant 0 : i32
    %sign3A_11 = arith.cmpi slt, %jit3A, %sign3A_10 : i32
    %sign3A_12 = arith.extui %sign3A_11 : i1 to i32
    %sign3A_13 = arith.subi %sign3A_9, %sign3A_12 : i32
    %ne3A = arith.cmpi ne, %sign3A_6, %sign3A_13 : i32
    %rem3A = arith.remsi %add3A, %jit3A : i32
    %ne3A_14 = arith.constant 0 : i32
    %ne3A_15 = arith.cmpi ne, %rem3A, %ne3A_14 : i32
    %and3A = arith.andi %ne3A, %ne3A_15 : i1
    %sub3A = arith.constant 1 : i32
    %sub3A_16 = arith.subi %div3A, %sub3A : i32
    %select_n3A = arith.select %and3A, %sub3A_16, %div3A : i32
    %jit3A_17 = arith.constant 8 : i32
    %eq3A = arith.constant 0 : i32
    %eq3A_18 = arith.cmpi eq, %jit3A_17, %eq3A : i32
    %jit3A_19 = arith.constant 1 : i32
    %select_n3A_20 = arith.select %eq3A_18, %jit3A_19, %jit3A_17 : i32
    %rem3A_21 = arith.remsi %add3A, %select_n3A_20 : i32
    %ne3A_22 = arith.constant 0 : i32
    %ne3A_23 = arith.cmpi ne, %rem3A_21, %ne3A_22 : i32
    %lt3A = arith.constant 0 : i32
    %lt3A_24 = arith.cmpi slt, %rem3A_21, %lt3A : i32
    %lt3A_25 = arith.constant 0 : i32
    %lt3A_26 = arith.cmpi slt, %select_n3A_20, %lt3A_25 : i32
    %ne3A_27 = arith.xori %lt3A_24, %lt3A_26 : i1
    %and3A_28 = arith.andi %ne3A_27, %ne3A_23 : i1
    %add3A_29 = arith.addi %rem3A_21, %select_n3A_20 : i32
    %select_n3A_30 = arith.select %and3A_28, %add3A_29, %rem3A_21 : i32
    %mul3A_31 = arith.constant 128 : i32
    %mul3A_32 = arith.muli %select_n3A_30, %mul3A_31 : i32
    %mul3A_33 = arith.constant 8192 : i32
    %mul3A_34 = arith.muli %select_n3A, %mul3A_33 : i32
    "tpu.region"() ({
      %run_scoped3A = tpu.sem_alloc : memref<!tpu.dma_semaphore, #tpu.memory_space<semaphore_mem>>
      %dma_start3A = arith.constant 0 : i32
      %dma_start3A_43 = tpu.memref_slice %arg2[%select_n3A, %dma_start3A] : memref<4x8192xf32, #tpu.memory_space<hbm>> -> memref<1x8192xf32, #tpu.memory_space<hbm>>
      %dma_start3A_44 = tpu.memref_squeeze %dma_start3A_43 : memref<1x8192xf32, #tpu.memory_space<hbm>> -> memref<8192xf32, #tpu.memory_space<hbm>>
      %dma_start3A_45 = arith.constant 0 : i32
      %dma_start3A_46 = tpu.memref_slice %arg2[%select_n3A, %dma_start3A_45] : memref<4x8192xf32, #tpu.memory_space<hbm>> -> memref<1x8192xf32, #tpu.memory_space<hbm>>
      %dma_start3A_47 = tpu.memref_squeeze %dma_start3A_46 : memref<1x8192xf32, #tpu.memory_space<hbm>> -> memref<8192xf32, #tpu.memory_space<hbm>>
      tpu.enqueue_dma source(%dma_start3A_47 : memref<8192xf32, #tpu.memory_space<hbm>>) target(%arg12 : memref<8192xf32, #tpu.memory_space<vmem>>) target_semaphore(%run_scoped3A : memref<!tpu.dma_semaphore, #tpu.memory_space<semaphore_mem>>)
      %dma_wait3A = arith.constant 0 : i32
      %dma_wait3A_48 = tpu.memref_slice %arg2[%select_n3A, %dma_wait3A] : memref<4x8192xf32, #tpu.memory_space<hbm>> -> memref<1x8192xf32, #tpu.memory_space<hbm>>
      %dma_wait3A_49 = tpu.memref_squeeze %dma_wait3A_48 : memref<1x8192xf32, #tpu.memory_space<hbm>> -> memref<8192xf32, #tpu.memory_space<hbm>>
      %dma_wait3A_50 = arith.constant 0 : i32
      %dma_wait3A_51 = tpu.memref_slice %arg2[%select_n3A, %dma_wait3A_50] : memref<4x8192xf32, #tpu.memory_space<hbm>> -> memref<1x8192xf32, #tpu.memory_space<hbm>>
      %dma_wait3A_52 = tpu.memref_squeeze %dma_wait3A_51 : memref<1x8192xf32, #tpu.memory_space<hbm>> -> memref<8192xf32, #tpu.memory_space<hbm>>
      tpu.wait_dma2 semaphore(%run_scoped3A : memref<!tpu.dma_semaphore, #tpu.memory_space<semaphore_mem>>) src(%dma_wait3A_52 : memref<8192xf32, #tpu.memory_space<hbm>>) dst(%arg12 : memref<8192xf32, #tpu.memory_space<vmem>>)
      tpu.yield
    }) : () -> ()
    "tpu.region"() ({
      %run_scoped3A = tpu.sem_alloc : memref<!tpu.dma_semaphore, #tpu.memory_space<semaphore_mem>>
      %dma_start3A = arith.constant 0 : i32
      %dma_start3A_43 = tpu.memref_slice %arg3[%select_n3A, %dma_start3A] : memref<4x8192xf32, #tpu.memory_space<hbm>> -> memref<1x8192xf32, #tpu.memory_space<hbm>>
      %dma_start3A_44 = tpu.memref_squeeze %dma_start3A_43 : memref<1x8192xf32, #tpu.memory_space<hbm>> -> memref<8192xf32, #tpu.memory_space<hbm>>
      %dma_start3A_45 = arith.constant 0 : i32
      %dma_start3A_46 = tpu.memref_slice %arg3[%select_n3A, %dma_start3A_45] : memref<4x8192xf32, #tpu.memory_space<hbm>> -> memref<1x8192xf32, #tpu.memory_space<hbm>>
      %dma_start3A_47 = tpu.memref_squeeze %dma_start3A_46 : memref<1x8192xf32, #tpu.memory_space<hbm>> -> memref<8192xf32, #tpu.memory_space<hbm>>
      tpu.enqueue_dma source(%dma_start3A_47 : memref<8192xf32, #tpu.memory_space<hbm>>) target(%arg13 : memref<8192xf32, #tpu.memory_space<vmem>>) target_semaphore(%run_scoped3A : memref<!tpu.dma_semaphore, #tpu.memory_space<semaphore_mem>>)
      %dma_wait3A = arith.constant 0 : i32
      %dma_wait3A_48 = tpu.memref_slice %arg3[%select_n3A, %dma_wait3A] : memref<4x8192xf32, #tpu.memory_space<hbm>> -> memref<1x8192xf32, #tpu.memory_space<hbm>>
      %dma_wait3A_49 = tpu.memref_squeeze %dma_wait3A_48 : memref<1x8192xf32, #tpu.memory_space<hbm>> -> memref<8192xf32, #tpu.memory_space<hbm>>
      %dma_wait3A_50 = arith.constant 0 : i32
      %dma_wait3A_51 = tpu.memref_slice %arg3[%select_n3A, %dma_wait3A_50] : memref<4x8192xf32, #tpu.memory_space<hbm>> -> memref<1x8192xf32, #tpu.memory_space<hbm>>
      %dma_wait3A_52 = tpu.memref_squeeze %dma_wait3A_51 : memref<1x8192xf32, #tpu.memory_space<hbm>> -> memref<8192xf32, #tpu.memory_space<hbm>>
      tpu.wait_dma2 semaphore(%run_scoped3A : memref<!tpu.dma_semaphore, #tpu.memory_space<semaphore_mem>>) src(%dma_wait3A_52 : memref<8192xf32, #tpu.memory_space<hbm>>) dst(%arg13 : memref<8192xf32, #tpu.memory_space<vmem>>)
      tpu.yield
    }) : () -> ()
    "tpu.region"() ({
      %run_scoped3A = tpu.sem_alloc : memref<!tpu.dma_semaphore, #tpu.memory_space<semaphore_mem>>
      %dma_start3A = arith.constant 0 : i32
      %dma_start3A_43 = tpu.memref_slice %arg4[%select_n3A, %dma_start3A] : memref<4x8192xf32, #tpu.memory_space<hbm>> -> memref<1x8192xf32, #tpu.memory_space<hbm>>
      %dma_start3A_44 = tpu.memref_squeeze %dma_start3A_43 : memref<1x8192xf32, #tpu.memory_space<hbm>> -> memref<8192xf32, #tpu.memory_space<hbm>>
      %dma_start3A_45 = arith.constant 0 : i32
      %dma_start3A_46 = tpu.memref_slice %arg4[%select_n3A, %dma_start3A_45] : memref<4x8192xf32, #tpu.memory_space<hbm>> -> memref<1x8192xf32, #tpu.memory_space<hbm>>
      %dma_start3A_47 = tpu.memref_squeeze %dma_start3A_46 : memref<1x8192xf32, #tpu.memory_space<hbm>> -> memref<8192xf32, #tpu.memory_space<hbm>>
      tpu.enqueue_dma source(%dma_start3A_47 : memref<8192xf32, #tpu.memory_space<hbm>>) target(%arg14 : memref<8192xf32, #tpu.memory_space<vmem>>) target_semaphore(%run_scoped3A : memref<!tpu.dma_semaphore, #tpu.memory_space<semaphore_mem>>)
      %dma_wait3A = arith.constant 0 : i32
      %dma_wait3A_48 = tpu.memref_slice %arg4[%select_n3A, %dma_wait3A] : memref<4x8192xf32, #tpu.memory_space<hbm>> -> memref<1x8192xf32, #tpu.memory_space<hbm>>
      %dma_wait3A_49 = tpu.memref_squeeze %dma_wait3A_48 : memref<1x8192xf32, #tpu.memory_space<hbm>> -> memref<8192xf32, #tpu.memory_space<hbm>>
      %dma_wait3A_50 = arith.constant 0 : i32
      %dma_wait3A_51 = tpu.memref_slice %arg4[%select_n3A, %dma_wait3A_50] : memref<4x8192xf32, #tpu.memory_space<hbm>> -> memref<1x8192xf32, #tpu.memory_space<hbm>>
      %dma_wait3A_52 = tpu.memref_squeeze %dma_wait3A_51 : memref<1x8192xf32, #tpu.memory_space<hbm>> -> memref<8192xf32, #tpu.memory_space<hbm>>
      tpu.wait_dma2 semaphore(%run_scoped3A : memref<!tpu.dma_semaphore, #tpu.memory_space<semaphore_mem>>) src(%dma_wait3A_52 : memref<8192xf32, #tpu.memory_space<hbm>>) dst(%arg14 : memref<8192xf32, #tpu.memory_space<vmem>>)
      tpu.yield
    }) : () -> ()
    "tpu.region"() ({
      %run_scoped3A = tpu.sem_alloc : memref<!tpu.dma_semaphore, #tpu.memory_space<semaphore_mem>>
      %dma_start3A = arith.constant 0 : i32
      %dma_start3A_43 = tpu.memref_slice %arg15[%dma_start3A] : memref<144xf32, #tpu.memory_space<vmem>> -> memref<128xf32, #tpu.memory_space<vmem>>
      %dma_start3A_44 = tpu.memref_slice %arg5[%select_n3A, %mul3A_32] : memref<4x1024xf32, #tpu.memory_space<hbm>> -> memref<1x128xf32, #tpu.memory_space<hbm>>
      %dma_start3A_45 = tpu.memref_squeeze %dma_start3A_44 : memref<1x128xf32, #tpu.memory_space<hbm>> -> memref<128xf32, #tpu.memory_space<hbm>>
      %dma_start3A_46 = arith.constant 0 : i32
      %dma_start3A_47 = tpu.memref_slice %arg15[%dma_start3A_46] : memref<144xf32, #tpu.memory_space<vmem>> -> memref<128xf32, #tpu.memory_space<vmem>>
      %dma_start3A_48 = tpu.memref_slice %arg5[%select_n3A, %mul3A_32] : memref<4x1024xf32, #tpu.memory_space<hbm>> -> memref<1x128xf32, #tpu.memory_space<hbm>>
      %dma_start3A_49 = tpu.memref_squeeze %dma_start3A_48 : memref<1x128xf32, #tpu.memory_space<hbm>> -> memref<128xf32, #tpu.memory_space<hbm>>
      tpu.enqueue_dma source(%dma_start3A_49 : memref<128xf32, #tpu.memory_space<hbm>>) target(%dma_start3A_47 : memref<128xf32, #tpu.memory_space<vmem>>) target_semaphore(%run_scoped3A : memref<!tpu.dma_semaphore, #tpu.memory_space<semaphore_mem>>)
      %dma_wait3A = arith.constant 0 : i32
      %dma_wait3A_50 = tpu.memref_slice %arg15[%dma_wait3A] : memref<144xf32, #tpu.memory_space<vmem>> -> memref<128xf32, #tpu.memory_space<vmem>>
      %dma_wait3A_51 = tpu.memref_slice %arg5[%select_n3A, %mul3A_32] : memref<4x1024xf32, #tpu.memory_space<hbm>> -> memref<1x128xf32, #tpu.memory_space<hbm>>
      %dma_wait3A_52 = tpu.memref_squeeze %dma_wait3A_51 : memref<1x128xf32, #tpu.memory_space<hbm>> -> memref<128xf32, #tpu.memory_space<hbm>>
      %dma_wait3A_53 = arith.constant 0 : i32
      %dma_wait3A_54 = tpu.memref_slice %arg15[%dma_wait3A_53] : memref<144xf32, #tpu.memory_space<vmem>> -> memref<128xf32, #tpu.memory_space<vmem>>
      %dma_wait3A_55 = tpu.memref_slice %arg5[%select_n3A, %mul3A_32] : memref<4x1024xf32, #tpu.memory_space<hbm>> -> memref<1x128xf32, #tpu.memory_space<hbm>>
      %dma_wait3A_56 = tpu.memref_squeeze %dma_wait3A_55 : memref<1x128xf32, #tpu.memory_space<hbm>> -> memref<128xf32, #tpu.memory_space<hbm>>
      tpu.wait_dma2 semaphore(%run_scoped3A : memref<!tpu.dma_semaphore, #tpu.memory_space<semaphore_mem>>) src(%dma_wait3A_56 : memref<128xf32, #tpu.memory_space<hbm>>) dst(%dma_wait3A_54 : memref<128xf32, #tpu.memory_space<vmem>>)
      tpu.yield
    }) : () -> ()
    "tpu.region"() ({
      %run_scoped3A = tpu.sem_alloc : memref<!tpu.dma_semaphore, #tpu.memory_space<semaphore_mem>>
      %dma_start3A = arith.constant 0 : i32
      %dma_start3A_43 = tpu.memref_slice %arg16[%dma_start3A] : memref<144xf32, #tpu.memory_space<vmem>> -> memref<128xf32, #tpu.memory_space<vmem>>
      %dma_start3A_44 = tpu.memref_slice %arg6[%select_n3A, %mul3A_32] : memref<4x1024xf32, #tpu.memory_space<hbm>> -> memref<1x128xf32, #tpu.memory_space<hbm>>
      %dma_start3A_45 = tpu.memref_squeeze %dma_start3A_44 : memref<1x128xf32, #tpu.memory_space<hbm>> -> memref<128xf32, #tpu.memory_space<hbm>>
      %dma_start3A_46 = arith.constant 0 : i32
      %dma_start3A_47 = tpu.memref_slice %arg16[%dma_start3A_46] : memref<144xf32, #tpu.memory_space<vmem>> -> memref<128xf32, #tpu.memory_space<vmem>>
      %dma_start3A_48 = tpu.memref_slice %arg6[%select_n3A, %mul3A_32] : memref<4x1024xf32, #tpu.memory_space<hbm>> -> memref<1x128xf32, #tpu.memory_space<hbm>>
      %dma_start3A_49 = tpu.memref_squeeze %dma_start3A_48 : memref<1x128xf32, #tpu.memory_space<hbm>> -> memref<128xf32, #tpu.memory_space<hbm>>
      tpu.enqueue_dma source(%dma_start3A_49 : memref<128xf32, #tpu.memory_space<hbm>>) target(%dma_start3A_47 : memref<128xf32, #tpu.memory_space<vmem>>) target_semaphore(%run_scoped3A : memref<!tpu.dma_semaphore, #tpu.memory_space<semaphore_mem>>)
      %dma_wait3A = arith.constant 0 : i32
      %dma_wait3A_50 = tpu.memref_slice %arg16[%dma_wait3A] : memref<144xf32, #tpu.memory_space<vmem>> -> memref<128xf32, #tpu.memory_space<vmem>>
      %dma_wait3A_51 = tpu.memref_slice %arg6[%select_n3A, %mul3A_32] : memref<4x1024xf32, #tpu.memory_space<hbm>> -> memref<1x128xf32, #tpu.memory_space<hbm>>
      %dma_wait3A_52 = tpu.memref_squeeze %dma_wait3A_51 : memref<1x128xf32, #tpu.memory_space<hbm>> -> memref<128xf32, #tpu.memory_space<hbm>>
      %dma_wait3A_53 = arith.constant 0 : i32
      %dma_wait3A_54 = tpu.memref_slice %arg16[%dma_wait3A_53] : memref<144xf32, #tpu.memory_space<vmem>> -> memref<128xf32, #tpu.memory_space<vmem>>
      %dma_wait3A_55 = tpu.memref_slice %arg6[%select_n3A, %mul3A_32] : memref<4x1024xf32, #tpu.memory_space<hbm>> -> memref<1x128xf32, #tpu.memory_space<hbm>>
      %dma_wait3A_56 = tpu.memref_squeeze %dma_wait3A_55 : memref<1x128xf32, #tpu.memory_space<hbm>> -> memref<128xf32, #tpu.memory_space<hbm>>
      tpu.wait_dma2 semaphore(%run_scoped3A : memref<!tpu.dma_semaphore, #tpu.memory_space<semaphore_mem>>) src(%dma_wait3A_56 : memref<128xf32, #tpu.memory_space<hbm>>) dst(%dma_wait3A_54 : memref<128xf32, #tpu.memory_space<vmem>>)
      tpu.yield
    }) : () -> ()
    "tpu.region"() ({
      %run_scoped3A = tpu.sem_alloc : memref<!tpu.dma_semaphore, #tpu.memory_space<semaphore_mem>>
      %dma_start3A = arith.constant 0 : i32
      %dma_start3A_43 = tpu.memref_slice %arg17[%dma_start3A] : memref<144xf32, #tpu.memory_space<vmem>> -> memref<128xf32, #tpu.memory_space<vmem>>
      %dma_start3A_44 = tpu.memref_slice %arg7[%select_n3A, %mul3A_32] : memref<4x1024xf32, #tpu.memory_space<hbm>> -> memref<1x128xf32, #tpu.memory_space<hbm>>
      %dma_start3A_45 = tpu.memref_squeeze %dma_start3A_44 : memref<1x128xf32, #tpu.memory_space<hbm>> -> memref<128xf32, #tpu.memory_space<hbm>>
      %dma_start3A_46 = arith.constant 0 : i32
      %dma_start3A_47 = tpu.memref_slice %arg17[%dma_start3A_46] : memref<144xf32, #tpu.memory_space<vmem>> -> memref<128xf32, #tpu.memory_space<vmem>>
      %dma_start3A_48 = tpu.memref_slice %arg7[%select_n3A, %mul3A_32] : memref<4x1024xf32, #tpu.memory_space<hbm>> -> memref<1x128xf32, #tpu.memory_space<hbm>>
      %dma_start3A_49 = tpu.memref_squeeze %dma_start3A_48 : memref<1x128xf32, #tpu.memory_space<hbm>> -> memref<128xf32, #tpu.memory_space<hbm>>
      tpu.enqueue_dma source(%dma_start3A_49 : memref<128xf32, #tpu.memory_space<hbm>>) target(%dma_start3A_47 : memref<128xf32, #tpu.memory_space<vmem>>) target_semaphore(%run_scoped3A : memref<!tpu.dma_semaphore, #tpu.memory_space<semaphore_mem>>)
      %dma_wait3A = arith.constant 0 : i32
      %dma_wait3A_50 = tpu.memref_slice %arg17[%dma_wait3A] : memref<144xf32, #tpu.memory_space<vmem>> -> memref<128xf32, #tpu.memory_space<vmem>>
      %dma_wait3A_51 = tpu.memref_slice %arg7[%select_n3A, %mul3A_32] : memref<4x1024xf32, #tpu.memory_space<hbm>> -> memref<1x128xf32, #tpu.memory_space<hbm>>
      %dma_wait3A_52 = tpu.memref_squeeze %dma_wait3A_51 : memref<1x128xf32, #tpu.memory_space<hbm>> -> memref<128xf32, #tpu.memory_space<hbm>>
      %dma_wait3A_53 = arith.constant 0 : i32
      %dma_wait3A_54 = tpu.memref_slice %arg17[%dma_wait3A_53] : memref<144xf32, #tpu.memory_space<vmem>> -> memref<128xf32, #tpu.memory_space<vmem>>
      %dma_wait3A_55 = tpu.memref_slice %arg7[%select_n3A, %mul3A_32] : memref<4x1024xf32, #tpu.memory_space<hbm>> -> memref<1x128xf32, #tpu.memory_space<hbm>>
      %dma_wait3A_56 = tpu.memref_squeeze %dma_wait3A_55 : memref<1x128xf32, #tpu.memory_space<hbm>> -> memref<128xf32, #tpu.memory_space<hbm>>
      tpu.wait_dma2 semaphore(%run_scoped3A : memref<!tpu.dma_semaphore, #tpu.memory_space<semaphore_mem>>) src(%dma_wait3A_56 : memref<128xf32, #tpu.memory_space<hbm>>) dst(%dma_wait3A_54 : memref<128xf32, #tpu.memory_space<vmem>>)
      tpu.yield
    }) : () -> ()
    %iota3A = tpu.iota {dimensions = array<i32: 0>} : vector<16xi32>
    %scan3A = arith.constant 0.00999999977 : f32
    %scan3A_35 = arith.constant 4.000000e-02 : f32
    %scan3A_36 = arith.constant 0 : i32
    %scan3A_37 = arith.constant 0 : i32
    %scan3A_38 = arith.constant 128 : i32
    %scan3A_39 = arith.addi %scan3A_37, %scan3A_38 : i32
    %scan3A_40 = arith.constant 1 : i32
    %scan3A_41 = scf.for %scan3A_43 = %scan3A_37 to %scan3A_39 step %scan3A_40 iter_args(%scan3A_44 = %scan3A_36) -> (i32)  : i32 {
      %get3A = arith.index_cast %scan3A_43 : i32 to index
      %get3A_45 = tpu.vector_load %arg15[%get3A] {strides = array<i32>} : memref<144xf32, #tpu.memory_space<vmem>>, vector<16xf32>,
      %slice3A = vector.extract_strided_slice %get3A_45 {offsets = [0], sizes = [1], strides = [1]} : vector<16xf32> to vector<1xf32>
      %squeeze3A = vector.extract %slice3A[0] : f32 from vector<1xf32>
      %get3A_46 = arith.index_cast %scan3A_43 : i32 to index
      %get3A_47 = tpu.vector_load %arg16[%get3A_46] {strides = array<i32>} : memref<144xf32, #tpu.memory_space<vmem>>, vector<16xf32>,
      %slice3A_48 = vector.extract_strided_slice %get3A_47 {offsets = [0], sizes = [1], strides = [1]} : vector<16xf32> to vector<1xf32>
      %squeeze3A_49 = vector.extract %slice3A_48[0] : f32 from vector<1xf32>
      %get3A_50 = arith.index_cast %scan3A_43 : i32 to index
      %get3A_51 = tpu.vector_load %arg17[%get3A_50] {strides = array<i32>} : memref<144xf32, #tpu.memory_space<vmem>>, vector<16xf32>,
      %slice3A_52 = vector.extract_strided_slice %get3A_51 {offsets = [0], sizes = [1], strides = [1]} : vector<16xf32> to vector<1xf32>
      %squeeze3A_53 = vector.extract %slice3A_52[0] : f32 from vector<1xf32>
      %get3A_54 = arith.constant 0 : index
      %get3A_55 = tpu.vector_load %arg12[%get3A_54] {strides = array<i32>} : memref<8192xf32, #tpu.memory_space<vmem>>, vector<16xf32>,
      %slice3A_56 = vector.extract_strided_slice %get3A_55 {offsets = [0], sizes = [1], strides = [1]} : vector<16xf32> to vector<1xf32>
      %squeeze3A_57 = vector.extract %slice3A_56[0] : f32 from vector<1xf32>
      %get3A_58 = arith.constant 0 : index
      %get3A_59 = tpu.vector_load %arg13[%get3A_58] {strides = array<i32>} : memref<8192xf32, #tpu.memory_space<vmem>>, vector<16xf32>,
      %slice3A_60 = vector.extract_strided_slice %get3A_59 {offsets = [0], sizes = [1], strides = [1]} : vector<16xf32> to vector<1xf32>
      %squeeze3A_61 = vector.extract %slice3A_60[0] : f32 from vector<1xf32>
      %get3A_62 = arith.constant 0 : index
      %get3A_63 = tpu.vector_load %arg14[%get3A_62] {strides = array<i32>} : memref<8192xf32, #tpu.memory_space<vmem>>, vector<16xf32>,
      %slice3A_64 = vector.extract_strided_slice %get3A_63 {offsets = [0], sizes = [1], strides = [1]} : vector<16xf32> to vector<1xf32>
      %squeeze3A_65 = vector.extract %slice3A_64[0] : f32 from vector<1xf32>
      %sub3A_66 = arith.subf %squeeze3A_57, %squeeze3A : f32
      %sub3A_67 = arith.subf %squeeze3A_57, %squeeze3A : f32
      %mul3A_68 = arith.mulf %sub3A_66, %sub3A_67 : f32
      %sub3A_69 = arith.subf %squeeze3A_61, %squeeze3A_49 : f32
      %sub3A_70 = arith.subf %squeeze3A_61, %squeeze3A_49 : f32
      %mul3A_71 = arith.mulf %sub3A_69, %sub3A_70 : f32
      %add3A_72 = arith.addf %mul3A_68, %mul3A_71 : f32
      %sub3A_73 = arith.subf %squeeze3A_65, %squeeze3A_53 : f32
      %sub3A_74 = arith.subf %squeeze3A_65, %squeeze3A_53 : f32
      %mul3A_75 = arith.mulf %sub3A_73, %sub3A_74 : f32
      %add3A_76 = arith.addf %add3A_72, %mul3A_75 : f32
      %broadcast_in_dim3A = vector.broadcast %mul3A_34 : i32 to vector<16xi32>
      %swap3A = arith.constant 0 : index
      %swap3A_77 = tpu.vector_load %arg22[%swap3A] {strides = array<i32>} : memref<48xi32, #tpu.memory_space<vmem>>, vector<16xi32>,
      tpu.vector_store %arg22[%swap3A], %broadcast_in_dim3A {strides = array<i32>} : memref<48xi32, #tpu.memory_space<vmem>>, vector<16xi32>,
      %broadcast_in_dim3A_78 = vector.broadcast %add3A_76 : f32 to vector<16xf32>
      %swap3A_79 = arith.constant 0 : index
      %swap3A_80 = tpu.vector_load %arg23[%swap3A_79] {strides = array<i32>} : memref<48xf32, #tpu.memory_space<vmem>>, vector<16xf32>,
      tpu.vector_store %arg23[%swap3A_79], %broadcast_in_dim3A_78 {strides = array<i32>} : memref<48xf32, #tpu.memory_space<vmem>>, vector<16xf32>,
      %broadcast_in_dim3A_81 = vector.broadcast %mul3A_34 : i32 to vector<16xi32>
      %swap3A_82 = arith.constant 0 : index
      %swap3A_83 = tpu.vector_load %arg24[%swap3A_82] {strides = array<i32>} : memref<48xi32, #tpu.memory_space<vmem>>, vector<16xi32>,
      tpu.vector_store %arg24[%swap3A_82], %broadcast_in_dim3A_81 {strides = array<i32>} : memref<48xi32, #tpu.memory_space<vmem>>, vector<16xi32>,
      %broadcast_in_dim3A_84 = vector.broadcast %add3A_76 : f32 to vector<16xf32>
      %swap3A_85 = arith.constant 0 : index
      %swap3A_86 = tpu.vector_load %arg25[%swap3A_85] {strides = array<i32>} : memref<48xf32, #tpu.memory_space<vmem>>, vector<16xf32>,
      tpu.vector_store %arg25[%swap3A_85], %broadcast_in_dim3A_84 {strides = array<i32>} : memref<48xf32, #tpu.memory_space<vmem>>, vector<16xf32>,
      %broadcast_in_dim3A_87 = arith.constant 0 : i32
      %broadcast_in_dim3A_88 = vector.broadcast %broadcast_in_dim3A_87 : i32 to vector<16xi32>
      %swap3A_89 = arith.constant 0 : index
      %swap3A_90 = tpu.vector_load %arg26[%swap3A_89] {strides = array<i32>} : memref<64xi32, #tpu.memory_space<vmem>>, vector<16xi32>,
      tpu.vector_store %arg26[%swap3A_89], %broadcast_in_dim3A_88 {strides = array<i32>} : memref<64xi32, #tpu.memory_space<vmem>>, vector<16xi32>,
      %swap3A_91 = arith.constant 16 : index
      %swap3A_92 = tpu.vector_load %arg26[%swap3A_91] {strides = array<i32>} : memref<64xi32, #tpu.memory_space<vmem>>, vector<16xi32>,
      tpu.vector_store %arg26[%swap3A_91], %broadcast_in_dim3A_88 {strides = array<i32>} : memref<64xi32, #tpu.memory_space<vmem>>, vector<16xi32>,
      %swap3A_93 = arith.constant 32 : index
      %swap3A_94 = tpu.vector_load %arg26[%swap3A_93] {strides = array<i32>} : memref<64xi32, #tpu.memory_space<vmem>>, vector<16xi32>,
      tpu.vector_store %arg26[%swap3A_93], %broadcast_in_dim3A_88 {strides = array<i32>} : memref<64xi32, #tpu.memory_space<vmem>>, vector<16xi32>,
      %swap3A_95 = arith.constant 48 : index
      %swap3A_96 = tpu.vector_load %arg26[%swap3A_95] {strides = array<i32>} : memref<64xi32, #tpu.memory_space<vmem>>, vector<16xi32>,
      tpu.vector_store %arg26[%swap3A_95], %broadcast_in_dim3A_88 {strides = array<i32>} : memref<64xi32, #tpu.memory_space<vmem>>, vector<16xi32>,
      %scan3A_97 = arith.constant 0 : i32
      %scan3A_98 = arith.constant 0 : i32
      %scan3A_99 = arith.constant 16 : i32
      %scan3A_100 = arith.addi %scan3A_98, %scan3A_99 : i32
      %scan3A_101 = arith.constant 1 : i32
      %scan3A_102 = scf.for %scan3A_221 = %scan3A_98 to %scan3A_100 step %scan3A_101 iter_args(%scan3A_222 = %scan3A_97) -> (i32)  : i32 {
        %mul3A_223 = arith.constant 512 : i32
        %mul3A_224 = arith.muli %scan3A_221, %mul3A_223 : i32
        %get3A_225 = arith.constant 32 : index
        %get3A_226 = tpu.vector_load %arg26[%get3A_225] {strides = array<i32>} : memref<64xi32, #tpu.memory_space<vmem>>, vector<16xi32>,
        %slice3A_227 = vector.extract_strided_slice %get3A_226 {offsets = [0], sizes = [1], strides = [1]} : vector<16xi32> to vector<1xi32>
        %squeeze3A_228 = vector.extract %slice3A_227[0] : i32 from vector<1xi32>
        %get3A_229 = arith.constant 48 : index
        %get3A_230 = tpu.vector_load %arg26[%get3A_229] {strides = array<i32>} : memref<64xi32, #tpu.memory_space<vmem>>, vector<16xi32>,
        %slice3A_231 = vector.extract_strided_slice %get3A_230 {offsets = [0], sizes = [1], strides = [1]} : vector<16xi32> to vector<1xi32>
        %squeeze3A_232 = vector.extract %slice3A_231[0] : i32 from vector<1xi32>
        %add3A_233 = arith.addi %squeeze3A_228, %squeeze3A_232 : i32
        %lt3A_234 = arith.constant 2 : i32
        %lt3A_235 = arith.cmpi slt, %add3A_233, %lt3A_234 : i32
        %convert_element_type3A = arith.extui %lt3A_235 : i1 to i32
        %cond3A = arith.constant 0 : i32
        %cond3A_236 = arith.cmpi ne, %convert_element_type3A, %cond3A : i32
        scf.if %cond3A_236 {
          %add3A_238 = arith.constant 0 : i32
          %add3A_239 = arith.addi %mul3A_224, %add3A_238 : i32
          %get3A_240 = arith.index_cast %add3A_239 : i32 to index
          %get3A_241 = tpu.vector_load %arg12[%get3A_240] {strides = array<i32>} : memref<8192xf32, #tpu.memory_space<vmem>>, vector<16xf32>,
          %add3A_242 = arith.constant 0 : i32
          %add3A_243 = arith.addi %mul3A_224, %add3A_242 : i32
          %get3A_244 = arith.index_cast %add3A_243 : i32 to index
          %get3A_245 = tpu.vector_load %arg13[%get3A_244] {strides = array<i32>} : memref<8192xf32, #tpu.memory_space<vmem>>, vector<16xf32>,
          %add3A_246 = arith.constant 0 : i32
          %add3A_247 = arith.addi %mul3A_224, %add3A_246 : i32
          %get3A_248 = arith.index_cast %add3A_247 : i32 to index
          %get3A_249 = tpu.vector_load %arg14[%get3A_248] {strides = array<i32>} : memref<8192xf32, #tpu.memory_space<vmem>>, vector<16xf32>,
          %sub3A_250 = vector.broadcast %squeeze3A : f32 to vector<16xf32>
          %sub3A_251 = arith.subf %get3A_241, %sub3A_250 : vector<16xf32>
          %sub3A_252 = vector.broadcast %squeeze3A_49 : f32 to vector<16xf32>
          %sub3A_253 = arith.subf %get3A_245, %sub3A_252 : vector<16xf32>
          %sub3A_254 = vector.broadcast %squeeze3A_53 : f32 to vector<16xf32>
          %sub3A_255 = arith.subf %get3A_249, %sub3A_254 : vector<16xf32>
          %mul3A_256 = arith.mulf %sub3A_251, %sub3A_251 : vector<16xf32>
          %mul3A_257 = arith.mulf %sub3A_253, %sub3A_253 : vector<16xf32>
          %add3A_258 = arith.addf %mul3A_256, %mul3A_257 : vector<16xf32>
          %mul3A_259 = arith.mulf %sub3A_255, %sub3A_255 : vector<16xf32>
          %add3A_260 = arith.addf %add3A_258, %mul3A_259 : vector<16xf32>
          %add3A_261 = arith.constant 16 : i32
          %add3A_262 = arith.addi %mul3A_224, %add3A_261 : i32
          %get3A_263 = arith.index_cast %add3A_262 : i32 to index
          %get3A_264 = tpu.vector_load %arg12[%get3A_263] {strides = array<i32>} : memref<8192xf32, #tpu.memory_space<vmem>>, vector<16xf32>,
          %add3A_265 = arith.constant 16 : i32
          %add3A_266 = arith.addi %mul3A_224, %add3A_265 : i32
          %get3A_267 = arith.index_cast %add3A_266 : i32 to index
          %get3A_268 = tpu.vector_load %arg13[%get3A_267] {strides = array<i32>} : memref<8192xf32, #tpu.memory_space<vmem>>, vector<16xf32>,
          %add3A_269 = arith.constant 16 : i32
          %add3A_270 = arith.addi %mul3A_224, %add3A_269 : i32
          %get3A_271 = arith.index_cast %add3A_270 : i32 to index
          %get3A_272 = tpu.vector_load %arg14[%get3A_271] {strides = array<i32>} : memref<8192xf32, #tpu.memory_space<vmem>>, vector<16xf32>,
          %sub3A_273 = vector.broadcast %squeeze3A : f32 to vector<16xf32>
          %sub3A_274 = arith.subf %get3A_264, %sub3A_273 : vector<16xf32>
          %sub3A_275 = vector.broadcast %squeeze3A_49 : f32 to vector<16xf32>
          %sub3A_276 = arith.subf %get3A_268, %sub3A_275 : vector<16xf32>
          %sub3A_277 = vector.broadcast %squeeze3A_53 : f32 to vector<16xf32>
          %sub3A_278 = arith.subf %get3A_272, %sub3A_277 : vector<16xf32>
          %mul3A_279 = arith.mulf %sub3A_274, %sub3A_274 : vector<16xf32>
          %mul3A_280 = arith.mulf %sub3A_276, %sub3A_276 : vector<16xf32>
          %add3A_281 = arith.addf %mul3A_279, %mul3A_280 : vector<16xf32>
          %mul3A_282 = arith.mulf %sub3A_278, %sub3A_278 : vector<16xf32>
          %add3A_283 = arith.addf %add3A_281, %mul3A_282 : vector<16xf32>
          %add3A_284 = arith.constant 32 : i32
          %add3A_285 = arith.addi %mul3A_224, %add3A_284 : i32
          %get3A_286 = arith.index_cast %add3A_285 : i32 to index
          %get3A_287 = tpu.vector_load %arg12[%get3A_286] {strides = array<i32>} : memref<8192xf32, #tpu.memory_space<vmem>>, vector<16xf32>,
          %add3A_288 = arith.constant 32 : i32
          %add3A_289 = arith.addi %mul3A_224, %add3A_288 : i32
          %get3A_290 = arith.index_cast %add3A_289 : i32 to index
          %get3A_291 = tpu.vector_load %arg13[%get3A_290] {strides = array<i32>} : memref<8192xf32, #tpu.memory_space<vmem>>, vector<16xf32>,
          %add3A_292 = arith.constant 32 : i32
          %add3A_293 = arith.addi %mul3A_224, %add3A_292 : i32
          %get3A_294 = arith.index_cast %add3A_293 : i32 to index
          %get3A_295 = tpu.vector_load %arg14[%get3A_294] {strides = array<i32>} : memref<8192xf32, #tpu.memory_space<vmem>>, vector<16xf32>,
          %sub3A_296 = vector.broadcast %squeeze3A : f32 to vector<16xf32>
          %sub3A_297 = arith.subf %get3A_287, %sub3A_296 : vector<16xf32>
          %sub3A_298 = vector.broadcast %squeeze3A_49 : f32 to vector<16xf32>
          %sub3A_299 = arith.subf %get3A_291, %sub3A_298 : vector<16xf32>
          %sub3A_300 = vector.broadcast %squeeze3A_53 : f32 to vector<16xf32>
          %sub3A_301 = arith.subf %get3A_295, %sub3A_300 : vector<16xf32>
          %mul3A_302 = arith.mulf %sub3A_297, %sub3A_297 : vector<16xf32>
          %mul3A_303 = arith.mulf %sub3A_299, %sub3A_299 : vector<16xf32>
          %add3A_304 = arith.addf %mul3A_302, %mul3A_303 : vector<16xf32>
          %mul3A_305 = arith.mulf %sub3A_301, %sub3A_301 : vector<16xf32>
          %add3A_306 = arith.addf %add3A_304, %mul3A_305 : vector<16xf32>
          %add3A_307 = arith.constant 48 : i32
          %add3A_308 = arith.addi %mul3A_224, %add3A_307 : i32
          %get3A_309 = arith.index_cast %add3A_308 : i32 to index
          %get3A_310 = tpu.vector_load %arg12[%get3A_309] {strides = array<i32>} : memref<8192xf32, #tpu.memory_space<vmem>>, vector<16xf32>,
          %add3A_311 = arith.constant 48 : i32
          %add3A_312 = arith.addi %mul3A_224, %add3A_311 : i32
          %get3A_313 = arith.index_cast %add3A_312 : i32 to index
          %get3A_314 = tpu.vector_load %arg13[%get3A_313] {strides = array<i32>} : memref<8192xf32, #tpu.memory_space<vmem>>, vector<16xf32>,
          %add3A_315 = arith.constant 48 : i32
          %add3A_316 = arith.addi %mul3A_224, %add3A_315 : i32
          %get3A_317 = arith.index_cast %add3A_316 : i32 to index
          %get3A_318 = tpu.vector_load %arg14[%get3A_317] {strides = array<i32>} : memref<8192xf32, #tpu.memory_space<vmem>>, vector<16xf32>,
          %sub3A_319 = vector.broadcast %squeeze3A : f32 to vector<16xf32>
          %sub3A_320 = arith.subf %get3A_310, %sub3A_319 : vector<16xf32>
          %sub3A_321 = vector.broadcast %squeeze3A_49 : f32 to vector<16xf32>
          %sub3A_322 = arith.subf %get3A_314, %sub3A_321 : vector<16xf32>
          %sub3A_323 = vector.broadcast %squeeze3A_53 : f32 to vector<16xf32>
          %sub3A_324 = arith.subf %get3A_318, %sub3A_323 : vector<16xf32>
          %mul3A_325 = arith.mulf %sub3A_320, %sub3A_320 : vector<16xf32>
          %mul3A_326 = arith.mulf %sub3A_322, %sub3A_322 : vector<16xf32>
          %add3A_327 = arith.addf %mul3A_325, %mul3A_326 : vector<16xf32>
          %mul3A_328 = arith.mulf %sub3A_324, %sub3A_324 : vector<16xf32>
          %add3A_329 = arith.addf %add3A_327, %mul3A_328 : vector<16xf32>
          %add3A_330 = arith.constant 64 : i32
          %add3A_331 = arith.addi %mul3A_224, %add3A_330 : i32
          %get3A_332 = arith.index_cast %add3A_331 : i32 to index
          %get3A_333 = tpu.vector_load %arg12[%get3A_332] {strides = array<i32>} : memref<8192xf32, #tpu.memory_space<vmem>>, vector<16xf32>,
          %add3A_334 = arith.constant 64 : i32
          %add3A_335 = arith.addi %mul3A_224, %add3A_334 : i32
          %get3A_336 = arith.index_cast %add3A_335 : i32 to index
          %get3A_337 = tpu.vector_load %arg13[%get3A_336] {strides = array<i32>} : memref<8192xf32, #tpu.memory_space<vmem>>, vector<16xf32>,
          %add3A_338 = arith.constant 64 : i32
          %add3A_339 = arith.addi %mul3A_224, %add3A_338 : i32
          %get3A_340 = arith.index_cast %add3A_339 : i32 to index
          %get3A_341 = tpu.vector_load %arg14[%get3A_340] {strides = array<i32>} : memref<8192xf32, #tpu.memory_space<vmem>>, vector<16xf32>,
          %sub3A_342 = vector.broadcast %squeeze3A : f32 to vector<16xf32>
          %sub3A_343 = arith.subf %get3A_333, %sub3A_342 : vector<16xf32>
          %sub3A_344 = vector.broadcast %squeeze3A_49 : f32 to vector<16xf32>
          %sub3A_345 = arith.subf %get3A_337, %sub3A_344 : vector<16xf32>
          %sub3A_346 = vector.broadcast %squeeze3A_53 : f32 to vector<16xf32>
          %sub3A_347 = arith.subf %get3A_341, %sub3A_346 : vector<16xf32>
          %mul3A_348 = arith.mulf %sub3A_343, %sub3A_343 : vector<16xf32>
          %mul3A_349 = arith.mulf %sub3A_345, %sub3A_345 : vector<16xf32>
          %add3A_350 = arith.addf %mul3A_348, %mul3A_349 : vector<16xf32>
          %mul3A_351 = arith.mulf %sub3A_347, %sub3A_347 : vector<16xf32>
          %add3A_352 = arith.addf %add3A_350, %mul3A_351 : vector<16xf32>
          %add3A_353 = arith.constant 80 : i32
          %add3A_354 = arith.addi %mul3A_224, %add3A_353 : i32
          %get3A_355 = arith.index_cast %add3A_354 : i32 to index
          %get3A_356 = tpu.vector_load %arg12[%get3A_355] {strides = array<i32>} : memref<8192xf32, #tpu.memory_space<vmem>>, vector<16xf32>,
          %add3A_357 = arith.constant 80 : i32
          %add3A_358 = arith.addi %mul3A_224, %add3A_357 : i32
          %get3A_359 = arith.index_cast %add3A_358 : i32 to index
          %get3A_360 = tpu.vector_load %arg13[%get3A_359] {strides = array<i32>} : memref<8192xf32, #tpu.memory_space<vmem>>, vector<16xf32>,
          %add3A_361 = arith.constant 80 : i32
          %add3A_362 = arith.addi %mul3A_224, %add3A_361 : i32
          %get3A_363 = arith.index_cast %add3A_362 : i32 to index
          %get3A_364 = tpu.vector_load %arg14[%get3A_363] {strides = array<i32>} : memref<8192xf32, #tpu.memory_space<vmem>>, vector<16xf32>,
          %sub3A_365 = vector.broadcast %squeeze3A : f32 to vector<16xf32>
          %sub3A_366 = arith.subf %get3A_356, %sub3A_365 : vector<16xf32>
          %sub3A_367 = vector.broadcast %squeeze3A_49 : f32 to vector<16xf32>
          %sub3A_368 = arith.subf %get3A_360, %sub3A_367 : vector<16xf32>
          %sub3A_369 = vector.broadcast %squeeze3A_53 : f32 to vector<16xf32>
          %sub3A_370 = arith.subf %get3A_364, %sub3A_369 : vector<16xf32>
          %mul3A_371 = arith.mulf %sub3A_366, %sub3A_366 : vector<16xf32>
          %mul3A_372 = arith.mulf %sub3A_368, %sub3A_368 : vector<16xf32>
          %add3A_373 = arith.addf %mul3A_371, %mul3A_372 : vector<16xf32>
          %mul3A_374 = arith.mulf %sub3A_370, %sub3A_370 : vector<16xf32>
          %add3A_375 = arith.addf %add3A_373, %mul3A_374 : vector<16xf32>
          %add3A_376 = arith.constant 96 : i32
          %add3A_377 = arith.addi %mul3A_224, %add3A_376 : i32
          %get3A_378 = arith.index_cast %add3A_377 : i32 to index
          %get3A_379 = tpu.vector_load %arg12[%get3A_378] {strides = array<i32>} : memref<8192xf32, #tpu.memory_space<vmem>>, vector<16xf32>,
          %add3A_380 = arith.constant 96 : i32
          %add3A_381 = arith.addi %mul3A_224, %add3A_380 : i32
          %get3A_382 = arith.index_cast %add3A_381 : i32 to index
          %get3A_383 = tpu.vector_load %arg13[%get3A_382] {strides = array<i32>} : memref<8192xf32, #tpu.memory_space<vmem>>, vector<16xf32>,
          %add3A_384 = arith.constant 96 : i32
          %add3A_385 = arith.addi %mul3A_224, %add3A_384 : i32
          %get3A_386 = arith.index_cast %add3A_385 : i32 to index
          %get3A_387 = tpu.vector_load %arg14[%get3A_386] {strides = array<i32>} : memref<8192xf32, #tpu.memory_space<vmem>>, vector<16xf32>,
          %sub3A_388 = vector.broadcast %squeeze3A : f32 to vector<16xf32>
          %sub3A_389 = arith.subf %get3A_379, %sub3A_388 : vector<16xf32>
          %sub3A_390 = vector.broadcast %squeeze3A_49 : f32 to vector<16xf32>
          %sub3A_391 = arith.subf %get3A_383, %sub3A_390 : vector<16xf32>
          %sub3A_392 = vector.broadcast %squeeze3A_53 : f32 to vector<16xf32>
          %sub3A_393 = arith.subf %get3A_387, %sub3A_392 : vector<16xf32>
          %mul3A_394 = arith.mulf %sub3A_389, %sub3A_389 : vector<16xf32>
          %mul3A_395 = arith.mulf %sub3A_391, %sub3A_391 : vector<16xf32>
          %add3A_396 = arith.addf %mul3A_394, %mul3A_395 : vector<16xf32>
          %mul3A_397 = arith.mulf %sub3A_393, %sub3A_393 : vector<16xf32>
          %add3A_398 = arith.addf %add3A_396, %mul3A_397 : vector<16xf32>
          %add3A_399 = arith.constant 112 : i32
          %add3A_400 = arith.addi %mul3A_224, %add3A_399 : i32
          %get3A_401 = arith.index_cast %add3A_400 : i32 to index
          %get3A_402 = tpu.vector_load %arg12[%get3A_401] {strides = array<i32>} : memref<8192xf32, #tpu.memory_space<vmem>>, vector<16xf32>,
          %add3A_403 = arith.constant 112 : i32
          %add3A_404 = arith.addi %mul3A_224, %add3A_403 : i32
          %get3A_405 = arith.index_cast %add3A_404 : i32 to index
          %get3A_406 = tpu.vector_load %arg13[%get3A_405] {strides = array<i32>} : memref<8192xf32, #tpu.memory_space<vmem>>, vector<16xf32>,
          %add3A_407 = arith.constant 112 : i32
          %add3A_408 = arith.addi %mul3A_224, %add3A_407 : i32
          %get3A_409 = arith.index_cast %add3A_408 : i32 to index
          %get3A_410 = tpu.vector_load %arg14[%get3A_409] {strides = array<i32>} : memref<8192xf32, #tpu.memory_space<vmem>>, vector<16xf32>,
          %sub3A_411 = vector.broadcast %squeeze3A : f32 to vector<16xf32>
          %sub3A_412 = arith.subf %get3A_402, %sub3A_411 : vector<16xf32>
          %sub3A_413 = vector.broadcast %squeeze3A_49 : f32 to vector<16xf32>
          %sub3A_414 = arith.subf %get3A_406, %sub3A_413 : vector<16xf32>
          %sub3A_415 = vector.broadcast %squeeze3A_53 : f32 to vector<16xf32>
          %sub3A_416 = arith.subf %get3A_410, %sub3A_415 : vector<16xf32>
          %mul3A_417 = arith.mulf %sub3A_412, %sub3A_412 : vector<16xf32>
          %mul3A_418 = arith.mulf %sub3A_414, %sub3A_414 : vector<16xf32>
          %add3A_419 = arith.addf %mul3A_417, %mul3A_418 : vector<16xf32>
          %mul3A_420 = arith.mulf %sub3A_416, %sub3A_416 : vector<16xf32>
          %add3A_421 = arith.addf %add3A_419, %mul3A_420 : vector<16xf32>
          %add3A_422 = arith.constant 128 : i32
          %add3A_423 = arith.addi %mul3A_224, %add3A_422 : i32
          %get3A_424 = arith.index_cast %add3A_423 : i32 to index
          %get3A_425 = tpu.vector_load %arg12[%get3A_424] {strides = array<i32>} : memref<8192xf32, #tpu.memory_space<vmem>>, vector<16xf32>,
          %add3A_426 = arith.constant 128 : i32
          %add3A_427 = arith.addi %mul3A_224, %add3A_426 : i32
          %get3A_428 = arith.index_cast %add3A_427 : i32 to index
          %get3A_429 = tpu.vector_load %arg13[%get3A_428] {strides = array<i32>} : memref<8192xf32, #tpu.memory_space<vmem>>, vector<16xf32>,
          %add3A_430 = arith.constant 128 : i32
          %add3A_431 = arith.addi %mul3A_224, %add3A_430 : i32
          %get3A_432 = arith.index_cast %add3A_431 : i32 to index
          %get3A_433 = tpu.vector_load %arg14[%get3A_432] {strides = array<i32>} : memref<8192xf32, #tpu.memory_space<vmem>>, vector<16xf32>,
          %sub3A_434 = vector.broadcast %squeeze3A : f32 to vector<16xf32>
          %sub3A_435 = arith.subf %get3A_425, %sub3A_434 : vector<16xf32>
          %sub3A_436 = vector.broadcast %squeeze3A_49 : f32 to vector<16xf32>
          %sub3A_437 = arith.subf %get3A_429, %sub3A_436 : vector<16xf32>
          %sub3A_438 = vector.broadcast %squeeze3A_53 : f32 to vector<16xf32>
          %sub3A_439 = arith.subf %get3A_433, %sub3A_438 : vector<16xf32>
          %mul3A_440 = arith.mulf %sub3A_435, %sub3A_435 : vector<16xf32>
          %mul3A_441 = arith.mulf %sub3A_437, %sub3A_437 : vector<16xf32>
          %add3A_442 = arith.addf %mul3A_440, %mul3A_441 : vector<16xf32>
          %mul3A_443 = arith.mulf %sub3A_439, %sub3A_439 : vector<16xf32>
          %add3A_444 = arith.addf %add3A_442, %mul3A_443 : vector<16xf32>
          %add3A_445 = arith.constant 144 : i32
          %add3A_446 = arith.addi %mul3A_224, %add3A_445 : i32
          %get3A_447 = arith.index_cast %add3A_446 : i32 to index
          %get3A_448 = tpu.vector_load %arg12[%get3A_447] {strides = array<i32>} : memref<8192xf32, #tpu.memory_space<vmem>>, vector<16xf32>,
          %add3A_449 = arith.constant 144 : i32
          %add3A_450 = arith.addi %mul3A_224, %add3A_449 : i32
          %get3A_451 = arith.index_cast %add3A_450 : i32 to index
          %get3A_452 = tpu.vector_load %arg13[%get3A_451] {strides = array<i32>} : memref<8192xf32, #tpu.memory_space<vmem>>, vector<16xf32>,
          %add3A_453 = arith.constant 144 : i32
          %add3A_454 = arith.addi %mul3A_224, %add3A_453 : i32
          %get3A_455 = arith.index_cast %add3A_454 : i32 to index
          %get3A_456 = tpu.vector_load %arg14[%get3A_455] {strides = array<i32>} : memref<8192xf32, #tpu.memory_space<vmem>>, vector<16xf32>,
          %sub3A_457 = vector.broadcast %squeeze3A : f32 to vector<16xf32>
          %sub3A_458 = arith.subf %get3A_448, %sub3A_457 : vector<16xf32>
          %sub3A_459 = vector.broadcast %squeeze3A_49 : f32 to vector<16xf32>
          %sub3A_460 = arith.subf %get3A_452, %sub3A_459 : vector<16xf32>
          %sub3A_461 = vector.broadcast %squeeze3A_53 : f32 to vector<16xf32>
          %sub3A_462 = arith.subf %get3A_456, %sub3A_461 : vector<16xf32>
          %mul3A_463 = arith.mulf %sub3A_458, %sub3A_458 : vector<16xf32>
          %mul3A_464 = arith.mulf %sub3A_460, %sub3A_460 : vector<16xf32>
          %add3A_465 = arith.addf %mul3A_463, %mul3A_464 : vector<16xf32>
          %mul3A_466 = arith.mulf %sub3A_462, %sub3A_462 : vector<16xf32>
          %add3A_467 = arith.addf %add3A_465, %mul3A_466 : vector<16xf32>
          %add3A_468 = arith.constant 160 : i32
          %add3A_469 = arith.addi %mul3A_224, %add3A_468 : i32
          %get3A_470 = arith.index_cast %add3A_469 : i32 to index
          %get3A_471 = tpu.vector_load %arg12[%get3A_470] {strides = array<i32>} : memref<8192xf32, #tpu.memory_space<vmem>>, vector<16xf32>,
          %add3A_472 = arith.constant 160 : i32
          %add3A_473 = arith.addi %mul3A_224, %add3A_472 : i32
          %get3A_474 = arith.index_cast %add3A_473 : i32 to index
          %get3A_475 = tpu.vector_load %arg13[%get3A_474] {strides = array<i32>} : memref<8192xf32, #tpu.memory_space<vmem>>, vector<16xf32>,
          %add3A_476 = arith.constant 160 : i32
          %add3A_477 = arith.addi %mul3A_224, %add3A_476 : i32
          %get3A_478 = arith.index_cast %add3A_477 : i32 to index
          %get3A_479 = tpu.vector_load %arg14[%get3A_478] {strides = array<i32>} : memref<8192xf32, #tpu.memory_space<vmem>>, vector<16xf32>,
          %sub3A_480 = vector.broadcast %squeeze3A : f32 to vector<16xf32>
          %sub3A_481 = arith.subf %get3A_471, %sub3A_480 : vector<16xf32>
          %sub3A_482 = vector.broadcast %squeeze3A_49 : f32 to vector<16xf32>
          %sub3A_483 = arith.subf %get3A_475, %sub3A_482 : vector<16xf32>
          %sub3A_484 = vector.broadcast %squeeze3A_53 : f32 to vector<16xf32>
          %sub3A_485 = arith.subf %get3A_479, %sub3A_484 : vector<16xf32>
          %mul3A_486 = arith.mulf %sub3A_481, %sub3A_481 : vector<16xf32>
          %mul3A_487 = arith.mulf %sub3A_483, %sub3A_483 : vector<16xf32>
          %add3A_488 = arith.addf %mul3A_486, %mul3A_487 : vector<16xf32>
          %mul3A_489 = arith.mulf %sub3A_485, %sub3A_485 : vector<16xf32>
          %add3A_490 = arith.addf %add3A_488, %mul3A_489 : vector<16xf32>
          %add3A_491 = arith.constant 176 : i32
          %add3A_492 = arith.addi %mul3A_224, %add3A_491 : i32
          %get3A_493 = arith.index_cast %add3A_492 : i32 to index
          %get3A_494 = tpu.vector_load %arg12[%get3A_493] {strides = array<i32>} : memref<8192xf32, #tpu.memory_space<vmem>>, vector<16xf32>,
          %add3A_495 = arith.constant 176 : i32
          %add3A_496 = arith.addi %mul3A_224, %add3A_495 : i32
          %get3A_497 = arith.index_cast %add3A_496 : i32 to index
          %get3A_498 = tpu.vector_load %arg13[%get3A_497] {strides = array<i32>} : memref<8192xf32, #tpu.memory_space<vmem>>, vector<16xf32>,
          %add3A_499 = arith.constant 176 : i32
          %add3A_500 = arith.addi %mul3A_224, %add3A_499 : i32
          %get3A_501 = arith.index_cast %add3A_500 : i32 to index
          %get3A_502 = tpu.vector_load %arg14[%get3A_501] {strides = array<i32>} : memref<8192xf32, #tpu.memory_space<vmem>>, vector<16xf32>,
          %sub3A_503 = vector.broadcast %squeeze3A : f32 to vector<16xf32>
          %sub3A_504 = arith.subf %get3A_494, %sub3A_503 : vector<16xf32>
          %sub3A_505 = vector.broadcast %squeeze3A_49 : f32 to vector<16xf32>
          %sub3A_506 = arith.subf %get3A_498, %sub3A_505 : vector<16xf32>
          %sub3A_507 = vector.broadcast %squeeze3A_53 : f32 to vector<16xf32>
          %sub3A_508 = arith.subf %get3A_502, %sub3A_507 : vector<16xf32>
          %mul3A_509 = arith.mulf %sub3A_504, %sub3A_504 : vector<16xf32>
          %mul3A_510 = arith.mulf %sub3A_506, %sub3A_506 : vector<16xf32>
          %add3A_511 = arith.addf %mul3A_509, %mul3A_510 : vector<16xf32>
          %mul3A_512 = arith.mulf %sub3A_508, %sub3A_508 : vector<16xf32>
          %add3A_513 = arith.addf %add3A_511, %mul3A_512 : vector<16xf32>
          %add3A_514 = arith.constant 192 : i32
          %add3A_515 = arith.addi %mul3A_224, %add3A_514 : i32
          %get3A_516 = arith.index_cast %add3A_515 : i32 to index
          %get3A_517 = tpu.vector_load %arg12[%get3A_516] {strides = array<i32>} : memref<8192xf32, #tpu.memory_space<vmem>>, vector<16xf32>,
          %add3A_518 = arith.constant 192 : i32
          %add3A_519 = arith.addi %mul3A_224, %add3A_518 : i32
          %get3A_520 = arith.index_cast %add3A_519 : i32 to index
          %get3A_521 = tpu.vector_load %arg13[%get3A_520] {strides = array<i32>} : memref<8192xf32, #tpu.memory_space<vmem>>, vector<16xf32>,
          %add3A_522 = arith.constant 192 : i32
          %add3A_523 = arith.addi %mul3A_224, %add3A_522 : i32
          %get3A_524 = arith.index_cast %add3A_523 : i32 to index
          %get3A_525 = tpu.vector_load %arg14[%get3A_524] {strides = array<i32>} : memref<8192xf32, #tpu.memory_space<vmem>>, vector<16xf32>,
          %sub3A_526 = vector.broadcast %squeeze3A : f32 to vector<16xf32>
          %sub3A_527 = arith.subf %get3A_517, %sub3A_526 : vector<16xf32>
          %sub3A_528 = vector.broadcast %squeeze3A_49 : f32 to vector<16xf32>
          %sub3A_529 = arith.subf %get3A_521, %sub3A_528 : vector<16xf32>
          %sub3A_530 = vector.broadcast %squeeze3A_53 : f32 to vector<16xf32>
          %sub3A_531 = arith.subf %get3A_525, %sub3A_530 : vector<16xf32>
          %mul3A_532 = arith.mulf %sub3A_527, %sub3A_527 : vector<16xf32>
          %mul3A_533 = arith.mulf %sub3A_529, %sub3A_529 : vector<16xf32>
          %add3A_534 = arith.addf %mul3A_532, %mul3A_533 : vector<16xf32>
          %mul3A_535 = arith.mulf %sub3A_531, %sub3A_531 : vector<16xf32>
          %add3A_536 = arith.addf %add3A_534, %mul3A_535 : vector<16xf32>
          %add3A_537 = arith.constant 208 : i32
          %add3A_538 = arith.addi %mul3A_224, %add3A_537 : i32
          %get3A_539 = arith.index_cast %add3A_538 : i32 to index
          %get3A_540 = tpu.vector_load %arg12[%get3A_539] {strides = array<i32>} : memref<8192xf32, #tpu.memory_space<vmem>>, vector<16xf32>,
          %add3A_541 = arith.constant 208 : i32
          %add3A_542 = arith.addi %mul3A_224, %add3A_541 : i32
          %get3A_543 = arith.index_cast %add3A_542 : i32 to index
          %get3A_544 = tpu.vector_load %arg13[%get3A_543] {strides = array<i32>} : memref<8192xf32, #tpu.memory_space<vmem>>, vector<16xf32>,
          %add3A_545 = arith.constant 208 : i32
          %add3A_546 = arith.addi %mul3A_224, %add3A_545 : i32
          %get3A_547 = arith.index_cast %add3A_546 : i32 to index
          %get3A_548 = tpu.vector_load %arg14[%get3A_547] {strides = array<i32>} : memref<8192xf32, #tpu.memory_space<vmem>>, vector<16xf32>,
          %sub3A_549 = vector.broadcast %squeeze3A : f32 to vector<16xf32>
          %sub3A_550 = arith.subf %get3A_540, %sub3A_549 : vector<16xf32>
          %sub3A_551 = vector.broadcast %squeeze3A_49 : f32 to vector<16xf32>
          %sub3A_552 = arith.subf %get3A_544, %sub3A_551 : vector<16xf32>
          %sub3A_553 = vector.broadcast %squeeze3A_53 : f32 to vector<16xf32>
          %sub3A_554 = arith.subf %get3A_548, %sub3A_553 : vector<16xf32>
          %mul3A_555 = arith.mulf %sub3A_550, %sub3A_550 : vector<16xf32>
          %mul3A_556 = arith.mulf %sub3A_552, %sub3A_552 : vector<16xf32>
          %add3A_557 = arith.addf %mul3A_555, %mul3A_556 : vector<16xf32>
          %mul3A_558 = arith.mulf %sub3A_554, %sub3A_554 : vector<16xf32>
          %add3A_559 = arith.addf %add3A_557, %mul3A_558 : vector<16xf32>
          %add3A_560 = arith.constant 224 : i32
          %add3A_561 = arith.addi %mul3A_224, %add3A_560 : i32
          %get3A_562 = arith.index_cast %add3A_561 : i32 to index
          %get3A_563 = tpu.vector_load %arg12[%get3A_562] {strides = array<i32>} : memref<8192xf32, #tpu.memory_space<vmem>>, vector<16xf32>,
          %add3A_564 = arith.constant 224 : i32
          %add3A_565 = arith.addi %mul3A_224, %add3A_564 : i32
          %get3A_566 = arith.index_cast %add3A_565 : i32 to index
          %get3A_567 = tpu.vector_load %arg13[%get3A_566] {strides = array<i32>} : memref<8192xf32, #tpu.memory_space<vmem>>, vector<16xf32>,
          %add3A_568 = arith.constant 224 : i32
          %add3A_569 = arith.addi %mul3A_224, %add3A_568 : i32
          %get3A_570 = arith.index_cast %add3A_569 : i32 to index
          %get3A_571 = tpu.vector_load %arg14[%get3A_570] {strides = array<i32>} : memref<8192xf32, #tpu.memory_space<vmem>>, vector<16xf32>,
          %sub3A_572 = vector.broadcast %squeeze3A : f32 to vector<16xf32>
          %sub3A_573 = arith.subf %get3A_563, %sub3A_572 : vector<16xf32>
          %sub3A_574 = vector.broadcast %squeeze3A_49 : f32 to vector<16xf32>
          %sub3A_575 = arith.subf %get3A_567, %sub3A_574 : vector<16xf32>
          %sub3A_576 = vector.broadcast %squeeze3A_53 : f32 to vector<16xf32>
          %sub3A_577 = arith.subf %get3A_571, %sub3A_576 : vector<16xf32>
          %mul3A_578 = arith.mulf %sub3A_573, %sub3A_573 : vector<16xf32>
          %mul3A_579 = arith.mulf %sub3A_575, %sub3A_575 : vector<16xf32>
          %add3A_580 = arith.addf %mul3A_578, %mul3A_579 : vector<16xf32>
          %mul3A_581 = arith.mulf %sub3A_577, %sub3A_577 : vector<16xf32>
          %add3A_582 = arith.addf %add3A_580, %mul3A_581 : vector<16xf32>
          %add3A_583 = arith.constant 240 : i32
          %add3A_584 = arith.addi %mul3A_224, %add3A_583 : i32
          %get3A_585 = arith.index_cast %add3A_584 : i32 to index
          %get3A_586 = tpu.vector_load %arg12[%get3A_585] {strides = array<i32>} : memref<8192xf32, #tpu.memory_space<vmem>>, vector<16xf32>,
          %add3A_587 = arith.constant 240 : i32
          %add3A_588 = arith.addi %mul3A_224, %add3A_587 : i32
          %get3A_589 = arith.index_cast %add3A_588 : i32 to index
          %get3A_590 = tpu.vector_load %arg13[%get3A_589] {strides = array<i32>} : memref<8192xf32, #tpu.memory_space<vmem>>, vector<16xf32>,
          %add3A_591 = arith.constant 240 : i32
          %add3A_592 = arith.addi %mul3A_224, %add3A_591 : i32
          %get3A_593 = arith.index_cast %add3A_592 : i32 to index
          %get3A_594 = tpu.vector_load %arg14[%get3A_593] {strides = array<i32>} : memref<8192xf32, #tpu.memory_space<vmem>>, vector<16xf32>,
          %sub3A_595 = vector.broadcast %squeeze3A : f32 to vector<16xf32>
          %sub3A_596 = arith.subf %get3A_586, %sub3A_595 : vector<16xf32>
          %sub3A_597 = vector.broadcast %squeeze3A_49 : f32 to vector<16xf32>
          %sub3A_598 = arith.subf %get3A_590, %sub3A_597 : vector<16xf32>
          %sub3A_599 = vector.broadcast %squeeze3A_53 : f32 to vector<16xf32>
          %sub3A_600 = arith.subf %get3A_594, %sub3A_599 : vector<16xf32>
          %mul3A_601 = arith.mulf %sub3A_596, %sub3A_596 : vector<16xf32>
          %mul3A_602 = arith.mulf %sub3A_598, %sub3A_598 : vector<16xf32>
          %add3A_603 = arith.addf %mul3A_601, %mul3A_602 : vector<16xf32>
          %mul3A_604 = arith.mulf %sub3A_600, %sub3A_600 : vector<16xf32>
          %add3A_605 = arith.addf %add3A_603, %mul3A_604 : vector<16xf32>
          %add3A_606 = arith.constant 256 : i32
          %add3A_607 = arith.addi %mul3A_224, %add3A_606 : i32
          %get3A_608 = arith.index_cast %add3A_607 : i32 to index
          %get3A_609 = tpu.vector_load %arg12[%get3A_608] {strides = array<i32>} : memref<8192xf32, #tpu.memory_space<vmem>>, vector<16xf32>,
          %add3A_610 = arith.constant 256 : i32
          %add3A_611 = arith.addi %mul3A_224, %add3A_610 : i32
          %get3A_612 = arith.index_cast %add3A_611 : i32 to index
          %get3A_613 = tpu.vector_load %arg13[%get3A_612] {strides = array<i32>} : memref<8192xf32, #tpu.memory_space<vmem>>, vector<16xf32>,
          %add3A_614 = arith.constant 256 : i32
          %add3A_615 = arith.addi %mul3A_224, %add3A_614 : i32
          %get3A_616 = arith.index_cast %add3A_615 : i32 to index
          %get3A_617 = tpu.vector_load %arg14[%get3A_616] {strides = array<i32>} : memref<8192xf32, #tpu.memory_space<vmem>>, vector<16xf32>,
          %sub3A_618 = vector.broadcast %squeeze3A : f32 to vector<16xf32>
          %sub3A_619 = arith.subf %get3A_609, %sub3A_618 : vector<16xf32>
          %sub3A_620 = vector.broadcast %squeeze3A_49 : f32 to vector<16xf32>
          %sub3A_621 = arith.subf %get3A_613, %sub3A_620 : vector<16xf32>
          %sub3A_622 = vector.broadcast %squeeze3A_53 : f32 to vector<16xf32>
          %sub3A_623 = arith.subf %get3A_617, %sub3A_622 : vector<16xf32>
          %mul3A_624 = arith.mulf %sub3A_619, %sub3A_619 : vector<16xf32>
          %mul3A_625 = arith.mulf %sub3A_621, %sub3A_621 : vector<16xf32>
          %add3A_626 = arith.addf %mul3A_624, %mul3A_625 : vector<16xf32>
          %mul3A_627 = arith.mulf %sub3A_623, %sub3A_623 : vector<16xf32>
          %add3A_628 = arith.addf %add3A_626, %mul3A_627 : vector<16xf32>
          %add3A_629 = arith.constant 272 : i32
          %add3A_630 = arith.addi %mul3A_224, %add3A_629 : i32
          %get3A_631 = arith.index_cast %add3A_630 : i32 to index
          %get3A_632 = tpu.vector_load %arg12[%get3A_631] {strides = array<i32>} : memref<8192xf32, #tpu.memory_space<vmem>>, vector<16xf32>,
          %add3A_633 = arith.constant 272 : i32
          %add3A_634 = arith.addi %mul3A_224, %add3A_633 : i32
          %get3A_635 = arith.index_cast %add3A_634 : i32 to index
          %get3A_636 = tpu.vector_load %arg13[%get3A_635] {strides = array<i32>} : memref<8192xf32, #tpu.memory_space<vmem>>, vector<16xf32>,
          %add3A_637 = arith.constant 272 : i32
          %add3A_638 = arith.addi %mul3A_224, %add3A_637 : i32
          %get3A_639 = arith.index_cast %add3A_638 : i32 to index
          %get3A_640 = tpu.vector_load %arg14[%get3A_639] {strides = array<i32>} : memref<8192xf32, #tpu.memory_space<vmem>>, vector<16xf32>,
          %sub3A_641 = vector.broadcast %squeeze3A : f32 to vector<16xf32>
          %sub3A_642 = arith.subf %get3A_632, %sub3A_641 : vector<16xf32>
          %sub3A_643 = vector.broadcast %squeeze3A_49 : f32 to vector<16xf32>
          %sub3A_644 = arith.subf %get3A_636, %sub3A_643 : vector<16xf32>
          %sub3A_645 = vector.broadcast %squeeze3A_53 : f32 to vector<16xf32>
          %sub3A_646 = arith.subf %get3A_640, %sub3A_645 : vector<16xf32>
          %mul3A_647 = arith.mulf %sub3A_642, %sub3A_642 : vector<16xf32>
          %mul3A_648 = arith.mulf %sub3A_644, %sub3A_644 : vector<16xf32>
          %add3A_649 = arith.addf %mul3A_647, %mul3A_648 : vector<16xf32>
          %mul3A_650 = arith.mulf %sub3A_646, %sub3A_646 : vector<16xf32>
          %add3A_651 = arith.addf %add3A_649, %mul3A_650 : vector<16xf32>
          %add3A_652 = arith.constant 288 : i32
          %add3A_653 = arith.addi %mul3A_224, %add3A_652 : i32
          %get3A_654 = arith.index_cast %add3A_653 : i32 to index
          %get3A_655 = tpu.vector_load %arg12[%get3A_654] {strides = array<i32>} : memref<8192xf32, #tpu.memory_space<vmem>>, vector<16xf32>,
          %add3A_656 = arith.constant 288 : i32
          %add3A_657 = arith.addi %mul3A_224, %add3A_656 : i32
          %get3A_658 = arith.index_cast %add3A_657 : i32 to index
          %get3A_659 = tpu.vector_load %arg13[%get3A_658] {strides = array<i32>} : memref<8192xf32, #tpu.memory_space<vmem>>, vector<16xf32>,
          %add3A_660 = arith.constant 288 : i32
          %add3A_661 = arith.addi %mul3A_224, %add3A_660 : i32
          %get3A_662 = arith.index_cast %add3A_661 : i32 to index
          %get3A_663 = tpu.vector_load %arg14[%get3A_662] {strides = array<i32>} : memref<8192xf32, #tpu.memory_space<vmem>>, vector<16xf32>,
          %sub3A_664 = vector.broadcast %squeeze3A : f32 to vector<16xf32>
          %sub3A_665 = arith.subf %get3A_655, %sub3A_664 : vector<16xf32>
          %sub3A_666 = vector.broadcast %squeeze3A_49 : f32 to vector<16xf32>
          %sub3A_667 = arith.subf %get3A_659, %sub3A_666 : vector<16xf32>
          %sub3A_668 = vector.broadcast %squeeze3A_53 : f32 to vector<16xf32>
          %sub3A_669 = arith.subf %get3A_663, %sub3A_668 : vector<16xf32>
          %mul3A_670 = arith.mulf %sub3A_665, %sub3A_665 : vector<16xf32>
          %mul3A_671 = arith.mulf %sub3A_667, %sub3A_667 : vector<16xf32>
          %add3A_672 = arith.addf %mul3A_670, %mul3A_671 : vector<16xf32>
          %mul3A_673 = arith.mulf %sub3A_669, %sub3A_669 : vector<16xf32>
          %add3A_674 = arith.addf %add3A_672, %mul3A_673 : vector<16xf32>
          %add3A_675 = arith.constant 304 : i32
          %add3A_676 = arith.addi %mul3A_224, %add3A_675 : i32
          %get3A_677 = arith.index_cast %add3A_676 : i32 to index
          %get3A_678 = tpu.vector_load %arg12[%get3A_677] {strides = array<i32>} : memref<8192xf32, #tpu.memory_space<vmem>>, vector<16xf32>,
          %add3A_679 = arith.constant 304 : i32
          %add3A_680 = arith.addi %mul3A_224, %add3A_679 : i32
          %get3A_681 = arith.index_cast %add3A_680 : i32 to index
          %get3A_682 = tpu.vector_load %arg13[%get3A_681] {strides = array<i32>} : memref<8192xf32, #tpu.memory_space<vmem>>, vector<16xf32>,
          %add3A_683 = arith.constant 304 : i32
          %add3A_684 = arith.addi %mul3A_224, %add3A_683 : i32
          %get3A_685 = arith.index_cast %add3A_684 : i32 to index
          %get3A_686 = tpu.vector_load %arg14[%get3A_685] {strides = array<i32>} : memref<8192xf32, #tpu.memory_space<vmem>>, vector<16xf32>,
          %sub3A_687 = vector.broadcast %squeeze3A : f32 to vector<16xf32>
          %sub3A_688 = arith.subf %get3A_678, %sub3A_687 : vector<16xf32>
          %sub3A_689 = vector.broadcast %squeeze3A_49 : f32 to vector<16xf32>
          %sub3A_690 = arith.subf %get3A_682, %sub3A_689 : vector<16xf32>
          %sub3A_691 = vector.broadcast %squeeze3A_53 : f32 to vector<16xf32>
          %sub3A_692 = arith.subf %get3A_686, %sub3A_691 : vector<16xf32>
          %mul3A_693 = arith.mulf %sub3A_688, %sub3A_688 : vector<16xf32>
          %mul3A_694 = arith.mulf %sub3A_690, %sub3A_690 : vector<16xf32>
          %add3A_695 = arith.addf %mul3A_693, %mul3A_694 : vector<16xf32>
          %mul3A_696 = arith.mulf %sub3A_692, %sub3A_692 : vector<16xf32>
          %add3A_697 = arith.addf %add3A_695, %mul3A_696 : vector<16xf32>
          %add3A_698 = arith.constant 320 : i32
          %add3A_699 = arith.addi %mul3A_224, %add3A_698 : i32
          %get3A_700 = arith.index_cast %add3A_699 : i32 to index
          %get3A_701 = tpu.vector_load %arg12[%get3A_700] {strides = array<i32>} : memref<8192xf32, #tpu.memory_space<vmem>>, vector<16xf32>,
          %add3A_702 = arith.constant 320 : i32
          %add3A_703 = arith.addi %mul3A_224, %add3A_702 : i32
          %get3A_704 = arith.index_cast %add3A_703 : i32 to index
          %get3A_705 = tpu.vector_load %arg13[%get3A_704] {strides = array<i32>} : memref<8192xf32, #tpu.memory_space<vmem>>, vector<16xf32>,
          %add3A_706 = arith.constant 320 : i32
          %add3A_707 = arith.addi %mul3A_224, %add3A_706 : i32
          %get3A_708 = arith.index_cast %add3A_707 : i32 to index
          %get3A_709 = tpu.vector_load %arg14[%get3A_708] {strides = array<i32>} : memref<8192xf32, #tpu.memory_space<vmem>>, vector<16xf32>,
          %sub3A_710 = vector.broadcast %squeeze3A : f32 to vector<16xf32>
          %sub3A_711 = arith.subf %get3A_701, %sub3A_710 : vector<16xf32>
          %sub3A_712 = vector.broadcast %squeeze3A_49 : f32 to vector<16xf32>
          %sub3A_713 = arith.subf %get3A_705, %sub3A_712 : vector<16xf32>
          %sub3A_714 = vector.broadcast %squeeze3A_53 : f32 to vector<16xf32>
          %sub3A_715 = arith.subf %get3A_709, %sub3A_714 : vector<16xf32>
          %mul3A_716 = arith.mulf %sub3A_711, %sub3A_711 : vector<16xf32>
          %mul3A_717 = arith.mulf %sub3A_713, %sub3A_713 : vector<16xf32>
          %add3A_718 = arith.addf %mul3A_716, %mul3A_717 : vector<16xf32>
          %mul3A_719 = arith.mulf %sub3A_715, %sub3A_715 : vector<16xf32>
          %add3A_720 = arith.addf %add3A_718, %mul3A_719 : vector<16xf32>
          %add3A_721 = arith.constant 336 : i32
          %add3A_722 = arith.addi %mul3A_224, %add3A_721 : i32
          %get3A_723 = arith.index_cast %add3A_722 : i32 to index
          %get3A_724 = tpu.vector_load %arg12[%get3A_723] {strides = array<i32>} : memref<8192xf32, #tpu.memory_space<vmem>>, vector<16xf32>,
          %add3A_725 = arith.constant 336 : i32
          %add3A_726 = arith.addi %mul3A_224, %add3A_725 : i32
          %get3A_727 = arith.index_cast %add3A_726 : i32 to index
          %get3A_728 = tpu.vector_load %arg13[%get3A_727] {strides = array<i32>} : memref<8192xf32, #tpu.memory_space<vmem>>, vector<16xf32>,
          %add3A_729 = arith.constant 336 : i32
          %add3A_730 = arith.addi %mul3A_224, %add3A_729 : i32
          %get3A_731 = arith.index_cast %add3A_730 : i32 to index
          %get3A_732 = tpu.vector_load %arg14[%get3A_731] {strides = array<i32>} : memref<8192xf32, #tpu.memory_space<vmem>>, vector<16xf32>,
          %sub3A_733 = vector.broadcast %squeeze3A : f32 to vector<16xf32>
          %sub3A_734 = arith.subf %get3A_724, %sub3A_733 : vector<16xf32>
          %sub3A_735 = vector.broadcast %squeeze3A_49 : f32 to vector<16xf32>
          %sub3A_736 = arith.subf %get3A_728, %sub3A_735 : vector<16xf32>
          %sub3A_737 = vector.broadcast %squeeze3A_53 : f32 to vector<16xf32>
          %sub3A_738 = arith.subf %get3A_732, %sub3A_737 : vector<16xf32>
          %mul3A_739 = arith.mulf %sub3A_734, %sub3A_734 : vector<16xf32>
          %mul3A_740 = arith.mulf %sub3A_736, %sub3A_736 : vector<16xf32>
          %add3A_741 = arith.addf %mul3A_739, %mul3A_740 : vector<16xf32>
          %mul3A_742 = arith.mulf %sub3A_738, %sub3A_738 : vector<16xf32>
          %add3A_743 = arith.addf %add3A_741, %mul3A_742 : vector<16xf32>
          %add3A_744 = arith.constant 352 : i32
          %add3A_745 = arith.addi %mul3A_224, %add3A_744 : i32
          %get3A_746 = arith.index_cast %add3A_745 : i32 to index
          %get3A_747 = tpu.vector_load %arg12[%get3A_746] {strides = array<i32>} : memref<8192xf32, #tpu.memory_space<vmem>>, vector<16xf32>,
          %add3A_748 = arith.constant 352 : i32
          %add3A_749 = arith.addi %mul3A_224, %add3A_748 : i32
          %get3A_750 = arith.index_cast %add3A_749 : i32 to index
          %get3A_751 = tpu.vector_load %arg13[%get3A_750] {strides = array<i32>} : memref<8192xf32, #tpu.memory_space<vmem>>, vector<16xf32>,
          %add3A_752 = arith.constant 352 : i32
          %add3A_753 = arith.addi %mul3A_224, %add3A_752 : i32
          %get3A_754 = arith.index_cast %add3A_753 : i32 to index
          %get3A_755 = tpu.vector_load %arg14[%get3A_754] {strides = array<i32>} : memref<8192xf32, #tpu.memory_space<vmem>>, vector<16xf32>,
          %sub3A_756 = vector.broadcast %squeeze3A : f32 to vector<16xf32>
          %sub3A_757 = arith.subf %get3A_747, %sub3A_756 : vector<16xf32>
          %sub3A_758 = vector.broadcast %squeeze3A_49 : f32 to vector<16xf32>
          %sub3A_759 = arith.subf %get3A_751, %sub3A_758 : vector<16xf32>
          %sub3A_760 = vector.broadcast %squeeze3A_53 : f32 to vector<16xf32>
          %sub3A_761 = arith.subf %get3A_755, %sub3A_760 : vector<16xf32>
          %mul3A_762 = arith.mulf %sub3A_757, %sub3A_757 : vector<16xf32>
          %mul3A_763 = arith.mulf %sub3A_759, %sub3A_759 : vector<16xf32>
          %add3A_764 = arith.addf %mul3A_762, %mul3A_763 : vector<16xf32>
          %mul3A_765 = arith.mulf %sub3A_761, %sub3A_761 : vector<16xf32>
          %add3A_766 = arith.addf %add3A_764, %mul3A_765 : vector<16xf32>
          %add3A_767 = arith.constant 368 : i32
          %add3A_768 = arith.addi %mul3A_224, %add3A_767 : i32
          %get3A_769 = arith.index_cast %add3A_768 : i32 to index
          %get3A_770 = tpu.vector_load %arg12[%get3A_769] {strides = array<i32>} : memref<8192xf32, #tpu.memory_space<vmem>>, vector<16xf32>,
          %add3A_771 = arith.constant 368 : i32
          %add3A_772 = arith.addi %mul3A_224, %add3A_771 : i32
          %get3A_773 = arith.index_cast %add3A_772 : i32 to index
          %get3A_774 = tpu.vector_load %arg13[%get3A_773] {strides = array<i32>} : memref<8192xf32, #tpu.memory_space<vmem>>, vector<16xf32>,
          %add3A_775 = arith.constant 368 : i32
          %add3A_776 = arith.addi %mul3A_224, %add3A_775 : i32
          %get3A_777 = arith.index_cast %add3A_776 : i32 to index
          %get3A_778 = tpu.vector_load %arg14[%get3A_777] {strides = array<i32>} : memref<8192xf32, #tpu.memory_space<vmem>>, vector<16xf32>,
          %sub3A_779 = vector.broadcast %squeeze3A : f32 to vector<16xf32>
          %sub3A_780 = arith.subf %get3A_770, %sub3A_779 : vector<16xf32>
          %sub3A_781 = vector.broadcast %squeeze3A_49 : f32 to vector<16xf32>
          %sub3A_782 = arith.subf %get3A_774, %sub3A_781 : vector<16xf32>
          %sub3A_783 = vector.broadcast %squeeze3A_53 : f32 to vector<16xf32>
          %sub3A_784 = arith.subf %get3A_778, %sub3A_783 : vector<16xf32>
          %mul3A_785 = arith.mulf %sub3A_780, %sub3A_780 : vector<16xf32>
          %mul3A_786 = arith.mulf %sub3A_782, %sub3A_782 : vector<16xf32>
          %add3A_787 = arith.addf %mul3A_785, %mul3A_786 : vector<16xf32>
          %mul3A_788 = arith.mulf %sub3A_784, %sub3A_784 : vector<16xf32>
          %add3A_789 = arith.addf %add3A_787, %mul3A_788 : vector<16xf32>
          %add3A_790 = arith.constant 384 : i32
          %add3A_791 = arith.addi %mul3A_224, %add3A_790 : i32
          %get3A_792 = arith.index_cast %add3A_791 : i32 to index
          %get3A_793 = tpu.vector_load %arg12[%get3A_792] {strides = array<i32>} : memref<8192xf32, #tpu.memory_space<vmem>>, vector<16xf32>,
          %add3A_794 = arith.constant 384 : i32
          %add3A_795 = arith.addi %mul3A_224, %add3A_794 : i32
          %get3A_796 = arith.index_cast %add3A_795 : i32 to index
          %get3A_797 = tpu.vector_load %arg13[%get3A_796] {strides = array<i32>} : memref<8192xf32, #tpu.memory_space<vmem>>, vector<16xf32>,
          %add3A_798 = arith.constant 384 : i32
          %add3A_799 = arith.addi %mul3A_224, %add3A_798 : i32
          %get3A_800 = arith.index_cast %add3A_799 : i32 to index
          %get3A_801 = tpu.vector_load %arg14[%get3A_800] {strides = array<i32>} : memref<8192xf32, #tpu.memory_space<vmem>>, vector<16xf32>,
          %sub3A_802 = vector.broadcast %squeeze3A : f32 to vector<16xf32>
          %sub3A_803 = arith.subf %get3A_793, %sub3A_802 : vector<16xf32>
          %sub3A_804 = vector.broadcast %squeeze3A_49 : f32 to vector<16xf32>
          %sub3A_805 = arith.subf %get3A_797, %sub3A_804 : vector<16xf32>
          %sub3A_806 = vector.broadcast %squeeze3A_53 : f32 to vector<16xf32>
          %sub3A_807 = arith.subf %get3A_801, %sub3A_806 : vector<16xf32>
          %mul3A_808 = arith.mulf %sub3A_803, %sub3A_803 : vector<16xf32>
          %mul3A_809 = arith.mulf %sub3A_805, %sub3A_805 : vector<16xf32>
          %add3A_810 = arith.addf %mul3A_808, %mul3A_809 : vector<16xf32>
          %mul3A_811 = arith.mulf %sub3A_807, %sub3A_807 : vector<16xf32>
          %add3A_812 = arith.addf %add3A_810, %mul3A_811 : vector<16xf32>
          %add3A_813 = arith.constant 400 : i32
          %add3A_814 = arith.addi %mul3A_224, %add3A_813 : i32
          %get3A_815 = arith.index_cast %add3A_814 : i32 to index
          %get3A_816 = tpu.vector_load %arg12[%get3A_815] {strides = array<i32>} : memref<8192xf32, #tpu.memory_space<vmem>>, vector<16xf32>,
          %add3A_817 = arith.constant 400 : i32
          %add3A_818 = arith.addi %mul3A_224, %add3A_817 : i32
          %get3A_819 = arith.index_cast %add3A_818 : i32 to index
          %get3A_820 = tpu.vector_load %arg13[%get3A_819] {strides = array<i32>} : memref<8192xf32, #tpu.memory_space<vmem>>, vector<16xf32>,
          %add3A_821 = arith.constant 400 : i32
          %add3A_822 = arith.addi %mul3A_224, %add3A_821 : i32
          %get3A_823 = arith.index_cast %add3A_822 : i32 to index
          %get3A_824 = tpu.vector_load %arg14[%get3A_823] {strides = array<i32>} : memref<8192xf32, #tpu.memory_space<vmem>>, vector<16xf32>,
          %sub3A_825 = vector.broadcast %squeeze3A : f32 to vector<16xf32>
          %sub3A_826 = arith.subf %get3A_816, %sub3A_825 : vector<16xf32>
          %sub3A_827 = vector.broadcast %squeeze3A_49 : f32 to vector<16xf32>
          %sub3A_828 = arith.subf %get3A_820, %sub3A_827 : vector<16xf32>
          %sub3A_829 = vector.broadcast %squeeze3A_53 : f32 to vector<16xf32>
          %sub3A_830 = arith.subf %get3A_824, %sub3A_829 : vector<16xf32>
          %mul3A_831 = arith.mulf %sub3A_826, %sub3A_826 : vector<16xf32>
          %mul3A_832 = arith.mulf %sub3A_828, %sub3A_828 : vector<16xf32>
          %add3A_833 = arith.addf %mul3A_831, %mul3A_832 : vector<16xf32>
          %mul3A_834 = arith.mulf %sub3A_830, %sub3A_830 : vector<16xf32>
          %add3A_835 = arith.addf %add3A_833, %mul3A_834 : vector<16xf32>
          %add3A_836 = arith.constant 416 : i32
          %add3A_837 = arith.addi %mul3A_224, %add3A_836 : i32
          %get3A_838 = arith.index_cast %add3A_837 : i32 to index
          %get3A_839 = tpu.vector_load %arg12[%get3A_838] {strides = array<i32>} : memref<8192xf32, #tpu.memory_space<vmem>>, vector<16xf32>,
          %add3A_840 = arith.constant 416 : i32
          %add3A_841 = arith.addi %mul3A_224, %add3A_840 : i32
          %get3A_842 = arith.index_cast %add3A_841 : i32 to index
          %get3A_843 = tpu.vector_load %arg13[%get3A_842] {strides = array<i32>} : memref<8192xf32, #tpu.memory_space<vmem>>, vector<16xf32>,
          %add3A_844 = arith.constant 416 : i32
          %add3A_845 = arith.addi %mul3A_224, %add3A_844 : i32
          %get3A_846 = arith.index_cast %add3A_845 : i32 to index
          %get3A_847 = tpu.vector_load %arg14[%get3A_846] {strides = array<i32>} : memref<8192xf32, #tpu.memory_space<vmem>>, vector<16xf32>,
          %sub3A_848 = vector.broadcast %squeeze3A : f32 to vector<16xf32>
          %sub3A_849 = arith.subf %get3A_839, %sub3A_848 : vector<16xf32>
          %sub3A_850 = vector.broadcast %squeeze3A_49 : f32 to vector<16xf32>
          %sub3A_851 = arith.subf %get3A_843, %sub3A_850 : vector<16xf32>
          %sub3A_852 = vector.broadcast %squeeze3A_53 : f32 to vector<16xf32>
          %sub3A_853 = arith.subf %get3A_847, %sub3A_852 : vector<16xf32>
          %mul3A_854 = arith.mulf %sub3A_849, %sub3A_849 : vector<16xf32>
          %mul3A_855 = arith.mulf %sub3A_851, %sub3A_851 : vector<16xf32>
          %add3A_856 = arith.addf %mul3A_854, %mul3A_855 : vector<16xf32>
          %mul3A_857 = arith.mulf %sub3A_853, %sub3A_853 : vector<16xf32>
          %add3A_858 = arith.addf %add3A_856, %mul3A_857 : vector<16xf32>
          %add3A_859 = arith.constant 432 : i32
          %add3A_860 = arith.addi %mul3A_224, %add3A_859 : i32
          %get3A_861 = arith.index_cast %add3A_860 : i32 to index
          %get3A_862 = tpu.vector_load %arg12[%get3A_861] {strides = array<i32>} : memref<8192xf32, #tpu.memory_space<vmem>>, vector<16xf32>,
          %add3A_863 = arith.constant 432 : i32
          %add3A_864 = arith.addi %mul3A_224, %add3A_863 : i32
          %get3A_865 = arith.index_cast %add3A_864 : i32 to index
          %get3A_866 = tpu.vector_load %arg13[%get3A_865] {strides = array<i32>} : memref<8192xf32, #tpu.memory_space<vmem>>, vector<16xf32>,
          %add3A_867 = arith.constant 432 : i32
          %add3A_868 = arith.addi %mul3A_224, %add3A_867 : i32
          %get3A_869 = arith.index_cast %add3A_868 : i32 to index
          %get3A_870 = tpu.vector_load %arg14[%get3A_869] {strides = array<i32>} : memref<8192xf32, #tpu.memory_space<vmem>>, vector<16xf32>,
          %sub3A_871 = vector.broadcast %squeeze3A : f32 to vector<16xf32>
          %sub3A_872 = arith.subf %get3A_862, %sub3A_871 : vector<16xf32>
          %sub3A_873 = vector.broadcast %squeeze3A_49 : f32 to vector<16xf32>
          %sub3A_874 = arith.subf %get3A_866, %sub3A_873 : vector<16xf32>
          %sub3A_875 = vector.broadcast %squeeze3A_53 : f32 to vector<16xf32>
          %sub3A_876 = arith.subf %get3A_870, %sub3A_875 : vector<16xf32>
          %mul3A_877 = arith.mulf %sub3A_872, %sub3A_872 : vector<16xf32>
          %mul3A_878 = arith.mulf %sub3A_874, %sub3A_874 : vector<16xf32>
          %add3A_879 = arith.addf %mul3A_877, %mul3A_878 : vector<16xf32>
          %mul3A_880 = arith.mulf %sub3A_876, %sub3A_876 : vector<16xf32>
          %add3A_881 = arith.addf %add3A_879, %mul3A_880 : vector<16xf32>
          %add3A_882 = arith.constant 448 : i32
          %add3A_883 = arith.addi %mul3A_224, %add3A_882 : i32
          %get3A_884 = arith.index_cast %add3A_883 : i32 to index
          %get3A_885 = tpu.vector_load %arg12[%get3A_884] {strides = array<i32>} : memref<8192xf32, #tpu.memory_space<vmem>>, vector<16xf32>,
          %add3A_886 = arith.constant 448 : i32
          %add3A_887 = arith.addi %mul3A_224, %add3A_886 : i32
          %get3A_888 = arith.index_cast %add3A_887 : i32 to index
          %get3A_889 = tpu.vector_load %arg13[%get3A_888] {strides = array<i32>} : memref<8192xf32, #tpu.memory_space<vmem>>, vector<16xf32>,
          %add3A_890 = arith.constant 448 : i32
          %add3A_891 = arith.addi %mul3A_224, %add3A_890 : i32
          %get3A_892 = arith.index_cast %add3A_891 : i32 to index
          %get3A_893 = tpu.vector_load %arg14[%get3A_892] {strides = array<i32>} : memref<8192xf32, #tpu.memory_space<vmem>>, vector<16xf32>,
          %sub3A_894 = vector.broadcast %squeeze3A : f32 to vector<16xf32>
          %sub3A_895 = arith.subf %get3A_885, %sub3A_894 : vector<16xf32>
          %sub3A_896 = vector.broadcast %squeeze3A_49 : f32 to vector<16xf32>
          %sub3A_897 = arith.subf %get3A_889, %sub3A_896 : vector<16xf32>
          %sub3A_898 = vector.broadcast %squeeze3A_53 : f32 to vector<16xf32>
          %sub3A_899 = arith.subf %get3A_893, %sub3A_898 : vector<16xf32>
          %mul3A_900 = arith.mulf %sub3A_895, %sub3A_895 : vector<16xf32>
          %mul3A_901 = arith.mulf %sub3A_897, %sub3A_897 : vector<16xf32>
          %add3A_902 = arith.addf %mul3A_900, %mul3A_901 : vector<16xf32>
          %mul3A_903 = arith.mulf %sub3A_899, %sub3A_899 : vector<16xf32>
          %add3A_904 = arith.addf %add3A_902, %mul3A_903 : vector<16xf32>
          %add3A_905 = arith.constant 464 : i32
          %add3A_906 = arith.addi %mul3A_224, %add3A_905 : i32
          %get3A_907 = arith.index_cast %add3A_906 : i32 to index
          %get3A_908 = tpu.vector_load %arg12[%get3A_907] {strides = array<i32>} : memref<8192xf32, #tpu.memory_space<vmem>>, vector<16xf32>,
          %add3A_909 = arith.constant 464 : i32
          %add3A_910 = arith.addi %mul3A_224, %add3A_909 : i32
          %get3A_911 = arith.index_cast %add3A_910 : i32 to index
          %get3A_912 = tpu.vector_load %arg13[%get3A_911] {strides = array<i32>} : memref<8192xf32, #tpu.memory_space<vmem>>, vector<16xf32>,
          %add3A_913 = arith.constant 464 : i32
          %add3A_914 = arith.addi %mul3A_224, %add3A_913 : i32
          %get3A_915 = arith.index_cast %add3A_914 : i32 to index
          %get3A_916 = tpu.vector_load %arg14[%get3A_915] {strides = array<i32>} : memref<8192xf32, #tpu.memory_space<vmem>>, vector<16xf32>,
          %sub3A_917 = vector.broadcast %squeeze3A : f32 to vector<16xf32>
          %sub3A_918 = arith.subf %get3A_908, %sub3A_917 : vector<16xf32>
          %sub3A_919 = vector.broadcast %squeeze3A_49 : f32 to vector<16xf32>
          %sub3A_920 = arith.subf %get3A_912, %sub3A_919 : vector<16xf32>
          %sub3A_921 = vector.broadcast %squeeze3A_53 : f32 to vector<16xf32>
          %sub3A_922 = arith.subf %get3A_916, %sub3A_921 : vector<16xf32>
          %mul3A_923 = arith.mulf %sub3A_918, %sub3A_918 : vector<16xf32>
          %mul3A_924 = arith.mulf %sub3A_920, %sub3A_920 : vector<16xf32>
          %add3A_925 = arith.addf %mul3A_923, %mul3A_924 : vector<16xf32>
          %mul3A_926 = arith.mulf %sub3A_922, %sub3A_922 : vector<16xf32>
          %add3A_927 = arith.addf %add3A_925, %mul3A_926 : vector<16xf32>
          %add3A_928 = arith.constant 480 : i32
          %add3A_929 = arith.addi %mul3A_224, %add3A_928 : i32
          %get3A_930 = arith.index_cast %add3A_929 : i32 to index
          %get3A_931 = tpu.vector_load %arg12[%get3A_930] {strides = array<i32>} : memref<8192xf32, #tpu.memory_space<vmem>>, vector<16xf32>,
          %add3A_932 = arith.constant 480 : i32
          %add3A_933 = arith.addi %mul3A_224, %add3A_932 : i32
          %get3A_934 = arith.index_cast %add3A_933 : i32 to index
          %get3A_935 = tpu.vector_load %arg13[%get3A_934] {strides = array<i32>} : memref<8192xf32, #tpu.memory_space<vmem>>, vector<16xf32>,
          %add3A_936 = arith.constant 480 : i32
          %add3A_937 = arith.addi %mul3A_224, %add3A_936 : i32
          %get3A_938 = arith.index_cast %add3A_937 : i32 to index
          %get3A_939 = tpu.vector_load %arg14[%get3A_938] {strides = array<i32>} : memref<8192xf32, #tpu.memory_space<vmem>>, vector<16xf32>,
          %sub3A_940 = vector.broadcast %squeeze3A : f32 to vector<16xf32>
          %sub3A_941 = arith.subf %get3A_931, %sub3A_940 : vector<16xf32>
          %sub3A_942 = vector.broadcast %squeeze3A_49 : f32 to vector<16xf32>
          %sub3A_943 = arith.subf %get3A_935, %sub3A_942 : vector<16xf32>
          %sub3A_944 = vector.broadcast %squeeze3A_53 : f32 to vector<16xf32>
          %sub3A_945 = arith.subf %get3A_939, %sub3A_944 : vector<16xf32>
          %mul3A_946 = arith.mulf %sub3A_941, %sub3A_941 : vector<16xf32>
          %mul3A_947 = arith.mulf %sub3A_943, %sub3A_943 : vector<16xf32>
          %add3A_948 = arith.addf %mul3A_946, %mul3A_947 : vector<16xf32>
          %mul3A_949 = arith.mulf %sub3A_945, %sub3A_945 : vector<16xf32>
          %add3A_950 = arith.addf %add3A_948, %mul3A_949 : vector<16xf32>
          %add3A_951 = arith.constant 496 : i32
          %add3A_952 = arith.addi %mul3A_224, %add3A_951 : i32
          %get3A_953 = arith.index_cast %add3A_952 : i32 to index
          %get3A_954 = tpu.vector_load %arg12[%get3A_953] {strides = array<i32>} : memref<8192xf32, #tpu.memory_space<vmem>>, vector<16xf32>,
          %add3A_955 = arith.constant 496 : i32
          %add3A_956 = arith.addi %mul3A_224, %add3A_955 : i32
          %get3A_957 = arith.index_cast %add3A_956 : i32 to index
          %get3A_958 = tpu.vector_load %arg13[%get3A_957] {strides = array<i32>} : memref<8192xf32, #tpu.memory_space<vmem>>, vector<16xf32>,
          %add3A_959 = arith.constant 496 : i32
          %add3A_960 = arith.addi %mul3A_224, %add3A_959 : i32
          %get3A_961 = arith.index_cast %add3A_960 : i32 to index
          %get3A_962 = tpu.vector_load %arg14[%get3A_961] {strides = array<i32>} : memref<8192xf32, #tpu.memory_space<vmem>>, vector<16xf32>,
          %sub3A_963 = vector.broadcast %squeeze3A : f32 to vector<16xf32>
          %sub3A_964 = arith.subf %get3A_954, %sub3A_963 : vector<16xf32>
          %sub3A_965 = vector.broadcast %squeeze3A_49 : f32 to vector<16xf32>
          %sub3A_966 = arith.subf %get3A_958, %sub3A_965 : vector<16xf32>
          %sub3A_967 = vector.broadcast %squeeze3A_53 : f32 to vector<16xf32>
          %sub3A_968 = arith.subf %get3A_962, %sub3A_967 : vector<16xf32>
          %mul3A_969 = arith.mulf %sub3A_964, %sub3A_964 : vector<16xf32>
          %mul3A_970 = arith.mulf %sub3A_966, %sub3A_966 : vector<16xf32>
          %add3A_971 = arith.addf %mul3A_969, %mul3A_970 : vector<16xf32>
          %mul3A_972 = arith.mulf %sub3A_968, %sub3A_968 : vector<16xf32>
          %add3A_973 = arith.addf %add3A_971, %mul3A_972 : vector<16xf32>
          %eq3A_974 = arith.constant 0 : i32
          %eq3A_975 = arith.cmpi eq, %squeeze3A_228, %eq3A_974 : i32
          %convert_element_type3A_976 = arith.extui %eq3A_975 : i1 to i32
          %cond3A_977 = arith.constant 0 : i32
          %cond3A_978 = arith.cmpi ne, %convert_element_type3A_976, %cond3A_977 : i32
          scf.if %cond3A_978 {
            %get3A_984 = arith.constant 0 : index
            %get3A_985 = tpu.vector_load %arg26[%get3A_984] {strides = array<i32>} : memref<64xi32, #tpu.memory_space<vmem>>, vector<16xi32>,
            %add3A_986 = arith.addi %mul3A_34, %mul3A_224 : i32
            %add3A_987 = arith.constant 0 : i32
            %add3A_988 = arith.addi %add3A_986, %add3A_987 : i32
            %add3A_989 = vector.broadcast %add3A_988 : i32 to vector<16xi32>
            %add3A_990 = arith.addi %add3A_989, %iota3A : vector<16xi32>
            %lt3A_991 = vector.broadcast %scan3A : f32 to vector<16xf32>
            %lt3A_992 = arith.cmpf olt, %add3A_260, %lt3A_991 : vector<16xf32>
            %lt3A_993 = arith.constant 16 : i32
            %lt3A_994 = vector.broadcast %lt3A_993 : i32 to vector<16xi32>
            %lt3A_995 = arith.cmpi slt, %get3A_985, %lt3A_994 : vector<16xi32>
            %and3A_996 = arith.andi %lt3A_992, %lt3A_995 : vector<16xi1>
            %convert_element_type3A_997 = arith.extui %and3A_996 : vector<16xi1> to vector<16xi32>
            %broadcast_in_dim3A_998 = arith.constant true
            %broadcast_in_dim3A_999 = vector.broadcast %broadcast_in_dim3A_998 : i1 to vector<16xi1>
            %masked_cumsum3A = tpu.scan <sum>, %convert_element_type3A_997 masked %broadcast_in_dim3A_999 : vector<16xi32>, vector<16xi1> -> vector<16xi32>
            %sub3A_1000 = arith.subi %masked_cumsum3A, %convert_element_type3A_997 : vector<16xi32>
            %add3A_1001 = arith.addi %get3A_985, %sub3A_1000 : vector<16xi32>
            tpu.vector_store_idx %arg22[%add3A_1001], %add3A_990 masked %and3A_996 : memref<48xi32, #tpu.memory_space<vmem>>[vector<16xi32>], vector<16xi32>, vector<16xi1>
            %sub3A_1002 = arith.subi %masked_cumsum3A, %convert_element_type3A_997 : vector<16xi32>
            %add3A_1003 = arith.addi %get3A_985, %sub3A_1002 : vector<16xi32>
            tpu.vector_store_idx %arg23[%add3A_1003], %add3A_260 masked %and3A_996 : memref<48xf32, #tpu.memory_space<vmem>>[vector<16xi32>], vector<16xf32>, vector<16xi1>
            %all_reduce_population_count3A = tpu.all_reduce %and3A_996 {dim = 0 : i64, kind = #tpu.reduction_kind<sum>} : vector<16xi1> -> vector<16xi32>
            %add3A_1004 = arith.addi %get3A_985, %all_reduce_population_count3A : vector<16xi32>
            %add3A_1005 = arith.addi %mul3A_34, %mul3A_224 : i32
            %add3A_1006 = arith.constant 16 : i32
            %add3A_1007 = arith.addi %add3A_1005, %add3A_1006 : i32
            %add3A_1008 = vector.broadcast %add3A_1007 : i32 to vector<16xi32>
            %add3A_1009 = arith.addi %add3A_1008, %iota3A : vector<16xi32>
            %lt3A_1010 = vector.broadcast %scan3A : f32 to vector<16xf32>
            %lt3A_1011 = arith.cmpf olt, %add3A_283, %lt3A_1010 : vector<16xf32>
            %lt3A_1012 = arith.constant 16 : i32
            %lt3A_1013 = vector.broadcast %lt3A_1012 : i32 to vector<16xi32>
            %lt3A_1014 = arith.cmpi slt, %add3A_1004, %lt3A_1013 : vector<16xi32>
            %and3A_1015 = arith.andi %lt3A_1011, %lt3A_1014 : vector<16xi1>
            %convert_element_type3A_1016 = arith.extui %and3A_1015 : vector<16xi1> to vector<16xi32>
            %broadcast_in_dim3A_1017 = arith.constant true
            %broadcast_in_dim3A_1018 = vector.broadcast %broadcast_in_dim3A_1017 : i1 to vector<16xi1>
            %masked_cumsum3A_1019 = tpu.scan <sum>, %convert_element_type3A_1016 masked %broadcast_in_dim3A_1018 : vector<16xi32>, vector<16xi1> -> vector<16xi32>
            %sub3A_1020 = arith.subi %masked_cumsum3A_1019, %convert_element_type3A_1016 : vector<16xi32>
            %add3A_1021 = arith.addi %add3A_1004, %sub3A_1020 : vector<16xi32>
            tpu.vector_store_idx %arg22[%add3A_1021], %add3A_1009 masked %and3A_1015 : memref<48xi32, #tpu.memory_space<vmem>>[vector<16xi32>], vector<16xi32>, vector<16xi1>
            %sub3A_1022 = arith.subi %masked_cumsum3A_1019, %convert_element_type3A_1016 : vector<16xi32>
            %add3A_1023 = arith.addi %add3A_1004, %sub3A_1022 : vector<16xi32>
            tpu.vector_store_idx %arg23[%add3A_1023], %add3A_283 masked %and3A_1015 : memref<48xf32, #tpu.memory_space<vmem>>[vector<16xi32>], vector<16xf32>, vector<16xi1>
            %all_reduce_population_count3A_1024 = tpu.all_reduce %and3A_1015 {dim = 0 : i64, kind = #tpu.reduction_kind<sum>} : vector<16xi1> -> vector<16xi32>
            %add3A_1025 = arith.addi %add3A_1004, %all_reduce_population_count3A_1024 : vector<16xi32>
            %add3A_1026 = arith.addi %mul3A_34, %mul3A_224 : i32
            %add3A_1027 = arith.constant 32 : i32
            %add3A_1028 = arith.addi %add3A_1026, %add3A_1027 : i32
            %add3A_1029 = vector.broadcast %add3A_1028 : i32 to vector<16xi32>
            %add3A_1030 = arith.addi %add3A_1029, %iota3A : vector<16xi32>
            %lt3A_1031 = vector.broadcast %scan3A : f32 to vector<16xf32>
            %lt3A_1032 = arith.cmpf olt, %add3A_306, %lt3A_1031 : vector<16xf32>
            %lt3A_1033 = arith.constant 16 : i32
            %lt3A_1034 = vector.broadcast %lt3A_1033 : i32 to vector<16xi32>
            %lt3A_1035 = arith.cmpi slt, %add3A_1025, %lt3A_1034 : vector<16xi32>
            %and3A_1036 = arith.andi %lt3A_1032, %lt3A_1035 : vector<16xi1>
            %convert_element_type3A_1037 = arith.extui %and3A_1036 : vector<16xi1> to vector<16xi32>
            %broadcast_in_dim3A_1038 = arith.constant true
            %broadcast_in_dim3A_1039 = vector.broadcast %broadcast_in_dim3A_1038 : i1 to vector<16xi1>
            %masked_cumsum3A_1040 = tpu.scan <sum>, %convert_element_type3A_1037 masked %broadcast_in_dim3A_1039 : vector<16xi32>, vector<16xi1> -> vector<16xi32>
            %sub3A_1041 = arith.subi %masked_cumsum3A_1040, %convert_element_type3A_1037 : vector<16xi32>
            %add3A_1042 = arith.addi %add3A_1025, %sub3A_1041 : vector<16xi32>
            tpu.vector_store_idx %arg22[%add3A_1042], %add3A_1030 masked %and3A_1036 : memref<48xi32, #tpu.memory_space<vmem>>[vector<16xi32>], vector<16xi32>, vector<16xi1>
            %sub3A_1043 = arith.subi %masked_cumsum3A_1040, %convert_element_type3A_1037 : vector<16xi32>
            %add3A_1044 = arith.addi %add3A_1025, %sub3A_1043 : vector<16xi32>
            tpu.vector_store_idx %arg23[%add3A_1044], %add3A_306 masked %and3A_1036 : memref<48xf32, #tpu.memory_space<vmem>>[vector<16xi32>], vector<16xf32>, vector<16xi1>
            %all_reduce_population_count3A_1045 = tpu.all_reduce %and3A_1036 {dim = 0 : i64, kind = #tpu.reduction_kind<sum>} : vector<16xi1> -> vector<16xi32>
            %add3A_1046 = arith.addi %add3A_1025, %all_reduce_population_count3A_1045 : vector<16xi32>
            %add3A_1047 = arith.addi %mul3A_34, %mul3A_224 : i32
            %add3A_1048 = arith.constant 48 : i32
            %add3A_1049 = arith.addi %add3A_1047, %add3A_1048 : i32
            %add3A_1050 = vector.broadcast %add3A_1049 : i32 to vector<16xi32>
            %add3A_1051 = arith.addi %add3A_1050, %iota3A : vector<16xi32>
            %lt3A_1052 = vector.broadcast %scan3A : f32 to vector<16xf32>
            %lt3A_1053 = arith.cmpf olt, %add3A_329, %lt3A_1052 : vector<16xf32>
            %lt3A_1054 = arith.constant 16 : i32
            %lt3A_1055 = vector.broadcast %lt3A_1054 : i32 to vector<16xi32>
            %lt3A_1056 = arith.cmpi slt, %add3A_1046, %lt3A_1055 : vector<16xi32>
            %and3A_1057 = arith.andi %lt3A_1053, %lt3A_1056 : vector<16xi1>
            %convert_element_type3A_1058 = arith.extui %and3A_1057 : vector<16xi1> to vector<16xi32>
            %broadcast_in_dim3A_1059 = arith.constant true
            %broadcast_in_dim3A_1060 = vector.broadcast %broadcast_in_dim3A_1059 : i1 to vector<16xi1>
            %masked_cumsum3A_1061 = tpu.scan <sum>, %convert_element_type3A_1058 masked %broadcast_in_dim3A_1060 : vector<16xi32>, vector<16xi1> -> vector<16xi32>
            %sub3A_1062 = arith.subi %masked_cumsum3A_1061, %convert_element_type3A_1058 : vector<16xi32>
            %add3A_1063 = arith.addi %add3A_1046, %sub3A_1062 : vector<16xi32>
            tpu.vector_store_idx %arg22[%add3A_1063], %add3A_1051 masked %and3A_1057 : memref<48xi32, #tpu.memory_space<vmem>>[vector<16xi32>], vector<16xi32>, vector<16xi1>
            %sub3A_1064 = arith.subi %masked_cumsum3A_1061, %convert_element_type3A_1058 : vector<16xi32>
            %add3A_1065 = arith.addi %add3A_1046, %sub3A_1064 : vector<16xi32>
            tpu.vector_store_idx %arg23[%add3A_1065], %add3A_329 masked %and3A_1057 : memref<48xf32, #tpu.memory_space<vmem>>[vector<16xi32>], vector<16xf32>, vector<16xi1>
            %all_reduce_population_count3A_1066 = tpu.all_reduce %and3A_1057 {dim = 0 : i64, kind = #tpu.reduction_kind<sum>} : vector<16xi1> -> vector<16xi32>
            %add3A_1067 = arith.addi %add3A_1046, %all_reduce_population_count3A_1066 : vector<16xi32>
            %add3A_1068 = arith.addi %mul3A_34, %mul3A_224 : i32
            %add3A_1069 = arith.constant 64 : i32
            %add3A_1070 = arith.addi %add3A_1068, %add3A_1069 : i32
            %add3A_1071 = vector.broadcast %add3A_1070 : i32 to vector<16xi32>
            %add3A_1072 = arith.addi %add3A_1071, %iota3A : vector<16xi32>
            %lt3A_1073 = vector.broadcast %scan3A : f32 to vector<16xf32>
            %lt3A_1074 = arith.cmpf olt, %add3A_352, %lt3A_1073 : vector<16xf32>
            %lt3A_1075 = arith.constant 16 : i32
            %lt3A_1076 = vector.broadcast %lt3A_1075 : i32 to vector<16xi32>
            %lt3A_1077 = arith.cmpi slt, %add3A_1067, %lt3A_1076 : vector<16xi32>
            %and3A_1078 = arith.andi %lt3A_1074, %lt3A_1077 : vector<16xi1>
            %convert_element_type3A_1079 = arith.extui %and3A_1078 : vector<16xi1> to vector<16xi32>
            %broadcast_in_dim3A_1080 = arith.constant true
            %broadcast_in_dim3A_1081 = vector.broadcast %broadcast_in_dim3A_1080 : i1 to vector<16xi1>
            %masked_cumsum3A_1082 = tpu.scan <sum>, %convert_element_type3A_1079 masked %broadcast_in_dim3A_1081 : vector<16xi32>, vector<16xi1> -> vector<16xi32>
            %sub3A_1083 = arith.subi %masked_cumsum3A_1082, %convert_element_type3A_1079 : vector<16xi32>
            %add3A_1084 = arith.addi %add3A_1067, %sub3A_1083 : vector<16xi32>
            tpu.vector_store_idx %arg22[%add3A_1084], %add3A_1072 masked %and3A_1078 : memref<48xi32, #tpu.memory_space<vmem>>[vector<16xi32>], vector<16xi32>, vector<16xi1>
            %sub3A_1085 = arith.subi %masked_cumsum3A_1082, %convert_element_type3A_1079 : vector<16xi32>
            %add3A_1086 = arith.addi %add3A_1067, %sub3A_1085 : vector<16xi32>
            tpu.vector_store_idx %arg23[%add3A_1086], %add3A_352 masked %and3A_1078 : memref<48xf32, #tpu.memory_space<vmem>>[vector<16xi32>], vector<16xf32>, vector<16xi1>
            %all_reduce_population_count3A_1087 = tpu.all_reduce %and3A_1078 {dim = 0 : i64, kind = #tpu.reduction_kind<sum>} : vector<16xi1> -> vector<16xi32>
            %add3A_1088 = arith.addi %add3A_1067, %all_reduce_population_count3A_1087 : vector<16xi32>
            %add3A_1089 = arith.addi %mul3A_34, %mul3A_224 : i32
            %add3A_1090 = arith.constant 80 : i32
            %add3A_1091 = arith.addi %add3A_1089, %add3A_1090 : i32
            %add3A_1092 = vector.broadcast %add3A_1091 : i32 to vector<16xi32>
            %add3A_1093 = arith.addi %add3A_1092, %iota3A : vector<16xi32>
            %lt3A_1094 = vector.broadcast %scan3A : f32 to vector<16xf32>
            %lt3A_1095 = arith.cmpf olt, %add3A_375, %lt3A_1094 : vector<16xf32>
            %lt3A_1096 = arith.constant 16 : i32
            %lt3A_1097 = vector.broadcast %lt3A_1096 : i32 to vector<16xi32>
            %lt3A_1098 = arith.cmpi slt, %add3A_1088, %lt3A_1097 : vector<16xi32>
            %and3A_1099 = arith.andi %lt3A_1095, %lt3A_1098 : vector<16xi1>
            %convert_element_type3A_1100 = arith.extui %and3A_1099 : vector<16xi1> to vector<16xi32>
            %broadcast_in_dim3A_1101 = arith.constant true
            %broadcast_in_dim3A_1102 = vector.broadcast %broadcast_in_dim3A_1101 : i1 to vector<16xi1>
            %masked_cumsum3A_1103 = tpu.scan <sum>, %convert_element_type3A_1100 masked %broadcast_in_dim3A_1102 : vector<16xi32>, vector<16xi1> -> vector<16xi32>
            %sub3A_1104 = arith.subi %masked_cumsum3A_1103, %convert_element_type3A_1100 : vector<16xi32>
            %add3A_1105 = arith.addi %add3A_1088, %sub3A_1104 : vector<16xi32>
            tpu.vector_store_idx %arg22[%add3A_1105], %add3A_1093 masked %and3A_1099 : memref<48xi32, #tpu.memory_space<vmem>>[vector<16xi32>], vector<16xi32>, vector<16xi1>
            %sub3A_1106 = arith.subi %masked_cumsum3A_1103, %convert_element_type3A_1100 : vector<16xi32>
            %add3A_1107 = arith.addi %add3A_1088, %sub3A_1106 : vector<16xi32>
            tpu.vector_store_idx %arg23[%add3A_1107], %add3A_375 masked %and3A_1099 : memref<48xf32, #tpu.memory_space<vmem>>[vector<16xi32>], vector<16xf32>, vector<16xi1>
            %all_reduce_population_count3A_1108 = tpu.all_reduce %and3A_1099 {dim = 0 : i64, kind = #tpu.reduction_kind<sum>} : vector<16xi1> -> vector<16xi32>
            %add3A_1109 = arith.addi %add3A_1088, %all_reduce_population_count3A_1108 : vector<16xi32>
            %add3A_1110 = arith.addi %mul3A_34, %mul3A_224 : i32
            %add3A_1111 = arith.constant 96 : i32
            %add3A_1112 = arith.addi %add3A_1110, %add3A_1111 : i32
            %add3A_1113 = vector.broadcast %add3A_1112 : i32 to vector<16xi32>
            %add3A_1114 = arith.addi %add3A_1113, %iota3A : vector<16xi32>
            %lt3A_1115 = vector.broadcast %scan3A : f32 to vector<16xf32>
            %lt3A_1116 = arith.cmpf olt, %add3A_398, %lt3A_1115 : vector<16xf32>
            %lt3A_1117 = arith.constant 16 : i32
            %lt3A_1118 = vector.broadcast %lt3A_1117 : i32 to vector<16xi32>
            %lt3A_1119 = arith.cmpi slt, %add3A_1109, %lt3A_1118 : vector<16xi32>
            %and3A_1120 = arith.andi %lt3A_1116, %lt3A_1119 : vector<16xi1>
            %convert_element_type3A_1121 = arith.extui %and3A_1120 : vector<16xi1> to vector<16xi32>
            %broadcast_in_dim3A_1122 = arith.constant true
            %broadcast_in_dim3A_1123 = vector.broadcast %broadcast_in_dim3A_1122 : i1 to vector<16xi1>
            %masked_cumsum3A_1124 = tpu.scan <sum>, %convert_element_type3A_1121 masked %broadcast_in_dim3A_1123 : vector<16xi32>, vector<16xi1> -> vector<16xi32>
            %sub3A_1125 = arith.subi %masked_cumsum3A_1124, %convert_element_type3A_1121 : vector<16xi32>
            %add3A_1126 = arith.addi %add3A_1109, %sub3A_1125 : vector<16xi32>
            tpu.vector_store_idx %arg22[%add3A_1126], %add3A_1114 masked %and3A_1120 : memref<48xi32, #tpu.memory_space<vmem>>[vector<16xi32>], vector<16xi32>, vector<16xi1>
            %sub3A_1127 = arith.subi %masked_cumsum3A_1124, %convert_element_type3A_1121 : vector<16xi32>
            %add3A_1128 = arith.addi %add3A_1109, %sub3A_1127 : vector<16xi32>
            tpu.vector_store_idx %arg23[%add3A_1128], %add3A_398 masked %and3A_1120 : memref<48xf32, #tpu.memory_space<vmem>>[vector<16xi32>], vector<16xf32>, vector<16xi1>
            %all_reduce_population_count3A_1129 = tpu.all_reduce %and3A_1120 {dim = 0 : i64, kind = #tpu.reduction_kind<sum>} : vector<16xi1> -> vector<16xi32>
            %add3A_1130 = arith.addi %add3A_1109, %all_reduce_population_count3A_1129 : vector<16xi32>
            %add3A_1131 = arith.addi %mul3A_34, %mul3A_224 : i32
            %add3A_1132 = arith.constant 112 : i32
            %add3A_1133 = arith.addi %add3A_1131, %add3A_1132 : i32
            %add3A_1134 = vector.broadcast %add3A_1133 : i32 to vector<16xi32>
            %add3A_1135 = arith.addi %add3A_1134, %iota3A : vector<16xi32>
            %lt3A_1136 = vector.broadcast %scan3A : f32 to vector<16xf32>
            %lt3A_1137 = arith.cmpf olt, %add3A_421, %lt3A_1136 : vector<16xf32>
            %lt3A_1138 = arith.constant 16 : i32
            %lt3A_1139 = vector.broadcast %lt3A_1138 : i32 to vector<16xi32>
            %lt3A_1140 = arith.cmpi slt, %add3A_1130, %lt3A_1139 : vector<16xi32>
            %and3A_1141 = arith.andi %lt3A_1137, %lt3A_1140 : vector<16xi1>
            %convert_element_type3A_1142 = arith.extui %and3A_1141 : vector<16xi1> to vector<16xi32>
            %broadcast_in_dim3A_1143 = arith.constant true
            %broadcast_in_dim3A_1144 = vector.broadcast %broadcast_in_dim3A_1143 : i1 to vector<16xi1>
            %masked_cumsum3A_1145 = tpu.scan <sum>, %convert_element_type3A_1142 masked %broadcast_in_dim3A_1144 : vector<16xi32>, vector<16xi1> -> vector<16xi32>
            %sub3A_1146 = arith.subi %masked_cumsum3A_1145, %convert_element_type3A_1142 : vector<16xi32>
            %add3A_1147 = arith.addi %add3A_1130, %sub3A_1146 : vector<16xi32>
            tpu.vector_store_idx %arg22[%add3A_1147], %add3A_1135 masked %and3A_1141 : memref<48xi32, #tpu.memory_space<vmem>>[vector<16xi32>], vector<16xi32>, vector<16xi1>
            %sub3A_1148 = arith.subi %masked_cumsum3A_1145, %convert_element_type3A_1142 : vector<16xi32>
            %add3A_1149 = arith.addi %add3A_1130, %sub3A_1148 : vector<16xi32>
            tpu.vector_store_idx %arg23[%add3A_1149], %add3A_421 masked %and3A_1141 : memref<48xf32, #tpu.memory_space<vmem>>[vector<16xi32>], vector<16xf32>, vector<16xi1>
            %all_reduce_population_count3A_1150 = tpu.all_reduce %and3A_1141 {dim = 0 : i64, kind = #tpu.reduction_kind<sum>} : vector<16xi1> -> vector<16xi32>
            %add3A_1151 = arith.addi %add3A_1130, %all_reduce_population_count3A_1150 : vector<16xi32>
            %add3A_1152 = arith.addi %mul3A_34, %mul3A_224 : i32
            %add3A_1153 = arith.constant 128 : i32
            %add3A_1154 = arith.addi %add3A_1152, %add3A_1153 : i32
            %add3A_1155 = vector.broadcast %add3A_1154 : i32 to vector<16xi32>
            %add3A_1156 = arith.addi %add3A_1155, %iota3A : vector<16xi32>
            %lt3A_1157 = vector.broadcast %scan3A : f32 to vector<16xf32>
            %lt3A_1158 = arith.cmpf olt, %add3A_444, %lt3A_1157 : vector<16xf32>
            %lt3A_1159 = arith.constant 16 : i32
            %lt3A_1160 = vector.broadcast %lt3A_1159 : i32 to vector<16xi32>
            %lt3A_1161 = arith.cmpi slt, %add3A_1151, %lt3A_1160 : vector<16xi32>
            %and3A_1162 = arith.andi %lt3A_1158, %lt3A_1161 : vector<16xi1>
            %convert_element_type3A_1163 = arith.extui %and3A_1162 : vector<16xi1> to vector<16xi32>
            %broadcast_in_dim3A_1164 = arith.constant true
            %broadcast_in_dim3A_1165 = vector.broadcast %broadcast_in_dim3A_1164 : i1 to vector<16xi1>
            %masked_cumsum3A_1166 = tpu.scan <sum>, %convert_element_type3A_1163 masked %broadcast_in_dim3A_1165 : vector<16xi32>, vector<16xi1> -> vector<16xi32>
            %sub3A_1167 = arith.subi %masked_cumsum3A_1166, %convert_element_type3A_1163 : vector<16xi32>
            %add3A_1168 = arith.addi %add3A_1151, %sub3A_1167 : vector<16xi32>
            tpu.vector_store_idx %arg22[%add3A_1168], %add3A_1156 masked %and3A_1162 : memref<48xi32, #tpu.memory_space<vmem>>[vector<16xi32>], vector<16xi32>, vector<16xi1>
            %sub3A_1169 = arith.subi %masked_cumsum3A_1166, %convert_element_type3A_1163 : vector<16xi32>
            %add3A_1170 = arith.addi %add3A_1151, %sub3A_1169 : vector<16xi32>
            tpu.vector_store_idx %arg23[%add3A_1170], %add3A_444 masked %and3A_1162 : memref<48xf32, #tpu.memory_space<vmem>>[vector<16xi32>], vector<16xf32>, vector<16xi1>
            %all_reduce_population_count3A_1171 = tpu.all_reduce %and3A_1162 {dim = 0 : i64, kind = #tpu.reduction_kind<sum>} : vector<16xi1> -> vector<16xi32>
            %add3A_1172 = arith.addi %add3A_1151, %all_reduce_population_count3A_1171 : vector<16xi32>
            %add3A_1173 = arith.addi %mul3A_34, %mul3A_224 : i32
            %add3A_1174 = arith.constant 144 : i32
            %add3A_1175 = arith.addi %add3A_1173, %add3A_1174 : i32
            %add3A_1176 = vector.broadcast %add3A_1175 : i32 to vector<16xi32>
            %add3A_1177 = arith.addi %add3A_1176, %iota3A : vector<16xi32>
            %lt3A_1178 = vector.broadcast %scan3A : f32 to vector<16xf32>
            %lt3A_1179 = arith.cmpf olt, %add3A_467, %lt3A_1178 : vector<16xf32>
            %lt3A_1180 = arith.constant 16 : i32
            %lt3A_1181 = vector.broadcast %lt3A_1180 : i32 to vector<16xi32>
            %lt3A_1182 = arith.cmpi slt, %add3A_1172, %lt3A_1181 : vector<16xi32>
            %and3A_1183 = arith.andi %lt3A_1179, %lt3A_1182 : vector<16xi1>
            %convert_element_type3A_1184 = arith.extui %and3A_1183 : vector<16xi1> to vector<16xi32>
            %broadcast_in_dim3A_1185 = arith.constant true
            %broadcast_in_dim3A_1186 = vector.broadcast %broadcast_in_dim3A_1185 : i1 to vector<16xi1>
            %masked_cumsum3A_1187 = tpu.scan <sum>, %convert_element_type3A_1184 masked %broadcast_in_dim3A_1186 : vector<16xi32>, vector<16xi1> -> vector<16xi32>
            %sub3A_1188 = arith.subi %masked_cumsum3A_1187, %convert_element_type3A_1184 : vector<16xi32>
            %add3A_1189 = arith.addi %add3A_1172, %sub3A_1188 : vector<16xi32>
            tpu.vector_store_idx %arg22[%add3A_1189], %add3A_1177 masked %and3A_1183 : memref<48xi32, #tpu.memory_space<vmem>>[vector<16xi32>], vector<16xi32>, vector<16xi1>
            %sub3A_1190 = arith.subi %masked_cumsum3A_1187, %convert_element_type3A_1184 : vector<16xi32>
            %add3A_1191 = arith.addi %add3A_1172, %sub3A_1190 : vector<16xi32>
            tpu.vector_store_idx %arg23[%add3A_1191], %add3A_467 masked %and3A_1183 : memref<48xf32, #tpu.memory_space<vmem>>[vector<16xi32>], vector<16xf32>, vector<16xi1>
            %all_reduce_population_count3A_1192 = tpu.all_reduce %and3A_1183 {dim = 0 : i64, kind = #tpu.reduction_kind<sum>} : vector<16xi1> -> vector<16xi32>
            %add3A_1193 = arith.addi %add3A_1172, %all_reduce_population_count3A_1192 : vector<16xi32>
            %add3A_1194 = arith.addi %mul3A_34, %mul3A_224 : i32
            %add3A_1195 = arith.constant 160 : i32
            %add3A_1196 = arith.addi %add3A_1194, %add3A_1195 : i32
            %add3A_1197 = vector.broadcast %add3A_1196 : i32 to vector<16xi32>
            %add3A_1198 = arith.addi %add3A_1197, %iota3A : vector<16xi32>
            %lt3A_1199 = vector.broadcast %scan3A : f32 to vector<16xf32>
            %lt3A_1200 = arith.cmpf olt, %add3A_490, %lt3A_1199 : vector<16xf32>
            %lt3A_1201 = arith.constant 16 : i32
            %lt3A_1202 = vector.broadcast %lt3A_1201 : i32 to vector<16xi32>
            %lt3A_1203 = arith.cmpi slt, %add3A_1193, %lt3A_1202 : vector<16xi32>
            %and3A_1204 = arith.andi %lt3A_1200, %lt3A_1203 : vector<16xi1>
            %convert_element_type3A_1205 = arith.extui %and3A_1204 : vector<16xi1> to vector<16xi32>
            %broadcast_in_dim3A_1206 = arith.constant true
            %broadcast_in_dim3A_1207 = vector.broadcast %broadcast_in_dim3A_1206 : i1 to vector<16xi1>
            %masked_cumsum3A_1208 = tpu.scan <sum>, %convert_element_type3A_1205 masked %broadcast_in_dim3A_1207 : vector<16xi32>, vector<16xi1> -> vector<16xi32>
            %sub3A_1209 = arith.subi %masked_cumsum3A_1208, %convert_element_type3A_1205 : vector<16xi32>
            %add3A_1210 = arith.addi %add3A_1193, %sub3A_1209 : vector<16xi32>
            tpu.vector_store_idx %arg22[%add3A_1210], %add3A_1198 masked %and3A_1204 : memref<48xi32, #tpu.memory_space<vmem>>[vector<16xi32>], vector<16xi32>, vector<16xi1>
            %sub3A_1211 = arith.subi %masked_cumsum3A_1208, %convert_element_type3A_1205 : vector<16xi32>
            %add3A_1212 = arith.addi %add3A_1193, %sub3A_1211 : vector<16xi32>
            tpu.vector_store_idx %arg23[%add3A_1212], %add3A_490 masked %and3A_1204 : memref<48xf32, #tpu.memory_space<vmem>>[vector<16xi32>], vector<16xf32>, vector<16xi1>
            %all_reduce_population_count3A_1213 = tpu.all_reduce %and3A_1204 {dim = 0 : i64, kind = #tpu.reduction_kind<sum>} : vector<16xi1> -> vector<16xi32>
            %add3A_1214 = arith.addi %add3A_1193, %all_reduce_population_count3A_1213 : vector<16xi32>
            %add3A_1215 = arith.addi %mul3A_34, %mul3A_224 : i32
            %add3A_1216 = arith.constant 176 : i32
            %add3A_1217 = arith.addi %add3A_1215, %add3A_1216 : i32
            %add3A_1218 = vector.broadcast %add3A_1217 : i32 to vector<16xi32>
            %add3A_1219 = arith.addi %add3A_1218, %iota3A : vector<16xi32>
            %lt3A_1220 = vector.broadcast %scan3A : f32 to vector<16xf32>
            %lt3A_1221 = arith.cmpf olt, %add3A_513, %lt3A_1220 : vector<16xf32>
            %lt3A_1222 = arith.constant 16 : i32
            %lt3A_1223 = vector.broadcast %lt3A_1222 : i32 to vector<16xi32>
            %lt3A_1224 = arith.cmpi slt, %add3A_1214, %lt3A_1223 : vector<16xi32>
            %and3A_1225 = arith.andi %lt3A_1221, %lt3A_1224 : vector<16xi1>
            %convert_element_type3A_1226 = arith.extui %and3A_1225 : vector<16xi1> to vector<16xi32>
            %broadcast_in_dim3A_1227 = arith.constant true
            %broadcast_in_dim3A_1228 = vector.broadcast %broadcast_in_dim3A_1227 : i1 to vector<16xi1>
            %masked_cumsum3A_1229 = tpu.scan <sum>, %convert_element_type3A_1226 masked %broadcast_in_dim3A_1228 : vector<16xi32>, vector<16xi1> -> vector<16xi32>
            %sub3A_1230 = arith.subi %masked_cumsum3A_1229, %convert_element_type3A_1226 : vector<16xi32>
            %add3A_1231 = arith.addi %add3A_1214, %sub3A_1230 : vector<16xi32>
            tpu.vector_store_idx %arg22[%add3A_1231], %add3A_1219 masked %and3A_1225 : memref<48xi32, #tpu.memory_space<vmem>>[vector<16xi32>], vector<16xi32>, vector<16xi1>
            %sub3A_1232 = arith.subi %masked_cumsum3A_1229, %convert_element_type3A_1226 : vector<16xi32>
            %add3A_1233 = arith.addi %add3A_1214, %sub3A_1232 : vector<16xi32>
            tpu.vector_store_idx %arg23[%add3A_1233], %add3A_513 masked %and3A_1225 : memref<48xf32, #tpu.memory_space<vmem>>[vector<16xi32>], vector<16xf32>, vector<16xi1>
            %all_reduce_population_count3A_1234 = tpu.all_reduce %and3A_1225 {dim = 0 : i64, kind = #tpu.reduction_kind<sum>} : vector<16xi1> -> vector<16xi32>
            %add3A_1235 = arith.addi %add3A_1214, %all_reduce_population_count3A_1234 : vector<16xi32>
            %add3A_1236 = arith.addi %mul3A_34, %mul3A_224 : i32
            %add3A_1237 = arith.constant 192 : i32
            %add3A_1238 = arith.addi %add3A_1236, %add3A_1237 : i32
            %add3A_1239 = vector.broadcast %add3A_1238 : i32 to vector<16xi32>
            %add3A_1240 = arith.addi %add3A_1239, %iota3A : vector<16xi32>
            %lt3A_1241 = vector.broadcast %scan3A : f32 to vector<16xf32>
            %lt3A_1242 = arith.cmpf olt, %add3A_536, %lt3A_1241 : vector<16xf32>
            %lt3A_1243 = arith.constant 16 : i32
            %lt3A_1244 = vector.broadcast %lt3A_1243 : i32 to vector<16xi32>
            %lt3A_1245 = arith.cmpi slt, %add3A_1235, %lt3A_1244 : vector<16xi32>
            %and3A_1246 = arith.andi %lt3A_1242, %lt3A_1245 : vector<16xi1>
            %convert_element_type3A_1247 = arith.extui %and3A_1246 : vector<16xi1> to vector<16xi32>
            %broadcast_in_dim3A_1248 = arith.constant true
            %broadcast_in_dim3A_1249 = vector.broadcast %broadcast_in_dim3A_1248 : i1 to vector<16xi1>
            %masked_cumsum3A_1250 = tpu.scan <sum>, %convert_element_type3A_1247 masked %broadcast_in_dim3A_1249 : vector<16xi32>, vector<16xi1> -> vector<16xi32>
            %sub3A_1251 = arith.subi %masked_cumsum3A_1250, %convert_element_type3A_1247 : vector<16xi32>
            %add3A_1252 = arith.addi %add3A_1235, %sub3A_1251 : vector<16xi32>
            tpu.vector_store_idx %arg22[%add3A_1252], %add3A_1240 masked %and3A_1246 : memref<48xi32, #tpu.memory_space<vmem>>[vector<16xi32>], vector<16xi32>, vector<16xi1>
            %sub3A_1253 = arith.subi %masked_cumsum3A_1250, %convert_element_type3A_1247 : vector<16xi32>
            %add3A_1254 = arith.addi %add3A_1235, %sub3A_1253 : vector<16xi32>
            tpu.vector_store_idx %arg23[%add3A_1254], %add3A_536 masked %and3A_1246 : memref<48xf32, #tpu.memory_space<vmem>>[vector<16xi32>], vector<16xf32>, vector<16xi1>
            %all_reduce_population_count3A_1255 = tpu.all_reduce %and3A_1246 {dim = 0 : i64, kind = #tpu.reduction_kind<sum>} : vector<16xi1> -> vector<16xi32>
            %add3A_1256 = arith.addi %add3A_1235, %all_reduce_population_count3A_1255 : vector<16xi32>
            %add3A_1257 = arith.addi %mul3A_34, %mul3A_224 : i32
            %add3A_1258 = arith.constant 208 : i32
            %add3A_1259 = arith.addi %add3A_1257, %add3A_1258 : i32
            %add3A_1260 = vector.broadcast %add3A_1259 : i32 to vector<16xi32>
            %add3A_1261 = arith.addi %add3A_1260, %iota3A : vector<16xi32>
            %lt3A_1262 = vector.broadcast %scan3A : f32 to vector<16xf32>
            %lt3A_1263 = arith.cmpf olt, %add3A_559, %lt3A_1262 : vector<16xf32>
            %lt3A_1264 = arith.constant 16 : i32
            %lt3A_1265 = vector.broadcast %lt3A_1264 : i32 to vector<16xi32>
            %lt3A_1266 = arith.cmpi slt, %add3A_1256, %lt3A_1265 : vector<16xi32>
            %and3A_1267 = arith.andi %lt3A_1263, %lt3A_1266 : vector<16xi1>
            %convert_element_type3A_1268 = arith.extui %and3A_1267 : vector<16xi1> to vector<16xi32>
            %broadcast_in_dim3A_1269 = arith.constant true
            %broadcast_in_dim3A_1270 = vector.broadcast %broadcast_in_dim3A_1269 : i1 to vector<16xi1>
            %masked_cumsum3A_1271 = tpu.scan <sum>, %convert_element_type3A_1268 masked %broadcast_in_dim3A_1270 : vector<16xi32>, vector<16xi1> -> vector<16xi32>
            %sub3A_1272 = arith.subi %masked_cumsum3A_1271, %convert_element_type3A_1268 : vector<16xi32>
            %add3A_1273 = arith.addi %add3A_1256, %sub3A_1272 : vector<16xi32>
            tpu.vector_store_idx %arg22[%add3A_1273], %add3A_1261 masked %and3A_1267 : memref<48xi32, #tpu.memory_space<vmem>>[vector<16xi32>], vector<16xi32>, vector<16xi1>
            %sub3A_1274 = arith.subi %masked_cumsum3A_1271, %convert_element_type3A_1268 : vector<16xi32>
            %add3A_1275 = arith.addi %add3A_1256, %sub3A_1274 : vector<16xi32>
            tpu.vector_store_idx %arg23[%add3A_1275], %add3A_559 masked %and3A_1267 : memref<48xf32, #tpu.memory_space<vmem>>[vector<16xi32>], vector<16xf32>, vector<16xi1>
            %all_reduce_population_count3A_1276 = tpu.all_reduce %and3A_1267 {dim = 0 : i64, kind = #tpu.reduction_kind<sum>} : vector<16xi1> -> vector<16xi32>
            %add3A_1277 = arith.addi %add3A_1256, %all_reduce_population_count3A_1276 : vector<16xi32>
            %add3A_1278 = arith.addi %mul3A_34, %mul3A_224 : i32
            %add3A_1279 = arith.constant 224 : i32
            %add3A_1280 = arith.addi %add3A_1278, %add3A_1279 : i32
            %add3A_1281 = vector.broadcast %add3A_1280 : i32 to vector<16xi32>
            %add3A_1282 = arith.addi %add3A_1281, %iota3A : vector<16xi32>
            %lt3A_1283 = vector.broadcast %scan3A : f32 to vector<16xf32>
            %lt3A_1284 = arith.cmpf olt, %add3A_582, %lt3A_1283 : vector<16xf32>
            %lt3A_1285 = arith.constant 16 : i32
            %lt3A_1286 = vector.broadcast %lt3A_1285 : i32 to vector<16xi32>
            %lt3A_1287 = arith.cmpi slt, %add3A_1277, %lt3A_1286 : vector<16xi32>
            %and3A_1288 = arith.andi %lt3A_1284, %lt3A_1287 : vector<16xi1>
            %convert_element_type3A_1289 = arith.extui %and3A_1288 : vector<16xi1> to vector<16xi32>
            %broadcast_in_dim3A_1290 = arith.constant true
            %broadcast_in_dim3A_1291 = vector.broadcast %broadcast_in_dim3A_1290 : i1 to vector<16xi1>
            %masked_cumsum3A_1292 = tpu.scan <sum>, %convert_element_type3A_1289 masked %broadcast_in_dim3A_1291 : vector<16xi32>, vector<16xi1> -> vector<16xi32>
            %sub3A_1293 = arith.subi %masked_cumsum3A_1292, %convert_element_type3A_1289 : vector<16xi32>
            %add3A_1294 = arith.addi %add3A_1277, %sub3A_1293 : vector<16xi32>
            tpu.vector_store_idx %arg22[%add3A_1294], %add3A_1282 masked %and3A_1288 : memref<48xi32, #tpu.memory_space<vmem>>[vector<16xi32>], vector<16xi32>, vector<16xi1>
            %sub3A_1295 = arith.subi %masked_cumsum3A_1292, %convert_element_type3A_1289 : vector<16xi32>
            %add3A_1296 = arith.addi %add3A_1277, %sub3A_1295 : vector<16xi32>
            tpu.vector_store_idx %arg23[%add3A_1296], %add3A_582 masked %and3A_1288 : memref<48xf32, #tpu.memory_space<vmem>>[vector<16xi32>], vector<16xf32>, vector<16xi1>
            %all_reduce_population_count3A_1297 = tpu.all_reduce %and3A_1288 {dim = 0 : i64, kind = #tpu.reduction_kind<sum>} : vector<16xi1> -> vector<16xi32>
            %add3A_1298 = arith.addi %add3A_1277, %all_reduce_population_count3A_1297 : vector<16xi32>
            %add3A_1299 = arith.addi %mul3A_34, %mul3A_224 : i32
            %add3A_1300 = arith.constant 240 : i32
            %add3A_1301 = arith.addi %add3A_1299, %add3A_1300 : i32
            %add3A_1302 = vector.broadcast %add3A_1301 : i32 to vector<16xi32>
            %add3A_1303 = arith.addi %add3A_1302, %iota3A : vector<16xi32>
            %lt3A_1304 = vector.broadcast %scan3A : f32 to vector<16xf32>
            %lt3A_1305 = arith.cmpf olt, %add3A_605, %lt3A_1304 : vector<16xf32>
            %lt3A_1306 = arith.constant 16 : i32
            %lt3A_1307 = vector.broadcast %lt3A_1306 : i32 to vector<16xi32>
            %lt3A_1308 = arith.cmpi slt, %add3A_1298, %lt3A_1307 : vector<16xi32>
            %and3A_1309 = arith.andi %lt3A_1305, %lt3A_1308 : vector<16xi1>
            %convert_element_type3A_1310 = arith.extui %and3A_1309 : vector<16xi1> to vector<16xi32>
            %broadcast_in_dim3A_1311 = arith.constant true
            %broadcast_in_dim3A_1312 = vector.broadcast %broadcast_in_dim3A_1311 : i1 to vector<16xi1>
            %masked_cumsum3A_1313 = tpu.scan <sum>, %convert_element_type3A_1310 masked %broadcast_in_dim3A_1312 : vector<16xi32>, vector<16xi1> -> vector<16xi32>
            %sub3A_1314 = arith.subi %masked_cumsum3A_1313, %convert_element_type3A_1310 : vector<16xi32>
            %add3A_1315 = arith.addi %add3A_1298, %sub3A_1314 : vector<16xi32>
            tpu.vector_store_idx %arg22[%add3A_1315], %add3A_1303 masked %and3A_1309 : memref<48xi32, #tpu.memory_space<vmem>>[vector<16xi32>], vector<16xi32>, vector<16xi1>
            %sub3A_1316 = arith.subi %masked_cumsum3A_1313, %convert_element_type3A_1310 : vector<16xi32>
            %add3A_1317 = arith.addi %add3A_1298, %sub3A_1316 : vector<16xi32>
            tpu.vector_store_idx %arg23[%add3A_1317], %add3A_605 masked %and3A_1309 : memref<48xf32, #tpu.memory_space<vmem>>[vector<16xi32>], vector<16xf32>, vector<16xi1>
            %all_reduce_population_count3A_1318 = tpu.all_reduce %and3A_1309 {dim = 0 : i64, kind = #tpu.reduction_kind<sum>} : vector<16xi1> -> vector<16xi32>
            %add3A_1319 = arith.addi %add3A_1298, %all_reduce_population_count3A_1318 : vector<16xi32>
            %add3A_1320 = arith.addi %mul3A_34, %mul3A_224 : i32
            %add3A_1321 = arith.constant 256 : i32
            %add3A_1322 = arith.addi %add3A_1320, %add3A_1321 : i32
            %add3A_1323 = vector.broadcast %add3A_1322 : i32 to vector<16xi32>
            %add3A_1324 = arith.addi %add3A_1323, %iota3A : vector<16xi32>
            %lt3A_1325 = vector.broadcast %scan3A : f32 to vector<16xf32>
            %lt3A_1326 = arith.cmpf olt, %add3A_628, %lt3A_1325 : vector<16xf32>
            %lt3A_1327 = arith.constant 16 : i32
            %lt3A_1328 = vector.broadcast %lt3A_1327 : i32 to vector<16xi32>
            %lt3A_1329 = arith.cmpi slt, %add3A_1319, %lt3A_1328 : vector<16xi32>
            %and3A_1330 = arith.andi %lt3A_1326, %lt3A_1329 : vector<16xi1>
            %convert_element_type3A_1331 = arith.extui %and3A_1330 : vector<16xi1> to vector<16xi32>
            %broadcast_in_dim3A_1332 = arith.constant true
            %broadcast_in_dim3A_1333 = vector.broadcast %broadcast_in_dim3A_1332 : i1 to vector<16xi1>
            %masked_cumsum3A_1334 = tpu.scan <sum>, %convert_element_type3A_1331 masked %broadcast_in_dim3A_1333 : vector<16xi32>, vector<16xi1> -> vector<16xi32>
            %sub3A_1335 = arith.subi %masked_cumsum3A_1334, %convert_element_type3A_1331 : vector<16xi32>
            %add3A_1336 = arith.addi %add3A_1319, %sub3A_1335 : vector<16xi32>
            tpu.vector_store_idx %arg22[%add3A_1336], %add3A_1324 masked %and3A_1330 : memref<48xi32, #tpu.memory_space<vmem>>[vector<16xi32>], vector<16xi32>, vector<16xi1>
            %sub3A_1337 = arith.subi %masked_cumsum3A_1334, %convert_element_type3A_1331 : vector<16xi32>
            %add3A_1338 = arith.addi %add3A_1319, %sub3A_1337 : vector<16xi32>
            tpu.vector_store_idx %arg23[%add3A_1338], %add3A_628 masked %and3A_1330 : memref<48xf32, #tpu.memory_space<vmem>>[vector<16xi32>], vector<16xf32>, vector<16xi1>
            %all_reduce_population_count3A_1339 = tpu.all_reduce %and3A_1330 {dim = 0 : i64, kind = #tpu.reduction_kind<sum>} : vector<16xi1> -> vector<16xi32>
            %add3A_1340 = arith.addi %add3A_1319, %all_reduce_population_count3A_1339 : vector<16xi32>
            %add3A_1341 = arith.addi %mul3A_34, %mul3A_224 : i32
            %add3A_1342 = arith.constant 272 : i32
            %add3A_1343 = arith.addi %add3A_1341, %add3A_1342 : i32
            %add3A_1344 = vector.broadcast %add3A_1343 : i32 to vector<16xi32>
            %add3A_1345 = arith.addi %add3A_1344, %iota3A : vector<16xi32>
            %lt3A_1346 = vector.broadcast %scan3A : f32 to vector<16xf32>
            %lt3A_1347 = arith.cmpf olt, %add3A_651, %lt3A_1346 : vector<16xf32>
            %lt3A_1348 = arith.constant 16 : i32
            %lt3A_1349 = vector.broadcast %lt3A_1348 : i32 to vector<16xi32>
            %lt3A_1350 = arith.cmpi slt, %add3A_1340, %lt3A_1349 : vector<16xi32>
            %and3A_1351 = arith.andi %lt3A_1347, %lt3A_1350 : vector<16xi1>
            %convert_element_type3A_1352 = arith.extui %and3A_1351 : vector<16xi1> to vector<16xi32>
            %broadcast_in_dim3A_1353 = arith.constant true
            %broadcast_in_dim3A_1354 = vector.broadcast %broadcast_in_dim3A_1353 : i1 to vector<16xi1>
            %masked_cumsum3A_1355 = tpu.scan <sum>, %convert_element_type3A_1352 masked %broadcast_in_dim3A_1354 : vector<16xi32>, vector<16xi1> -> vector<16xi32>
            %sub3A_1356 = arith.subi %masked_cumsum3A_1355, %convert_element_type3A_1352 : vector<16xi32>
            %add3A_1357 = arith.addi %add3A_1340, %sub3A_1356 : vector<16xi32>
            tpu.vector_store_idx %arg22[%add3A_1357], %add3A_1345 masked %and3A_1351 : memref<48xi32, #tpu.memory_space<vmem>>[vector<16xi32>], vector<16xi32>, vector<16xi1>
            %sub3A_1358 = arith.subi %masked_cumsum3A_1355, %convert_element_type3A_1352 : vector<16xi32>
            %add3A_1359 = arith.addi %add3A_1340, %sub3A_1358 : vector<16xi32>
            tpu.vector_store_idx %arg23[%add3A_1359], %add3A_651 masked %and3A_1351 : memref<48xf32, #tpu.memory_space<vmem>>[vector<16xi32>], vector<16xf32>, vector<16xi1>
            %all_reduce_population_count3A_1360 = tpu.all_reduce %and3A_1351 {dim = 0 : i64, kind = #tpu.reduction_kind<sum>} : vector<16xi1> -> vector<16xi32>
            %add3A_1361 = arith.addi %add3A_1340, %all_reduce_population_count3A_1360 : vector<16xi32>
            %add3A_1362 = arith.addi %mul3A_34, %mul3A_224 : i32
            %add3A_1363 = arith.constant 288 : i32
            %add3A_1364 = arith.addi %add3A_1362, %add3A_1363 : i32
            %add3A_1365 = vector.broadcast %add3A_1364 : i32 to vector<16xi32>
            %add3A_1366 = arith.addi %add3A_1365, %iota3A : vector<16xi32>
            %lt3A_1367 = vector.broadcast %scan3A : f32 to vector<16xf32>
            %lt3A_1368 = arith.cmpf olt, %add3A_674, %lt3A_1367 : vector<16xf32>
            %lt3A_1369 = arith.constant 16 : i32
            %lt3A_1370 = vector.broadcast %lt3A_1369 : i32 to vector<16xi32>
            %lt3A_1371 = arith.cmpi slt, %add3A_1361, %lt3A_1370 : vector<16xi32>
            %and3A_1372 = arith.andi %lt3A_1368, %lt3A_1371 : vector<16xi1>
            %convert_element_type3A_1373 = arith.extui %and3A_1372 : vector<16xi1> to vector<16xi32>
            %broadcast_in_dim3A_1374 = arith.constant true
            %broadcast_in_dim3A_1375 = vector.broadcast %broadcast_in_dim3A_1374 : i1 to vector<16xi1>
            %masked_cumsum3A_1376 = tpu.scan <sum>, %convert_element_type3A_1373 masked %broadcast_in_dim3A_1375 : vector<16xi32>, vector<16xi1> -> vector<16xi32>
            %sub3A_1377 = arith.subi %masked_cumsum3A_1376, %convert_element_type3A_1373 : vector<16xi32>
            %add3A_1378 = arith.addi %add3A_1361, %sub3A_1377 : vector<16xi32>
            tpu.vector_store_idx %arg22[%add3A_1378], %add3A_1366 masked %and3A_1372 : memref<48xi32, #tpu.memory_space<vmem>>[vector<16xi32>], vector<16xi32>, vector<16xi1>
            %sub3A_1379 = arith.subi %masked_cumsum3A_1376, %convert_element_type3A_1373 : vector<16xi32>
            %add3A_1380 = arith.addi %add3A_1361, %sub3A_1379 : vector<16xi32>
            tpu.vector_store_idx %arg23[%add3A_1380], %add3A_674 masked %and3A_1372 : memref<48xf32, #tpu.memory_space<vmem>>[vector<16xi32>], vector<16xf32>, vector<16xi1>
            %all_reduce_population_count3A_1381 = tpu.all_reduce %and3A_1372 {dim = 0 : i64, kind = #tpu.reduction_kind<sum>} : vector<16xi1> -> vector<16xi32>
            %add3A_1382 = arith.addi %add3A_1361, %all_reduce_population_count3A_1381 : vector<16xi32>
            %add3A_1383 = arith.addi %mul3A_34, %mul3A_224 : i32
            %add3A_1384 = arith.constant 304 : i32
            %add3A_1385 = arith.addi %add3A_1383, %add3A_1384 : i32
            %add3A_1386 = vector.broadcast %add3A_1385 : i32 to vector<16xi32>
            %add3A_1387 = arith.addi %add3A_1386, %iota3A : vector<16xi32>
            %lt3A_1388 = vector.broadcast %scan3A : f32 to vector<16xf32>
            %lt3A_1389 = arith.cmpf olt, %add3A_697, %lt3A_1388 : vector<16xf32>
            %lt3A_1390 = arith.constant 16 : i32
            %lt3A_1391 = vector.broadcast %lt3A_1390 : i32 to vector<16xi32>
            %lt3A_1392 = arith.cmpi slt, %add3A_1382, %lt3A_1391 : vector<16xi32>
            %and3A_1393 = arith.andi %lt3A_1389, %lt3A_1392 : vector<16xi1>
            %convert_element_type3A_1394 = arith.extui %and3A_1393 : vector<16xi1> to vector<16xi32>
            %broadcast_in_dim3A_1395 = arith.constant true
            %broadcast_in_dim3A_1396 = vector.broadcast %broadcast_in_dim3A_1395 : i1 to vector<16xi1>
            %masked_cumsum3A_1397 = tpu.scan <sum>, %convert_element_type3A_1394 masked %broadcast_in_dim3A_1396 : vector<16xi32>, vector<16xi1> -> vector<16xi32>
            %sub3A_1398 = arith.subi %masked_cumsum3A_1397, %convert_element_type3A_1394 : vector<16xi32>
            %add3A_1399 = arith.addi %add3A_1382, %sub3A_1398 : vector<16xi32>
            tpu.vector_store_idx %arg22[%add3A_1399], %add3A_1387 masked %and3A_1393 : memref<48xi32, #tpu.memory_space<vmem>>[vector<16xi32>], vector<16xi32>, vector<16xi1>
            %sub3A_1400 = arith.subi %masked_cumsum3A_1397, %convert_element_type3A_1394 : vector<16xi32>
            %add3A_1401 = arith.addi %add3A_1382, %sub3A_1400 : vector<16xi32>
            tpu.vector_store_idx %arg23[%add3A_1401], %add3A_697 masked %and3A_1393 : memref<48xf32, #tpu.memory_space<vmem>>[vector<16xi32>], vector<16xf32>, vector<16xi1>
            %all_reduce_population_count3A_1402 = tpu.all_reduce %and3A_1393 {dim = 0 : i64, kind = #tpu.reduction_kind<sum>} : vector<16xi1> -> vector<16xi32>
            %add3A_1403 = arith.addi %add3A_1382, %all_reduce_population_count3A_1402 : vector<16xi32>
            %add3A_1404 = arith.addi %mul3A_34, %mul3A_224 : i32
            %add3A_1405 = arith.constant 320 : i32
            %add3A_1406 = arith.addi %add3A_1404, %add3A_1405 : i32
            %add3A_1407 = vector.broadcast %add3A_1406 : i32 to vector<16xi32>
            %add3A_1408 = arith.addi %add3A_1407, %iota3A : vector<16xi32>
            %lt3A_1409 = vector.broadcast %scan3A : f32 to vector<16xf32>
            %lt3A_1410 = arith.cmpf olt, %add3A_720, %lt3A_1409 : vector<16xf32>
            %lt3A_1411 = arith.constant 16 : i32
            %lt3A_1412 = vector.broadcast %lt3A_1411 : i32 to vector<16xi32>
            %lt3A_1413 = arith.cmpi slt, %add3A_1403, %lt3A_1412 : vector<16xi32>
            %and3A_1414 = arith.andi %lt3A_1410, %lt3A_1413 : vector<16xi1>
            %convert_element_type3A_1415 = arith.extui %and3A_1414 : vector<16xi1> to vector<16xi32>
            %broadcast_in_dim3A_1416 = arith.constant true
            %broadcast_in_dim3A_1417 = vector.broadcast %broadcast_in_dim3A_1416 : i1 to vector<16xi1>
            %masked_cumsum3A_1418 = tpu.scan <sum>, %convert_element_type3A_1415 masked %broadcast_in_dim3A_1417 : vector<16xi32>, vector<16xi1> -> vector<16xi32>
            %sub3A_1419 = arith.subi %masked_cumsum3A_1418, %convert_element_type3A_1415 : vector<16xi32>
            %add3A_1420 = arith.addi %add3A_1403, %sub3A_1419 : vector<16xi32>
            tpu.vector_store_idx %arg22[%add3A_1420], %add3A_1408 masked %and3A_1414 : memref<48xi32, #tpu.memory_space<vmem>>[vector<16xi32>], vector<16xi32>, vector<16xi1>
            %sub3A_1421 = arith.subi %masked_cumsum3A_1418, %convert_element_type3A_1415 : vector<16xi32>
            %add3A_1422 = arith.addi %add3A_1403, %sub3A_1421 : vector<16xi32>
            tpu.vector_store_idx %arg23[%add3A_1422], %add3A_720 masked %and3A_1414 : memref<48xf32, #tpu.memory_space<vmem>>[vector<16xi32>], vector<16xf32>, vector<16xi1>
            %all_reduce_population_count3A_1423 = tpu.all_reduce %and3A_1414 {dim = 0 : i64, kind = #tpu.reduction_kind<sum>} : vector<16xi1> -> vector<16xi32>
            %add3A_1424 = arith.addi %add3A_1403, %all_reduce_population_count3A_1423 : vector<16xi32>
            %add3A_1425 = arith.addi %mul3A_34, %mul3A_224 : i32
            %add3A_1426 = arith.constant 336 : i32
            %add3A_1427 = arith.addi %add3A_1425, %add3A_1426 : i32
            %add3A_1428 = vector.broadcast %add3A_1427 : i32 to vector<16xi32>
            %add3A_1429 = arith.addi %add3A_1428, %iota3A : vector<16xi32>
            %lt3A_1430 = vector.broadcast %scan3A : f32 to vector<16xf32>
            %lt3A_1431 = arith.cmpf olt, %add3A_743, %lt3A_1430 : vector<16xf32>
            %lt3A_1432 = arith.constant 16 : i32
            %lt3A_1433 = vector.broadcast %lt3A_1432 : i32 to vector<16xi32>
            %lt3A_1434 = arith.cmpi slt, %add3A_1424, %lt3A_1433 : vector<16xi32>
            %and3A_1435 = arith.andi %lt3A_1431, %lt3A_1434 : vector<16xi1>
            %convert_element_type3A_1436 = arith.extui %and3A_1435 : vector<16xi1> to vector<16xi32>
            %broadcast_in_dim3A_1437 = arith.constant true
            %broadcast_in_dim3A_1438 = vector.broadcast %broadcast_in_dim3A_1437 : i1 to vector<16xi1>
            %masked_cumsum3A_1439 = tpu.scan <sum>, %convert_element_type3A_1436 masked %broadcast_in_dim3A_1438 : vector<16xi32>, vector<16xi1> -> vector<16xi32>
            %sub3A_1440 = arith.subi %masked_cumsum3A_1439, %convert_element_type3A_1436 : vector<16xi32>
            %add3A_1441 = arith.addi %add3A_1424, %sub3A_1440 : vector<16xi32>
            tpu.vector_store_idx %arg22[%add3A_1441], %add3A_1429 masked %and3A_1435 : memref<48xi32, #tpu.memory_space<vmem>>[vector<16xi32>], vector<16xi32>, vector<16xi1>
            %sub3A_1442 = arith.subi %masked_cumsum3A_1439, %convert_element_type3A_1436 : vector<16xi32>
            %add3A_1443 = arith.addi %add3A_1424, %sub3A_1442 : vector<16xi32>
            tpu.vector_store_idx %arg23[%add3A_1443], %add3A_743 masked %and3A_1435 : memref<48xf32, #tpu.memory_space<vmem>>[vector<16xi32>], vector<16xf32>, vector<16xi1>
            %all_reduce_population_count3A_1444 = tpu.all_reduce %and3A_1435 {dim = 0 : i64, kind = #tpu.reduction_kind<sum>} : vector<16xi1> -> vector<16xi32>
            %add3A_1445 = arith.addi %add3A_1424, %all_reduce_population_count3A_1444 : vector<16xi32>
            %add3A_1446 = arith.addi %mul3A_34, %mul3A_224 : i32
            %add3A_1447 = arith.constant 352 : i32
            %add3A_1448 = arith.addi %add3A_1446, %add3A_1447 : i32
            %add3A_1449 = vector.broadcast %add3A_1448 : i32 to vector<16xi32>
            %add3A_1450 = arith.addi %add3A_1449, %iota3A : vector<16xi32>
            %lt3A_1451 = vector.broadcast %scan3A : f32 to vector<16xf32>
            %lt3A_1452 = arith.cmpf olt, %add3A_766, %lt3A_1451 : vector<16xf32>
            %lt3A_1453 = arith.constant 16 : i32
            %lt3A_1454 = vector.broadcast %lt3A_1453 : i32 to vector<16xi32>
            %lt3A_1455 = arith.cmpi slt, %add3A_1445, %lt3A_1454 : vector<16xi32>
            %and3A_1456 = arith.andi %lt3A_1452, %lt3A_1455 : vector<16xi1>
            %convert_element_type3A_1457 = arith.extui %and3A_1456 : vector<16xi1> to vector<16xi32>
            %broadcast_in_dim3A_1458 = arith.constant true
            %broadcast_in_dim3A_1459 = vector.broadcast %broadcast_in_dim3A_1458 : i1 to vector<16xi1>
            %masked_cumsum3A_1460 = tpu.scan <sum>, %convert_element_type3A_1457 masked %broadcast_in_dim3A_1459 : vector<16xi32>, vector<16xi1> -> vector<16xi32>
            %sub3A_1461 = arith.subi %masked_cumsum3A_1460, %convert_element_type3A_1457 : vector<16xi32>
            %add3A_1462 = arith.addi %add3A_1445, %sub3A_1461 : vector<16xi32>
            tpu.vector_store_idx %arg22[%add3A_1462], %add3A_1450 masked %and3A_1456 : memref<48xi32, #tpu.memory_space<vmem>>[vector<16xi32>], vector<16xi32>, vector<16xi1>
            %sub3A_1463 = arith.subi %masked_cumsum3A_1460, %convert_element_type3A_1457 : vector<16xi32>
            %add3A_1464 = arith.addi %add3A_1445, %sub3A_1463 : vector<16xi32>
            tpu.vector_store_idx %arg23[%add3A_1464], %add3A_766 masked %and3A_1456 : memref<48xf32, #tpu.memory_space<vmem>>[vector<16xi32>], vector<16xf32>, vector<16xi1>
            %all_reduce_population_count3A_1465 = tpu.all_reduce %and3A_1456 {dim = 0 : i64, kind = #tpu.reduction_kind<sum>} : vector<16xi1> -> vector<16xi32>
            %add3A_1466 = arith.addi %add3A_1445, %all_reduce_population_count3A_1465 : vector<16xi32>
            %add3A_1467 = arith.addi %mul3A_34, %mul3A_224 : i32
            %add3A_1468 = arith.constant 368 : i32
            %add3A_1469 = arith.addi %add3A_1467, %add3A_1468 : i32
            %add3A_1470 = vector.broadcast %add3A_1469 : i32 to vector<16xi32>
            %add3A_1471 = arith.addi %add3A_1470, %iota3A : vector<16xi32>
            %lt3A_1472 = vector.broadcast %scan3A : f32 to vector<16xf32>
            %lt3A_1473 = arith.cmpf olt, %add3A_789, %lt3A_1472 : vector<16xf32>
            %lt3A_1474 = arith.constant 16 : i32
            %lt3A_1475 = vector.broadcast %lt3A_1474 : i32 to vector<16xi32>
            %lt3A_1476 = arith.cmpi slt, %add3A_1466, %lt3A_1475 : vector<16xi32>
            %and3A_1477 = arith.andi %lt3A_1473, %lt3A_1476 : vector<16xi1>
            %convert_element_type3A_1478 = arith.extui %and3A_1477 : vector<16xi1> to vector<16xi32>
            %broadcast_in_dim3A_1479 = arith.constant true
            %broadcast_in_dim3A_1480 = vector.broadcast %broadcast_in_dim3A_1479 : i1 to vector<16xi1>
            %masked_cumsum3A_1481 = tpu.scan <sum>, %convert_element_type3A_1478 masked %broadcast_in_dim3A_1480 : vector<16xi32>, vector<16xi1> -> vector<16xi32>
            %sub3A_1482 = arith.subi %masked_cumsum3A_1481, %convert_element_type3A_1478 : vector<16xi32>
            %add3A_1483 = arith.addi %add3A_1466, %sub3A_1482 : vector<16xi32>
            tpu.vector_store_idx %arg22[%add3A_1483], %add3A_1471 masked %and3A_1477 : memref<48xi32, #tpu.memory_space<vmem>>[vector<16xi32>], vector<16xi32>, vector<16xi1>
            %sub3A_1484 = arith.subi %masked_cumsum3A_1481, %convert_element_type3A_1478 : vector<16xi32>
            %add3A_1485 = arith.addi %add3A_1466, %sub3A_1484 : vector<16xi32>
            tpu.vector_store_idx %arg23[%add3A_1485], %add3A_789 masked %and3A_1477 : memref<48xf32, #tpu.memory_space<vmem>>[vector<16xi32>], vector<16xf32>, vector<16xi1>
            %all_reduce_population_count3A_1486 = tpu.all_reduce %and3A_1477 {dim = 0 : i64, kind = #tpu.reduction_kind<sum>} : vector<16xi1> -> vector<16xi32>
            %add3A_1487 = arith.addi %add3A_1466, %all_reduce_population_count3A_1486 : vector<16xi32>
            %add3A_1488 = arith.addi %mul3A_34, %mul3A_224 : i32
            %add3A_1489 = arith.constant 384 : i32
            %add3A_1490 = arith.addi %add3A_1488, %add3A_1489 : i32
            %add3A_1491 = vector.broadcast %add3A_1490 : i32 to vector<16xi32>
            %add3A_1492 = arith.addi %add3A_1491, %iota3A : vector<16xi32>
            %lt3A_1493 = vector.broadcast %scan3A : f32 to vector<16xf32>
            %lt3A_1494 = arith.cmpf olt, %add3A_812, %lt3A_1493 : vector<16xf32>
            %lt3A_1495 = arith.constant 16 : i32
            %lt3A_1496 = vector.broadcast %lt3A_1495 : i32 to vector<16xi32>
            %lt3A_1497 = arith.cmpi slt, %add3A_1487, %lt3A_1496 : vector<16xi32>
            %and3A_1498 = arith.andi %lt3A_1494, %lt3A_1497 : vector<16xi1>
            %convert_element_type3A_1499 = arith.extui %and3A_1498 : vector<16xi1> to vector<16xi32>
            %broadcast_in_dim3A_1500 = arith.constant true
            %broadcast_in_dim3A_1501 = vector.broadcast %broadcast_in_dim3A_1500 : i1 to vector<16xi1>
            %masked_cumsum3A_1502 = tpu.scan <sum>, %convert_element_type3A_1499 masked %broadcast_in_dim3A_1501 : vector<16xi32>, vector<16xi1> -> vector<16xi32>
            %sub3A_1503 = arith.subi %masked_cumsum3A_1502, %convert_element_type3A_1499 : vector<16xi32>
            %add3A_1504 = arith.addi %add3A_1487, %sub3A_1503 : vector<16xi32>
            tpu.vector_store_idx %arg22[%add3A_1504], %add3A_1492 masked %and3A_1498 : memref<48xi32, #tpu.memory_space<vmem>>[vector<16xi32>], vector<16xi32>, vector<16xi1>
            %sub3A_1505 = arith.subi %masked_cumsum3A_1502, %convert_element_type3A_1499 : vector<16xi32>
            %add3A_1506 = arith.addi %add3A_1487, %sub3A_1505 : vector<16xi32>
            tpu.vector_store_idx %arg23[%add3A_1506], %add3A_812 masked %and3A_1498 : memref<48xf32, #tpu.memory_space<vmem>>[vector<16xi32>], vector<16xf32>, vector<16xi1>
            %all_reduce_population_count3A_1507 = tpu.all_reduce %and3A_1498 {dim = 0 : i64, kind = #tpu.reduction_kind<sum>} : vector<16xi1> -> vector<16xi32>
            %add3A_1508 = arith.addi %add3A_1487, %all_reduce_population_count3A_1507 : vector<16xi32>
            %add3A_1509 = arith.addi %mul3A_34, %mul3A_224 : i32
            %add3A_1510 = arith.constant 400 : i32
            %add3A_1511 = arith.addi %add3A_1509, %add3A_1510 : i32
            %add3A_1512 = vector.broadcast %add3A_1511 : i32 to vector<16xi32>
            %add3A_1513 = arith.addi %add3A_1512, %iota3A : vector<16xi32>
            %lt3A_1514 = vector.broadcast %scan3A : f32 to vector<16xf32>
            %lt3A_1515 = arith.cmpf olt, %add3A_835, %lt3A_1514 : vector<16xf32>
            %lt3A_1516 = arith.constant 16 : i32
            %lt3A_1517 = vector.broadcast %lt3A_1516 : i32 to vector<16xi32>
            %lt3A_1518 = arith.cmpi slt, %add3A_1508, %lt3A_1517 : vector<16xi32>
            %and3A_1519 = arith.andi %lt3A_1515, %lt3A_1518 : vector<16xi1>
            %convert_element_type3A_1520 = arith.extui %and3A_1519 : vector<16xi1> to vector<16xi32>
            %broadcast_in_dim3A_1521 = arith.constant true
            %broadcast_in_dim3A_1522 = vector.broadcast %broadcast_in_dim3A_1521 : i1 to vector<16xi1>
            %masked_cumsum3A_1523 = tpu.scan <sum>, %convert_element_type3A_1520 masked %broadcast_in_dim3A_1522 : vector<16xi32>, vector<16xi1> -> vector<16xi32>
            %sub3A_1524 = arith.subi %masked_cumsum3A_1523, %convert_element_type3A_1520 : vector<16xi32>
            %add3A_1525 = arith.addi %add3A_1508, %sub3A_1524 : vector<16xi32>
            tpu.vector_store_idx %arg22[%add3A_1525], %add3A_1513 masked %and3A_1519 : memref<48xi32, #tpu.memory_space<vmem>>[vector<16xi32>], vector<16xi32>, vector<16xi1>
            %sub3A_1526 = arith.subi %masked_cumsum3A_1523, %convert_element_type3A_1520 : vector<16xi32>
            %add3A_1527 = arith.addi %add3A_1508, %sub3A_1526 : vector<16xi32>
            tpu.vector_store_idx %arg23[%add3A_1527], %add3A_835 masked %and3A_1519 : memref<48xf32, #tpu.memory_space<vmem>>[vector<16xi32>], vector<16xf32>, vector<16xi1>
            %all_reduce_population_count3A_1528 = tpu.all_reduce %and3A_1519 {dim = 0 : i64, kind = #tpu.reduction_kind<sum>} : vector<16xi1> -> vector<16xi32>
            %add3A_1529 = arith.addi %add3A_1508, %all_reduce_population_count3A_1528 : vector<16xi32>
            %add3A_1530 = arith.addi %mul3A_34, %mul3A_224 : i32
            %add3A_1531 = arith.constant 416 : i32
            %add3A_1532 = arith.addi %add3A_1530, %add3A_1531 : i32
            %add3A_1533 = vector.broadcast %add3A_1532 : i32 to vector<16xi32>
            %add3A_1534 = arith.addi %add3A_1533, %iota3A : vector<16xi32>
            %lt3A_1535 = vector.broadcast %scan3A : f32 to vector<16xf32>
            %lt3A_1536 = arith.cmpf olt, %add3A_858, %lt3A_1535 : vector<16xf32>
            %lt3A_1537 = arith.constant 16 : i32
            %lt3A_1538 = vector.broadcast %lt3A_1537 : i32 to vector<16xi32>
            %lt3A_1539 = arith.cmpi slt, %add3A_1529, %lt3A_1538 : vector<16xi32>
            %and3A_1540 = arith.andi %lt3A_1536, %lt3A_1539 : vector<16xi1>
            %convert_element_type3A_1541 = arith.extui %and3A_1540 : vector<16xi1> to vector<16xi32>
            %broadcast_in_dim3A_1542 = arith.constant true
            %broadcast_in_dim3A_1543 = vector.broadcast %broadcast_in_dim3A_1542 : i1 to vector<16xi1>
            %masked_cumsum3A_1544 = tpu.scan <sum>, %convert_element_type3A_1541 masked %broadcast_in_dim3A_1543 : vector<16xi32>, vector<16xi1> -> vector<16xi32>
            %sub3A_1545 = arith.subi %masked_cumsum3A_1544, %convert_element_type3A_1541 : vector<16xi32>
            %add3A_1546 = arith.addi %add3A_1529, %sub3A_1545 : vector<16xi32>
            tpu.vector_store_idx %arg22[%add3A_1546], %add3A_1534 masked %and3A_1540 : memref<48xi32, #tpu.memory_space<vmem>>[vector<16xi32>], vector<16xi32>, vector<16xi1>
            %sub3A_1547 = arith.subi %masked_cumsum3A_1544, %convert_element_type3A_1541 : vector<16xi32>
            %add3A_1548 = arith.addi %add3A_1529, %sub3A_1547 : vector<16xi32>
            tpu.vector_store_idx %arg23[%add3A_1548], %add3A_858 masked %and3A_1540 : memref<48xf32, #tpu.memory_space<vmem>>[vector<16xi32>], vector<16xf32>, vector<16xi1>
            %all_reduce_population_count3A_1549 = tpu.all_reduce %and3A_1540 {dim = 0 : i64, kind = #tpu.reduction_kind<sum>} : vector<16xi1> -> vector<16xi32>
            %add3A_1550 = arith.addi %add3A_1529, %all_reduce_population_count3A_1549 : vector<16xi32>
            %add3A_1551 = arith.addi %mul3A_34, %mul3A_224 : i32
            %add3A_1552 = arith.constant 432 : i32
            %add3A_1553 = arith.addi %add3A_1551, %add3A_1552 : i32
            %add3A_1554 = vector.broadcast %add3A_1553 : i32 to vector<16xi32>
            %add3A_1555 = arith.addi %add3A_1554, %iota3A : vector<16xi32>
            %lt3A_1556 = vector.broadcast %scan3A : f32 to vector<16xf32>
            %lt3A_1557 = arith.cmpf olt, %add3A_881, %lt3A_1556 : vector<16xf32>
            %lt3A_1558 = arith.constant 16 : i32
            %lt3A_1559 = vector.broadcast %lt3A_1558 : i32 to vector<16xi32>
            %lt3A_1560 = arith.cmpi slt, %add3A_1550, %lt3A_1559 : vector<16xi32>
            %and3A_1561 = arith.andi %lt3A_1557, %lt3A_1560 : vector<16xi1>
            %convert_element_type3A_1562 = arith.extui %and3A_1561 : vector<16xi1> to vector<16xi32>
            %broadcast_in_dim3A_1563 = arith.constant true
            %broadcast_in_dim3A_1564 = vector.broadcast %broadcast_in_dim3A_1563 : i1 to vector<16xi1>
            %masked_cumsum3A_1565 = tpu.scan <sum>, %convert_element_type3A_1562 masked %broadcast_in_dim3A_1564 : vector<16xi32>, vector<16xi1> -> vector<16xi32>
            %sub3A_1566 = arith.subi %masked_cumsum3A_1565, %convert_element_type3A_1562 : vector<16xi32>
            %add3A_1567 = arith.addi %add3A_1550, %sub3A_1566 : vector<16xi32>
            tpu.vector_store_idx %arg22[%add3A_1567], %add3A_1555 masked %and3A_1561 : memref<48xi32, #tpu.memory_space<vmem>>[vector<16xi32>], vector<16xi32>, vector<16xi1>
            %sub3A_1568 = arith.subi %masked_cumsum3A_1565, %convert_element_type3A_1562 : vector<16xi32>
            %add3A_1569 = arith.addi %add3A_1550, %sub3A_1568 : vector<16xi32>
            tpu.vector_store_idx %arg23[%add3A_1569], %add3A_881 masked %and3A_1561 : memref<48xf32, #tpu.memory_space<vmem>>[vector<16xi32>], vector<16xf32>, vector<16xi1>
            %all_reduce_population_count3A_1570 = tpu.all_reduce %and3A_1561 {dim = 0 : i64, kind = #tpu.reduction_kind<sum>} : vector<16xi1> -> vector<16xi32>
            %add3A_1571 = arith.addi %add3A_1550, %all_reduce_population_count3A_1570 : vector<16xi32>
            %add3A_1572 = arith.addi %mul3A_34, %mul3A_224 : i32
            %add3A_1573 = arith.constant 448 : i32
            %add3A_1574 = arith.addi %add3A_1572, %add3A_1573 : i32
            %add3A_1575 = vector.broadcast %add3A_1574 : i32 to vector<16xi32>
            %add3A_1576 = arith.addi %add3A_1575, %iota3A : vector<16xi32>
            %lt3A_1577 = vector.broadcast %scan3A : f32 to vector<16xf32>
            %lt3A_1578 = arith.cmpf olt, %add3A_904, %lt3A_1577 : vector<16xf32>
            %lt3A_1579 = arith.constant 16 : i32
            %lt3A_1580 = vector.broadcast %lt3A_1579 : i32 to vector<16xi32>
            %lt3A_1581 = arith.cmpi slt, %add3A_1571, %lt3A_1580 : vector<16xi32>
            %and3A_1582 = arith.andi %lt3A_1578, %lt3A_1581 : vector<16xi1>
            %convert_element_type3A_1583 = arith.extui %and3A_1582 : vector<16xi1> to vector<16xi32>
            %broadcast_in_dim3A_1584 = arith.constant true
            %broadcast_in_dim3A_1585 = vector.broadcast %broadcast_in_dim3A_1584 : i1 to vector<16xi1>
            %masked_cumsum3A_1586 = tpu.scan <sum>, %convert_element_type3A_1583 masked %broadcast_in_dim3A_1585 : vector<16xi32>, vector<16xi1> -> vector<16xi32>
            %sub3A_1587 = arith.subi %masked_cumsum3A_1586, %convert_element_type3A_1583 : vector<16xi32>
            %add3A_1588 = arith.addi %add3A_1571, %sub3A_1587 : vector<16xi32>
            tpu.vector_store_idx %arg22[%add3A_1588], %add3A_1576 masked %and3A_1582 : memref<48xi32, #tpu.memory_space<vmem>>[vector<16xi32>], vector<16xi32>, vector<16xi1>
            %sub3A_1589 = arith.subi %masked_cumsum3A_1586, %convert_element_type3A_1583 : vector<16xi32>
            %add3A_1590 = arith.addi %add3A_1571, %sub3A_1589 : vector<16xi32>
            tpu.vector_store_idx %arg23[%add3A_1590], %add3A_904 masked %and3A_1582 : memref<48xf32, #tpu.memory_space<vmem>>[vector<16xi32>], vector<16xf32>, vector<16xi1>
            %all_reduce_population_count3A_1591 = tpu.all_reduce %and3A_1582 {dim = 0 : i64, kind = #tpu.reduction_kind<sum>} : vector<16xi1> -> vector<16xi32>
            %add3A_1592 = arith.addi %add3A_1571, %all_reduce_population_count3A_1591 : vector<16xi32>
            %add3A_1593 = arith.addi %mul3A_34, %mul3A_224 : i32
            %add3A_1594 = arith.constant 464 : i32
            %add3A_1595 = arith.addi %add3A_1593, %add3A_1594 : i32
            %add3A_1596 = vector.broadcast %add3A_1595 : i32 to vector<16xi32>
            %add3A_1597 = arith.addi %add3A_1596, %iota3A : vector<16xi32>
            %lt3A_1598 = vector.broadcast %scan3A : f32 to vector<16xf32>
            %lt3A_1599 = arith.cmpf olt, %add3A_927, %lt3A_1598 : vector<16xf32>
            %lt3A_1600 = arith.constant 16 : i32
            %lt3A_1601 = vector.broadcast %lt3A_1600 : i32 to vector<16xi32>
            %lt3A_1602 = arith.cmpi slt, %add3A_1592, %lt3A_1601 : vector<16xi32>
            %and3A_1603 = arith.andi %lt3A_1599, %lt3A_1602 : vector<16xi1>
            %convert_element_type3A_1604 = arith.extui %and3A_1603 : vector<16xi1> to vector<16xi32>
            %broadcast_in_dim3A_1605 = arith.constant true
            %broadcast_in_dim3A_1606 = vector.broadcast %broadcast_in_dim3A_1605 : i1 to vector<16xi1>
            %masked_cumsum3A_1607 = tpu.scan <sum>, %convert_element_type3A_1604 masked %broadcast_in_dim3A_1606 : vector<16xi32>, vector<16xi1> -> vector<16xi32>
            %sub3A_1608 = arith.subi %masked_cumsum3A_1607, %convert_element_type3A_1604 : vector<16xi32>
            %add3A_1609 = arith.addi %add3A_1592, %sub3A_1608 : vector<16xi32>
            tpu.vector_store_idx %arg22[%add3A_1609], %add3A_1597 masked %and3A_1603 : memref<48xi32, #tpu.memory_space<vmem>>[vector<16xi32>], vector<16xi32>, vector<16xi1>
            %sub3A_1610 = arith.subi %masked_cumsum3A_1607, %convert_element_type3A_1604 : vector<16xi32>
            %add3A_1611 = arith.addi %add3A_1592, %sub3A_1610 : vector<16xi32>
            tpu.vector_store_idx %arg23[%add3A_1611], %add3A_927 masked %and3A_1603 : memref<48xf32, #tpu.memory_space<vmem>>[vector<16xi32>], vector<16xf32>, vector<16xi1>
            %all_reduce_population_count3A_1612 = tpu.all_reduce %and3A_1603 {dim = 0 : i64, kind = #tpu.reduction_kind<sum>} : vector<16xi1> -> vector<16xi32>
            %add3A_1613 = arith.addi %add3A_1592, %all_reduce_population_count3A_1612 : vector<16xi32>
            %add3A_1614 = arith.addi %mul3A_34, %mul3A_224 : i32
            %add3A_1615 = arith.constant 480 : i32
            %add3A_1616 = arith.addi %add3A_1614, %add3A_1615 : i32
            %add3A_1617 = vector.broadcast %add3A_1616 : i32 to vector<16xi32>
            %add3A_1618 = arith.addi %add3A_1617, %iota3A : vector<16xi32>
            %lt3A_1619 = vector.broadcast %scan3A : f32 to vector<16xf32>
            %lt3A_1620 = arith.cmpf olt, %add3A_950, %lt3A_1619 : vector<16xf32>
            %lt3A_1621 = arith.constant 16 : i32
            %lt3A_1622 = vector.broadcast %lt3A_1621 : i32 to vector<16xi32>
            %lt3A_1623 = arith.cmpi slt, %add3A_1613, %lt3A_1622 : vector<16xi32>
            %and3A_1624 = arith.andi %lt3A_1620, %lt3A_1623 : vector<16xi1>
            %convert_element_type3A_1625 = arith.extui %and3A_1624 : vector<16xi1> to vector<16xi32>
            %broadcast_in_dim3A_1626 = arith.constant true
            %broadcast_in_dim3A_1627 = vector.broadcast %broadcast_in_dim3A_1626 : i1 to vector<16xi1>
            %masked_cumsum3A_1628 = tpu.scan <sum>, %convert_element_type3A_1625 masked %broadcast_in_dim3A_1627 : vector<16xi32>, vector<16xi1> -> vector<16xi32>
            %sub3A_1629 = arith.subi %masked_cumsum3A_1628, %convert_element_type3A_1625 : vector<16xi32>
            %add3A_1630 = arith.addi %add3A_1613, %sub3A_1629 : vector<16xi32>
            tpu.vector_store_idx %arg22[%add3A_1630], %add3A_1618 masked %and3A_1624 : memref<48xi32, #tpu.memory_space<vmem>>[vector<16xi32>], vector<16xi32>, vector<16xi1>
            %sub3A_1631 = arith.subi %masked_cumsum3A_1628, %convert_element_type3A_1625 : vector<16xi32>
            %add3A_1632 = arith.addi %add3A_1613, %sub3A_1631 : vector<16xi32>
            tpu.vector_store_idx %arg23[%add3A_1632], %add3A_950 masked %and3A_1624 : memref<48xf32, #tpu.memory_space<vmem>>[vector<16xi32>], vector<16xf32>, vector<16xi1>
            %all_reduce_population_count3A_1633 = tpu.all_reduce %and3A_1624 {dim = 0 : i64, kind = #tpu.reduction_kind<sum>} : vector<16xi1> -> vector<16xi32>
            %add3A_1634 = arith.addi %add3A_1613, %all_reduce_population_count3A_1633 : vector<16xi32>
            %add3A_1635 = arith.addi %mul3A_34, %mul3A_224 : i32
            %add3A_1636 = arith.constant 496 : i32
            %add3A_1637 = arith.addi %add3A_1635, %add3A_1636 : i32
            %add3A_1638 = vector.broadcast %add3A_1637 : i32 to vector<16xi32>
            %add3A_1639 = arith.addi %add3A_1638, %iota3A : vector<16xi32>
            %lt3A_1640 = vector.broadcast %scan3A : f32 to vector<16xf32>
            %lt3A_1641 = arith.cmpf olt, %add3A_973, %lt3A_1640 : vector<16xf32>
            %lt3A_1642 = arith.constant 16 : i32
            %lt3A_1643 = vector.broadcast %lt3A_1642 : i32 to vector<16xi32>
            %lt3A_1644 = arith.cmpi slt, %add3A_1634, %lt3A_1643 : vector<16xi32>
            %and3A_1645 = arith.andi %lt3A_1641, %lt3A_1644 : vector<16xi1>
            %convert_element_type3A_1646 = arith.extui %and3A_1645 : vector<16xi1> to vector<16xi32>
            %broadcast_in_dim3A_1647 = arith.constant true
            %broadcast_in_dim3A_1648 = vector.broadcast %broadcast_in_dim3A_1647 : i1 to vector<16xi1>
            %masked_cumsum3A_1649 = tpu.scan <sum>, %convert_element_type3A_1646 masked %broadcast_in_dim3A_1648 : vector<16xi32>, vector<16xi1> -> vector<16xi32>
            %sub3A_1650 = arith.subi %masked_cumsum3A_1649, %convert_element_type3A_1646 : vector<16xi32>
            %add3A_1651 = arith.addi %add3A_1634, %sub3A_1650 : vector<16xi32>
            tpu.vector_store_idx %arg22[%add3A_1651], %add3A_1639 masked %and3A_1645 : memref<48xi32, #tpu.memory_space<vmem>>[vector<16xi32>], vector<16xi32>, vector<16xi1>
            %sub3A_1652 = arith.subi %masked_cumsum3A_1649, %convert_element_type3A_1646 : vector<16xi32>
            %add3A_1653 = arith.addi %add3A_1634, %sub3A_1652 : vector<16xi32>
            tpu.vector_store_idx %arg23[%add3A_1653], %add3A_973 masked %and3A_1645 : memref<48xf32, #tpu.memory_space<vmem>>[vector<16xi32>], vector<16xf32>, vector<16xi1>
            %all_reduce_population_count3A_1654 = tpu.all_reduce %and3A_1645 {dim = 0 : i64, kind = #tpu.reduction_kind<sum>} : vector<16xi1> -> vector<16xi32>
            %add3A_1655 = arith.addi %add3A_1634, %all_reduce_population_count3A_1654 : vector<16xi32>
            %swap3A_1656 = arith.constant 0 : index
            %swap3A_1657 = tpu.vector_load %arg26[%swap3A_1656] {strides = array<i32>} : memref<64xi32, #tpu.memory_space<vmem>>, vector<16xi32>,
            tpu.vector_store %arg26[%swap3A_1656], %add3A_1655 {strides = array<i32>} : memref<64xi32, #tpu.memory_space<vmem>>, vector<16xi32>,
            %ge3A_1658 = arith.constant 16 : i32
            %ge3A_1659 = vector.broadcast %ge3A_1658 : i32 to vector<16xi32>
            %ge3A_1660 = arith.cmpi sge, %add3A_1655, %ge3A_1659 : vector<16xi32>
            %convert_element_type3A_1661 = arith.extui %ge3A_1660 : vector<16xi1> to vector<16xi32>
            %swap3A_1662 = arith.constant 32 : index
            %swap3A_1663 = tpu.vector_load %arg26[%swap3A_1662] {strides = array<i32>} : memref<64xi32, #tpu.memory_space<vmem>>, vector<16xi32>,
            tpu.vector_store %arg26[%swap3A_1662], %convert_element_type3A_1661 {strides = array<i32>} : memref<64xi32, #tpu.memory_space<vmem>>, vector<16xi32>,
          } else {
          }
          %eq3A_979 = arith.constant 0 : i32
          %eq3A_980 = arith.cmpi eq, %squeeze3A_232, %eq3A_979 : i32
          %convert_element_type3A_981 = arith.extui %eq3A_980 : i1 to i32
          %cond3A_982 = arith.constant 0 : i32
          %cond3A_983 = arith.cmpi ne, %convert_element_type3A_981, %cond3A_982 : i32
          scf.if %cond3A_983 {
            %get3A_984 = arith.constant 16 : index
            %get3A_985 = tpu.vector_load %arg26[%get3A_984] {strides = array<i32>} : memref<64xi32, #tpu.memory_space<vmem>>, vector<16xi32>,
            %add3A_986 = arith.addi %mul3A_34, %mul3A_224 : i32
            %add3A_987 = arith.constant 0 : i32
            %add3A_988 = arith.addi %add3A_986, %add3A_987 : i32
            %add3A_989 = vector.broadcast %add3A_988 : i32 to vector<16xi32>
            %add3A_990 = arith.addi %add3A_989, %iota3A : vector<16xi32>
            %lt3A_991 = vector.broadcast %scan3A_35 : f32 to vector<16xf32>
            %lt3A_992 = arith.cmpf olt, %add3A_260, %lt3A_991 : vector<16xf32>
            %lt3A_993 = arith.constant 32 : i32
            %lt3A_994 = vector.broadcast %lt3A_993 : i32 to vector<16xi32>
            %lt3A_995 = arith.cmpi slt, %get3A_985, %lt3A_994 : vector<16xi32>
            %and3A_996 = arith.andi %lt3A_992, %lt3A_995 : vector<16xi1>
            %convert_element_type3A_997 = arith.extui %and3A_996 : vector<16xi1> to vector<16xi32>
            %broadcast_in_dim3A_998 = arith.constant true
            %broadcast_in_dim3A_999 = vector.broadcast %broadcast_in_dim3A_998 : i1 to vector<16xi1>
            %masked_cumsum3A = tpu.scan <sum>, %convert_element_type3A_997 masked %broadcast_in_dim3A_999 : vector<16xi32>, vector<16xi1> -> vector<16xi32>
            %sub3A_1000 = arith.subi %masked_cumsum3A, %convert_element_type3A_997 : vector<16xi32>
            %add3A_1001 = arith.addi %get3A_985, %sub3A_1000 : vector<16xi32>
            tpu.vector_store_idx %arg24[%add3A_1001], %add3A_990 masked %and3A_996 : memref<48xi32, #tpu.memory_space<vmem>>[vector<16xi32>], vector<16xi32>, vector<16xi1>
            %sub3A_1002 = arith.subi %masked_cumsum3A, %convert_element_type3A_997 : vector<16xi32>
            %add3A_1003 = arith.addi %get3A_985, %sub3A_1002 : vector<16xi32>
            tpu.vector_store_idx %arg25[%add3A_1003], %add3A_260 masked %and3A_996 : memref<48xf32, #tpu.memory_space<vmem>>[vector<16xi32>], vector<16xf32>, vector<16xi1>
            %all_reduce_population_count3A = tpu.all_reduce %and3A_996 {dim = 0 : i64, kind = #tpu.reduction_kind<sum>} : vector<16xi1> -> vector<16xi32>
            %add3A_1004 = arith.addi %get3A_985, %all_reduce_population_count3A : vector<16xi32>
            %add3A_1005 = arith.addi %mul3A_34, %mul3A_224 : i32
            %add3A_1006 = arith.constant 16 : i32
            %add3A_1007 = arith.addi %add3A_1005, %add3A_1006 : i32
            %add3A_1008 = vector.broadcast %add3A_1007 : i32 to vector<16xi32>
            %add3A_1009 = arith.addi %add3A_1008, %iota3A : vector<16xi32>
            %lt3A_1010 = vector.broadcast %scan3A_35 : f32 to vector<16xf32>
            %lt3A_1011 = arith.cmpf olt, %add3A_283, %lt3A_1010 : vector<16xf32>
            %lt3A_1012 = arith.constant 32 : i32
            %lt3A_1013 = vector.broadcast %lt3A_1012 : i32 to vector<16xi32>
            %lt3A_1014 = arith.cmpi slt, %add3A_1004, %lt3A_1013 : vector<16xi32>
            %and3A_1015 = arith.andi %lt3A_1011, %lt3A_1014 : vector<16xi1>
            %convert_element_type3A_1016 = arith.extui %and3A_1015 : vector<16xi1> to vector<16xi32>
            %broadcast_in_dim3A_1017 = arith.constant true
            %broadcast_in_dim3A_1018 = vector.broadcast %broadcast_in_dim3A_1017 : i1 to vector<16xi1>
            %masked_cumsum3A_1019 = tpu.scan <sum>, %convert_element_type3A_1016 masked %broadcast_in_dim3A_1018 : vector<16xi32>, vector<16xi1> -> vector<16xi32>
            %sub3A_1020 = arith.subi %masked_cumsum3A_1019, %convert_element_type3A_1016 : vector<16xi32>
            %add3A_1021 = arith.addi %add3A_1004, %sub3A_1020 : vector<16xi32>
            tpu.vector_store_idx %arg24[%add3A_1021], %add3A_1009 masked %and3A_1015 : memref<48xi32, #tpu.memory_space<vmem>>[vector<16xi32>], vector<16xi32>, vector<16xi1>
            %sub3A_1022 = arith.subi %masked_cumsum3A_1019, %convert_element_type3A_1016 : vector<16xi32>
            %add3A_1023 = arith.addi %add3A_1004, %sub3A_1022 : vector<16xi32>
            tpu.vector_store_idx %arg25[%add3A_1023], %add3A_283 masked %and3A_1015 : memref<48xf32, #tpu.memory_space<vmem>>[vector<16xi32>], vector<16xf32>, vector<16xi1>
            %all_reduce_population_count3A_1024 = tpu.all_reduce %and3A_1015 {dim = 0 : i64, kind = #tpu.reduction_kind<sum>} : vector<16xi1> -> vector<16xi32>
            %add3A_1025 = arith.addi %add3A_1004, %all_reduce_population_count3A_1024 : vector<16xi32>
            %add3A_1026 = arith.addi %mul3A_34, %mul3A_224 : i32
            %add3A_1027 = arith.constant 32 : i32
            %add3A_1028 = arith.addi %add3A_1026, %add3A_1027 : i32
            %add3A_1029 = vector.broadcast %add3A_1028 : i32 to vector<16xi32>
            %add3A_1030 = arith.addi %add3A_1029, %iota3A : vector<16xi32>
            %lt3A_1031 = vector.broadcast %scan3A_35 : f32 to vector<16xf32>
            %lt3A_1032 = arith.cmpf olt, %add3A_306, %lt3A_1031 : vector<16xf32>
            %lt3A_1033 = arith.constant 32 : i32
            %lt3A_1034 = vector.broadcast %lt3A_1033 : i32 to vector<16xi32>
            %lt3A_1035 = arith.cmpi slt, %add3A_1025, %lt3A_1034 : vector<16xi32>
            %and3A_1036 = arith.andi %lt3A_1032, %lt3A_1035 : vector<16xi1>
            %convert_element_type3A_1037 = arith.extui %and3A_1036 : vector<16xi1> to vector<16xi32>
            %broadcast_in_dim3A_1038 = arith.constant true
            %broadcast_in_dim3A_1039 = vector.broadcast %broadcast_in_dim3A_1038 : i1 to vector<16xi1>
            %masked_cumsum3A_1040 = tpu.scan <sum>, %convert_element_type3A_1037 masked %broadcast_in_dim3A_1039 : vector<16xi32>, vector<16xi1> -> vector<16xi32>
            %sub3A_1041 = arith.subi %masked_cumsum3A_1040, %convert_element_type3A_1037 : vector<16xi32>
            %add3A_1042 = arith.addi %add3A_1025, %sub3A_1041 : vector<16xi32>
            tpu.vector_store_idx %arg24[%add3A_1042], %add3A_1030 masked %and3A_1036 : memref<48xi32, #tpu.memory_space<vmem>>[vector<16xi32>], vector<16xi32>, vector<16xi1>
            %sub3A_1043 = arith.subi %masked_cumsum3A_1040, %convert_element_type3A_1037 : vector<16xi32>
            %add3A_1044 = arith.addi %add3A_1025, %sub3A_1043 : vector<16xi32>
            tpu.vector_store_idx %arg25[%add3A_1044], %add3A_306 masked %and3A_1036 : memref<48xf32, #tpu.memory_space<vmem>>[vector<16xi32>], vector<16xf32>, vector<16xi1>
            %all_reduce_population_count3A_1045 = tpu.all_reduce %and3A_1036 {dim = 0 : i64, kind = #tpu.reduction_kind<sum>} : vector<16xi1> -> vector<16xi32>
            %add3A_1046 = arith.addi %add3A_1025, %all_reduce_population_count3A_1045 : vector<16xi32>
            %add3A_1047 = arith.addi %mul3A_34, %mul3A_224 : i32
            %add3A_1048 = arith.constant 48 : i32
            %add3A_1049 = arith.addi %add3A_1047, %add3A_1048 : i32
            %add3A_1050 = vector.broadcast %add3A_1049 : i32 to vector<16xi32>
            %add3A_1051 = arith.addi %add3A_1050, %iota3A : vector<16xi32>
            %lt3A_1052 = vector.broadcast %scan3A_35 : f32 to vector<16xf32>
            %lt3A_1053 = arith.cmpf olt, %add3A_329, %lt3A_1052 : vector<16xf32>
            %lt3A_1054 = arith.constant 32 : i32
            %lt3A_1055 = vector.broadcast %lt3A_1054 : i32 to vector<16xi32>
            %lt3A_1056 = arith.cmpi slt, %add3A_1046, %lt3A_1055 : vector<16xi32>
            %and3A_1057 = arith.andi %lt3A_1053, %lt3A_1056 : vector<16xi1>
            %convert_element_type3A_1058 = arith.extui %and3A_1057 : vector<16xi1> to vector<16xi32>
            %broadcast_in_dim3A_1059 = arith.constant true
            %broadcast_in_dim3A_1060 = vector.broadcast %broadcast_in_dim3A_1059 : i1 to vector<16xi1>
            %masked_cumsum3A_1061 = tpu.scan <sum>, %convert_element_type3A_1058 masked %broadcast_in_dim3A_1060 : vector<16xi32>, vector<16xi1> -> vector<16xi32>
            %sub3A_1062 = arith.subi %masked_cumsum3A_1061, %convert_element_type3A_1058 : vector<16xi32>
            %add3A_1063 = arith.addi %add3A_1046, %sub3A_1062 : vector<16xi32>
            tpu.vector_store_idx %arg24[%add3A_1063], %add3A_1051 masked %and3A_1057 : memref<48xi32, #tpu.memory_space<vmem>>[vector<16xi32>], vector<16xi32>, vector<16xi1>
            %sub3A_1064 = arith.subi %masked_cumsum3A_1061, %convert_element_type3A_1058 : vector<16xi32>
            %add3A_1065 = arith.addi %add3A_1046, %sub3A_1064 : vector<16xi32>
            tpu.vector_store_idx %arg25[%add3A_1065], %add3A_329 masked %and3A_1057 : memref<48xf32, #tpu.memory_space<vmem>>[vector<16xi32>], vector<16xf32>, vector<16xi1>
            %all_reduce_population_count3A_1066 = tpu.all_reduce %and3A_1057 {dim = 0 : i64, kind = #tpu.reduction_kind<sum>} : vector<16xi1> -> vector<16xi32>
            %add3A_1067 = arith.addi %add3A_1046, %all_reduce_population_count3A_1066 : vector<16xi32>
            %add3A_1068 = arith.addi %mul3A_34, %mul3A_224 : i32
            %add3A_1069 = arith.constant 64 : i32
            %add3A_1070 = arith.addi %add3A_1068, %add3A_1069 : i32
            %add3A_1071 = vector.broadcast %add3A_1070 : i32 to vector<16xi32>
            %add3A_1072 = arith.addi %add3A_1071, %iota3A : vector<16xi32>
            %lt3A_1073 = vector.broadcast %scan3A_35 : f32 to vector<16xf32>
            %lt3A_1074 = arith.cmpf olt, %add3A_352, %lt3A_1073 : vector<16xf32>
            %lt3A_1075 = arith.constant 32 : i32
            %lt3A_1076 = vector.broadcast %lt3A_1075 : i32 to vector<16xi32>
            %lt3A_1077 = arith.cmpi slt, %add3A_1067, %lt3A_1076 : vector<16xi32>
            %and3A_1078 = arith.andi %lt3A_1074, %lt3A_1077 : vector<16xi1>
            %convert_element_type3A_1079 = arith.extui %and3A_1078 : vector<16xi1> to vector<16xi32>
            %broadcast_in_dim3A_1080 = arith.constant true
            %broadcast_in_dim3A_1081 = vector.broadcast %broadcast_in_dim3A_1080 : i1 to vector<16xi1>
            %masked_cumsum3A_1082 = tpu.scan <sum>, %convert_element_type3A_1079 masked %broadcast_in_dim3A_1081 : vector<16xi32>, vector<16xi1> -> vector<16xi32>
            %sub3A_1083 = arith.subi %masked_cumsum3A_1082, %convert_element_type3A_1079 : vector<16xi32>
            %add3A_1084 = arith.addi %add3A_1067, %sub3A_1083 : vector<16xi32>
            tpu.vector_store_idx %arg24[%add3A_1084], %add3A_1072 masked %and3A_1078 : memref<48xi32, #tpu.memory_space<vmem>>[vector<16xi32>], vector<16xi32>, vector<16xi1>
            %sub3A_1085 = arith.subi %masked_cumsum3A_1082, %convert_element_type3A_1079 : vector<16xi32>
            %add3A_1086 = arith.addi %add3A_1067, %sub3A_1085 : vector<16xi32>
            tpu.vector_store_idx %arg25[%add3A_1086], %add3A_352 masked %and3A_1078 : memref<48xf32, #tpu.memory_space<vmem>>[vector<16xi32>], vector<16xf32>, vector<16xi1>
            %all_reduce_population_count3A_1087 = tpu.all_reduce %and3A_1078 {dim = 0 : i64, kind = #tpu.reduction_kind<sum>} : vector<16xi1> -> vector<16xi32>
            %add3A_1088 = arith.addi %add3A_1067, %all_reduce_population_count3A_1087 : vector<16xi32>
            %add3A_1089 = arith.addi %mul3A_34, %mul3A_224 : i32
            %add3A_1090 = arith.constant 80 : i32
            %add3A_1091 = arith.addi %add3A_1089, %add3A_1090 : i32
            %add3A_1092 = vector.broadcast %add3A_1091 : i32 to vector<16xi32>
            %add3A_1093 = arith.addi %add3A_1092, %iota3A : vector<16xi32>
            %lt3A_1094 = vector.broadcast %scan3A_35 : f32 to vector<16xf32>
            %lt3A_1095 = arith.cmpf olt, %add3A_375, %lt3A_1094 : vector<16xf32>
            %lt3A_1096 = arith.constant 32 : i32
            %lt3A_1097 = vector.broadcast %lt3A_1096 : i32 to vector<16xi32>
            %lt3A_1098 = arith.cmpi slt, %add3A_1088, %lt3A_1097 : vector<16xi32>
            %and3A_1099 = arith.andi %lt3A_1095, %lt3A_1098 : vector<16xi1>
            %convert_element_type3A_1100 = arith.extui %and3A_1099 : vector<16xi1> to vector<16xi32>
            %broadcast_in_dim3A_1101 = arith.constant true
            %broadcast_in_dim3A_1102 = vector.broadcast %broadcast_in_dim3A_1101 : i1 to vector<16xi1>
            %masked_cumsum3A_1103 = tpu.scan <sum>, %convert_element_type3A_1100 masked %broadcast_in_dim3A_1102 : vector<16xi32>, vector<16xi1> -> vector<16xi32>
            %sub3A_1104 = arith.subi %masked_cumsum3A_1103, %convert_element_type3A_1100 : vector<16xi32>
            %add3A_1105 = arith.addi %add3A_1088, %sub3A_1104 : vector<16xi32>
            tpu.vector_store_idx %arg24[%add3A_1105], %add3A_1093 masked %and3A_1099 : memref<48xi32, #tpu.memory_space<vmem>>[vector<16xi32>], vector<16xi32>, vector<16xi1>
            %sub3A_1106 = arith.subi %masked_cumsum3A_1103, %convert_element_type3A_1100 : vector<16xi32>
            %add3A_1107 = arith.addi %add3A_1088, %sub3A_1106 : vector<16xi32>
            tpu.vector_store_idx %arg25[%add3A_1107], %add3A_375 masked %and3A_1099 : memref<48xf32, #tpu.memory_space<vmem>>[vector<16xi32>], vector<16xf32>, vector<16xi1>
            %all_reduce_population_count3A_1108 = tpu.all_reduce %and3A_1099 {dim = 0 : i64, kind = #tpu.reduction_kind<sum>} : vector<16xi1> -> vector<16xi32>
            %add3A_1109 = arith.addi %add3A_1088, %all_reduce_population_count3A_1108 : vector<16xi32>
            %add3A_1110 = arith.addi %mul3A_34, %mul3A_224 : i32
            %add3A_1111 = arith.constant 96 : i32
            %add3A_1112 = arith.addi %add3A_1110, %add3A_1111 : i32
            %add3A_1113 = vector.broadcast %add3A_1112 : i32 to vector<16xi32>
            %add3A_1114 = arith.addi %add3A_1113, %iota3A : vector<16xi32>
            %lt3A_1115 = vector.broadcast %scan3A_35 : f32 to vector<16xf32>
            %lt3A_1116 = arith.cmpf olt, %add3A_398, %lt3A_1115 : vector<16xf32>
            %lt3A_1117 = arith.constant 32 : i32
            %lt3A_1118 = vector.broadcast %lt3A_1117 : i32 to vector<16xi32>
            %lt3A_1119 = arith.cmpi slt, %add3A_1109, %lt3A_1118 : vector<16xi32>
            %and3A_1120 = arith.andi %lt3A_1116, %lt3A_1119 : vector<16xi1>
            %convert_element_type3A_1121 = arith.extui %and3A_1120 : vector<16xi1> to vector<16xi32>
            %broadcast_in_dim3A_1122 = arith.constant true
            %broadcast_in_dim3A_1123 = vector.broadcast %broadcast_in_dim3A_1122 : i1 to vector<16xi1>
            %masked_cumsum3A_1124 = tpu.scan <sum>, %convert_element_type3A_1121 masked %broadcast_in_dim3A_1123 : vector<16xi32>, vector<16xi1> -> vector<16xi32>
            %sub3A_1125 = arith.subi %masked_cumsum3A_1124, %convert_element_type3A_1121 : vector<16xi32>
            %add3A_1126 = arith.addi %add3A_1109, %sub3A_1125 : vector<16xi32>
            tpu.vector_store_idx %arg24[%add3A_1126], %add3A_1114 masked %and3A_1120 : memref<48xi32, #tpu.memory_space<vmem>>[vector<16xi32>], vector<16xi32>, vector<16xi1>
            %sub3A_1127 = arith.subi %masked_cumsum3A_1124, %convert_element_type3A_1121 : vector<16xi32>
            %add3A_1128 = arith.addi %add3A_1109, %sub3A_1127 : vector<16xi32>
            tpu.vector_store_idx %arg25[%add3A_1128], %add3A_398 masked %and3A_1120 : memref<48xf32, #tpu.memory_space<vmem>>[vector<16xi32>], vector<16xf32>, vector<16xi1>
            %all_reduce_population_count3A_1129 = tpu.all_reduce %and3A_1120 {dim = 0 : i64, kind = #tpu.reduction_kind<sum>} : vector<16xi1> -> vector<16xi32>
            %add3A_1130 = arith.addi %add3A_1109, %all_reduce_population_count3A_1129 : vector<16xi32>
            %add3A_1131 = arith.addi %mul3A_34, %mul3A_224 : i32
            %add3A_1132 = arith.constant 112 : i32
            %add3A_1133 = arith.addi %add3A_1131, %add3A_1132 : i32
            %add3A_1134 = vector.broadcast %add3A_1133 : i32 to vector<16xi32>
            %add3A_1135 = arith.addi %add3A_1134, %iota3A : vector<16xi32>
            %lt3A_1136 = vector.broadcast %scan3A_35 : f32 to vector<16xf32>
            %lt3A_1137 = arith.cmpf olt, %add3A_421, %lt3A_1136 : vector<16xf32>
            %lt3A_1138 = arith.constant 32 : i32
            %lt3A_1139 = vector.broadcast %lt3A_1138 : i32 to vector<16xi32>
            %lt3A_1140 = arith.cmpi slt, %add3A_1130, %lt3A_1139 : vector<16xi32>
            %and3A_1141 = arith.andi %lt3A_1137, %lt3A_1140 : vector<16xi1>
            %convert_element_type3A_1142 = arith.extui %and3A_1141 : vector<16xi1> to vector<16xi32>
            %broadcast_in_dim3A_1143 = arith.constant true
            %broadcast_in_dim3A_1144 = vector.broadcast %broadcast_in_dim3A_1143 : i1 to vector<16xi1>
            %masked_cumsum3A_1145 = tpu.scan <sum>, %convert_element_type3A_1142 masked %broadcast_in_dim3A_1144 : vector<16xi32>, vector<16xi1> -> vector<16xi32>
            %sub3A_1146 = arith.subi %masked_cumsum3A_1145, %convert_element_type3A_1142 : vector<16xi32>
            %add3A_1147 = arith.addi %add3A_1130, %sub3A_1146 : vector<16xi32>
            tpu.vector_store_idx %arg24[%add3A_1147], %add3A_1135 masked %and3A_1141 : memref<48xi32, #tpu.memory_space<vmem>>[vector<16xi32>], vector<16xi32>, vector<16xi1>
            %sub3A_1148 = arith.subi %masked_cumsum3A_1145, %convert_element_type3A_1142 : vector<16xi32>
            %add3A_1149 = arith.addi %add3A_1130, %sub3A_1148 : vector<16xi32>
            tpu.vector_store_idx %arg25[%add3A_1149], %add3A_421 masked %and3A_1141 : memref<48xf32, #tpu.memory_space<vmem>>[vector<16xi32>], vector<16xf32>, vector<16xi1>
            %all_reduce_population_count3A_1150 = tpu.all_reduce %and3A_1141 {dim = 0 : i64, kind = #tpu.reduction_kind<sum>} : vector<16xi1> -> vector<16xi32>
            %add3A_1151 = arith.addi %add3A_1130, %all_reduce_population_count3A_1150 : vector<16xi32>
            %add3A_1152 = arith.addi %mul3A_34, %mul3A_224 : i32
            %add3A_1153 = arith.constant 128 : i32
            %add3A_1154 = arith.addi %add3A_1152, %add3A_1153 : i32
            %add3A_1155 = vector.broadcast %add3A_1154 : i32 to vector<16xi32>
            %add3A_1156 = arith.addi %add3A_1155, %iota3A : vector<16xi32>
            %lt3A_1157 = vector.broadcast %scan3A_35 : f32 to vector<16xf32>
            %lt3A_1158 = arith.cmpf olt, %add3A_444, %lt3A_1157 : vector<16xf32>
            %lt3A_1159 = arith.constant 32 : i32
            %lt3A_1160 = vector.broadcast %lt3A_1159 : i32 to vector<16xi32>
            %lt3A_1161 = arith.cmpi slt, %add3A_1151, %lt3A_1160 : vector<16xi32>
            %and3A_1162 = arith.andi %lt3A_1158, %lt3A_1161 : vector<16xi1>
            %convert_element_type3A_1163 = arith.extui %and3A_1162 : vector<16xi1> to vector<16xi32>
            %broadcast_in_dim3A_1164 = arith.constant true
            %broadcast_in_dim3A_1165 = vector.broadcast %broadcast_in_dim3A_1164 : i1 to vector<16xi1>
            %masked_cumsum3A_1166 = tpu.scan <sum>, %convert_element_type3A_1163 masked %broadcast_in_dim3A_1165 : vector<16xi32>, vector<16xi1> -> vector<16xi32>
            %sub3A_1167 = arith.subi %masked_cumsum3A_1166, %convert_element_type3A_1163 : vector<16xi32>
            %add3A_1168 = arith.addi %add3A_1151, %sub3A_1167 : vector<16xi32>
            tpu.vector_store_idx %arg24[%add3A_1168], %add3A_1156 masked %and3A_1162 : memref<48xi32, #tpu.memory_space<vmem>>[vector<16xi32>], vector<16xi32>, vector<16xi1>
            %sub3A_1169 = arith.subi %masked_cumsum3A_1166, %convert_element_type3A_1163 : vector<16xi32>
            %add3A_1170 = arith.addi %add3A_1151, %sub3A_1169 : vector<16xi32>
            tpu.vector_store_idx %arg25[%add3A_1170], %add3A_444 masked %and3A_1162 : memref<48xf32, #tpu.memory_space<vmem>>[vector<16xi32>], vector<16xf32>, vector<16xi1>
            %all_reduce_population_count3A_1171 = tpu.all_reduce %and3A_1162 {dim = 0 : i64, kind = #tpu.reduction_kind<sum>} : vector<16xi1> -> vector<16xi32>
            %add3A_1172 = arith.addi %add3A_1151, %all_reduce_population_count3A_1171 : vector<16xi32>
            %add3A_1173 = arith.addi %mul3A_34, %mul3A_224 : i32
            %add3A_1174 = arith.constant 144 : i32
            %add3A_1175 = arith.addi %add3A_1173, %add3A_1174 : i32
            %add3A_1176 = vector.broadcast %add3A_1175 : i32 to vector<16xi32>
            %add3A_1177 = arith.addi %add3A_1176, %iota3A : vector<16xi32>
            %lt3A_1178 = vector.broadcast %scan3A_35 : f32 to vector<16xf32>
            %lt3A_1179 = arith.cmpf olt, %add3A_467, %lt3A_1178 : vector<16xf32>
            %lt3A_1180 = arith.constant 32 : i32
            %lt3A_1181 = vector.broadcast %lt3A_1180 : i32 to vector<16xi32>
            %lt3A_1182 = arith.cmpi slt, %add3A_1172, %lt3A_1181 : vector<16xi32>
            %and3A_1183 = arith.andi %lt3A_1179, %lt3A_1182 : vector<16xi1>
            %convert_element_type3A_1184 = arith.extui %and3A_1183 : vector<16xi1> to vector<16xi32>
            %broadcast_in_dim3A_1185 = arith.constant true
            %broadcast_in_dim3A_1186 = vector.broadcast %broadcast_in_dim3A_1185 : i1 to vector<16xi1>
            %masked_cumsum3A_1187 = tpu.scan <sum>, %convert_element_type3A_1184 masked %broadcast_in_dim3A_1186 : vector<16xi32>, vector<16xi1> -> vector<16xi32>
            %sub3A_1188 = arith.subi %masked_cumsum3A_1187, %convert_element_type3A_1184 : vector<16xi32>
            %add3A_1189 = arith.addi %add3A_1172, %sub3A_1188 : vector<16xi32>
            tpu.vector_store_idx %arg24[%add3A_1189], %add3A_1177 masked %and3A_1183 : memref<48xi32, #tpu.memory_space<vmem>>[vector<16xi32>], vector<16xi32>, vector<16xi1>
            %sub3A_1190 = arith.subi %masked_cumsum3A_1187, %convert_element_type3A_1184 : vector<16xi32>
            %add3A_1191 = arith.addi %add3A_1172, %sub3A_1190 : vector<16xi32>
            tpu.vector_store_idx %arg25[%add3A_1191], %add3A_467 masked %and3A_1183 : memref<48xf32, #tpu.memory_space<vmem>>[vector<16xi32>], vector<16xf32>, vector<16xi1>
            %all_reduce_population_count3A_1192 = tpu.all_reduce %and3A_1183 {dim = 0 : i64, kind = #tpu.reduction_kind<sum>} : vector<16xi1> -> vector<16xi32>
            %add3A_1193 = arith.addi %add3A_1172, %all_reduce_population_count3A_1192 : vector<16xi32>
            %add3A_1194 = arith.addi %mul3A_34, %mul3A_224 : i32
            %add3A_1195 = arith.constant 160 : i32
            %add3A_1196 = arith.addi %add3A_1194, %add3A_1195 : i32
            %add3A_1197 = vector.broadcast %add3A_1196 : i32 to vector<16xi32>
            %add3A_1198 = arith.addi %add3A_1197, %iota3A : vector<16xi32>
            %lt3A_1199 = vector.broadcast %scan3A_35 : f32 to vector<16xf32>
            %lt3A_1200 = arith.cmpf olt, %add3A_490, %lt3A_1199 : vector<16xf32>
            %lt3A_1201 = arith.constant 32 : i32
            %lt3A_1202 = vector.broadcast %lt3A_1201 : i32 to vector<16xi32>
            %lt3A_1203 = arith.cmpi slt, %add3A_1193, %lt3A_1202 : vector<16xi32>
            %and3A_1204 = arith.andi %lt3A_1200, %lt3A_1203 : vector<16xi1>
            %convert_element_type3A_1205 = arith.extui %and3A_1204 : vector<16xi1> to vector<16xi32>
            %broadcast_in_dim3A_1206 = arith.constant true
            %broadcast_in_dim3A_1207 = vector.broadcast %broadcast_in_dim3A_1206 : i1 to vector<16xi1>
            %masked_cumsum3A_1208 = tpu.scan <sum>, %convert_element_type3A_1205 masked %broadcast_in_dim3A_1207 : vector<16xi32>, vector<16xi1> -> vector<16xi32>
            %sub3A_1209 = arith.subi %masked_cumsum3A_1208, %convert_element_type3A_1205 : vector<16xi32>
            %add3A_1210 = arith.addi %add3A_1193, %sub3A_1209 : vector<16xi32>
            tpu.vector_store_idx %arg24[%add3A_1210], %add3A_1198 masked %and3A_1204 : memref<48xi32, #tpu.memory_space<vmem>>[vector<16xi32>], vector<16xi32>, vector<16xi1>
            %sub3A_1211 = arith.subi %masked_cumsum3A_1208, %convert_element_type3A_1205 : vector<16xi32>
            %add3A_1212 = arith.addi %add3A_1193, %sub3A_1211 : vector<16xi32>
            tpu.vector_store_idx %arg25[%add3A_1212], %add3A_490 masked %and3A_1204 : memref<48xf32, #tpu.memory_space<vmem>>[vector<16xi32>], vector<16xf32>, vector<16xi1>
            %all_reduce_population_count3A_1213 = tpu.all_reduce %and3A_1204 {dim = 0 : i64, kind = #tpu.reduction_kind<sum>} : vector<16xi1> -> vector<16xi32>
            %add3A_1214 = arith.addi %add3A_1193, %all_reduce_population_count3A_1213 : vector<16xi32>
            %add3A_1215 = arith.addi %mul3A_34, %mul3A_224 : i32
            %add3A_1216 = arith.constant 176 : i32
            %add3A_1217 = arith.addi %add3A_1215, %add3A_1216 : i32
            %add3A_1218 = vector.broadcast %add3A_1217 : i32 to vector<16xi32>
            %add3A_1219 = arith.addi %add3A_1218, %iota3A : vector<16xi32>
            %lt3A_1220 = vector.broadcast %scan3A_35 : f32 to vector<16xf32>
            %lt3A_1221 = arith.cmpf olt, %add3A_513, %lt3A_1220 : vector<16xf32>
            %lt3A_1222 = arith.constant 32 : i32
            %lt3A_1223 = vector.broadcast %lt3A_1222 : i32 to vector<16xi32>
            %lt3A_1224 = arith.cmpi slt, %add3A_1214, %lt3A_1223 : vector<16xi32>
            %and3A_1225 = arith.andi %lt3A_1221, %lt3A_1224 : vector<16xi1>
            %convert_element_type3A_1226 = arith.extui %and3A_1225 : vector<16xi1> to vector<16xi32>
            %broadcast_in_dim3A_1227 = arith.constant true
            %broadcast_in_dim3A_1228 = vector.broadcast %broadcast_in_dim3A_1227 : i1 to vector<16xi1>
            %masked_cumsum3A_1229 = tpu.scan <sum>, %convert_element_type3A_1226 masked %broadcast_in_dim3A_1228 : vector<16xi32>, vector<16xi1> -> vector<16xi32>
            %sub3A_1230 = arith.subi %masked_cumsum3A_1229, %convert_element_type3A_1226 : vector<16xi32>
            %add3A_1231 = arith.addi %add3A_1214, %sub3A_1230 : vector<16xi32>
            tpu.vector_store_idx %arg24[%add3A_1231], %add3A_1219 masked %and3A_1225 : memref<48xi32, #tpu.memory_space<vmem>>[vector<16xi32>], vector<16xi32>, vector<16xi1>
            %sub3A_1232 = arith.subi %masked_cumsum3A_1229, %convert_element_type3A_1226 : vector<16xi32>
            %add3A_1233 = arith.addi %add3A_1214, %sub3A_1232 : vector<16xi32>
            tpu.vector_store_idx %arg25[%add3A_1233], %add3A_513 masked %and3A_1225 : memref<48xf32, #tpu.memory_space<vmem>>[vector<16xi32>], vector<16xf32>, vector<16xi1>
            %all_reduce_population_count3A_1234 = tpu.all_reduce %and3A_1225 {dim = 0 : i64, kind = #tpu.reduction_kind<sum>} : vector<16xi1> -> vector<16xi32>
            %add3A_1235 = arith.addi %add3A_1214, %all_reduce_population_count3A_1234 : vector<16xi32>
            %add3A_1236 = arith.addi %mul3A_34, %mul3A_224 : i32
            %add3A_1237 = arith.constant 192 : i32
            %add3A_1238 = arith.addi %add3A_1236, %add3A_1237 : i32
            %add3A_1239 = vector.broadcast %add3A_1238 : i32 to vector<16xi32>
            %add3A_1240 = arith.addi %add3A_1239, %iota3A : vector<16xi32>
            %lt3A_1241 = vector.broadcast %scan3A_35 : f32 to vector<16xf32>
            %lt3A_1242 = arith.cmpf olt, %add3A_536, %lt3A_1241 : vector<16xf32>
            %lt3A_1243 = arith.constant 32 : i32
            %lt3A_1244 = vector.broadcast %lt3A_1243 : i32 to vector<16xi32>
            %lt3A_1245 = arith.cmpi slt, %add3A_1235, %lt3A_1244 : vector<16xi32>
            %and3A_1246 = arith.andi %lt3A_1242, %lt3A_1245 : vector<16xi1>
            %convert_element_type3A_1247 = arith.extui %and3A_1246 : vector<16xi1> to vector<16xi32>
            %broadcast_in_dim3A_1248 = arith.constant true
            %broadcast_in_dim3A_1249 = vector.broadcast %broadcast_in_dim3A_1248 : i1 to vector<16xi1>
            %masked_cumsum3A_1250 = tpu.scan <sum>, %convert_element_type3A_1247 masked %broadcast_in_dim3A_1249 : vector<16xi32>, vector<16xi1> -> vector<16xi32>
            %sub3A_1251 = arith.subi %masked_cumsum3A_1250, %convert_element_type3A_1247 : vector<16xi32>
            %add3A_1252 = arith.addi %add3A_1235, %sub3A_1251 : vector<16xi32>
            tpu.vector_store_idx %arg24[%add3A_1252], %add3A_1240 masked %and3A_1246 : memref<48xi32, #tpu.memory_space<vmem>>[vector<16xi32>], vector<16xi32>, vector<16xi1>
            %sub3A_1253 = arith.subi %masked_cumsum3A_1250, %convert_element_type3A_1247 : vector<16xi32>
            %add3A_1254 = arith.addi %add3A_1235, %sub3A_1253 : vector<16xi32>
            tpu.vector_store_idx %arg25[%add3A_1254], %add3A_536 masked %and3A_1246 : memref<48xf32, #tpu.memory_space<vmem>>[vector<16xi32>], vector<16xf32>, vector<16xi1>
            %all_reduce_population_count3A_1255 = tpu.all_reduce %and3A_1246 {dim = 0 : i64, kind = #tpu.reduction_kind<sum>} : vector<16xi1> -> vector<16xi32>
            %add3A_1256 = arith.addi %add3A_1235, %all_reduce_population_count3A_1255 : vector<16xi32>
            %add3A_1257 = arith.addi %mul3A_34, %mul3A_224 : i32
            %add3A_1258 = arith.constant 208 : i32
            %add3A_1259 = arith.addi %add3A_1257, %add3A_1258 : i32
            %add3A_1260 = vector.broadcast %add3A_1259 : i32 to vector<16xi32>
            %add3A_1261 = arith.addi %add3A_1260, %iota3A : vector<16xi32>
            %lt3A_1262 = vector.broadcast %scan3A_35 : f32 to vector<16xf32>
            %lt3A_1263 = arith.cmpf olt, %add3A_559, %lt3A_1262 : vector<16xf32>
            %lt3A_1264 = arith.constant 32 : i32
            %lt3A_1265 = vector.broadcast %lt3A_1264 : i32 to vector<16xi32>
            %lt3A_1266 = arith.cmpi slt, %add3A_1256, %lt3A_1265 : vector<16xi32>
            %and3A_1267 = arith.andi %lt3A_1263, %lt3A_1266 : vector<16xi1>
            %convert_element_type3A_1268 = arith.extui %and3A_1267 : vector<16xi1> to vector<16xi32>
            %broadcast_in_dim3A_1269 = arith.constant true
            %broadcast_in_dim3A_1270 = vector.broadcast %broadcast_in_dim3A_1269 : i1 to vector<16xi1>
            %masked_cumsum3A_1271 = tpu.scan <sum>, %convert_element_type3A_1268 masked %broadcast_in_dim3A_1270 : vector<16xi32>, vector<16xi1> -> vector<16xi32>
            %sub3A_1272 = arith.subi %masked_cumsum3A_1271, %convert_element_type3A_1268 : vector<16xi32>
            %add3A_1273 = arith.addi %add3A_1256, %sub3A_1272 : vector<16xi32>
            tpu.vector_store_idx %arg24[%add3A_1273], %add3A_1261 masked %and3A_1267 : memref<48xi32, #tpu.memory_space<vmem>>[vector<16xi32>], vector<16xi32>, vector<16xi1>
            %sub3A_1274 = arith.subi %masked_cumsum3A_1271, %convert_element_type3A_1268 : vector<16xi32>
            %add3A_1275 = arith.addi %add3A_1256, %sub3A_1274 : vector<16xi32>
            tpu.vector_store_idx %arg25[%add3A_1275], %add3A_559 masked %and3A_1267 : memref<48xf32, #tpu.memory_space<vmem>>[vector<16xi32>], vector<16xf32>, vector<16xi1>
            %all_reduce_population_count3A_1276 = tpu.all_reduce %and3A_1267 {dim = 0 : i64, kind = #tpu.reduction_kind<sum>} : vector<16xi1> -> vector<16xi32>
            %add3A_1277 = arith.addi %add3A_1256, %all_reduce_population_count3A_1276 : vector<16xi32>
            %add3A_1278 = arith.addi %mul3A_34, %mul3A_224 : i32
            %add3A_1279 = arith.constant 224 : i32
            %add3A_1280 = arith.addi %add3A_1278, %add3A_1279 : i32
            %add3A_1281 = vector.broadcast %add3A_1280 : i32 to vector<16xi32>
            %add3A_1282 = arith.addi %add3A_1281, %iota3A : vector<16xi32>
            %lt3A_1283 = vector.broadcast %scan3A_35 : f32 to vector<16xf32>
            %lt3A_1284 = arith.cmpf olt, %add3A_582, %lt3A_1283 : vector<16xf32>
            %lt3A_1285 = arith.constant 32 : i32
            %lt3A_1286 = vector.broadcast %lt3A_1285 : i32 to vector<16xi32>
            %lt3A_1287 = arith.cmpi slt, %add3A_1277, %lt3A_1286 : vector<16xi32>
            %and3A_1288 = arith.andi %lt3A_1284, %lt3A_1287 : vector<16xi1>
            %convert_element_type3A_1289 = arith.extui %and3A_1288 : vector<16xi1> to vector<16xi32>
            %broadcast_in_dim3A_1290 = arith.constant true
            %broadcast_in_dim3A_1291 = vector.broadcast %broadcast_in_dim3A_1290 : i1 to vector<16xi1>
            %masked_cumsum3A_1292 = tpu.scan <sum>, %convert_element_type3A_1289 masked %broadcast_in_dim3A_1291 : vector<16xi32>, vector<16xi1> -> vector<16xi32>
            %sub3A_1293 = arith.subi %masked_cumsum3A_1292, %convert_element_type3A_1289 : vector<16xi32>
            %add3A_1294 = arith.addi %add3A_1277, %sub3A_1293 : vector<16xi32>
            tpu.vector_store_idx %arg24[%add3A_1294], %add3A_1282 masked %and3A_1288 : memref<48xi32, #tpu.memory_space<vmem>>[vector<16xi32>], vector<16xi32>, vector<16xi1>
            %sub3A_1295 = arith.subi %masked_cumsum3A_1292, %convert_element_type3A_1289 : vector<16xi32>
            %add3A_1296 = arith.addi %add3A_1277, %sub3A_1295 : vector<16xi32>
            tpu.vector_store_idx %arg25[%add3A_1296], %add3A_582 masked %and3A_1288 : memref<48xf32, #tpu.memory_space<vmem>>[vector<16xi32>], vector<16xf32>, vector<16xi1>
            %all_reduce_population_count3A_1297 = tpu.all_reduce %and3A_1288 {dim = 0 : i64, kind = #tpu.reduction_kind<sum>} : vector<16xi1> -> vector<16xi32>
            %add3A_1298 = arith.addi %add3A_1277, %all_reduce_population_count3A_1297 : vector<16xi32>
            %add3A_1299 = arith.addi %mul3A_34, %mul3A_224 : i32
            %add3A_1300 = arith.constant 240 : i32
            %add3A_1301 = arith.addi %add3A_1299, %add3A_1300 : i32
            %add3A_1302 = vector.broadcast %add3A_1301 : i32 to vector<16xi32>
            %add3A_1303 = arith.addi %add3A_1302, %iota3A : vector<16xi32>
            %lt3A_1304 = vector.broadcast %scan3A_35 : f32 to vector<16xf32>
            %lt3A_1305 = arith.cmpf olt, %add3A_605, %lt3A_1304 : vector<16xf32>
            %lt3A_1306 = arith.constant 32 : i32
            %lt3A_1307 = vector.broadcast %lt3A_1306 : i32 to vector<16xi32>
            %lt3A_1308 = arith.cmpi slt, %add3A_1298, %lt3A_1307 : vector<16xi32>
            %and3A_1309 = arith.andi %lt3A_1305, %lt3A_1308 : vector<16xi1>
            %convert_element_type3A_1310 = arith.extui %and3A_1309 : vector<16xi1> to vector<16xi32>
            %broadcast_in_dim3A_1311 = arith.constant true
            %broadcast_in_dim3A_1312 = vector.broadcast %broadcast_in_dim3A_1311 : i1 to vector<16xi1>
            %masked_cumsum3A_1313 = tpu.scan <sum>, %convert_element_type3A_1310 masked %broadcast_in_dim3A_1312 : vector<16xi32>, vector<16xi1> -> vector<16xi32>
            %sub3A_1314 = arith.subi %masked_cumsum3A_1313, %convert_element_type3A_1310 : vector<16xi32>
            %add3A_1315 = arith.addi %add3A_1298, %sub3A_1314 : vector<16xi32>
            tpu.vector_store_idx %arg24[%add3A_1315], %add3A_1303 masked %and3A_1309 : memref<48xi32, #tpu.memory_space<vmem>>[vector<16xi32>], vector<16xi32>, vector<16xi1>
            %sub3A_1316 = arith.subi %masked_cumsum3A_1313, %convert_element_type3A_1310 : vector<16xi32>
            %add3A_1317 = arith.addi %add3A_1298, %sub3A_1316 : vector<16xi32>
            tpu.vector_store_idx %arg25[%add3A_1317], %add3A_605 masked %and3A_1309 : memref<48xf32, #tpu.memory_space<vmem>>[vector<16xi32>], vector<16xf32>, vector<16xi1>
            %all_reduce_population_count3A_1318 = tpu.all_reduce %and3A_1309 {dim = 0 : i64, kind = #tpu.reduction_kind<sum>} : vector<16xi1> -> vector<16xi32>
            %add3A_1319 = arith.addi %add3A_1298, %all_reduce_population_count3A_1318 : vector<16xi32>
            %add3A_1320 = arith.addi %mul3A_34, %mul3A_224 : i32
            %add3A_1321 = arith.constant 256 : i32
            %add3A_1322 = arith.addi %add3A_1320, %add3A_1321 : i32
            %add3A_1323 = vector.broadcast %add3A_1322 : i32 to vector<16xi32>
            %add3A_1324 = arith.addi %add3A_1323, %iota3A : vector<16xi32>
            %lt3A_1325 = vector.broadcast %scan3A_35 : f32 to vector<16xf32>
            %lt3A_1326 = arith.cmpf olt, %add3A_628, %lt3A_1325 : vector<16xf32>
            %lt3A_1327 = arith.constant 32 : i32
            %lt3A_1328 = vector.broadcast %lt3A_1327 : i32 to vector<16xi32>
            %lt3A_1329 = arith.cmpi slt, %add3A_1319, %lt3A_1328 : vector<16xi32>
            %and3A_1330 = arith.andi %lt3A_1326, %lt3A_1329 : vector<16xi1>
            %convert_element_type3A_1331 = arith.extui %and3A_1330 : vector<16xi1> to vector<16xi32>
            %broadcast_in_dim3A_1332 = arith.constant true
            %broadcast_in_dim3A_1333 = vector.broadcast %broadcast_in_dim3A_1332 : i1 to vector<16xi1>
            %masked_cumsum3A_1334 = tpu.scan <sum>, %convert_element_type3A_1331 masked %broadcast_in_dim3A_1333 : vector<16xi32>, vector<16xi1> -> vector<16xi32>
            %sub3A_1335 = arith.subi %masked_cumsum3A_1334, %convert_element_type3A_1331 : vector<16xi32>
            %add3A_1336 = arith.addi %add3A_1319, %sub3A_1335 : vector<16xi32>
            tpu.vector_store_idx %arg24[%add3A_1336], %add3A_1324 masked %and3A_1330 : memref<48xi32, #tpu.memory_space<vmem>>[vector<16xi32>], vector<16xi32>, vector<16xi1>
            %sub3A_1337 = arith.subi %masked_cumsum3A_1334, %convert_element_type3A_1331 : vector<16xi32>
            %add3A_1338 = arith.addi %add3A_1319, %sub3A_1337 : vector<16xi32>
            tpu.vector_store_idx %arg25[%add3A_1338], %add3A_628 masked %and3A_1330 : memref<48xf32, #tpu.memory_space<vmem>>[vector<16xi32>], vector<16xf32>, vector<16xi1>
            %all_reduce_population_count3A_1339 = tpu.all_reduce %and3A_1330 {dim = 0 : i64, kind = #tpu.reduction_kind<sum>} : vector<16xi1> -> vector<16xi32>
            %add3A_1340 = arith.addi %add3A_1319, %all_reduce_population_count3A_1339 : vector<16xi32>
            %add3A_1341 = arith.addi %mul3A_34, %mul3A_224 : i32
            %add3A_1342 = arith.constant 272 : i32
            %add3A_1343 = arith.addi %add3A_1341, %add3A_1342 : i32
            %add3A_1344 = vector.broadcast %add3A_1343 : i32 to vector<16xi32>
            %add3A_1345 = arith.addi %add3A_1344, %iota3A : vector<16xi32>
            %lt3A_1346 = vector.broadcast %scan3A_35 : f32 to vector<16xf32>
            %lt3A_1347 = arith.cmpf olt, %add3A_651, %lt3A_1346 : vector<16xf32>
            %lt3A_1348 = arith.constant 32 : i32
            %lt3A_1349 = vector.broadcast %lt3A_1348 : i32 to vector<16xi32>
            %lt3A_1350 = arith.cmpi slt, %add3A_1340, %lt3A_1349 : vector<16xi32>
            %and3A_1351 = arith.andi %lt3A_1347, %lt3A_1350 : vector<16xi1>
            %convert_element_type3A_1352 = arith.extui %and3A_1351 : vector<16xi1> to vector<16xi32>
            %broadcast_in_dim3A_1353 = arith.constant true
            %broadcast_in_dim3A_1354 = vector.broadcast %broadcast_in_dim3A_1353 : i1 to vector<16xi1>
            %masked_cumsum3A_1355 = tpu.scan <sum>, %convert_element_type3A_1352 masked %broadcast_in_dim3A_1354 : vector<16xi32>, vector<16xi1> -> vector<16xi32>
            %sub3A_1356 = arith.subi %masked_cumsum3A_1355, %convert_element_type3A_1352 : vector<16xi32>
            %add3A_1357 = arith.addi %add3A_1340, %sub3A_1356 : vector<16xi32>
            tpu.vector_store_idx %arg24[%add3A_1357], %add3A_1345 masked %and3A_1351 : memref<48xi32, #tpu.memory_space<vmem>>[vector<16xi32>], vector<16xi32>, vector<16xi1>
            %sub3A_1358 = arith.subi %masked_cumsum3A_1355, %convert_element_type3A_1352 : vector<16xi32>
            %add3A_1359 = arith.addi %add3A_1340, %sub3A_1358 : vector<16xi32>
            tpu.vector_store_idx %arg25[%add3A_1359], %add3A_651 masked %and3A_1351 : memref<48xf32, #tpu.memory_space<vmem>>[vector<16xi32>], vector<16xf32>, vector<16xi1>
            %all_reduce_population_count3A_1360 = tpu.all_reduce %and3A_1351 {dim = 0 : i64, kind = #tpu.reduction_kind<sum>} : vector<16xi1> -> vector<16xi32>
            %add3A_1361 = arith.addi %add3A_1340, %all_reduce_population_count3A_1360 : vector<16xi32>
            %add3A_1362 = arith.addi %mul3A_34, %mul3A_224 : i32
            %add3A_1363 = arith.constant 288 : i32
            %add3A_1364 = arith.addi %add3A_1362, %add3A_1363 : i32
            %add3A_1365 = vector.broadcast %add3A_1364 : i32 to vector<16xi32>
            %add3A_1366 = arith.addi %add3A_1365, %iota3A : vector<16xi32>
            %lt3A_1367 = vector.broadcast %scan3A_35 : f32 to vector<16xf32>
            %lt3A_1368 = arith.cmpf olt, %add3A_674, %lt3A_1367 : vector<16xf32>
            %lt3A_1369 = arith.constant 32 : i32
            %lt3A_1370 = vector.broadcast %lt3A_1369 : i32 to vector<16xi32>
            %lt3A_1371 = arith.cmpi slt, %add3A_1361, %lt3A_1370 : vector<16xi32>
            %and3A_1372 = arith.andi %lt3A_1368, %lt3A_1371 : vector<16xi1>
            %convert_element_type3A_1373 = arith.extui %and3A_1372 : vector<16xi1> to vector<16xi32>
            %broadcast_in_dim3A_1374 = arith.constant true
            %broadcast_in_dim3A_1375 = vector.broadcast %broadcast_in_dim3A_1374 : i1 to vector<16xi1>
            %masked_cumsum3A_1376 = tpu.scan <sum>, %convert_element_type3A_1373 masked %broadcast_in_dim3A_1375 : vector<16xi32>, vector<16xi1> -> vector<16xi32>
            %sub3A_1377 = arith.subi %masked_cumsum3A_1376, %convert_element_type3A_1373 : vector<16xi32>
            %add3A_1378 = arith.addi %add3A_1361, %sub3A_1377 : vector<16xi32>
            tpu.vector_store_idx %arg24[%add3A_1378], %add3A_1366 masked %and3A_1372 : memref<48xi32, #tpu.memory_space<vmem>>[vector<16xi32>], vector<16xi32>, vector<16xi1>
            %sub3A_1379 = arith.subi %masked_cumsum3A_1376, %convert_element_type3A_1373 : vector<16xi32>
            %add3A_1380 = arith.addi %add3A_1361, %sub3A_1379 : vector<16xi32>
            tpu.vector_store_idx %arg25[%add3A_1380], %add3A_674 masked %and3A_1372 : memref<48xf32, #tpu.memory_space<vmem>>[vector<16xi32>], vector<16xf32>, vector<16xi1>
            %all_reduce_population_count3A_1381 = tpu.all_reduce %and3A_1372 {dim = 0 : i64, kind = #tpu.reduction_kind<sum>} : vector<16xi1> -> vector<16xi32>
            %add3A_1382 = arith.addi %add3A_1361, %all_reduce_population_count3A_1381 : vector<16xi32>
            %add3A_1383 = arith.addi %mul3A_34, %mul3A_224 : i32
            %add3A_1384 = arith.constant 304 : i32
            %add3A_1385 = arith.addi %add3A_1383, %add3A_1384 : i32
            %add3A_1386 = vector.broadcast %add3A_1385 : i32 to vector<16xi32>
            %add3A_1387 = arith.addi %add3A_1386, %iota3A : vector<16xi32>
            %lt3A_1388 = vector.broadcast %scan3A_35 : f32 to vector<16xf32>
            %lt3A_1389 = arith.cmpf olt, %add3A_697, %lt3A_1388 : vector<16xf32>
            %lt3A_1390 = arith.constant 32 : i32
            %lt3A_1391 = vector.broadcast %lt3A_1390 : i32 to vector<16xi32>
            %lt3A_1392 = arith.cmpi slt, %add3A_1382, %lt3A_1391 : vector<16xi32>
            %and3A_1393 = arith.andi %lt3A_1389, %lt3A_1392 : vector<16xi1>
            %convert_element_type3A_1394 = arith.extui %and3A_1393 : vector<16xi1> to vector<16xi32>
            %broadcast_in_dim3A_1395 = arith.constant true
            %broadcast_in_dim3A_1396 = vector.broadcast %broadcast_in_dim3A_1395 : i1 to vector<16xi1>
            %masked_cumsum3A_1397 = tpu.scan <sum>, %convert_element_type3A_1394 masked %broadcast_in_dim3A_1396 : vector<16xi32>, vector<16xi1> -> vector<16xi32>
            %sub3A_1398 = arith.subi %masked_cumsum3A_1397, %convert_element_type3A_1394 : vector<16xi32>
            %add3A_1399 = arith.addi %add3A_1382, %sub3A_1398 : vector<16xi32>
            tpu.vector_store_idx %arg24[%add3A_1399], %add3A_1387 masked %and3A_1393 : memref<48xi32, #tpu.memory_space<vmem>>[vector<16xi32>], vector<16xi32>, vector<16xi1>
            %sub3A_1400 = arith.subi %masked_cumsum3A_1397, %convert_element_type3A_1394 : vector<16xi32>
            %add3A_1401 = arith.addi %add3A_1382, %sub3A_1400 : vector<16xi32>
            tpu.vector_store_idx %arg25[%add3A_1401], %add3A_697 masked %and3A_1393 : memref<48xf32, #tpu.memory_space<vmem>>[vector<16xi32>], vector<16xf32>, vector<16xi1>
            %all_reduce_population_count3A_1402 = tpu.all_reduce %and3A_1393 {dim = 0 : i64, kind = #tpu.reduction_kind<sum>} : vector<16xi1> -> vector<16xi32>
            %add3A_1403 = arith.addi %add3A_1382, %all_reduce_population_count3A_1402 : vector<16xi32>
            %add3A_1404 = arith.addi %mul3A_34, %mul3A_224 : i32
            %add3A_1405 = arith.constant 320 : i32
            %add3A_1406 = arith.addi %add3A_1404, %add3A_1405 : i32
            %add3A_1407 = vector.broadcast %add3A_1406 : i32 to vector<16xi32>
            %add3A_1408 = arith.addi %add3A_1407, %iota3A : vector<16xi32>
            %lt3A_1409 = vector.broadcast %scan3A_35 : f32 to vector<16xf32>
            %lt3A_1410 = arith.cmpf olt, %add3A_720, %lt3A_1409 : vector<16xf32>
            %lt3A_1411 = arith.constant 32 : i32
            %lt3A_1412 = vector.broadcast %lt3A_1411 : i32 to vector<16xi32>
            %lt3A_1413 = arith.cmpi slt, %add3A_1403, %lt3A_1412 : vector<16xi32>
            %and3A_1414 = arith.andi %lt3A_1410, %lt3A_1413 : vector<16xi1>
            %convert_element_type3A_1415 = arith.extui %and3A_1414 : vector<16xi1> to vector<16xi32>
            %broadcast_in_dim3A_1416 = arith.constant true
            %broadcast_in_dim3A_1417 = vector.broadcast %broadcast_in_dim3A_1416 : i1 to vector<16xi1>
            %masked_cumsum3A_1418 = tpu.scan <sum>, %convert_element_type3A_1415 masked %broadcast_in_dim3A_1417 : vector<16xi32>, vector<16xi1> -> vector<16xi32>
            %sub3A_1419 = arith.subi %masked_cumsum3A_1418, %convert_element_type3A_1415 : vector<16xi32>
            %add3A_1420 = arith.addi %add3A_1403, %sub3A_1419 : vector<16xi32>
            tpu.vector_store_idx %arg24[%add3A_1420], %add3A_1408 masked %and3A_1414 : memref<48xi32, #tpu.memory_space<vmem>>[vector<16xi32>], vector<16xi32>, vector<16xi1>
            %sub3A_1421 = arith.subi %masked_cumsum3A_1418, %convert_element_type3A_1415 : vector<16xi32>
            %add3A_1422 = arith.addi %add3A_1403, %sub3A_1421 : vector<16xi32>
            tpu.vector_store_idx %arg25[%add3A_1422], %add3A_720 masked %and3A_1414 : memref<48xf32, #tpu.memory_space<vmem>>[vector<16xi32>], vector<16xf32>, vector<16xi1>
            %all_reduce_population_count3A_1423 = tpu.all_reduce %and3A_1414 {dim = 0 : i64, kind = #tpu.reduction_kind<sum>} : vector<16xi1> -> vector<16xi32>
            %add3A_1424 = arith.addi %add3A_1403, %all_reduce_population_count3A_1423 : vector<16xi32>
            %add3A_1425 = arith.addi %mul3A_34, %mul3A_224 : i32
            %add3A_1426 = arith.constant 336 : i32
            %add3A_1427 = arith.addi %add3A_1425, %add3A_1426 : i32
            %add3A_1428 = vector.broadcast %add3A_1427 : i32 to vector<16xi32>
            %add3A_1429 = arith.addi %add3A_1428, %iota3A : vector<16xi32>
            %lt3A_1430 = vector.broadcast %scan3A_35 : f32 to vector<16xf32>
            %lt3A_1431 = arith.cmpf olt, %add3A_743, %lt3A_1430 : vector<16xf32>
            %lt3A_1432 = arith.constant 32 : i32
            %lt3A_1433 = vector.broadcast %lt3A_1432 : i32 to vector<16xi32>
            %lt3A_1434 = arith.cmpi slt, %add3A_1424, %lt3A_1433 : vector<16xi32>
            %and3A_1435 = arith.andi %lt3A_1431, %lt3A_1434 : vector<16xi1>
            %convert_element_type3A_1436 = arith.extui %and3A_1435 : vector<16xi1> to vector<16xi32>
            %broadcast_in_dim3A_1437 = arith.constant true
            %broadcast_in_dim3A_1438 = vector.broadcast %broadcast_in_dim3A_1437 : i1 to vector<16xi1>
            %masked_cumsum3A_1439 = tpu.scan <sum>, %convert_element_type3A_1436 masked %broadcast_in_dim3A_1438 : vector<16xi32>, vector<16xi1> -> vector<16xi32>
            %sub3A_1440 = arith.subi %masked_cumsum3A_1439, %convert_element_type3A_1436 : vector<16xi32>
            %add3A_1441 = arith.addi %add3A_1424, %sub3A_1440 : vector<16xi32>
            tpu.vector_store_idx %arg24[%add3A_1441], %add3A_1429 masked %and3A_1435 : memref<48xi32, #tpu.memory_space<vmem>>[vector<16xi32>], vector<16xi32>, vector<16xi1>
            %sub3A_1442 = arith.subi %masked_cumsum3A_1439, %convert_element_type3A_1436 : vector<16xi32>
            %add3A_1443 = arith.addi %add3A_1424, %sub3A_1442 : vector<16xi32>
            tpu.vector_store_idx %arg25[%add3A_1443], %add3A_743 masked %and3A_1435 : memref<48xf32, #tpu.memory_space<vmem>>[vector<16xi32>], vector<16xf32>, vector<16xi1>
            %all_reduce_population_count3A_1444 = tpu.all_reduce %and3A_1435 {dim = 0 : i64, kind = #tpu.reduction_kind<sum>} : vector<16xi1> -> vector<16xi32>
            %add3A_1445 = arith.addi %add3A_1424, %all_reduce_population_count3A_1444 : vector<16xi32>
            %add3A_1446 = arith.addi %mul3A_34, %mul3A_224 : i32
            %add3A_1447 = arith.constant 352 : i32
            %add3A_1448 = arith.addi %add3A_1446, %add3A_1447 : i32
            %add3A_1449 = vector.broadcast %add3A_1448 : i32 to vector<16xi32>
            %add3A_1450 = arith.addi %add3A_1449, %iota3A : vector<16xi32>
            %lt3A_1451 = vector.broadcast %scan3A_35 : f32 to vector<16xf32>
            %lt3A_1452 = arith.cmpf olt, %add3A_766, %lt3A_1451 : vector<16xf32>
            %lt3A_1453 = arith.constant 32 : i32
            %lt3A_1454 = vector.broadcast %lt3A_1453 : i32 to vector<16xi32>
            %lt3A_1455 = arith.cmpi slt, %add3A_1445, %lt3A_1454 : vector<16xi32>
            %and3A_1456 = arith.andi %lt3A_1452, %lt3A_1455 : vector<16xi1>
            %convert_element_type3A_1457 = arith.extui %and3A_1456 : vector<16xi1> to vector<16xi32>
            %broadcast_in_dim3A_1458 = arith.constant true
            %broadcast_in_dim3A_1459 = vector.broadcast %broadcast_in_dim3A_1458 : i1 to vector<16xi1>
            %masked_cumsum3A_1460 = tpu.scan <sum>, %convert_element_type3A_1457 masked %broadcast_in_dim3A_1459 : vector<16xi32>, vector<16xi1> -> vector<16xi32>
            %sub3A_1461 = arith.subi %masked_cumsum3A_1460, %convert_element_type3A_1457 : vector<16xi32>
            %add3A_1462 = arith.addi %add3A_1445, %sub3A_1461 : vector<16xi32>
            tpu.vector_store_idx %arg24[%add3A_1462], %add3A_1450 masked %and3A_1456 : memref<48xi32, #tpu.memory_space<vmem>>[vector<16xi32>], vector<16xi32>, vector<16xi1>
            %sub3A_1463 = arith.subi %masked_cumsum3A_1460, %convert_element_type3A_1457 : vector<16xi32>
            %add3A_1464 = arith.addi %add3A_1445, %sub3A_1463 : vector<16xi32>
            tpu.vector_store_idx %arg25[%add3A_1464], %add3A_766 masked %and3A_1456 : memref<48xf32, #tpu.memory_space<vmem>>[vector<16xi32>], vector<16xf32>, vector<16xi1>
            %all_reduce_population_count3A_1465 = tpu.all_reduce %and3A_1456 {dim = 0 : i64, kind = #tpu.reduction_kind<sum>} : vector<16xi1> -> vector<16xi32>
            %add3A_1466 = arith.addi %add3A_1445, %all_reduce_population_count3A_1465 : vector<16xi32>
            %add3A_1467 = arith.addi %mul3A_34, %mul3A_224 : i32
            %add3A_1468 = arith.constant 368 : i32
            %add3A_1469 = arith.addi %add3A_1467, %add3A_1468 : i32
            %add3A_1470 = vector.broadcast %add3A_1469 : i32 to vector<16xi32>
            %add3A_1471 = arith.addi %add3A_1470, %iota3A : vector<16xi32>
            %lt3A_1472 = vector.broadcast %scan3A_35 : f32 to vector<16xf32>
            %lt3A_1473 = arith.cmpf olt, %add3A_789, %lt3A_1472 : vector<16xf32>
            %lt3A_1474 = arith.constant 32 : i32
            %lt3A_1475 = vector.broadcast %lt3A_1474 : i32 to vector<16xi32>
            %lt3A_1476 = arith.cmpi slt, %add3A_1466, %lt3A_1475 : vector<16xi32>
            %and3A_1477 = arith.andi %lt3A_1473, %lt3A_1476 : vector<16xi1>
            %convert_element_type3A_1478 = arith.extui %and3A_1477 : vector<16xi1> to vector<16xi32>
            %broadcast_in_dim3A_1479 = arith.constant true
            %broadcast_in_dim3A_1480 = vector.broadcast %broadcast_in_dim3A_1479 : i1 to vector<16xi1>
            %masked_cumsum3A_1481 = tpu.scan <sum>, %convert_element_type3A_1478 masked %broadcast_in_dim3A_1480 : vector<16xi32>, vector<16xi1> -> vector<16xi32>
            %sub3A_1482 = arith.subi %masked_cumsum3A_1481, %convert_element_type3A_1478 : vector<16xi32>
            %add3A_1483 = arith.addi %add3A_1466, %sub3A_1482 : vector<16xi32>
            tpu.vector_store_idx %arg24[%add3A_1483], %add3A_1471 masked %and3A_1477 : memref<48xi32, #tpu.memory_space<vmem>>[vector<16xi32>], vector<16xi32>, vector<16xi1>
            %sub3A_1484 = arith.subi %masked_cumsum3A_1481, %convert_element_type3A_1478 : vector<16xi32>
            %add3A_1485 = arith.addi %add3A_1466, %sub3A_1484 : vector<16xi32>
            tpu.vector_store_idx %arg25[%add3A_1485], %add3A_789 masked %and3A_1477 : memref<48xf32, #tpu.memory_space<vmem>>[vector<16xi32>], vector<16xf32>, vector<16xi1>
            %all_reduce_population_count3A_1486 = tpu.all_reduce %and3A_1477 {dim = 0 : i64, kind = #tpu.reduction_kind<sum>} : vector<16xi1> -> vector<16xi32>
            %add3A_1487 = arith.addi %add3A_1466, %all_reduce_population_count3A_1486 : vector<16xi32>
            %add3A_1488 = arith.addi %mul3A_34, %mul3A_224 : i32
            %add3A_1489 = arith.constant 384 : i32
            %add3A_1490 = arith.addi %add3A_1488, %add3A_1489 : i32
            %add3A_1491 = vector.broadcast %add3A_1490 : i32 to vector<16xi32>
            %add3A_1492 = arith.addi %add3A_1491, %iota3A : vector<16xi32>
            %lt3A_1493 = vector.broadcast %scan3A_35 : f32 to vector<16xf32>
            %lt3A_1494 = arith.cmpf olt, %add3A_812, %lt3A_1493 : vector<16xf32>
            %lt3A_1495 = arith.constant 32 : i32
            %lt3A_1496 = vector.broadcast %lt3A_1495 : i32 to vector<16xi32>
            %lt3A_1497 = arith.cmpi slt, %add3A_1487, %lt3A_1496 : vector<16xi32>
            %and3A_1498 = arith.andi %lt3A_1494, %lt3A_1497 : vector<16xi1>
            %convert_element_type3A_1499 = arith.extui %and3A_1498 : vector<16xi1> to vector<16xi32>
            %broadcast_in_dim3A_1500 = arith.constant true
            %broadcast_in_dim3A_1501 = vector.broadcast %broadcast_in_dim3A_1500 : i1 to vector<16xi1>
            %masked_cumsum3A_1502 = tpu.scan <sum>, %convert_element_type3A_1499 masked %broadcast_in_dim3A_1501 : vector<16xi32>, vector<16xi1> -> vector<16xi32>
            %sub3A_1503 = arith.subi %masked_cumsum3A_1502, %convert_element_type3A_1499 : vector<16xi32>
            %add3A_1504 = arith.addi %add3A_1487, %sub3A_1503 : vector<16xi32>
            tpu.vector_store_idx %arg24[%add3A_1504], %add3A_1492 masked %and3A_1498 : memref<48xi32, #tpu.memory_space<vmem>>[vector<16xi32>], vector<16xi32>, vector<16xi1>
            %sub3A_1505 = arith.subi %masked_cumsum3A_1502, %convert_element_type3A_1499 : vector<16xi32>
            %add3A_1506 = arith.addi %add3A_1487, %sub3A_1505 : vector<16xi32>
            tpu.vector_store_idx %arg25[%add3A_1506], %add3A_812 masked %and3A_1498 : memref<48xf32, #tpu.memory_space<vmem>>[vector<16xi32>], vector<16xf32>, vector<16xi1>
            %all_reduce_population_count3A_1507 = tpu.all_reduce %and3A_1498 {dim = 0 : i64, kind = #tpu.reduction_kind<sum>} : vector<16xi1> -> vector<16xi32>
            %add3A_1508 = arith.addi %add3A_1487, %all_reduce_population_count3A_1507 : vector<16xi32>
            %add3A_1509 = arith.addi %mul3A_34, %mul3A_224 : i32
            %add3A_1510 = arith.constant 400 : i32
            %add3A_1511 = arith.addi %add3A_1509, %add3A_1510 : i32
            %add3A_1512 = vector.broadcast %add3A_1511 : i32 to vector<16xi32>
            %add3A_1513 = arith.addi %add3A_1512, %iota3A : vector<16xi32>
            %lt3A_1514 = vector.broadcast %scan3A_35 : f32 to vector<16xf32>
            %lt3A_1515 = arith.cmpf olt, %add3A_835, %lt3A_1514 : vector<16xf32>
            %lt3A_1516 = arith.constant 32 : i32
            %lt3A_1517 = vector.broadcast %lt3A_1516 : i32 to vector<16xi32>
            %lt3A_1518 = arith.cmpi slt, %add3A_1508, %lt3A_1517 : vector<16xi32>
            %and3A_1519 = arith.andi %lt3A_1515, %lt3A_1518 : vector<16xi1>
            %convert_element_type3A_1520 = arith.extui %and3A_1519 : vector<16xi1> to vector<16xi32>
            %broadcast_in_dim3A_1521 = arith.constant true
            %broadcast_in_dim3A_1522 = vector.broadcast %broadcast_in_dim3A_1521 : i1 to vector<16xi1>
            %masked_cumsum3A_1523 = tpu.scan <sum>, %convert_element_type3A_1520 masked %broadcast_in_dim3A_1522 : vector<16xi32>, vector<16xi1> -> vector<16xi32>
            %sub3A_1524 = arith.subi %masked_cumsum3A_1523, %convert_element_type3A_1520 : vector<16xi32>
            %add3A_1525 = arith.addi %add3A_1508, %sub3A_1524 : vector<16xi32>
            tpu.vector_store_idx %arg24[%add3A_1525], %add3A_1513 masked %and3A_1519 : memref<48xi32, #tpu.memory_space<vmem>>[vector<16xi32>], vector<16xi32>, vector<16xi1>
            %sub3A_1526 = arith.subi %masked_cumsum3A_1523, %convert_element_type3A_1520 : vector<16xi32>
            %add3A_1527 = arith.addi %add3A_1508, %sub3A_1526 : vector<16xi32>
            tpu.vector_store_idx %arg25[%add3A_1527], %add3A_835 masked %and3A_1519 : memref<48xf32, #tpu.memory_space<vmem>>[vector<16xi32>], vector<16xf32>, vector<16xi1>
            %all_reduce_population_count3A_1528 = tpu.all_reduce %and3A_1519 {dim = 0 : i64, kind = #tpu.reduction_kind<sum>} : vector<16xi1> -> vector<16xi32>
            %add3A_1529 = arith.addi %add3A_1508, %all_reduce_population_count3A_1528 : vector<16xi32>
            %add3A_1530 = arith.addi %mul3A_34, %mul3A_224 : i32
            %add3A_1531 = arith.constant 416 : i32
            %add3A_1532 = arith.addi %add3A_1530, %add3A_1531 : i32
            %add3A_1533 = vector.broadcast %add3A_1532 : i32 to vector<16xi32>
            %add3A_1534 = arith.addi %add3A_1533, %iota3A : vector<16xi32>
            %lt3A_1535 = vector.broadcast %scan3A_35 : f32 to vector<16xf32>
            %lt3A_1536 = arith.cmpf olt, %add3A_858, %lt3A_1535 : vector<16xf32>
            %lt3A_1537 = arith.constant 32 : i32
            %lt3A_1538 = vector.broadcast %lt3A_1537 : i32 to vector<16xi32>
            %lt3A_1539 = arith.cmpi slt, %add3A_1529, %lt3A_1538 : vector<16xi32>
            %and3A_1540 = arith.andi %lt3A_1536, %lt3A_1539 : vector<16xi1>
            %convert_element_type3A_1541 = arith.extui %and3A_1540 : vector<16xi1> to vector<16xi32>
            %broadcast_in_dim3A_1542 = arith.constant true
            %broadcast_in_dim3A_1543 = vector.broadcast %broadcast_in_dim3A_1542 : i1 to vector<16xi1>
            %masked_cumsum3A_1544 = tpu.scan <sum>, %convert_element_type3A_1541 masked %broadcast_in_dim3A_1543 : vector<16xi32>, vector<16xi1> -> vector<16xi32>
            %sub3A_1545 = arith.subi %masked_cumsum3A_1544, %convert_element_type3A_1541 : vector<16xi32>
            %add3A_1546 = arith.addi %add3A_1529, %sub3A_1545 : vector<16xi32>
            tpu.vector_store_idx %arg24[%add3A_1546], %add3A_1534 masked %and3A_1540 : memref<48xi32, #tpu.memory_space<vmem>>[vector<16xi32>], vector<16xi32>, vector<16xi1>
            %sub3A_1547 = arith.subi %masked_cumsum3A_1544, %convert_element_type3A_1541 : vector<16xi32>
            %add3A_1548 = arith.addi %add3A_1529, %sub3A_1547 : vector<16xi32>
            tpu.vector_store_idx %arg25[%add3A_1548], %add3A_858 masked %and3A_1540 : memref<48xf32, #tpu.memory_space<vmem>>[vector<16xi32>], vector<16xf32>, vector<16xi1>
            %all_reduce_population_count3A_1549 = tpu.all_reduce %and3A_1540 {dim = 0 : i64, kind = #tpu.reduction_kind<sum>} : vector<16xi1> -> vector<16xi32>
            %add3A_1550 = arith.addi %add3A_1529, %all_reduce_population_count3A_1549 : vector<16xi32>
            %add3A_1551 = arith.addi %mul3A_34, %mul3A_224 : i32
            %add3A_1552 = arith.constant 432 : i32
            %add3A_1553 = arith.addi %add3A_1551, %add3A_1552 : i32
            %add3A_1554 = vector.broadcast %add3A_1553 : i32 to vector<16xi32>
            %add3A_1555 = arith.addi %add3A_1554, %iota3A : vector<16xi32>
            %lt3A_1556 = vector.broadcast %scan3A_35 : f32 to vector<16xf32>
            %lt3A_1557 = arith.cmpf olt, %add3A_881, %lt3A_1556 : vector<16xf32>
            %lt3A_1558 = arith.constant 32 : i32
            %lt3A_1559 = vector.broadcast %lt3A_1558 : i32 to vector<16xi32>
            %lt3A_1560 = arith.cmpi slt, %add3A_1550, %lt3A_1559 : vector<16xi32>
            %and3A_1561 = arith.andi %lt3A_1557, %lt3A_1560 : vector<16xi1>
            %convert_element_type3A_1562 = arith.extui %and3A_1561 : vector<16xi1> to vector<16xi32>
            %broadcast_in_dim3A_1563 = arith.constant true
            %broadcast_in_dim3A_1564 = vector.broadcast %broadcast_in_dim3A_1563 : i1 to vector<16xi1>
            %masked_cumsum3A_1565 = tpu.scan <sum>, %convert_element_type3A_1562 masked %broadcast_in_dim3A_1564 : vector<16xi32>, vector<16xi1> -> vector<16xi32>
            %sub3A_1566 = arith.subi %masked_cumsum3A_1565, %convert_element_type3A_1562 : vector<16xi32>
            %add3A_1567 = arith.addi %add3A_1550, %sub3A_1566 : vector<16xi32>
            tpu.vector_store_idx %arg24[%add3A_1567], %add3A_1555 masked %and3A_1561 : memref<48xi32, #tpu.memory_space<vmem>>[vector<16xi32>], vector<16xi32>, vector<16xi1>
            %sub3A_1568 = arith.subi %masked_cumsum3A_1565, %convert_element_type3A_1562 : vector<16xi32>
            %add3A_1569 = arith.addi %add3A_1550, %sub3A_1568 : vector<16xi32>
            tpu.vector_store_idx %arg25[%add3A_1569], %add3A_881 masked %and3A_1561 : memref<48xf32, #tpu.memory_space<vmem>>[vector<16xi32>], vector<16xf32>, vector<16xi1>
            %all_reduce_population_count3A_1570 = tpu.all_reduce %and3A_1561 {dim = 0 : i64, kind = #tpu.reduction_kind<sum>} : vector<16xi1> -> vector<16xi32>
            %add3A_1571 = arith.addi %add3A_1550, %all_reduce_population_count3A_1570 : vector<16xi32>
            %add3A_1572 = arith.addi %mul3A_34, %mul3A_224 : i32
            %add3A_1573 = arith.constant 448 : i32
            %add3A_1574 = arith.addi %add3A_1572, %add3A_1573 : i32
            %add3A_1575 = vector.broadcast %add3A_1574 : i32 to vector<16xi32>
            %add3A_1576 = arith.addi %add3A_1575, %iota3A : vector<16xi32>
            %lt3A_1577 = vector.broadcast %scan3A_35 : f32 to vector<16xf32>
            %lt3A_1578 = arith.cmpf olt, %add3A_904, %lt3A_1577 : vector<16xf32>
            %lt3A_1579 = arith.constant 32 : i32
            %lt3A_1580 = vector.broadcast %lt3A_1579 : i32 to vector<16xi32>
            %lt3A_1581 = arith.cmpi slt, %add3A_1571, %lt3A_1580 : vector<16xi32>
            %and3A_1582 = arith.andi %lt3A_1578, %lt3A_1581 : vector<16xi1>
            %convert_element_type3A_1583 = arith.extui %and3A_1582 : vector<16xi1> to vector<16xi32>
            %broadcast_in_dim3A_1584 = arith.constant true
            %broadcast_in_dim3A_1585 = vector.broadcast %broadcast_in_dim3A_1584 : i1 to vector<16xi1>
            %masked_cumsum3A_1586 = tpu.scan <sum>, %convert_element_type3A_1583 masked %broadcast_in_dim3A_1585 : vector<16xi32>, vector<16xi1> -> vector<16xi32>
            %sub3A_1587 = arith.subi %masked_cumsum3A_1586, %convert_element_type3A_1583 : vector<16xi32>
            %add3A_1588 = arith.addi %add3A_1571, %sub3A_1587 : vector<16xi32>
            tpu.vector_store_idx %arg24[%add3A_1588], %add3A_1576 masked %and3A_1582 : memref<48xi32, #tpu.memory_space<vmem>>[vector<16xi32>], vector<16xi32>, vector<16xi1>
            %sub3A_1589 = arith.subi %masked_cumsum3A_1586, %convert_element_type3A_1583 : vector<16xi32>
            %add3A_1590 = arith.addi %add3A_1571, %sub3A_1589 : vector<16xi32>
            tpu.vector_store_idx %arg25[%add3A_1590], %add3A_904 masked %and3A_1582 : memref<48xf32, #tpu.memory_space<vmem>>[vector<16xi32>], vector<16xf32>, vector<16xi1>
            %all_reduce_population_count3A_1591 = tpu.all_reduce %and3A_1582 {dim = 0 : i64, kind = #tpu.reduction_kind<sum>} : vector<16xi1> -> vector<16xi32>
            %add3A_1592 = arith.addi %add3A_1571, %all_reduce_population_count3A_1591 : vector<16xi32>
            %add3A_1593 = arith.addi %mul3A_34, %mul3A_224 : i32
            %add3A_1594 = arith.constant 464 : i32
            %add3A_1595 = arith.addi %add3A_1593, %add3A_1594 : i32
            %add3A_1596 = vector.broadcast %add3A_1595 : i32 to vector<16xi32>
            %add3A_1597 = arith.addi %add3A_1596, %iota3A : vector<16xi32>
            %lt3A_1598 = vector.broadcast %scan3A_35 : f32 to vector<16xf32>
            %lt3A_1599 = arith.cmpf olt, %add3A_927, %lt3A_1598 : vector<16xf32>
            %lt3A_1600 = arith.constant 32 : i32
            %lt3A_1601 = vector.broadcast %lt3A_1600 : i32 to vector<16xi32>
            %lt3A_1602 = arith.cmpi slt, %add3A_1592, %lt3A_1601 : vector<16xi32>
            %and3A_1603 = arith.andi %lt3A_1599, %lt3A_1602 : vector<16xi1>
            %convert_element_type3A_1604 = arith.extui %and3A_1603 : vector<16xi1> to vector<16xi32>
            %broadcast_in_dim3A_1605 = arith.constant true
            %broadcast_in_dim3A_1606 = vector.broadcast %broadcast_in_dim3A_1605 : i1 to vector<16xi1>
            %masked_cumsum3A_1607 = tpu.scan <sum>, %convert_element_type3A_1604 masked %broadcast_in_dim3A_1606 : vector<16xi32>, vector<16xi1> -> vector<16xi32>
            %sub3A_1608 = arith.subi %masked_cumsum3A_1607, %convert_element_type3A_1604 : vector<16xi32>
            %add3A_1609 = arith.addi %add3A_1592, %sub3A_1608 : vector<16xi32>
            tpu.vector_store_idx %arg24[%add3A_1609], %add3A_1597 masked %and3A_1603 : memref<48xi32, #tpu.memory_space<vmem>>[vector<16xi32>], vector<16xi32>, vector<16xi1>
            %sub3A_1610 = arith.subi %masked_cumsum3A_1607, %convert_element_type3A_1604 : vector<16xi32>
            %add3A_1611 = arith.addi %add3A_1592, %sub3A_1610 : vector<16xi32>
            tpu.vector_store_idx %arg25[%add3A_1611], %add3A_927 masked %and3A_1603 : memref<48xf32, #tpu.memory_space<vmem>>[vector<16xi32>], vector<16xf32>, vector<16xi1>
            %all_reduce_population_count3A_1612 = tpu.all_reduce %and3A_1603 {dim = 0 : i64, kind = #tpu.reduction_kind<sum>} : vector<16xi1> -> vector<16xi32>
            %add3A_1613 = arith.addi %add3A_1592, %all_reduce_population_count3A_1612 : vector<16xi32>
            %add3A_1614 = arith.addi %mul3A_34, %mul3A_224 : i32
            %add3A_1615 = arith.constant 480 : i32
            %add3A_1616 = arith.addi %add3A_1614, %add3A_1615 : i32
            %add3A_1617 = vector.broadcast %add3A_1616 : i32 to vector<16xi32>
            %add3A_1618 = arith.addi %add3A_1617, %iota3A : vector<16xi32>
            %lt3A_1619 = vector.broadcast %scan3A_35 : f32 to vector<16xf32>
            %lt3A_1620 = arith.cmpf olt, %add3A_950, %lt3A_1619 : vector<16xf32>
            %lt3A_1621 = arith.constant 32 : i32
            %lt3A_1622 = vector.broadcast %lt3A_1621 : i32 to vector<16xi32>
            %lt3A_1623 = arith.cmpi slt, %add3A_1613, %lt3A_1622 : vector<16xi32>
            %and3A_1624 = arith.andi %lt3A_1620, %lt3A_1623 : vector<16xi1>
            %convert_element_type3A_1625 = arith.extui %and3A_1624 : vector<16xi1> to vector<16xi32>
            %broadcast_in_dim3A_1626 = arith.constant true
            %broadcast_in_dim3A_1627 = vector.broadcast %broadcast_in_dim3A_1626 : i1 to vector<16xi1>
            %masked_cumsum3A_1628 = tpu.scan <sum>, %convert_element_type3A_1625 masked %broadcast_in_dim3A_1627 : vector<16xi32>, vector<16xi1> -> vector<16xi32>
            %sub3A_1629 = arith.subi %masked_cumsum3A_1628, %convert_element_type3A_1625 : vector<16xi32>
            %add3A_1630 = arith.addi %add3A_1613, %sub3A_1629 : vector<16xi32>
            tpu.vector_store_idx %arg24[%add3A_1630], %add3A_1618 masked %and3A_1624 : memref<48xi32, #tpu.memory_space<vmem>>[vector<16xi32>], vector<16xi32>, vector<16xi1>
            %sub3A_1631 = arith.subi %masked_cumsum3A_1628, %convert_element_type3A_1625 : vector<16xi32>
            %add3A_1632 = arith.addi %add3A_1613, %sub3A_1631 : vector<16xi32>
            tpu.vector_store_idx %arg25[%add3A_1632], %add3A_950 masked %and3A_1624 : memref<48xf32, #tpu.memory_space<vmem>>[vector<16xi32>], vector<16xf32>, vector<16xi1>
            %all_reduce_population_count3A_1633 = tpu.all_reduce %and3A_1624 {dim = 0 : i64, kind = #tpu.reduction_kind<sum>} : vector<16xi1> -> vector<16xi32>
            %add3A_1634 = arith.addi %add3A_1613, %all_reduce_population_count3A_1633 : vector<16xi32>
            %add3A_1635 = arith.addi %mul3A_34, %mul3A_224 : i32
            %add3A_1636 = arith.constant 496 : i32
            %add3A_1637 = arith.addi %add3A_1635, %add3A_1636 : i32
            %add3A_1638 = vector.broadcast %add3A_1637 : i32 to vector<16xi32>
            %add3A_1639 = arith.addi %add3A_1638, %iota3A : vector<16xi32>
            %lt3A_1640 = vector.broadcast %scan3A_35 : f32 to vector<16xf32>
            %lt3A_1641 = arith.cmpf olt, %add3A_973, %lt3A_1640 : vector<16xf32>
            %lt3A_1642 = arith.constant 32 : i32
            %lt3A_1643 = vector.broadcast %lt3A_1642 : i32 to vector<16xi32>
            %lt3A_1644 = arith.cmpi slt, %add3A_1634, %lt3A_1643 : vector<16xi32>
            %and3A_1645 = arith.andi %lt3A_1641, %lt3A_1644 : vector<16xi1>
            %convert_element_type3A_1646 = arith.extui %and3A_1645 : vector<16xi1> to vector<16xi32>
            %broadcast_in_dim3A_1647 = arith.constant true
            %broadcast_in_dim3A_1648 = vector.broadcast %broadcast_in_dim3A_1647 : i1 to vector<16xi1>
            %masked_cumsum3A_1649 = tpu.scan <sum>, %convert_element_type3A_1646 masked %broadcast_in_dim3A_1648 : vector<16xi32>, vector<16xi1> -> vector<16xi32>
            %sub3A_1650 = arith.subi %masked_cumsum3A_1649, %convert_element_type3A_1646 : vector<16xi32>
            %add3A_1651 = arith.addi %add3A_1634, %sub3A_1650 : vector<16xi32>
            tpu.vector_store_idx %arg24[%add3A_1651], %add3A_1639 masked %and3A_1645 : memref<48xi32, #tpu.memory_space<vmem>>[vector<16xi32>], vector<16xi32>, vector<16xi1>
            %sub3A_1652 = arith.subi %masked_cumsum3A_1649, %convert_element_type3A_1646 : vector<16xi32>
            %add3A_1653 = arith.addi %add3A_1634, %sub3A_1652 : vector<16xi32>
            tpu.vector_store_idx %arg25[%add3A_1653], %add3A_973 masked %and3A_1645 : memref<48xf32, #tpu.memory_space<vmem>>[vector<16xi32>], vector<16xf32>, vector<16xi1>
            %all_reduce_population_count3A_1654 = tpu.all_reduce %and3A_1645 {dim = 0 : i64, kind = #tpu.reduction_kind<sum>} : vector<16xi1> -> vector<16xi32>
            %add3A_1655 = arith.addi %add3A_1634, %all_reduce_population_count3A_1654 : vector<16xi32>
            %swap3A_1656 = arith.constant 16 : index
            %swap3A_1657 = tpu.vector_load %arg26[%swap3A_1656] {strides = array<i32>} : memref<64xi32, #tpu.memory_space<vmem>>, vector<16xi32>,
            tpu.vector_store %arg26[%swap3A_1656], %add3A_1655 {strides = array<i32>} : memref<64xi32, #tpu.memory_space<vmem>>, vector<16xi32>,
            %ge3A_1658 = arith.constant 32 : i32
            %ge3A_1659 = vector.broadcast %ge3A_1658 : i32 to vector<16xi32>
            %ge3A_1660 = arith.cmpi sge, %add3A_1655, %ge3A_1659 : vector<16xi32>
            %convert_element_type3A_1661 = arith.extui %ge3A_1660 : vector<16xi1> to vector<16xi32>
            %swap3A_1662 = arith.constant 48 : index
            %swap3A_1663 = tpu.vector_load %arg26[%swap3A_1662] {strides = array<i32>} : memref<64xi32, #tpu.memory_space<vmem>>, vector<16xi32>,
            tpu.vector_store %arg26[%swap3A_1662], %convert_element_type3A_1661 {strides = array<i32>} : memref<64xi32, #tpu.memory_space<vmem>>, vector<16xi32>,
          } else {
          }
        } else {
        }
        %scan3A_237 = arith.constant 0 : i32
        scf.yield %scan3A_237 : i32
      }
      %scan3A_103 = arith.constant 16 : i32
      %get3A_104 = arith.constant 0 : index
      %get3A_105 = tpu.vector_load %arg26[%get3A_104] {strides = array<i32>} : memref<64xi32, #tpu.memory_space<vmem>>, vector<16xi32>,
      %slice3A_106 = vector.extract_strided_slice %get3A_105 {offsets = [0], sizes = [1], strides = [1]} : vector<16xi32> to vector<1xi32>
      %squeeze3A_107 = vector.extract %slice3A_106[0] : i32 from vector<1xi32>
      %min3A = arith.constant 16 : i32
      %min3A_108 = arith.minsi %squeeze3A_107, %min3A : i32
      %get3A_109 = arith.constant 16 : index
      %get3A_110 = tpu.vector_load %arg26[%get3A_109] {strides = array<i32>} : memref<64xi32, #tpu.memory_space<vmem>>, vector<16xi32>,
      %slice3A_111 = vector.extract_strided_slice %get3A_110 {offsets = [0], sizes = [1], strides = [1]} : vector<16xi32> to vector<1xi32>
      %squeeze3A_112 = vector.extract %slice3A_111[0] : i32 from vector<1xi32>
      %min3A_113 = arith.constant 32 : i32
      %min3A_114 = arith.minsi %squeeze3A_112, %min3A_113 : i32
      %broadcast_in_dim3A_115 = vector.broadcast %scan3A_43 : i32 to vector<16xi32>
      %get3A_116 = arith.constant 0 : index
      %get3A_117 = tpu.vector_load %arg22[%get3A_116] {strides = array<i32>} : memref<48xi32, #tpu.memory_space<vmem>>, vector<16xi32>,
      %slice3A_118 = vector.extract_strided_slice %get3A_117 {offsets = [0], sizes = [1], strides = [1]} : vector<16xi32> to vector<1xi32>
      %squeeze3A_119 = vector.extract %slice3A_118[0] : i32 from vector<1xi32>
      %get3A_120 = arith.constant 0 : index
      %get3A_121 = tpu.vector_load %arg23[%get3A_120] {strides = array<i32>} : memref<48xf32, #tpu.memory_space<vmem>>, vector<16xf32>,
      %slice3A_122 = vector.extract_strided_slice %get3A_121 {offsets = [0], sizes = [1], strides = [1]} : vector<16xf32> to vector<1xf32>
      %squeeze3A_123 = vector.extract %slice3A_122[0] : f32 from vector<1xf32>
      %ge3A = vector.broadcast %min3A_108 : i32 to vector<16xi32>
      %ge3A_124 = arith.cmpi sge, %iota3A, %ge3A : vector<16xi32>
      %get3A_125 = arith.constant 0 : index
      %get3A_126 = tpu.vector_load %arg22[%get3A_125] {strides = array<i32>} : memref<48xi32, #tpu.memory_space<vmem>>, vector<16xi32>,
      %broadcast_in_dim3A_127 = vector.broadcast %squeeze3A_119 : i32 to vector<16xi32>
      %select_n3A_128 = arith.select %ge3A_124, %broadcast_in_dim3A_127, %get3A_126 : vector<16xi1>, vector<16xi32>
      %ge3A_129 = vector.broadcast %min3A_108 : i32 to vector<16xi32>
      %ge3A_130 = arith.cmpi sge, %iota3A, %ge3A_129 : vector<16xi32>
      %get3A_131 = arith.constant 0 : index
      %get3A_132 = tpu.vector_load %arg23[%get3A_131] {strides = array<i32>} : memref<48xf32, #tpu.memory_space<vmem>>, vector<16xf32>,
      %broadcast_in_dim3A_133 = vector.broadcast %squeeze3A_123 : f32 to vector<16xf32>
      %select_n3A_134 = arith.select %ge3A_130, %broadcast_in_dim3A_133, %get3A_132 : vector<16xi1>, vector<16xf32>
      %swap3A_135 = arith.index_cast %scan3A_43 : i32 to index
      %swap3A_136 = arith.constant 0 : index
      %swap3A_137 = tpu.vector_load %arg18[%swap3A_135, %swap3A_136] {strides = array<i32>} : memref<128x16xi32, #tpu.memory_space<vmem>>, vector<16xi32>,
      tpu.vector_store %arg18[%swap3A_135, %swap3A_136], %select_n3A_128 {strides = array<i32>} : memref<128x16xi32, #tpu.memory_space<vmem>>, vector<16xi32>,
      %sub3A_138 = vector.broadcast %mul3A_34 : i32 to vector<16xi32>
      %sub3A_139 = arith.subi %select_n3A_128, %sub3A_138 : vector<16xi32>
      %gather3A = tpu.vector_load_idx %arg12[%sub3A_139] : memref<8192xf32, #tpu.memory_space<vmem>>[vector<16xi32>], vector<16xf32>,
      %gather3A_140 = tpu.vector_load_idx %arg13[%sub3A_139] : memref<8192xf32, #tpu.memory_space<vmem>>[vector<16xi32>], vector<16xf32>,
      %gather3A_141 = tpu.vector_load_idx %arg14[%sub3A_139] : memref<8192xf32, #tpu.memory_space<vmem>>[vector<16xi32>], vector<16xf32>,
      %broadcast_in_dim3A_142 = arith.constant 0 : i32
      %broadcast_in_dim3A_143 = vector.broadcast %broadcast_in_dim3A_142 : i32 to vector<16xi32>
      tpu.vector_store_idx %arg20[%broadcast_in_dim3A_115, %iota3A, %broadcast_in_dim3A_143], %gather3A : memref<128x16x4xf32, #tpu.memory_space<vmem>>[vector<16xi32>, vector<16xi32>, vector<16xi32>], vector<16xf32>,
      %broadcast_in_dim3A_144 = arith.constant 1 : i32
      %broadcast_in_dim3A_145 = vector.broadcast %broadcast_in_dim3A_144 : i32 to vector<16xi32>
      tpu.vector_store_idx %arg20[%broadcast_in_dim3A_115, %iota3A, %broadcast_in_dim3A_145], %gather3A_140 : memref<128x16x4xf32, #tpu.memory_space<vmem>>[vector<16xi32>, vector<16xi32>, vector<16xi32>], vector<16xf32>,
      %broadcast_in_dim3A_146 = arith.constant 2 : i32
      %broadcast_in_dim3A_147 = vector.broadcast %broadcast_in_dim3A_146 : i32 to vector<16xi32>
      tpu.vector_store_idx %arg20[%broadcast_in_dim3A_115, %iota3A, %broadcast_in_dim3A_147], %gather3A_141 : memref<128x16x4xf32, #tpu.memory_space<vmem>>[vector<16xi32>, vector<16xi32>, vector<16xi32>], vector<16xf32>,
      %broadcast_in_dim3A_148 = arith.constant 3 : i32
      %broadcast_in_dim3A_149 = vector.broadcast %broadcast_in_dim3A_148 : i32 to vector<16xi32>
      tpu.vector_store_idx %arg20[%broadcast_in_dim3A_115, %iota3A, %broadcast_in_dim3A_149], %select_n3A_134 : memref<128x16x4xf32, #tpu.memory_space<vmem>>[vector<16xi32>, vector<16xi32>, vector<16xi32>], vector<16xf32>,
      %get3A_150 = arith.constant 0 : index
      %get3A_151 = tpu.vector_load %arg24[%get3A_150] {strides = array<i32>} : memref<48xi32, #tpu.memory_space<vmem>>, vector<16xi32>,
      %slice3A_152 = vector.extract_strided_slice %get3A_151 {offsets = [0], sizes = [1], strides = [1]} : vector<16xi32> to vector<1xi32>
      %squeeze3A_153 = vector.extract %slice3A_152[0] : i32 from vector<1xi32>
      %get3A_154 = arith.constant 0 : index
      %get3A_155 = tpu.vector_load %arg25[%get3A_154] {strides = array<i32>} : memref<48xf32, #tpu.memory_space<vmem>>, vector<16xf32>,
      %slice3A_156 = vector.extract_strided_slice %get3A_155 {offsets = [0], sizes = [1], strides = [1]} : vector<16xf32> to vector<1xf32>
      %squeeze3A_157 = vector.extract %slice3A_156[0] : f32 from vector<1xf32>
      %add3A_158 = arith.constant 0 : i32
      %add3A_159 = vector.broadcast %add3A_158 : i32 to vector<16xi32>
      %add3A_160 = arith.addi %iota3A, %add3A_159 : vector<16xi32>
      %ge3A_161 = vector.broadcast %min3A_114 : i32 to vector<16xi32>
      %ge3A_162 = arith.cmpi sge, %add3A_160, %ge3A_161 : vector<16xi32>
      %get3A_163 = arith.constant 0 : index
      %get3A_164 = tpu.vector_load %arg24[%get3A_163] {strides = array<i32>} : memref<48xi32, #tpu.memory_space<vmem>>, vector<16xi32>,
      %broadcast_in_dim3A_165 = vector.broadcast %squeeze3A_153 : i32 to vector<16xi32>
      %select_n3A_166 = arith.select %ge3A_162, %broadcast_in_dim3A_165, %get3A_164 : vector<16xi1>, vector<16xi32>
      %ge3A_167 = vector.broadcast %min3A_114 : i32 to vector<16xi32>
      %ge3A_168 = arith.cmpi sge, %add3A_160, %ge3A_167 : vector<16xi32>
      %get3A_169 = arith.constant 0 : index
      %get3A_170 = tpu.vector_load %arg25[%get3A_169] {strides = array<i32>} : memref<48xf32, #tpu.memory_space<vmem>>, vector<16xf32>,
      %broadcast_in_dim3A_171 = vector.broadcast %squeeze3A_157 : f32 to vector<16xf32>
      %select_n3A_172 = arith.select %ge3A_168, %broadcast_in_dim3A_171, %get3A_170 : vector<16xi1>, vector<16xf32>
      %swap3A_173 = arith.index_cast %scan3A_43 : i32 to index
      %swap3A_174 = arith.constant 0 : index
      %swap3A_175 = tpu.vector_load %arg19[%swap3A_173, %swap3A_174] {strides = array<i32>} : memref<128x32xi32, #tpu.memory_space<vmem>>, vector<16xi32>,
      tpu.vector_store %arg19[%swap3A_173, %swap3A_174], %select_n3A_166 {strides = array<i32>} : memref<128x32xi32, #tpu.memory_space<vmem>>, vector<16xi32>,
      %sub3A_176 = vector.broadcast %mul3A_34 : i32 to vector<16xi32>
      %sub3A_177 = arith.subi %select_n3A_166, %sub3A_176 : vector<16xi32>
      %gather3A_178 = tpu.vector_load_idx %arg12[%sub3A_177] : memref<8192xf32, #tpu.memory_space<vmem>>[vector<16xi32>], vector<16xf32>,
      %gather3A_179 = tpu.vector_load_idx %arg13[%sub3A_177] : memref<8192xf32, #tpu.memory_space<vmem>>[vector<16xi32>], vector<16xf32>,
      %gather3A_180 = tpu.vector_load_idx %arg14[%sub3A_177] : memref<8192xf32, #tpu.memory_space<vmem>>[vector<16xi32>], vector<16xf32>,
      %broadcast_in_dim3A_181 = arith.constant 0 : i32
      %broadcast_in_dim3A_182 = vector.broadcast %broadcast_in_dim3A_181 : i32 to vector<16xi32>
      tpu.vector_store_idx %arg21[%broadcast_in_dim3A_115, %add3A_160, %broadcast_in_dim3A_182], %gather3A_178 : memref<128x32x4xf32, #tpu.memory_space<vmem>>[vector<16xi32>, vector<16xi32>, vector<16xi32>], vector<16xf32>,
      %broadcast_in_dim3A_183 = arith.constant 1 : i32
      %broadcast_in_dim3A_184 = vector.broadcast %broadcast_in_dim3A_183 : i32 to vector<16xi32>
      tpu.vector_store_idx %arg21[%broadcast_in_dim3A_115, %add3A_160, %broadcast_in_dim3A_184], %gather3A_179 : memref<128x32x4xf32, #tpu.memory_space<vmem>>[vector<16xi32>, vector<16xi32>, vector<16xi32>], vector<16xf32>,
      %broadcast_in_dim3A_185 = arith.constant 2 : i32
      %broadcast_in_dim3A_186 = vector.broadcast %broadcast_in_dim3A_185 : i32 to vector<16xi32>
      tpu.vector_store_idx %arg21[%broadcast_in_dim3A_115, %add3A_160, %broadcast_in_dim3A_186], %gather3A_180 : memref<128x32x4xf32, #tpu.memory_space<vmem>>[vector<16xi32>, vector<16xi32>, vector<16xi32>], vector<16xf32>,
      %broadcast_in_dim3A_187 = arith.constant 3 : i32
      %broadcast_in_dim3A_188 = vector.broadcast %broadcast_in_dim3A_187 : i32 to vector<16xi32>
      tpu.vector_store_idx %arg21[%broadcast_in_dim3A_115, %add3A_160, %broadcast_in_dim3A_188], %select_n3A_172 : memref<128x32x4xf32, #tpu.memory_space<vmem>>[vector<16xi32>, vector<16xi32>, vector<16xi32>], vector<16xf32>,
      %add3A_189 = arith.constant 16 : i32
      %add3A_190 = vector.broadcast %add3A_189 : i32 to vector<16xi32>
      %add3A_191 = arith.addi %iota3A, %add3A_190 : vector<16xi32>
      %ge3A_192 = vector.broadcast %min3A_114 : i32 to vector<16xi32>
      %ge3A_193 = arith.cmpi sge, %add3A_191, %ge3A_192 : vector<16xi32>
      %get3A_194 = arith.constant 16 : index
      %get3A_195 = tpu.vector_load %arg24[%get3A_194] {strides = array<i32>} : memref<48xi32, #tpu.memory_space<vmem>>, vector<16xi32>,
      %broadcast_in_dim3A_196 = vector.broadcast %squeeze3A_153 : i32 to vector<16xi32>
      %select_n3A_197 = arith.select %ge3A_193, %broadcast_in_dim3A_196, %get3A_195 : vector<16xi1>, vector<16xi32>
      %ge3A_198 = vector.broadcast %min3A_114 : i32 to vector<16xi32>
      %ge3A_199 = arith.cmpi sge, %add3A_191, %ge3A_198 : vector<16xi32>
      %get3A_200 = arith.constant 16 : index
      %get3A_201 = tpu.vector_load %arg25[%get3A_200] {strides = array<i32>} : memref<48xf32, #tpu.memory_space<vmem>>, vector<16xf32>,
      %broadcast_in_dim3A_202 = vector.broadcast %squeeze3A_157 : f32 to vector<16xf32>
      %select_n3A_203 = arith.select %ge3A_199, %broadcast_in_dim3A_202, %get3A_201 : vector<16xi1>, vector<16xf32>
      %swap3A_204 = arith.index_cast %scan3A_43 : i32 to index
      %swap3A_205 = arith.constant 16 : index
      %swap3A_206 = tpu.vector_load %arg19[%swap3A_204, %swap3A_205] {strides = array<i32>} : memref<128x32xi32, #tpu.memory_space<vmem>>, vector<16xi32>,
      tpu.vector_store %arg19[%swap3A_204, %swap3A_205], %select_n3A_197 {strides = array<i32>} : memref<128x32xi32, #tpu.memory_space<vmem>>, vector<16xi32>,
      %sub3A_207 = vector.broadcast %mul3A_34 : i32 to vector<16xi32>
      %sub3A_208 = arith.subi %select_n3A_197, %sub3A_207 : vector<16xi32>
      %gather3A_209 = tpu.vector_load_idx %arg12[%sub3A_208] : memref<8192xf32, #tpu.memory_space<vmem>>[vector<16xi32>], vector<16xf32>,
      %gather3A_210 = tpu.vector_load_idx %arg13[%sub3A_208] : memref<8192xf32, #tpu.memory_space<vmem>>[vector<16xi32>], vector<16xf32>,
      %gather3A_211 = tpu.vector_load_idx %arg14[%sub3A_208] : memref<8192xf32, #tpu.memory_space<vmem>>[vector<16xi32>], vector<16xf32>,
      %broadcast_in_dim3A_212 = arith.constant 0 : i32
      %broadcast_in_dim3A_213 = vector.broadcast %broadcast_in_dim3A_212 : i32 to vector<16xi32>
      tpu.vector_store_idx %arg21[%broadcast_in_dim3A_115, %add3A_191, %broadcast_in_dim3A_213], %gather3A_209 : memref<128x32x4xf32, #tpu.memory_space<vmem>>[vector<16xi32>, vector<16xi32>, vector<16xi32>], vector<16xf32>,
      %broadcast_in_dim3A_214 = arith.constant 1 : i32
      %broadcast_in_dim3A_215 = vector.broadcast %broadcast_in_dim3A_214 : i32 to vector<16xi32>
      tpu.vector_store_idx %arg21[%broadcast_in_dim3A_115, %add3A_191, %broadcast_in_dim3A_215], %gather3A_210 : memref<128x32x4xf32, #tpu.memory_space<vmem>>[vector<16xi32>, vector<16xi32>, vector<16xi32>], vector<16xf32>,
      %broadcast_in_dim3A_216 = arith.constant 2 : i32
      %broadcast_in_dim3A_217 = vector.broadcast %broadcast_in_dim3A_216 : i32 to vector<16xi32>
      tpu.vector_store_idx %arg21[%broadcast_in_dim3A_115, %add3A_191, %broadcast_in_dim3A_217], %gather3A_211 : memref<128x32x4xf32, #tpu.memory_space<vmem>>[vector<16xi32>, vector<16xi32>, vector<16xi32>], vector<16xf32>,
      %broadcast_in_dim3A_218 = arith.constant 3 : i32
      %broadcast_in_dim3A_219 = vector.broadcast %broadcast_in_dim3A_218 : i32 to vector<16xi32>
      tpu.vector_store_idx %arg21[%broadcast_in_dim3A_115, %add3A_191, %broadcast_in_dim3A_219], %select_n3A_203 : memref<128x32x4xf32, #tpu.memory_space<vmem>>[vector<16xi32>, vector<16xi32>, vector<16xi32>], vector<16xf32>,
      %scan3A_220 = arith.constant 0 : i32
      scf.yield %scan3A_220 : i32
    }
    %scan3A_42 = arith.constant 128 : i32
    "tpu.region"() ({
      %run_scoped3A = tpu.sem_alloc : memref<!tpu.dma_semaphore, #tpu.memory_space<semaphore_mem>>
      %dma_start3A = arith.constant 0 : i32
      %dma_start3A_43 = tpu.memref_slice %arg8[%select_n3A, %mul3A_32, %dma_start3A] : memref<4x1024x16xi32, #tpu.memory_space<hbm>> -> memref<1x128x16xi32, #tpu.memory_space<hbm>>
      %dma_start3A_44 = tpu.memref_squeeze %dma_start3A_43 : memref<1x128x16xi32, #tpu.memory_space<hbm>> -> memref<128x16xi32, #tpu.memory_space<hbm>>
      %dma_start3A_45 = arith.constant 0 : i32
      %dma_start3A_46 = tpu.memref_slice %arg8[%select_n3A, %mul3A_32, %dma_start3A_45] : memref<4x1024x16xi32, #tpu.memory_space<hbm>> -> memref<1x128x16xi32, #tpu.memory_space<hbm>>
      %dma_start3A_47 = tpu.memref_squeeze %dma_start3A_46 : memref<1x128x16xi32, #tpu.memory_space<hbm>> -> memref<128x16xi32, #tpu.memory_space<hbm>>
      tpu.enqueue_dma source(%arg18 : memref<128x16xi32, #tpu.memory_space<vmem>>) target(%dma_start3A_47 : memref<128x16xi32, #tpu.memory_space<hbm>>) target_semaphore(%run_scoped3A : memref<!tpu.dma_semaphore, #tpu.memory_space<semaphore_mem>>)
      %dma_wait3A = arith.constant 0 : i32
      %dma_wait3A_48 = tpu.memref_slice %arg8[%select_n3A, %mul3A_32, %dma_wait3A] : memref<4x1024x16xi32, #tpu.memory_space<hbm>> -> memref<1x128x16xi32, #tpu.memory_space<hbm>>
      %dma_wait3A_49 = tpu.memref_squeeze %dma_wait3A_48 : memref<1x128x16xi32, #tpu.memory_space<hbm>> -> memref<128x16xi32, #tpu.memory_space<hbm>>
      %dma_wait3A_50 = arith.constant 0 : i32
      %dma_wait3A_51 = tpu.memref_slice %arg8[%select_n3A, %mul3A_32, %dma_wait3A_50] : memref<4x1024x16xi32, #tpu.memory_space<hbm>> -> memref<1x128x16xi32, #tpu.memory_space<hbm>>
      %dma_wait3A_52 = tpu.memref_squeeze %dma_wait3A_51 : memref<1x128x16xi32, #tpu.memory_space<hbm>> -> memref<128x16xi32, #tpu.memory_space<hbm>>
      tpu.wait_dma2 semaphore(%run_scoped3A : memref<!tpu.dma_semaphore, #tpu.memory_space<semaphore_mem>>) src(%arg18 : memref<128x16xi32, #tpu.memory_space<vmem>>) dst(%dma_wait3A_52 : memref<128x16xi32, #tpu.memory_space<hbm>>)
      tpu.yield
    }) : () -> ()
    "tpu.region"() ({
      %run_scoped3A = tpu.sem_alloc : memref<!tpu.dma_semaphore, #tpu.memory_space<semaphore_mem>>
      %dma_start3A = arith.constant 0 : i32
      %dma_start3A_43 = tpu.memref_slice %arg10[%select_n3A, %mul3A_32, %dma_start3A] : memref<4x1024x32xi32, #tpu.memory_space<hbm>> -> memref<1x128x32xi32, #tpu.memory_space<hbm>>
      %dma_start3A_44 = tpu.memref_squeeze %dma_start3A_43 : memref<1x128x32xi32, #tpu.memory_space<hbm>> -> memref<128x32xi32, #tpu.memory_space<hbm>>
      %dma_start3A_45 = arith.constant 0 : i32
      %dma_start3A_46 = tpu.memref_slice %arg10[%select_n3A, %mul3A_32, %dma_start3A_45] : memref<4x1024x32xi32, #tpu.memory_space<hbm>> -> memref<1x128x32xi32, #tpu.memory_space<hbm>>
      %dma_start3A_47 = tpu.memref_squeeze %dma_start3A_46 : memref<1x128x32xi32, #tpu.memory_space<hbm>> -> memref<128x32xi32, #tpu.memory_space<hbm>>
      tpu.enqueue_dma source(%arg19 : memref<128x32xi32, #tpu.memory_space<vmem>>) target(%dma_start3A_47 : memref<128x32xi32, #tpu.memory_space<hbm>>) target_semaphore(%run_scoped3A : memref<!tpu.dma_semaphore, #tpu.memory_space<semaphore_mem>>)
      %dma_wait3A = arith.constant 0 : i32
      %dma_wait3A_48 = tpu.memref_slice %arg10[%select_n3A, %mul3A_32, %dma_wait3A] : memref<4x1024x32xi32, #tpu.memory_space<hbm>> -> memref<1x128x32xi32, #tpu.memory_space<hbm>>
      %dma_wait3A_49 = tpu.memref_squeeze %dma_wait3A_48 : memref<1x128x32xi32, #tpu.memory_space<hbm>> -> memref<128x32xi32, #tpu.memory_space<hbm>>
      %dma_wait3A_50 = arith.constant 0 : i32
      %dma_wait3A_51 = tpu.memref_slice %arg10[%select_n3A, %mul3A_32, %dma_wait3A_50] : memref<4x1024x32xi32, #tpu.memory_space<hbm>> -> memref<1x128x32xi32, #tpu.memory_space<hbm>>
      %dma_wait3A_52 = tpu.memref_squeeze %dma_wait3A_51 : memref<1x128x32xi32, #tpu.memory_space<hbm>> -> memref<128x32xi32, #tpu.memory_space<hbm>>
      tpu.wait_dma2 semaphore(%run_scoped3A : memref<!tpu.dma_semaphore, #tpu.memory_space<semaphore_mem>>) src(%arg19 : memref<128x32xi32, #tpu.memory_space<vmem>>) dst(%dma_wait3A_52 : memref<128x32xi32, #tpu.memory_space<hbm>>)
      tpu.yield
    }) : () -> ()
    "tpu.region"() ({
      %run_scoped3A = tpu.sem_alloc : memref<!tpu.dma_semaphore, #tpu.memory_space<semaphore_mem>>
      %dma_start3A = arith.constant 0 : i32
      %dma_start3A_43 = arith.constant 0 : i32
      %dma_start3A_44 = tpu.memref_slice %arg9[%select_n3A, %mul3A_32, %dma_start3A, %dma_start3A_43] : memref<4x1024x16x4xf32, #tpu.memory_space<hbm>> -> memref<1x128x16x4xf32, #tpu.memory_space<hbm>>
      %dma_start3A_45 = tpu.memref_squeeze %dma_start3A_44 : memref<1x128x16x4xf32, #tpu.memory_space<hbm>> -> memref<128x16x4xf32, #tpu.memory_space<hbm>>
      %dma_start3A_46 = arith.constant 0 : i32
      %dma_start3A_47 = arith.constant 0 : i32
      %dma_start3A_48 = tpu.memref_slice %arg9[%select_n3A, %mul3A_32, %dma_start3A_46, %dma_start3A_47] : memref<4x1024x16x4xf32, #tpu.memory_space<hbm>> -> memref<1x128x16x4xf32, #tpu.memory_space<hbm>>
      %dma_start3A_49 = tpu.memref_squeeze %dma_start3A_48 : memref<1x128x16x4xf32, #tpu.memory_space<hbm>> -> memref<128x16x4xf32, #tpu.memory_space<hbm>>
      tpu.enqueue_dma source(%arg20 : memref<128x16x4xf32, #tpu.memory_space<vmem>>) target(%dma_start3A_49 : memref<128x16x4xf32, #tpu.memory_space<hbm>>) target_semaphore(%run_scoped3A : memref<!tpu.dma_semaphore, #tpu.memory_space<semaphore_mem>>)
      %dma_wait3A = arith.constant 0 : i32
      %dma_wait3A_50 = arith.constant 0 : i32
      %dma_wait3A_51 = tpu.memref_slice %arg9[%select_n3A, %mul3A_32, %dma_wait3A, %dma_wait3A_50] : memref<4x1024x16x4xf32, #tpu.memory_space<hbm>> -> memref<1x128x16x4xf32, #tpu.memory_space<hbm>>
      %dma_wait3A_52 = tpu.memref_squeeze %dma_wait3A_51 : memref<1x128x16x4xf32, #tpu.memory_space<hbm>> -> memref<128x16x4xf32, #tpu.memory_space<hbm>>
      %dma_wait3A_53 = arith.constant 0 : i32
      %dma_wait3A_54 = arith.constant 0 : i32
      %dma_wait3A_55 = tpu.memref_slice %arg9[%select_n3A, %mul3A_32, %dma_wait3A_53, %dma_wait3A_54] : memref<4x1024x16x4xf32, #tpu.memory_space<hbm>> -> memref<1x128x16x4xf32, #tpu.memory_space<hbm>>
      %dma_wait3A_56 = tpu.memref_squeeze %dma_wait3A_55 : memref<1x128x16x4xf32, #tpu.memory_space<hbm>> -> memref<128x16x4xf32, #tpu.memory_space<hbm>>
      tpu.wait_dma2 semaphore(%run_scoped3A : memref<!tpu.dma_semaphore, #tpu.memory_space<semaphore_mem>>) src(%arg20 : memref<128x16x4xf32, #tpu.memory_space<vmem>>) dst(%dma_wait3A_56 : memref<128x16x4xf32, #tpu.memory_space<hbm>>)
      tpu.yield
    }) : () -> ()
    "tpu.region"() ({
      %run_scoped3A = tpu.sem_alloc : memref<!tpu.dma_semaphore, #tpu.memory_space<semaphore_mem>>
      %dma_start3A = arith.constant 0 : i32
      %dma_start3A_43 = arith.constant 0 : i32
      %dma_start3A_44 = tpu.memref_slice %arg11[%select_n3A, %mul3A_32, %dma_start3A, %dma_start3A_43] : memref<4x1024x32x4xf32, #tpu.memory_space<hbm>> -> memref<1x128x32x4xf32, #tpu.memory_space<hbm>>
      %dma_start3A_45 = tpu.memref_squeeze %dma_start3A_44 : memref<1x128x32x4xf32, #tpu.memory_space<hbm>> -> memref<128x32x4xf32, #tpu.memory_space<hbm>>
      %dma_start3A_46 = arith.constant 0 : i32
      %dma_start3A_47 = arith.constant 0 : i32
      %dma_start3A_48 = tpu.memref_slice %arg11[%select_n3A, %mul3A_32, %dma_start3A_46, %dma_start3A_47] : memref<4x1024x32x4xf32, #tpu.memory_space<hbm>> -> memref<1x128x32x4xf32, #tpu.memory_space<hbm>>
      %dma_start3A_49 = tpu.memref_squeeze %dma_start3A_48 : memref<1x128x32x4xf32, #tpu.memory_space<hbm>> -> memref<128x32x4xf32, #tpu.memory_space<hbm>>
      tpu.enqueue_dma source(%arg21 : memref<128x32x4xf32, #tpu.memory_space<vmem>>) target(%dma_start3A_49 : memref<128x32x4xf32, #tpu.memory_space<hbm>>) target_semaphore(%run_scoped3A : memref<!tpu.dma_semaphore, #tpu.memory_space<semaphore_mem>>)
      %dma_wait3A = arith.constant 0 : i32
      %dma_wait3A_50 = arith.constant 0 : i32
      %dma_wait3A_51 = tpu.memref_slice %arg11[%select_n3A, %mul3A_32, %dma_wait3A, %dma_wait3A_50] : memref<4x1024x32x4xf32, #tpu.memory_space<hbm>> -> memref<1x128x32x4xf32, #tpu.memory_space<hbm>>
      %dma_wait3A_52 = tpu.memref_squeeze %dma_wait3A_51 : memref<1x128x32x4xf32, #tpu.memory_space<hbm>> -> memref<128x32x4xf32, #tpu.memory_space<hbm>>
      %dma_wait3A_53 = arith.constant 0 : i32
      %dma_wait3A_54 = arith.constant 0 : i32
      %dma_wait3A_55 = tpu.memref_slice %arg11[%select_n3A, %mul3A_32, %dma_wait3A_53, %dma_wait3A_54] : memref<4x1024x32x4xf32, #tpu.memory_space<hbm>> -> memref<1x128x32x4xf32, #tpu.memory_space<hbm>>
      %dma_wait3A_56 = tpu.memref_squeeze %dma_wait3A_55 : memref<1x128x32x4xf32, #tpu.memory_space<hbm>> -> memref<128x32x4xf32, #tpu.memory_space<hbm>>
      tpu.wait_dma2 semaphore(%run_scoped3A : memref<!tpu.dma_semaphore, #tpu.memory_space<semaphore_mem>>) src(%arg21 : memref<128x32x4xf32, #tpu.memory_space<vmem>>) dst(%dma_wait3A_56 : memref<128x32x4xf32, #tpu.memory_space<hbm>>)
      tpu.yield
    }) : () -> ()
    return
  }
}

module attributes {stable_mosaic.version = 14 : i64} {
  func.func @_fps_body(%arg0: memref<4x8x1024xf32, #tpu.memory_space<vmem>>, %arg1: memref<4x8x1024xf32, #tpu.memory_space<vmem>>, %arg2: memref<4x8x1024xf32, #tpu.memory_space<vmem>>, %arg3: memref<4x1024x1xf32, #tpu.memory_space<vmem>>, %arg4: memref<4x1024x1xf32, #tpu.memory_space<vmem>>, %arg5: memref<4x1024x1xf32, #tpu.memory_space<vmem>>, %arg6: memref<4x8x1024xf32, #tpu.memory_space<vmem>>) attributes {dimension_semantics = [], scalar_prefetch = 0 : i64, scratch_operands = 1 : i64, tpu.core_type = #tpu.core_type<tc>} {
    %iota3A = tpu.iota {dimensions = array<i32: 1>} : vector<4x8x1024xi32>
    %mul3A = arith.constant 1024 : i32
    %mul3A_0 = vector.broadcast %mul3A : i32 to vector<4x8x1024xi32>
    %mul3A_1 = arith.muli %iota3A, %mul3A_0 : vector<4x8x1024xi32>
    %iota3A_2 = tpu.iota {dimensions = array<i32: 2>} : vector<4x8x1024xi32>
    %add3A = arith.addi %mul3A_1, %iota3A_2 : vector<4x8x1024xi32>
    %broadcast_in_dim3A = arith.constant 1.000000e+10 : f32
    %broadcast_in_dim3A_3 = vector.broadcast %broadcast_in_dim3A : f32 to vector<4x8x1024xf32>
    %swap3A = arith.constant 0 : index
    %swap3A_4 = arith.constant 0 : index
    %swap3A_5 = arith.constant 0 : index
    %swap3A_6 = vector.load %arg6[%swap3A, %swap3A_4, %swap3A_5] : memref<4x8x1024xf32, #tpu.memory_space<vmem>>, vector<4x8x1024xf32>
    tpu.vector_store %arg6[%swap3A, %swap3A_4, %swap3A_5], %broadcast_in_dim3A_3 {strides = array<i32>} : memref<4x8x1024xf32, #tpu.memory_space<vmem>>, vector<4x8x1024xf32>,
    %broadcast_in_dim3A_7 = arith.constant 0.000000e+00 : f32
    %broadcast_in_dim3A_8 = vector.broadcast %broadcast_in_dim3A_7 : f32 to vector<4x8x1024xf32>
    %broadcast_in_dim3A_9 = arith.constant 0 : i32
    %broadcast_in_dim3A_10 = vector.broadcast %broadcast_in_dim3A_9 : i32 to vector<4x1x1xi32>
    %eq3A = vector.broadcast %broadcast_in_dim3A_10 : vector<4x1x1xi32> to vector<4x8x1024xi32>
    %eq3A_11 = arith.cmpi eq, %add3A, %eq3A : vector<4x8x1024xi32>
    %get3A = arith.constant 0 : index
    %get3A_12 = arith.constant 0 : index
    %get3A_13 = arith.constant 0 : index
    %get3A_14 = vector.load %arg0[%get3A, %get3A_12, %get3A_13] : memref<4x8x1024xf32, #tpu.memory_space<vmem>>, vector<4x8x1024xf32>
    %select_n3A = arith.select %eq3A_11, %get3A_14, %broadcast_in_dim3A_8 : vector<4x8x1024xi1>, vector<4x8x1024xf32>
    %reduce_sum3A = arith.constant dense<0.000000e+00> : vector<4x8xf32>
    %reduce_sum3A_15 = vector.multi_reduction <add>, %select_n3A, %reduce_sum3A [2] : vector<4x8x1024xf32> to vector<4x8xf32>
    %broadcast_in_dim3A_16 = vector.shape_cast %reduce_sum3A_15 : vector<4x8xf32> to vector<4x8x1xf32>
    %reduce_sum3A_17 = arith.constant dense<0.000000e+00> : vector<4x1xf32>
    %reduce_sum3A_18 = vector.multi_reduction <add>, %broadcast_in_dim3A_16, %reduce_sum3A_17 [1] : vector<4x8x1xf32> to vector<4x1xf32>
    %broadcast_in_dim3A_19 = vector.shape_cast %reduce_sum3A_18 : vector<4x1xf32> to vector<4x1x1xf32>
    %get3A_20 = arith.constant 0 : index
    %get3A_21 = arith.constant 0 : index
    %get3A_22 = arith.constant 0 : index
    %get3A_23 = vector.load %arg1[%get3A_20, %get3A_21, %get3A_22] : memref<4x8x1024xf32, #tpu.memory_space<vmem>>, vector<4x8x1024xf32>
    %select_n3A_24 = arith.select %eq3A_11, %get3A_23, %broadcast_in_dim3A_8 : vector<4x8x1024xi1>, vector<4x8x1024xf32>
    %reduce_sum3A_25 = arith.constant dense<0.000000e+00> : vector<4x8xf32>
    %reduce_sum3A_26 = vector.multi_reduction <add>, %select_n3A_24, %reduce_sum3A_25 [2] : vector<4x8x1024xf32> to vector<4x8xf32>
    %broadcast_in_dim3A_27 = vector.shape_cast %reduce_sum3A_26 : vector<4x8xf32> to vector<4x8x1xf32>
    %reduce_sum3A_28 = arith.constant dense<0.000000e+00> : vector<4x1xf32>
    %reduce_sum3A_29 = vector.multi_reduction <add>, %broadcast_in_dim3A_27, %reduce_sum3A_28 [1] : vector<4x8x1xf32> to vector<4x1xf32>
    %broadcast_in_dim3A_30 = vector.shape_cast %reduce_sum3A_29 : vector<4x1xf32> to vector<4x1x1xf32>
    %get3A_31 = arith.constant 0 : index
    %get3A_32 = arith.constant 0 : index
    %get3A_33 = arith.constant 0 : index
    %get3A_34 = vector.load %arg2[%get3A_31, %get3A_32, %get3A_33] : memref<4x8x1024xf32, #tpu.memory_space<vmem>>, vector<4x8x1024xf32>
    %select_n3A_35 = arith.select %eq3A_11, %get3A_34, %broadcast_in_dim3A_8 : vector<4x8x1024xi1>, vector<4x8x1024xf32>
    %reduce_sum3A_36 = arith.constant dense<0.000000e+00> : vector<4x8xf32>
    %reduce_sum3A_37 = vector.multi_reduction <add>, %select_n3A_35, %reduce_sum3A_36 [2] : vector<4x8x1024xf32> to vector<4x8xf32>
    %broadcast_in_dim3A_38 = vector.shape_cast %reduce_sum3A_37 : vector<4x8xf32> to vector<4x8x1xf32>
    %reduce_sum3A_39 = arith.constant dense<0.000000e+00> : vector<4x1xf32>
    %reduce_sum3A_40 = vector.multi_reduction <add>, %broadcast_in_dim3A_38, %reduce_sum3A_39 [1] : vector<4x8x1xf32> to vector<4x1xf32>
    %broadcast_in_dim3A_41 = vector.shape_cast %reduce_sum3A_40 : vector<4x1xf32> to vector<4x1x1xf32>
    %swap3A_42 = arith.constant 0 : index
    %swap3A_43 = arith.constant 0 : index
    %swap3A_44 = arith.constant 0 : index
    %swap3A_45 = vector.load %arg3[%swap3A_42, %swap3A_43, %swap3A_44] : memref<4x1024x1xf32, #tpu.memory_space<vmem>>, vector<4x1x1xf32>
    tpu.vector_store %arg3[%swap3A_42, %swap3A_43, %swap3A_44], %broadcast_in_dim3A_19 {strides = array<i32>} : memref<4x1024x1xf32, #tpu.memory_space<vmem>>, vector<4x1x1xf32>,
    %swap3A_46 = arith.constant 0 : index
    %swap3A_47 = arith.constant 0 : index
    %swap3A_48 = arith.constant 0 : index
    %swap3A_49 = vector.load %arg4[%swap3A_46, %swap3A_47, %swap3A_48] : memref<4x1024x1xf32, #tpu.memory_space<vmem>>, vector<4x1x1xf32>
    tpu.vector_store %arg4[%swap3A_46, %swap3A_47, %swap3A_48], %broadcast_in_dim3A_30 {strides = array<i32>} : memref<4x1024x1xf32, #tpu.memory_space<vmem>>, vector<4x1x1xf32>,
    %swap3A_50 = arith.constant 0 : index
    %swap3A_51 = arith.constant 0 : index
    %swap3A_52 = arith.constant 0 : index
    %swap3A_53 = vector.load %arg5[%swap3A_50, %swap3A_51, %swap3A_52] : memref<4x1024x1xf32, #tpu.memory_space<vmem>>, vector<4x1x1xf32>
    tpu.vector_store %arg5[%swap3A_50, %swap3A_51, %swap3A_52], %broadcast_in_dim3A_41 {strides = array<i32>} : memref<4x1024x1xf32, #tpu.memory_space<vmem>>, vector<4x1x1xf32>,
    %scan3A = arith.constant 1 : i32
    %scan3A_54 = arith.constant 1023 : i32
    %scan3A_55 = arith.addi %scan3A, %scan3A_54 : i32
    %scan3A_56 = arith.constant 1 : i32
    %scan3A_57:3 = scf.for %scan3A_59 = %scan3A to %scan3A_55 step %scan3A_56 iter_args(%scan3A_60 = %broadcast_in_dim3A_19, %scan3A_61 = %broadcast_in_dim3A_30, %scan3A_62 = %broadcast_in_dim3A_41) -> (vector<4x1x1xf32>, vector<4x1x1xf32>, vector<4x1x1xf32>)  : i32 {
      %get3A_63 = arith.constant 0 : index
      %get3A_64 = arith.constant 0 : index
      %get3A_65 = arith.constant 0 : index
      %get3A_66 = vector.load %arg0[%get3A_63, %get3A_64, %get3A_65] : memref<4x8x1024xf32, #tpu.memory_space<vmem>>, vector<4x8x1024xf32>
      %sub3A = vector.broadcast %scan3A_60 : vector<4x1x1xf32> to vector<4x8x1024xf32>
      %sub3A_67 = arith.subf %get3A_66, %sub3A : vector<4x8x1024xf32>
      %get3A_68 = arith.constant 0 : index
      %get3A_69 = arith.constant 0 : index
      %get3A_70 = arith.constant 0 : index
      %get3A_71 = vector.load %arg1[%get3A_68, %get3A_69, %get3A_70] : memref<4x8x1024xf32, #tpu.memory_space<vmem>>, vector<4x8x1024xf32>
      %sub3A_72 = vector.broadcast %scan3A_61 : vector<4x1x1xf32> to vector<4x8x1024xf32>
      %sub3A_73 = arith.subf %get3A_71, %sub3A_72 : vector<4x8x1024xf32>
      %get3A_74 = arith.constant 0 : index
      %get3A_75 = arith.constant 0 : index
      %get3A_76 = arith.constant 0 : index
      %get3A_77 = vector.load %arg2[%get3A_74, %get3A_75, %get3A_76] : memref<4x8x1024xf32, #tpu.memory_space<vmem>>, vector<4x8x1024xf32>
      %sub3A_78 = vector.broadcast %scan3A_62 : vector<4x1x1xf32> to vector<4x8x1024xf32>
      %sub3A_79 = arith.subf %get3A_77, %sub3A_78 : vector<4x8x1024xf32>
      %mul3A_80 = arith.mulf %sub3A_67, %sub3A_67 : vector<4x8x1024xf32>
      %mul3A_81 = arith.mulf %sub3A_73, %sub3A_73 : vector<4x8x1024xf32>
      %add3A_82 = arith.addf %mul3A_80, %mul3A_81 : vector<4x8x1024xf32>
      %mul3A_83 = arith.mulf %sub3A_79, %sub3A_79 : vector<4x8x1024xf32>
      %add3A_84 = arith.addf %add3A_82, %mul3A_83 : vector<4x8x1024xf32>
      %get3A_85 = arith.constant 0 : index
      %get3A_86 = arith.constant 0 : index
      %get3A_87 = arith.constant 0 : index
      %get3A_88 = vector.load %arg6[%get3A_85, %get3A_86, %get3A_87] : memref<4x8x1024xf32, #tpu.memory_space<vmem>>, vector<4x8x1024xf32>
      %min3A = arith.minimumf %get3A_88, %add3A_84 : vector<4x8x1024xf32>
      %swap3A_89 = arith.constant 0 : index
      %swap3A_90 = arith.constant 0 : index
      %swap3A_91 = arith.constant 0 : index
      %swap3A_92 = vector.load %arg6[%swap3A_89, %swap3A_90, %swap3A_91] : memref<4x8x1024xf32, #tpu.memory_space<vmem>>, vector<4x8x1024xf32>
      tpu.vector_store %arg6[%swap3A_89, %swap3A_90, %swap3A_91], %min3A {strides = array<i32>} : memref<4x8x1024xf32, #tpu.memory_space<vmem>>, vector<4x8x1024xf32>,
      %reduce_max3A = arith.constant dense<0xFF800000> : vector<4x8xf32>
      %reduce_max3A_93 = vector.multi_reduction <maximumf>, %min3A, %reduce_max3A [2] : vector<4x8x1024xf32> to vector<4x8xf32>
      %broadcast_in_dim3A_94 = vector.shape_cast %reduce_max3A_93 : vector<4x8xf32> to vector<4x8x1xf32>
      %reduce_max3A_95 = arith.constant dense<0xFF800000> : vector<4x1xf32>
      %reduce_max3A_96 = vector.multi_reduction <maximumf>, %broadcast_in_dim3A_94, %reduce_max3A_95 [1] : vector<4x8x1xf32> to vector<4x1xf32>
      %broadcast_in_dim3A_97 = vector.shape_cast %reduce_max3A_96 : vector<4x1xf32> to vector<4x1x1xf32>
      %eq3A_98 = vector.broadcast %broadcast_in_dim3A_97 : vector<4x1x1xf32> to vector<4x8x1024xf32>
      %eq3A_99 = arith.cmpf oeq, %min3A, %eq3A_98 : vector<4x8x1024xf32>
      %jit3A = arith.constant 8192 : i32
      %broadcast_in_dim3A_100 = vector.broadcast %jit3A : i32 to vector<4x8x1024xi32>
      %select_n3A_101 = arith.select %eq3A_99, %add3A, %broadcast_in_dim3A_100 : vector<4x8x1024xi1>, vector<4x8x1024xi32>
      %reduce_min3A = arith.constant dense<2147483647> : vector<4x8xi32>
      %reduce_min3A_102 = vector.multi_reduction <minsi>, %select_n3A_101, %reduce_min3A [2] : vector<4x8x1024xi32> to vector<4x8xi32>
      %broadcast_in_dim3A_103 = vector.shape_cast %reduce_min3A_102 : vector<4x8xi32> to vector<4x8x1xi32>
      %reduce_min3A_104 = arith.constant dense<2147483647> : vector<4x1xi32>
      %reduce_min3A_105 = vector.multi_reduction <minsi>, %broadcast_in_dim3A_103, %reduce_min3A_104 [1] : vector<4x8x1xi32> to vector<4x1xi32>
      %broadcast_in_dim3A_106 = vector.shape_cast %reduce_min3A_105 : vector<4x1xi32> to vector<4x1x1xi32>
      %eq3A_107 = vector.broadcast %broadcast_in_dim3A_106 : vector<4x1x1xi32> to vector<4x8x1024xi32>
      %eq3A_108 = arith.cmpi eq, %add3A, %eq3A_107 : vector<4x8x1024xi32>
      %get3A_109 = arith.constant 0 : index
      %get3A_110 = arith.constant 0 : index
      %get3A_111 = arith.constant 0 : index
      %get3A_112 = vector.load %arg0[%get3A_109, %get3A_110, %get3A_111] : memref<4x8x1024xf32, #tpu.memory_space<vmem>>, vector<4x8x1024xf32>
      %select_n3A_113 = arith.select %eq3A_108, %get3A_112, %broadcast_in_dim3A_8 : vector<4x8x1024xi1>, vector<4x8x1024xf32>
      %reduce_sum3A_114 = arith.constant dense<0.000000e+00> : vector<4x8xf32>
      %reduce_sum3A_115 = vector.multi_reduction <add>, %select_n3A_113, %reduce_sum3A_114 [2] : vector<4x8x1024xf32> to vector<4x8xf32>
      %broadcast_in_dim3A_116 = vector.shape_cast %reduce_sum3A_115 : vector<4x8xf32> to vector<4x8x1xf32>
      %reduce_sum3A_117 = arith.constant dense<0.000000e+00> : vector<4x1xf32>
      %reduce_sum3A_118 = vector.multi_reduction <add>, %broadcast_in_dim3A_116, %reduce_sum3A_117 [1] : vector<4x8x1xf32> to vector<4x1xf32>
      %broadcast_in_dim3A_119 = vector.shape_cast %reduce_sum3A_118 : vector<4x1xf32> to vector<4x1x1xf32>
      %get3A_120 = arith.constant 0 : index
      %get3A_121 = arith.constant 0 : index
      %get3A_122 = arith.constant 0 : index
      %get3A_123 = vector.load %arg1[%get3A_120, %get3A_121, %get3A_122] : memref<4x8x1024xf32, #tpu.memory_space<vmem>>, vector<4x8x1024xf32>
      %select_n3A_124 = arith.select %eq3A_108, %get3A_123, %broadcast_in_dim3A_8 : vector<4x8x1024xi1>, vector<4x8x1024xf32>
      %reduce_sum3A_125 = arith.constant dense<0.000000e+00> : vector<4x8xf32>
      %reduce_sum3A_126 = vector.multi_reduction <add>, %select_n3A_124, %reduce_sum3A_125 [2] : vector<4x8x1024xf32> to vector<4x8xf32>
      %broadcast_in_dim3A_127 = vector.shape_cast %reduce_sum3A_126 : vector<4x8xf32> to vector<4x8x1xf32>
      %reduce_sum3A_128 = arith.constant dense<0.000000e+00> : vector<4x1xf32>
      %reduce_sum3A_129 = vector.multi_reduction <add>, %broadcast_in_dim3A_127, %reduce_sum3A_128 [1] : vector<4x8x1xf32> to vector<4x1xf32>
      %broadcast_in_dim3A_130 = vector.shape_cast %reduce_sum3A_129 : vector<4x1xf32> to vector<4x1x1xf32>
      %get3A_131 = arith.constant 0 : index
      %get3A_132 = arith.constant 0 : index
      %get3A_133 = arith.constant 0 : index
      %get3A_134 = vector.load %arg2[%get3A_131, %get3A_132, %get3A_133] : memref<4x8x1024xf32, #tpu.memory_space<vmem>>, vector<4x8x1024xf32>
      %select_n3A_135 = arith.select %eq3A_108, %get3A_134, %broadcast_in_dim3A_8 : vector<4x8x1024xi1>, vector<4x8x1024xf32>
      %reduce_sum3A_136 = arith.constant dense<0.000000e+00> : vector<4x8xf32>
      %reduce_sum3A_137 = vector.multi_reduction <add>, %select_n3A_135, %reduce_sum3A_136 [2] : vector<4x8x1024xf32> to vector<4x8xf32>
      %broadcast_in_dim3A_138 = vector.shape_cast %reduce_sum3A_137 : vector<4x8xf32> to vector<4x8x1xf32>
      %reduce_sum3A_139 = arith.constant dense<0.000000e+00> : vector<4x1xf32>
      %reduce_sum3A_140 = vector.multi_reduction <add>, %broadcast_in_dim3A_138, %reduce_sum3A_139 [1] : vector<4x8x1xf32> to vector<4x1xf32>
      %broadcast_in_dim3A_141 = vector.shape_cast %reduce_sum3A_140 : vector<4x1xf32> to vector<4x1x1xf32>
      %swap3A_142 = arith.constant 0 : index
      %swap3A_143 = arith.index_cast %scan3A_59 : i32 to index
      %swap3A_144 = arith.constant 0 : index
      %swap3A_145 = vector.load %arg3[%swap3A_142, %swap3A_143, %swap3A_144] : memref<4x1024x1xf32, #tpu.memory_space<vmem>>, vector<4x1x1xf32>
      tpu.vector_store %arg3[%swap3A_142, %swap3A_143, %swap3A_144], %broadcast_in_dim3A_119 {strides = array<i32>} : memref<4x1024x1xf32, #tpu.memory_space<vmem>>, vector<4x1x1xf32>,
      %swap3A_146 = arith.constant 0 : index
      %swap3A_147 = arith.index_cast %scan3A_59 : i32 to index
      %swap3A_148 = arith.constant 0 : index
      %swap3A_149 = vector.load %arg4[%swap3A_146, %swap3A_147, %swap3A_148] : memref<4x1024x1xf32, #tpu.memory_space<vmem>>, vector<4x1x1xf32>
      tpu.vector_store %arg4[%swap3A_146, %swap3A_147, %swap3A_148], %broadcast_in_dim3A_130 {strides = array<i32>} : memref<4x1024x1xf32, #tpu.memory_space<vmem>>, vector<4x1x1xf32>,
      %swap3A_150 = arith.constant 0 : index
      %swap3A_151 = arith.index_cast %scan3A_59 : i32 to index
      %swap3A_152 = arith.constant 0 : index
      %swap3A_153 = vector.load %arg5[%swap3A_150, %swap3A_151, %swap3A_152] : memref<4x1024x1xf32, #tpu.memory_space<vmem>>, vector<4x1x1xf32>
      tpu.vector_store %arg5[%swap3A_150, %swap3A_151, %swap3A_152], %broadcast_in_dim3A_141 {strides = array<i32>} : memref<4x1024x1xf32, #tpu.memory_space<vmem>>, vector<4x1x1xf32>,
      scf.yield %broadcast_in_dim3A_119, %broadcast_in_dim3A_130, %broadcast_in_dim3A_141 : vector<4x1x1xf32>, vector<4x1x1xf32>, vector<4x1x1xf32>
    }
    %scan3A_58 = arith.constant 1023 : i32
    return
  }
}

module attributes {stable_mosaic.version = 14 : i64} {
  func.func @_pass1_body(%arg0: i32, %arg1: memref<4096x4xf32, #tpu.memory_space<vmem>>, %arg2: memref<256x3xf32, #tpu.memory_space<vmem>>, %arg3: memref<10x32xf32, #tpu.memory_space<vmem>>, %arg4: memref<8x128xf32, #tpu.memory_space<vmem>>) attributes {dimension_semantics = [#tpu.dimension_semantics<arbitrary>], iteration_bounds = array<i64: 16>, scalar_prefetch = 0 : i64, scratch_operands = 0 : i64, tpu.core_type = #tpu.core_type<tc>, window_params = [{transform_indices = @transform_0, window_bounds = array<i64: 4096, 4>}, {transform_indices = @transform_1, window_bounds = array<i64: 256, 3>}, {pipeline_mode = #tpu.pipeline_mode<synchronous>, transform_indices = @transform_2, window_bounds = array<i64: 10, 32>}, {pipeline_mode = #tpu.pipeline_mode<synchronous>, transform_indices = @transform_3, window_bounds = array<i64: 8, 128>}]} {
    %get3A = arith.constant 0 : index
    %get3A_0 = arith.constant 0 : index
    %get3A_1 = vector.load %arg1[%get3A, %get3A_0] : memref<4096x4xf32, #tpu.memory_space<vmem>>, vector<4096x4xf32>
    %get3A_2 = arith.constant 0 : index
    %get3A_3 = arith.constant 0 : index
    %get3A_4 = vector.load %arg2[%get3A_2, %get3A_3] : memref<256x3xf32, #tpu.memory_space<vmem>>, vector<256x3xf32>
    %get3A_5 = arith.constant 0 : index
    %get3A_6 = arith.constant 0 : index
    %get3A_7 = vector.load %arg3[%get3A_5, %get3A_6] : memref<10x32xf32, #tpu.memory_space<vmem>>, vector<10x32xf32>
    %reshape3A = vector.shape_cast %get3A_1 : vector<4096x4xf32> to vector<256x16x4xf32>
    %slice3A = vector.extract_strided_slice %reshape3A {offsets = [0, 0, 0], sizes = [256, 16, 3], strides = [1, 1, 1]} : vector<256x16x4xf32> to vector<256x16x3xf32>
    %slice3A_8 = vector.extract_strided_slice %reshape3A {offsets = [0, 0, 3], sizes = [256, 16, 1], strides = [1, 1, 1]} : vector<256x16x4xf32> to vector<256x16x1xf32>
    %reshape3A_9 = vector.shape_cast %get3A_4 : vector<256x3xf32> to vector<256x1x3xf32>
    %sub3A = vector.broadcast %reshape3A_9 : vector<256x1x3xf32> to vector<256x16x3xf32>
    %sub3A_10 = arith.subf %slice3A, %sub3A : vector<256x16x3xf32>
    %slice3A_11 = vector.extract_strided_slice %reshape3A {offsets = [0, 0, 0], sizes = [256, 1, 3], strides = [1, 1, 1]} : vector<256x16x4xf32> to vector<256x1x3xf32>
    %broadcast_in_dim3A = vector.shape_cast %slice3A_11 : vector<256x1x3xf32> to vector<256x1x3xf32>
    %broadcast_in_dim3A_12 = vector.broadcast %broadcast_in_dim3A : vector<256x1x3xf32> to vector<256x16x3xf32>
    %add3A = arith.constant 9.99999996E-13 : f32
    %add3A_13 = vector.broadcast %add3A : f32 to vector<256x16x1xf32>
    %add3A_14 = arith.addf %slice3A_8, %add3A_13 : vector<256x16x1xf32>
    %sqrt3A = math.sqrt %add3A_14 : vector<256x16x1xf32>
    %concatenate3A = tpu.concatenate %sqrt3A, %broadcast_in_dim3A_12, %slice3A, %sub3A_10 in 2 : vector<256x16x1xf32>, vector<256x16x3xf32>, vector<256x16x3xf32>, vector<256x16x3xf32> -> vector<256x16x10xf32>
    %reshape3A_15 = vector.shape_cast %concatenate3A : vector<256x16x10xf32> to vector<4096x10xf32>
    %dot_general3A = arith.constant dense<0.000000e+00> : vector<4096x32xf32>
    %dot_general3A_16 = tpu.matmul %reshape3A_15, %get3A_7, %dot_general3A {dimension_numbers = #tpu.dot_dimension_numbers<[1], [0], [0], [1], [0, 0, 1, 1], [], []>, transpose_lhs_hint = false} : vector<4096x10xf32>, vector<10x32xf32>, vector<4096x32xf32> -> vector<4096x32xf32>
    %eq3A = arith.constant 0 : i32
    %eq3A_17 = arith.cmpi eq, %arg0, %eq3A : i32
    %convert_element_type3A = arith.extui %eq3A_17 : i1 to i32
    %cond3A = arith.constant 0 : i32
    %cond3A_18 = arith.cmpi ne, %convert_element_type3A, %cond3A : i32
    scf.if %cond3A_18 {
      %broadcast_in_dim3A_37 = arith.constant 0.000000e+00 : f32
      %broadcast_in_dim3A_38 = vector.broadcast %broadcast_in_dim3A_37 : f32 to vector<8x128xf32>
      %swap3A_39 = arith.constant 0 : index
      %swap3A_40 = arith.constant 0 : index
      %swap3A_41 = vector.load %arg4[%swap3A_39, %swap3A_40] : memref<8x128xf32, #tpu.memory_space<vmem>>, vector<8x128xf32>
      tpu.vector_store %arg4[%swap3A_39, %swap3A_40], %broadcast_in_dim3A_38 {strides = array<i32>} : memref<8x128xf32, #tpu.memory_space<vmem>>, vector<8x128xf32>,
    } else {
    }
    %get3A_19 = arith.constant 0 : index
    %get3A_20 = arith.constant 0 : index
    %get3A_21 = vector.load %arg4[%get3A_19, %get3A_20] : memref<8x128xf32, #tpu.memory_space<vmem>>, vector<1x32xf32>
    %reduce_sum3A = arith.constant dense<0.000000e+00> : vector<32xf32>
    %reduce_sum3A_22 = vector.multi_reduction <add>, %dot_general3A_16, %reduce_sum3A [0] : vector<4096x32xf32> to vector<32xf32>
    %broadcast_in_dim3A_23 = vector.shape_cast %reduce_sum3A_22 : vector<32xf32> to vector<1x32xf32>
    %add3A_24 = arith.addf %get3A_21, %broadcast_in_dim3A_23 : vector<1x32xf32>
    %swap3A = arith.constant 0 : index
    %swap3A_25 = arith.constant 0 : index
    %swap3A_26 = vector.load %arg4[%swap3A, %swap3A_25] : memref<8x128xf32, #tpu.memory_space<vmem>>, vector<1x32xf32>
    tpu.vector_store %arg4[%swap3A, %swap3A_25], %add3A_24 {strides = array<i32>} : memref<8x128xf32, #tpu.memory_space<vmem>>, vector<1x32xf32>,
    %get3A_27 = arith.constant 1 : index
    %get3A_28 = arith.constant 0 : index
    %get3A_29 = vector.load %arg4[%get3A_27, %get3A_28] : memref<8x128xf32, #tpu.memory_space<vmem>>, vector<1x32xf32>
    %mul3A = arith.mulf %dot_general3A_16, %dot_general3A_16 : vector<4096x32xf32>
    %reduce_sum3A_30 = arith.constant dense<0.000000e+00> : vector<32xf32>
    %reduce_sum3A_31 = vector.multi_reduction <add>, %mul3A, %reduce_sum3A_30 [0] : vector<4096x32xf32> to vector<32xf32>
    %broadcast_in_dim3A_32 = vector.shape_cast %reduce_sum3A_31 : vector<32xf32> to vector<1x32xf32>
    %add3A_33 = arith.addf %get3A_29, %broadcast_in_dim3A_32 : vector<1x32xf32>
    %swap3A_34 = arith.constant 1 : index
    %swap3A_35 = arith.constant 0 : index
    %swap3A_36 = vector.load %arg4[%swap3A_34, %swap3A_35] : memref<8x128xf32, #tpu.memory_space<vmem>>, vector<1x32xf32>
    tpu.vector_store %arg4[%swap3A_34, %swap3A_35], %add3A_33 {strides = array<i32>} : memref<8x128xf32, #tpu.memory_space<vmem>>, vector<1x32xf32>,
    return
  }
  func.func @transform_0(%arg0: i32) -> (i32, i32) {
    %c0_i32 = arith.constant 0 : i32
    %c0_i32_0 = arith.constant 0 : i32
    return %arg0, %c0_i32 : i32, i32
  }
  func.func @transform_1(%arg0: i32) -> (i32, i32) {
    %c0_i32 = arith.constant 0 : i32
    %c0_i32_0 = arith.constant 0 : i32
    return %arg0, %c0_i32 : i32, i32
  }
  func.func @transform_2(%arg0: i32) -> (i32, i32) {
    %c0_i32 = arith.constant 0 : i32
    %c0_i32_0 = arith.constant 0 : i32
    %c0_i32_1 = arith.constant 0 : i32
    return %c0_i32, %c0_i32_0 : i32, i32
  }
  func.func @transform_3(%arg0: i32) -> (i32, i32) {
    %c0_i32 = arith.constant 0 : i32
    %c0_i32_0 = arith.constant 0 : i32
    %c0_i32_1 = arith.constant 0 : i32
    return %c0_i32, %c0_i32_0 : i32, i32
  }
}

module attributes {stable_mosaic.version = 14 : i64} {
  func.func @_pass1_body(%arg0: i32, %arg1: memref<4096x4xf32, #tpu.memory_space<vmem>>, %arg2: memref<128x3xf32, #tpu.memory_space<vmem>>, %arg3: memref<10x32xf32, #tpu.memory_space<vmem>>, %arg4: memref<8x128xf32, #tpu.memory_space<vmem>>) attributes {dimension_semantics = [#tpu.dimension_semantics<arbitrary>], iteration_bounds = array<i64: 32>, scalar_prefetch = 0 : i64, scratch_operands = 0 : i64, tpu.core_type = #tpu.core_type<tc>, window_params = [{transform_indices = @transform_0, window_bounds = array<i64: 4096, 4>}, {transform_indices = @transform_1, window_bounds = array<i64: 128, 3>}, {pipeline_mode = #tpu.pipeline_mode<synchronous>, transform_indices = @transform_2, window_bounds = array<i64: 10, 32>}, {pipeline_mode = #tpu.pipeline_mode<synchronous>, transform_indices = @transform_3, window_bounds = array<i64: 8, 128>}]} {
    %get3A = arith.constant 0 : index
    %get3A_0 = arith.constant 0 : index
    %get3A_1 = vector.load %arg1[%get3A, %get3A_0] : memref<4096x4xf32, #tpu.memory_space<vmem>>, vector<4096x4xf32>
    %get3A_2 = arith.constant 0 : index
    %get3A_3 = arith.constant 0 : index
    %get3A_4 = vector.load %arg2[%get3A_2, %get3A_3] : memref<128x3xf32, #tpu.memory_space<vmem>>, vector<128x3xf32>
    %get3A_5 = arith.constant 0 : index
    %get3A_6 = arith.constant 0 : index
    %get3A_7 = vector.load %arg3[%get3A_5, %get3A_6] : memref<10x32xf32, #tpu.memory_space<vmem>>, vector<10x32xf32>
    %reshape3A = vector.shape_cast %get3A_1 : vector<4096x4xf32> to vector<128x32x4xf32>
    %slice3A = vector.extract_strided_slice %reshape3A {offsets = [0, 0, 0], sizes = [128, 32, 3], strides = [1, 1, 1]} : vector<128x32x4xf32> to vector<128x32x3xf32>
    %slice3A_8 = vector.extract_strided_slice %reshape3A {offsets = [0, 0, 3], sizes = [128, 32, 1], strides = [1, 1, 1]} : vector<128x32x4xf32> to vector<128x32x1xf32>
    %reshape3A_9 = vector.shape_cast %get3A_4 : vector<128x3xf32> to vector<128x1x3xf32>
    %sub3A = vector.broadcast %reshape3A_9 : vector<128x1x3xf32> to vector<128x32x3xf32>
    %sub3A_10 = arith.subf %slice3A, %sub3A : vector<128x32x3xf32>
    %slice3A_11 = vector.extract_strided_slice %reshape3A {offsets = [0, 0, 0], sizes = [128, 1, 3], strides = [1, 1, 1]} : vector<128x32x4xf32> to vector<128x1x3xf32>
    %broadcast_in_dim3A = vector.shape_cast %slice3A_11 : vector<128x1x3xf32> to vector<128x1x3xf32>
    %broadcast_in_dim3A_12 = vector.broadcast %broadcast_in_dim3A : vector<128x1x3xf32> to vector<128x32x3xf32>
    %add3A = arith.constant 9.99999996E-13 : f32
    %add3A_13 = vector.broadcast %add3A : f32 to vector<128x32x1xf32>
    %add3A_14 = arith.addf %slice3A_8, %add3A_13 : vector<128x32x1xf32>
    %sqrt3A = math.sqrt %add3A_14 : vector<128x32x1xf32>
    %concatenate3A = tpu.concatenate %sqrt3A, %broadcast_in_dim3A_12, %slice3A, %sub3A_10 in 2 : vector<128x32x1xf32>, vector<128x32x3xf32>, vector<128x32x3xf32>, vector<128x32x3xf32> -> vector<128x32x10xf32>
    %reshape3A_15 = vector.shape_cast %concatenate3A : vector<128x32x10xf32> to vector<4096x10xf32>
    %dot_general3A = arith.constant dense<0.000000e+00> : vector<4096x32xf32>
    %dot_general3A_16 = tpu.matmul %reshape3A_15, %get3A_7, %dot_general3A {dimension_numbers = #tpu.dot_dimension_numbers<[1], [0], [0], [1], [0, 0, 1, 1], [], []>, transpose_lhs_hint = false} : vector<4096x10xf32>, vector<10x32xf32>, vector<4096x32xf32> -> vector<4096x32xf32>
    %eq3A = arith.constant 0 : i32
    %eq3A_17 = arith.cmpi eq, %arg0, %eq3A : i32
    %convert_element_type3A = arith.extui %eq3A_17 : i1 to i32
    %cond3A = arith.constant 0 : i32
    %cond3A_18 = arith.cmpi ne, %convert_element_type3A, %cond3A : i32
    scf.if %cond3A_18 {
      %broadcast_in_dim3A_37 = arith.constant 0.000000e+00 : f32
      %broadcast_in_dim3A_38 = vector.broadcast %broadcast_in_dim3A_37 : f32 to vector<8x128xf32>
      %swap3A_39 = arith.constant 0 : index
      %swap3A_40 = arith.constant 0 : index
      %swap3A_41 = vector.load %arg4[%swap3A_39, %swap3A_40] : memref<8x128xf32, #tpu.memory_space<vmem>>, vector<8x128xf32>
      tpu.vector_store %arg4[%swap3A_39, %swap3A_40], %broadcast_in_dim3A_38 {strides = array<i32>} : memref<8x128xf32, #tpu.memory_space<vmem>>, vector<8x128xf32>,
    } else {
    }
    %get3A_19 = arith.constant 0 : index
    %get3A_20 = arith.constant 0 : index
    %get3A_21 = vector.load %arg4[%get3A_19, %get3A_20] : memref<8x128xf32, #tpu.memory_space<vmem>>, vector<1x32xf32>
    %reduce_sum3A = arith.constant dense<0.000000e+00> : vector<32xf32>
    %reduce_sum3A_22 = vector.multi_reduction <add>, %dot_general3A_16, %reduce_sum3A [0] : vector<4096x32xf32> to vector<32xf32>
    %broadcast_in_dim3A_23 = vector.shape_cast %reduce_sum3A_22 : vector<32xf32> to vector<1x32xf32>
    %add3A_24 = arith.addf %get3A_21, %broadcast_in_dim3A_23 : vector<1x32xf32>
    %swap3A = arith.constant 0 : index
    %swap3A_25 = arith.constant 0 : index
    %swap3A_26 = vector.load %arg4[%swap3A, %swap3A_25] : memref<8x128xf32, #tpu.memory_space<vmem>>, vector<1x32xf32>
    tpu.vector_store %arg4[%swap3A, %swap3A_25], %add3A_24 {strides = array<i32>} : memref<8x128xf32, #tpu.memory_space<vmem>>, vector<1x32xf32>,
    %get3A_27 = arith.constant 1 : index
    %get3A_28 = arith.constant 0 : index
    %get3A_29 = vector.load %arg4[%get3A_27, %get3A_28] : memref<8x128xf32, #tpu.memory_space<vmem>>, vector<1x32xf32>
    %mul3A = arith.mulf %dot_general3A_16, %dot_general3A_16 : vector<4096x32xf32>
    %reduce_sum3A_30 = arith.constant dense<0.000000e+00> : vector<32xf32>
    %reduce_sum3A_31 = vector.multi_reduction <add>, %mul3A, %reduce_sum3A_30 [0] : vector<4096x32xf32> to vector<32xf32>
    %broadcast_in_dim3A_32 = vector.shape_cast %reduce_sum3A_31 : vector<32xf32> to vector<1x32xf32>
    %add3A_33 = arith.addf %get3A_29, %broadcast_in_dim3A_32 : vector<1x32xf32>
    %swap3A_34 = arith.constant 1 : index
    %swap3A_35 = arith.constant 0 : index
    %swap3A_36 = vector.load %arg4[%swap3A_34, %swap3A_35] : memref<8x128xf32, #tpu.memory_space<vmem>>, vector<1x32xf32>
    tpu.vector_store %arg4[%swap3A_34, %swap3A_35], %add3A_33 {strides = array<i32>} : memref<8x128xf32, #tpu.memory_space<vmem>>, vector<1x32xf32>,
    return
  }
  func.func @transform_0(%arg0: i32) -> (i32, i32) {
    %c0_i32 = arith.constant 0 : i32
    %c0_i32_0 = arith.constant 0 : i32
    return %arg0, %c0_i32 : i32, i32
  }
  func.func @transform_1(%arg0: i32) -> (i32, i32) {
    %c0_i32 = arith.constant 0 : i32
    %c0_i32_0 = arith.constant 0 : i32
    return %arg0, %c0_i32 : i32, i32
  }
  func.func @transform_2(%arg0: i32) -> (i32, i32) {
    %c0_i32 = arith.constant 0 : i32
    %c0_i32_0 = arith.constant 0 : i32
    %c0_i32_1 = arith.constant 0 : i32
    return %c0_i32, %c0_i32_0 : i32, i32
  }
  func.func @transform_3(%arg0: i32) -> (i32, i32) {
    %c0_i32 = arith.constant 0 : i32
    %c0_i32_0 = arith.constant 0 : i32
    %c0_i32_1 = arith.constant 0 : i32
    return %c0_i32, %c0_i32_0 : i32, i32
  }
}

module attributes {stable_mosaic.version = 14 : i64} {
  func.func @_pass2_body(%arg0: i32, %arg1: memref<4096x4xf32, #tpu.memory_space<vmem>>, %arg2: memref<256x3xf32, #tpu.memory_space<vmem>>, %arg3: memref<4096x64xf32, #tpu.memory_space<vmem>>, %arg4: memref<10x32xf32, #tpu.memory_space<vmem>>, %arg5: memref<8x128xf32, #tpu.memory_space<vmem>>, %arg6: memref<32x67xf32, #tpu.memory_space<vmem>>, %arg7: memref<1x67xf32, #tpu.memory_space<vmem>>, %arg8: memref<256x128xf32, #tpu.memory_space<vmem>>, %arg9: memref<8x128xf32, #tpu.memory_space<vmem>>) attributes {dimension_semantics = [#tpu.dimension_semantics<arbitrary>], iteration_bounds = array<i64: 16>, scalar_prefetch = 0 : i64, scratch_operands = 0 : i64, tpu.core_type = #tpu.core_type<tc>, window_params = [{transform_indices = @transform_0, window_bounds = array<i64: 4096, 4>}, {transform_indices = @transform_1, window_bounds = array<i64: 256, 3>}, {transform_indices = @transform_2, window_bounds = array<i64: 4096, 64>}, {pipeline_mode = #tpu.pipeline_mode<synchronous>, transform_indices = @transform_3, window_bounds = array<i64: 10, 32>}, {pipeline_mode = #tpu.pipeline_mode<synchronous>, transform_indices = @transform_4, window_bounds = array<i64: 8, 128>}, {pipeline_mode = #tpu.pipeline_mode<synchronous>, transform_indices = @transform_5, window_bounds = array<i64: 32, 67>}, {pipeline_mode = #tpu.pipeline_mode<synchronous>, transform_indices = @transform_6, window_bounds = array<i64: 1, 67>}, {transform_indices = @transform_7, window_bounds = array<i64: 256, 128>}, {pipeline_mode = #tpu.pipeline_mode<synchronous>, transform_indices = @transform_8, window_bounds = array<i64: 8, 128>}]} {
    %get3A = arith.constant 0 : index
    %get3A_0 = arith.constant 0 : index
    %get3A_1 = vector.load %arg1[%get3A, %get3A_0] : memref<4096x4xf32, #tpu.memory_space<vmem>>, vector<4096x4xf32>
    %get3A_2 = arith.constant 0 : index
    %get3A_3 = arith.constant 0 : index
    %get3A_4 = vector.load %arg2[%get3A_2, %get3A_3] : memref<256x3xf32, #tpu.memory_space<vmem>>, vector<256x3xf32>
    %get3A_5 = arith.constant 0 : index
    %get3A_6 = arith.constant 0 : index
    %get3A_7 = vector.load %arg4[%get3A_5, %get3A_6] : memref<10x32xf32, #tpu.memory_space<vmem>>, vector<10x32xf32>
    %reshape3A = vector.shape_cast %get3A_1 : vector<4096x4xf32> to vector<256x16x4xf32>
    %slice3A = vector.extract_strided_slice %reshape3A {offsets = [0, 0, 0], sizes = [256, 16, 3], strides = [1, 1, 1]} : vector<256x16x4xf32> to vector<256x16x3xf32>
    %slice3A_8 = vector.extract_strided_slice %reshape3A {offsets = [0, 0, 3], sizes = [256, 16, 1], strides = [1, 1, 1]} : vector<256x16x4xf32> to vector<256x16x1xf32>
    %reshape3A_9 = vector.shape_cast %get3A_4 : vector<256x3xf32> to vector<256x1x3xf32>
    %sub3A = vector.broadcast %reshape3A_9 : vector<256x1x3xf32> to vector<256x16x3xf32>
    %sub3A_10 = arith.subf %slice3A, %sub3A : vector<256x16x3xf32>
    %slice3A_11 = vector.extract_strided_slice %reshape3A {offsets = [0, 0, 0], sizes = [256, 1, 3], strides = [1, 1, 1]} : vector<256x16x4xf32> to vector<256x1x3xf32>
    %broadcast_in_dim3A = vector.shape_cast %slice3A_11 : vector<256x1x3xf32> to vector<256x1x3xf32>
    %broadcast_in_dim3A_12 = vector.broadcast %broadcast_in_dim3A : vector<256x1x3xf32> to vector<256x16x3xf32>
    %add3A = arith.constant 9.99999996E-13 : f32
    %add3A_13 = vector.broadcast %add3A : f32 to vector<256x16x1xf32>
    %add3A_14 = arith.addf %slice3A_8, %add3A_13 : vector<256x16x1xf32>
    %sqrt3A = math.sqrt %add3A_14 : vector<256x16x1xf32>
    %concatenate3A = tpu.concatenate %sqrt3A, %broadcast_in_dim3A_12, %slice3A, %sub3A_10 in 2 : vector<256x16x1xf32>, vector<256x16x3xf32>, vector<256x16x3xf32>, vector<256x16x3xf32> -> vector<256x16x10xf32>
    %reshape3A_15 = vector.shape_cast %concatenate3A : vector<256x16x10xf32> to vector<4096x10xf32>
    %dot_general3A = arith.constant dense<0.000000e+00> : vector<4096x32xf32>
    %dot_general3A_16 = tpu.matmul %reshape3A_15, %get3A_7, %dot_general3A {dimension_numbers = #tpu.dot_dimension_numbers<[1], [0], [0], [1], [0, 0, 1, 1], [], []>, transpose_lhs_hint = false} : vector<4096x10xf32>, vector<10x32xf32>, vector<4096x32xf32> -> vector<4096x32xf32>
    %get3A_17 = arith.constant 0 : index
    %get3A_18 = arith.constant 0 : index
    %get3A_19 = vector.load %arg5[%get3A_17, %get3A_18] : memref<8x128xf32, #tpu.memory_space<vmem>>, vector<1x32xf32>
    %get3A_20 = arith.constant 1 : index
    %get3A_21 = arith.constant 0 : index
    %get3A_22 = vector.load %arg5[%get3A_20, %get3A_21] : memref<8x128xf32, #tpu.memory_space<vmem>>, vector<1x32xf32>
    %mul3A = arith.constant 1.52587891E-5 : f32
    %mul3A_23 = vector.broadcast %mul3A : f32 to vector<1x32xf32>
    %mul3A_24 = arith.mulf %get3A_19, %mul3A_23 : vector<1x32xf32>
    %mul3A_25 = arith.constant 1.52587891E-5 : f32
    %mul3A_26 = vector.broadcast %mul3A_25 : f32 to vector<1x32xf32>
    %mul3A_27 = arith.mulf %get3A_22, %mul3A_26 : vector<1x32xf32>
    %mul3A_28 = arith.mulf %mul3A_24, %mul3A_24 : vector<1x32xf32>
    %sub3A_29 = arith.subf %mul3A_27, %mul3A_28 : vector<1x32xf32>
    %add3A_30 = arith.constant 9.99999974E-6 : f32
    %add3A_31 = vector.broadcast %add3A_30 : f32 to vector<1x32xf32>
    %add3A_32 = arith.addf %sub3A_29, %add3A_31 : vector<1x32xf32>
    %rsqrt3A = math.rsqrt %add3A_32 : vector<1x32xf32>
    %sub3A_33 = vector.broadcast %mul3A_24 : vector<1x32xf32> to vector<4096x32xf32>
    %sub3A_34 = arith.subf %dot_general3A_16, %sub3A_33 : vector<4096x32xf32>
    %mul3A_35 = vector.broadcast %rsqrt3A : vector<1x32xf32> to vector<4096x32xf32>
    %mul3A_36 = arith.mulf %sub3A_34, %mul3A_35 : vector<4096x32xf32>
    %max3A = arith.constant 0.000000e+00 : f32
    %max3A_37 = vector.broadcast %max3A : f32 to vector<4096x32xf32>
    %max3A_38 = arith.maximumf %mul3A_36, %max3A_37 : vector<4096x32xf32>
    %get3A_39 = arith.constant 0 : index
    %get3A_40 = arith.constant 0 : index
    %get3A_41 = vector.load %arg6[%get3A_39, %get3A_40] : memref<32x67xf32, #tpu.memory_space<vmem>>, vector<32x67xf32>
    %dot_general3A_42 = arith.constant dense<0.000000e+00> : vector<4096x67xf32>
    %dot_general3A_43 = tpu.matmul %max3A_38, %get3A_41, %dot_general3A_42 {dimension_numbers = #tpu.dot_dimension_numbers<[1], [0], [0], [1], [0, 0, 1, 1], [], []>, transpose_lhs_hint = false} : vector<4096x32xf32>, vector<32x67xf32>, vector<4096x67xf32> -> vector<4096x67xf32>
    %get3A_44 = arith.constant 0 : index
    %get3A_45 = arith.constant 0 : index
    %get3A_46 = vector.load %arg7[%get3A_44, %get3A_45] : memref<1x67xf32, #tpu.memory_space<vmem>>, vector<1x67xf32>
    %add3A_47 = vector.broadcast %get3A_46 : vector<1x67xf32> to vector<4096x67xf32>
    %add3A_48 = arith.addf %dot_general3A_43, %add3A_47 : vector<4096x67xf32>
    %get3A_49 = arith.constant 0 : index
    %get3A_50 = arith.constant 0 : index
    %get3A_51 = vector.load %arg3[%get3A_49, %get3A_50] : memref<4096x64xf32, #tpu.memory_space<vmem>>, vector<4096x64xf32>
    %reshape3A_52 = vector.shape_cast %get3A_51 : vector<4096x64xf32> to vector<256x16x64xf32>
    %concatenate3A_53 = tpu.concatenate %reshape3A_52, %sub3A_10 in 2 : vector<256x16x64xf32>, vector<256x16x3xf32> -> vector<256x16x67xf32>
    %reshape3A_54 = vector.shape_cast %add3A_48 : vector<4096x67xf32> to vector<256x16x67xf32>
    %mul3A_55 = arith.mulf %reshape3A_54, %concatenate3A_53 : vector<256x16x67xf32>
    %reshape3A_56 = vector.shape_cast %mul3A_55 : vector<256x16x67xf32> to vector<4096x67xf32>
    %reduce_max3A = arith.constant dense<0xFF800000> : vector<256x67xf32>
    %reduce_max3A_57 = vector.multi_reduction <maximumf>, %mul3A_55, %reduce_max3A [1] : vector<256x16x67xf32> to vector<256x67xf32>
    %broadcast_in_dim3A_58 = arith.constant 0.000000e+00 : f32
    %broadcast_in_dim3A_59 = vector.broadcast %broadcast_in_dim3A_58 : f32 to vector<256x61xf32>
    %concatenate3A_60 = tpu.concatenate %reduce_max3A_57, %broadcast_in_dim3A_59 in 1 : vector<256x67xf32>, vector<256x61xf32> -> vector<256x128xf32>
    %swap3A = arith.constant 0 : index
    %swap3A_61 = arith.constant 0 : index
    %swap3A_62 = vector.load %arg8[%swap3A, %swap3A_61] : memref<256x128xf32, #tpu.memory_space<vmem>>, vector<256x128xf32>
    tpu.vector_store %arg8[%swap3A, %swap3A_61], %concatenate3A_60 {strides = array<i32>} : memref<256x128xf32, #tpu.memory_space<vmem>>, vector<256x128xf32>,
    %eq3A = arith.constant 0 : i32
    %eq3A_63 = arith.cmpi eq, %arg0, %eq3A : i32
    %convert_element_type3A = arith.extui %eq3A_63 : i1 to i32
    %cond3A = arith.constant 0 : i32
    %cond3A_64 = arith.cmpi ne, %convert_element_type3A, %cond3A : i32
    scf.if %cond3A_64 {
      %broadcast_in_dim3A_85 = arith.constant 0.000000e+00 : f32
      %broadcast_in_dim3A_86 = vector.broadcast %broadcast_in_dim3A_85 : f32 to vector<8x128xf32>
      %swap3A_87 = arith.constant 0 : index
      %swap3A_88 = arith.constant 0 : index
      %swap3A_89 = vector.load %arg9[%swap3A_87, %swap3A_88] : memref<8x128xf32, #tpu.memory_space<vmem>>, vector<8x128xf32>
      tpu.vector_store %arg9[%swap3A_87, %swap3A_88], %broadcast_in_dim3A_86 {strides = array<i32>} : memref<8x128xf32, #tpu.memory_space<vmem>>, vector<8x128xf32>,
    } else {
    }
    %get3A_65 = arith.constant 0 : index
    %get3A_66 = arith.constant 0 : index
    %get3A_67 = vector.load %arg9[%get3A_65, %get3A_66] : memref<8x128xf32, #tpu.memory_space<vmem>>, vector<1x67xf32>
    %reduce_sum3A = arith.constant dense<0.000000e+00> : vector<67xf32>
    %reduce_sum3A_68 = vector.multi_reduction <add>, %reshape3A_56, %reduce_sum3A [0] : vector<4096x67xf32> to vector<67xf32>
    %broadcast_in_dim3A_69 = vector.shape_cast %reduce_sum3A_68 : vector<67xf32> to vector<1x67xf32>
    %add3A_70 = arith.addf %get3A_67, %broadcast_in_dim3A_69 : vector<1x67xf32>
    %swap3A_71 = arith.constant 0 : index
    %swap3A_72 = arith.constant 0 : index
    %swap3A_73 = vector.load %arg9[%swap3A_71, %swap3A_72] : memref<8x128xf32, #tpu.memory_space<vmem>>, vector<1x67xf32>
    tpu.vector_store %arg9[%swap3A_71, %swap3A_72], %add3A_70 {strides = array<i32>} : memref<8x128xf32, #tpu.memory_space<vmem>>, vector<1x67xf32>,
    %get3A_74 = arith.constant 1 : index
    %get3A_75 = arith.constant 0 : index
    %get3A_76 = vector.load %arg9[%get3A_74, %get3A_75] : memref<8x128xf32, #tpu.memory_space<vmem>>, vector<1x67xf32>
    %mul3A_77 = arith.mulf %reshape3A_56, %reshape3A_56 : vector<4096x67xf32>
    %reduce_sum3A_78 = arith.constant dense<0.000000e+00> : vector<67xf32>
    %reduce_sum3A_79 = vector.multi_reduction <add>, %mul3A_77, %reduce_sum3A_78 [0] : vector<4096x67xf32> to vector<67xf32>
    %broadcast_in_dim3A_80 = vector.shape_cast %reduce_sum3A_79 : vector<67xf32> to vector<1x67xf32>
    %add3A_81 = arith.addf %get3A_76, %broadcast_in_dim3A_80 : vector<1x67xf32>
    %swap3A_82 = arith.constant 1 : index
    %swap3A_83 = arith.constant 0 : index
    %swap3A_84 = vector.load %arg9[%swap3A_82, %swap3A_83] : memref<8x128xf32, #tpu.memory_space<vmem>>, vector<1x67xf32>
    tpu.vector_store %arg9[%swap3A_82, %swap3A_83], %add3A_81 {strides = array<i32>} : memref<8x128xf32, #tpu.memory_space<vmem>>, vector<1x67xf32>,
    return
  }
  func.func @transform_0(%arg0: i32) -> (i32, i32) {
    %c0_i32 = arith.constant 0 : i32
    %c0_i32_0 = arith.constant 0 : i32
    return %arg0, %c0_i32 : i32, i32
  }
  func.func @transform_1(%arg0: i32) -> (i32, i32) {
    %c0_i32 = arith.constant 0 : i32
    %c0_i32_0 = arith.constant 0 : i32
    return %arg0, %c0_i32 : i32, i32
  }
  func.func @transform_2(%arg0: i32) -> (i32, i32) {
    %c0_i32 = arith.constant 0 : i32
    %c0_i32_0 = arith.constant 0 : i32
    return %arg0, %c0_i32 : i32, i32
  }
  func.func @transform_3(%arg0: i32) -> (i32, i32) {
    %c0_i32 = arith.constant 0 : i32
    %c0_i32_0 = arith.constant 0 : i32
    %c0_i32_1 = arith.constant 0 : i32
    return %c0_i32, %c0_i32_0 : i32, i32
  }
  func.func @transform_4(%arg0: i32) -> (i32, i32) {
    %c0_i32 = arith.constant 0 : i32
    %c0_i32_0 = arith.constant 0 : i32
    %c0_i32_1 = arith.constant 0 : i32
    return %c0_i32, %c0_i32_0 : i32, i32
  }
  func.func @transform_5(%arg0: i32) -> (i32, i32) {
    %c0_i32 = arith.constant 0 : i32
    %c0_i32_0 = arith.constant 0 : i32
    %c0_i32_1 = arith.constant 0 : i32
    return %c0_i32, %c0_i32_0 : i32, i32
  }
  func.func @transform_6(%arg0: i32) -> (i32, i32) {
    %c0_i32 = arith.constant 0 : i32
    %c0_i32_0 = arith.constant 0 : i32
    %c0_i32_1 = arith.constant 0 : i32
    return %c0_i32, %c0_i32_0 : i32, i32
  }
  func.func @transform_7(%arg0: i32) -> (i32, i32) {
    %c0_i32 = arith.constant 0 : i32
    %c0_i32_0 = arith.constant 0 : i32
    return %arg0, %c0_i32 : i32, i32
  }
  func.func @transform_8(%arg0: i32) -> (i32, i32) {
    %c0_i32 = arith.constant 0 : i32
    %c0_i32_0 = arith.constant 0 : i32
    %c0_i32_1 = arith.constant 0 : i32
    return %c0_i32, %c0_i32_0 : i32, i32
  }
}

module attributes {stable_mosaic.version = 14 : i64} {
  func.func @_pass2_body(%arg0: i32, %arg1: memref<4096x4xf32, #tpu.memory_space<vmem>>, %arg2: memref<128x3xf32, #tpu.memory_space<vmem>>, %arg3: memref<4096x64xf32, #tpu.memory_space<vmem>>, %arg4: memref<10x32xf32, #tpu.memory_space<vmem>>, %arg5: memref<8x128xf32, #tpu.memory_space<vmem>>, %arg6: memref<32x67xf32, #tpu.memory_space<vmem>>, %arg7: memref<1x67xf32, #tpu.memory_space<vmem>>, %arg8: memref<128x128xf32, #tpu.memory_space<vmem>>, %arg9: memref<8x128xf32, #tpu.memory_space<vmem>>) attributes {dimension_semantics = [#tpu.dimension_semantics<arbitrary>], iteration_bounds = array<i64: 32>, scalar_prefetch = 0 : i64, scratch_operands = 0 : i64, tpu.core_type = #tpu.core_type<tc>, window_params = [{transform_indices = @transform_0, window_bounds = array<i64: 4096, 4>}, {transform_indices = @transform_1, window_bounds = array<i64: 128, 3>}, {transform_indices = @transform_2, window_bounds = array<i64: 4096, 64>}, {pipeline_mode = #tpu.pipeline_mode<synchronous>, transform_indices = @transform_3, window_bounds = array<i64: 10, 32>}, {pipeline_mode = #tpu.pipeline_mode<synchronous>, transform_indices = @transform_4, window_bounds = array<i64: 8, 128>}, {pipeline_mode = #tpu.pipeline_mode<synchronous>, transform_indices = @transform_5, window_bounds = array<i64: 32, 67>}, {pipeline_mode = #tpu.pipeline_mode<synchronous>, transform_indices = @transform_6, window_bounds = array<i64: 1, 67>}, {transform_indices = @transform_7, window_bounds = array<i64: 128, 128>}, {pipeline_mode = #tpu.pipeline_mode<synchronous>, transform_indices = @transform_8, window_bounds = array<i64: 8, 128>}]} {
    %get3A = arith.constant 0 : index
    %get3A_0 = arith.constant 0 : index
    %get3A_1 = vector.load %arg1[%get3A, %get3A_0] : memref<4096x4xf32, #tpu.memory_space<vmem>>, vector<4096x4xf32>
    %get3A_2 = arith.constant 0 : index
    %get3A_3 = arith.constant 0 : index
    %get3A_4 = vector.load %arg2[%get3A_2, %get3A_3] : memref<128x3xf32, #tpu.memory_space<vmem>>, vector<128x3xf32>
    %get3A_5 = arith.constant 0 : index
    %get3A_6 = arith.constant 0 : index
    %get3A_7 = vector.load %arg4[%get3A_5, %get3A_6] : memref<10x32xf32, #tpu.memory_space<vmem>>, vector<10x32xf32>
    %reshape3A = vector.shape_cast %get3A_1 : vector<4096x4xf32> to vector<128x32x4xf32>
    %slice3A = vector.extract_strided_slice %reshape3A {offsets = [0, 0, 0], sizes = [128, 32, 3], strides = [1, 1, 1]} : vector<128x32x4xf32> to vector<128x32x3xf32>
    %slice3A_8 = vector.extract_strided_slice %reshape3A {offsets = [0, 0, 3], sizes = [128, 32, 1], strides = [1, 1, 1]} : vector<128x32x4xf32> to vector<128x32x1xf32>
    %reshape3A_9 = vector.shape_cast %get3A_4 : vector<128x3xf32> to vector<128x1x3xf32>
    %sub3A = vector.broadcast %reshape3A_9 : vector<128x1x3xf32> to vector<128x32x3xf32>
    %sub3A_10 = arith.subf %slice3A, %sub3A : vector<128x32x3xf32>
    %slice3A_11 = vector.extract_strided_slice %reshape3A {offsets = [0, 0, 0], sizes = [128, 1, 3], strides = [1, 1, 1]} : vector<128x32x4xf32> to vector<128x1x3xf32>
    %broadcast_in_dim3A = vector.shape_cast %slice3A_11 : vector<128x1x3xf32> to vector<128x1x3xf32>
    %broadcast_in_dim3A_12 = vector.broadcast %broadcast_in_dim3A : vector<128x1x3xf32> to vector<128x32x3xf32>
    %add3A = arith.constant 9.99999996E-13 : f32
    %add3A_13 = vector.broadcast %add3A : f32 to vector<128x32x1xf32>
    %add3A_14 = arith.addf %slice3A_8, %add3A_13 : vector<128x32x1xf32>
    %sqrt3A = math.sqrt %add3A_14 : vector<128x32x1xf32>
    %concatenate3A = tpu.concatenate %sqrt3A, %broadcast_in_dim3A_12, %slice3A, %sub3A_10 in 2 : vector<128x32x1xf32>, vector<128x32x3xf32>, vector<128x32x3xf32>, vector<128x32x3xf32> -> vector<128x32x10xf32>
    %reshape3A_15 = vector.shape_cast %concatenate3A : vector<128x32x10xf32> to vector<4096x10xf32>
    %dot_general3A = arith.constant dense<0.000000e+00> : vector<4096x32xf32>
    %dot_general3A_16 = tpu.matmul %reshape3A_15, %get3A_7, %dot_general3A {dimension_numbers = #tpu.dot_dimension_numbers<[1], [0], [0], [1], [0, 0, 1, 1], [], []>, transpose_lhs_hint = false} : vector<4096x10xf32>, vector<10x32xf32>, vector<4096x32xf32> -> vector<4096x32xf32>
    %get3A_17 = arith.constant 0 : index
    %get3A_18 = arith.constant 0 : index
    %get3A_19 = vector.load %arg5[%get3A_17, %get3A_18] : memref<8x128xf32, #tpu.memory_space<vmem>>, vector<1x32xf32>
    %get3A_20 = arith.constant 1 : index
    %get3A_21 = arith.constant 0 : index
    %get3A_22 = vector.load %arg5[%get3A_20, %get3A_21] : memref<8x128xf32, #tpu.memory_space<vmem>>, vector<1x32xf32>
    %mul3A = arith.constant 7.62939453E-6 : f32
    %mul3A_23 = vector.broadcast %mul3A : f32 to vector<1x32xf32>
    %mul3A_24 = arith.mulf %get3A_19, %mul3A_23 : vector<1x32xf32>
    %mul3A_25 = arith.constant 7.62939453E-6 : f32
    %mul3A_26 = vector.broadcast %mul3A_25 : f32 to vector<1x32xf32>
    %mul3A_27 = arith.mulf %get3A_22, %mul3A_26 : vector<1x32xf32>
    %mul3A_28 = arith.mulf %mul3A_24, %mul3A_24 : vector<1x32xf32>
    %sub3A_29 = arith.subf %mul3A_27, %mul3A_28 : vector<1x32xf32>
    %add3A_30 = arith.constant 9.99999974E-6 : f32
    %add3A_31 = vector.broadcast %add3A_30 : f32 to vector<1x32xf32>
    %add3A_32 = arith.addf %sub3A_29, %add3A_31 : vector<1x32xf32>
    %rsqrt3A = math.rsqrt %add3A_32 : vector<1x32xf32>
    %sub3A_33 = vector.broadcast %mul3A_24 : vector<1x32xf32> to vector<4096x32xf32>
    %sub3A_34 = arith.subf %dot_general3A_16, %sub3A_33 : vector<4096x32xf32>
    %mul3A_35 = vector.broadcast %rsqrt3A : vector<1x32xf32> to vector<4096x32xf32>
    %mul3A_36 = arith.mulf %sub3A_34, %mul3A_35 : vector<4096x32xf32>
    %max3A = arith.constant 0.000000e+00 : f32
    %max3A_37 = vector.broadcast %max3A : f32 to vector<4096x32xf32>
    %max3A_38 = arith.maximumf %mul3A_36, %max3A_37 : vector<4096x32xf32>
    %get3A_39 = arith.constant 0 : index
    %get3A_40 = arith.constant 0 : index
    %get3A_41 = vector.load %arg6[%get3A_39, %get3A_40] : memref<32x67xf32, #tpu.memory_space<vmem>>, vector<32x67xf32>
    %dot_general3A_42 = arith.constant dense<0.000000e+00> : vector<4096x67xf32>
    %dot_general3A_43 = tpu.matmul %max3A_38, %get3A_41, %dot_general3A_42 {dimension_numbers = #tpu.dot_dimension_numbers<[1], [0], [0], [1], [0, 0, 1, 1], [], []>, transpose_lhs_hint = false} : vector<4096x32xf32>, vector<32x67xf32>, vector<4096x67xf32> -> vector<4096x67xf32>
    %get3A_44 = arith.constant 0 : index
    %get3A_45 = arith.constant 0 : index
    %get3A_46 = vector.load %arg7[%get3A_44, %get3A_45] : memref<1x67xf32, #tpu.memory_space<vmem>>, vector<1x67xf32>
    %add3A_47 = vector.broadcast %get3A_46 : vector<1x67xf32> to vector<4096x67xf32>
    %add3A_48 = arith.addf %dot_general3A_43, %add3A_47 : vector<4096x67xf32>
    %get3A_49 = arith.constant 0 : index
    %get3A_50 = arith.constant 0 : index
    %get3A_51 = vector.load %arg3[%get3A_49, %get3A_50] : memref<4096x64xf32, #tpu.memory_space<vmem>>, vector<4096x64xf32>
    %reshape3A_52 = vector.shape_cast %get3A_51 : vector<4096x64xf32> to vector<128x32x64xf32>
    %concatenate3A_53 = tpu.concatenate %reshape3A_52, %sub3A_10 in 2 : vector<128x32x64xf32>, vector<128x32x3xf32> -> vector<128x32x67xf32>
    %reshape3A_54 = vector.shape_cast %add3A_48 : vector<4096x67xf32> to vector<128x32x67xf32>
    %mul3A_55 = arith.mulf %reshape3A_54, %concatenate3A_53 : vector<128x32x67xf32>
    %reshape3A_56 = vector.shape_cast %mul3A_55 : vector<128x32x67xf32> to vector<4096x67xf32>
    %reduce_max3A = arith.constant dense<0xFF800000> : vector<128x67xf32>
    %reduce_max3A_57 = vector.multi_reduction <maximumf>, %mul3A_55, %reduce_max3A [1] : vector<128x32x67xf32> to vector<128x67xf32>
    %broadcast_in_dim3A_58 = arith.constant 0.000000e+00 : f32
    %broadcast_in_dim3A_59 = vector.broadcast %broadcast_in_dim3A_58 : f32 to vector<128x61xf32>
    %concatenate3A_60 = tpu.concatenate %reduce_max3A_57, %broadcast_in_dim3A_59 in 1 : vector<128x67xf32>, vector<128x61xf32> -> vector<128x128xf32>
    %swap3A = arith.constant 0 : index
    %swap3A_61 = arith.constant 0 : index
    %swap3A_62 = vector.load %arg8[%swap3A, %swap3A_61] : memref<128x128xf32, #tpu.memory_space<vmem>>, vector<128x128xf32>
    tpu.vector_store %arg8[%swap3A, %swap3A_61], %concatenate3A_60 {strides = array<i32>} : memref<128x128xf32, #tpu.memory_space<vmem>>, vector<128x128xf32>,
    %eq3A = arith.constant 0 : i32
    %eq3A_63 = arith.cmpi eq, %arg0, %eq3A : i32
    %convert_element_type3A = arith.extui %eq3A_63 : i1 to i32
    %cond3A = arith.constant 0 : i32
    %cond3A_64 = arith.cmpi ne, %convert_element_type3A, %cond3A : i32
    scf.if %cond3A_64 {
      %broadcast_in_dim3A_85 = arith.constant 0.000000e+00 : f32
      %broadcast_in_dim3A_86 = vector.broadcast %broadcast_in_dim3A_85 : f32 to vector<8x128xf32>
      %swap3A_87 = arith.constant 0 : index
      %swap3A_88 = arith.constant 0 : index
      %swap3A_89 = vector.load %arg9[%swap3A_87, %swap3A_88] : memref<8x128xf32, #tpu.memory_space<vmem>>, vector<8x128xf32>
      tpu.vector_store %arg9[%swap3A_87, %swap3A_88], %broadcast_in_dim3A_86 {strides = array<i32>} : memref<8x128xf32, #tpu.memory_space<vmem>>, vector<8x128xf32>,
    } else {
    }
    %get3A_65 = arith.constant 0 : index
    %get3A_66 = arith.constant 0 : index
    %get3A_67 = vector.load %arg9[%get3A_65, %get3A_66] : memref<8x128xf32, #tpu.memory_space<vmem>>, vector<1x67xf32>
    %reduce_sum3A = arith.constant dense<0.000000e+00> : vector<67xf32>
    %reduce_sum3A_68 = vector.multi_reduction <add>, %reshape3A_56, %reduce_sum3A [0] : vector<4096x67xf32> to vector<67xf32>
    %broadcast_in_dim3A_69 = vector.shape_cast %reduce_sum3A_68 : vector<67xf32> to vector<1x67xf32>
    %add3A_70 = arith.addf %get3A_67, %broadcast_in_dim3A_69 : vector<1x67xf32>
    %swap3A_71 = arith.constant 0 : index
    %swap3A_72 = arith.constant 0 : index
    %swap3A_73 = vector.load %arg9[%swap3A_71, %swap3A_72] : memref<8x128xf32, #tpu.memory_space<vmem>>, vector<1x67xf32>
    tpu.vector_store %arg9[%swap3A_71, %swap3A_72], %add3A_70 {strides = array<i32>} : memref<8x128xf32, #tpu.memory_space<vmem>>, vector<1x67xf32>,
    %get3A_74 = arith.constant 1 : index
    %get3A_75 = arith.constant 0 : index
    %get3A_76 = vector.load %arg9[%get3A_74, %get3A_75] : memref<8x128xf32, #tpu.memory_space<vmem>>, vector<1x67xf32>
    %mul3A_77 = arith.mulf %reshape3A_56, %reshape3A_56 : vector<4096x67xf32>
    %reduce_sum3A_78 = arith.constant dense<0.000000e+00> : vector<67xf32>
    %reduce_sum3A_79 = vector.multi_reduction <add>, %mul3A_77, %reduce_sum3A_78 [0] : vector<4096x67xf32> to vector<67xf32>
    %broadcast_in_dim3A_80 = vector.shape_cast %reduce_sum3A_79 : vector<67xf32> to vector<1x67xf32>
    %add3A_81 = arith.addf %get3A_76, %broadcast_in_dim3A_80 : vector<1x67xf32>
    %swap3A_82 = arith.constant 1 : index
    %swap3A_83 = arith.constant 0 : index
    %swap3A_84 = vector.load %arg9[%swap3A_82, %swap3A_83] : memref<8x128xf32, #tpu.memory_space<vmem>>, vector<1x67xf32>
    tpu.vector_store %arg9[%swap3A_82, %swap3A_83], %add3A_81 {strides = array<i32>} : memref<8x128xf32, #tpu.memory_space<vmem>>, vector<1x67xf32>,
    return
  }
  func.func @transform_0(%arg0: i32) -> (i32, i32) {
    %c0_i32 = arith.constant 0 : i32
    %c0_i32_0 = arith.constant 0 : i32
    return %arg0, %c0_i32 : i32, i32
  }
  func.func @transform_1(%arg0: i32) -> (i32, i32) {
    %c0_i32 = arith.constant 0 : i32
    %c0_i32_0 = arith.constant 0 : i32
    return %arg0, %c0_i32 : i32, i32
  }
  func.func @transform_2(%arg0: i32) -> (i32, i32) {
    %c0_i32 = arith.constant 0 : i32
    %c0_i32_0 = arith.constant 0 : i32
    return %arg0, %c0_i32 : i32, i32
  }
  func.func @transform_3(%arg0: i32) -> (i32, i32) {
    %c0_i32 = arith.constant 0 : i32
    %c0_i32_0 = arith.constant 0 : i32
    %c0_i32_1 = arith.constant 0 : i32
    return %c0_i32, %c0_i32_0 : i32, i32
  }
  func.func @transform_4(%arg0: i32) -> (i32, i32) {
    %c0_i32 = arith.constant 0 : i32
    %c0_i32_0 = arith.constant 0 : i32
    %c0_i32_1 = arith.constant 0 : i32
    return %c0_i32, %c0_i32_0 : i32, i32
  }
  func.func @transform_5(%arg0: i32) -> (i32, i32) {
    %c0_i32 = arith.constant 0 : i32
    %c0_i32_0 = arith.constant 0 : i32
    %c0_i32_1 = arith.constant 0 : i32
    return %c0_i32, %c0_i32_0 : i32, i32
  }
  func.func @transform_6(%arg0: i32) -> (i32, i32) {
    %c0_i32 = arith.constant 0 : i32
    %c0_i32_0 = arith.constant 0 : i32
    %c0_i32_1 = arith.constant 0 : i32
    return %c0_i32, %c0_i32_0 : i32, i32
  }
  func.func @transform_7(%arg0: i32) -> (i32, i32) {
    %c0_i32 = arith.constant 0 : i32
    %c0_i32_0 = arith.constant 0 : i32
    return %arg0, %c0_i32 : i32, i32
  }
  func.func @transform_8(%arg0: i32) -> (i32, i32) {
    %c0_i32 = arith.constant 0 : i32
    %c0_i32_0 = arith.constant 0 : i32
    %c0_i32_1 = arith.constant 0 : i32
    return %c0_i32, %c0_i32_0 : i32, i32
  }
}

module attributes {stable_mosaic.version = 14 : i64} {
  func.func @_pass3_body(%arg0: memref<4096x128xf32, #tpu.memory_space<vmem>>, %arg1: memref<8x128xf32, #tpu.memory_space<vmem>>, %arg2: memref<4096x128xf32, #tpu.memory_space<vmem>>, %arg3: memref<8x128xf32, #tpu.memory_space<vmem>>, %arg4: memref<67x128xf32, #tpu.memory_space<vmem>>, %arg5: memref<4096x128xf32, #tpu.memory_space<vmem>>, %arg6: memref<4096x128xf32, #tpu.memory_space<vmem>>) attributes {dimension_semantics = [], scalar_prefetch = 0 : i64, scratch_operands = 0 : i64, tpu.core_type = #tpu.core_type<tc>} {
    %get3A = arith.constant 0 : index
    %get3A_0 = arith.constant 0 : index
    %get3A_1 = vector.load %arg1[%get3A, %get3A_0] : memref<8x128xf32, #tpu.memory_space<vmem>>, vector<1x67xf32>
    %get3A_2 = arith.constant 1 : index
    %get3A_3 = arith.constant 0 : index
    %get3A_4 = vector.load %arg1[%get3A_2, %get3A_3] : memref<8x128xf32, #tpu.memory_space<vmem>>, vector<1x67xf32>
    %mul3A = arith.constant 1.52587891E-5 : f32
    %mul3A_5 = vector.broadcast %mul3A : f32 to vector<1x67xf32>
    %mul3A_6 = arith.mulf %get3A_1, %mul3A_5 : vector<1x67xf32>
    %mul3A_7 = arith.constant 1.52587891E-5 : f32
    %mul3A_8 = vector.broadcast %mul3A_7 : f32 to vector<1x67xf32>
    %mul3A_9 = arith.mulf %get3A_4, %mul3A_8 : vector<1x67xf32>
    %mul3A_10 = arith.mulf %mul3A_6, %mul3A_6 : vector<1x67xf32>
    %sub3A = arith.subf %mul3A_9, %mul3A_10 : vector<1x67xf32>
    %add3A = arith.constant 9.99999974E-6 : f32
    %add3A_11 = vector.broadcast %add3A : f32 to vector<1x67xf32>
    %add3A_12 = arith.addf %sub3A, %add3A_11 : vector<1x67xf32>
    %rsqrt3A = math.rsqrt %add3A_12 : vector<1x67xf32>
    %get3A_13 = arith.constant 0 : index
    %get3A_14 = arith.constant 0 : index
    %get3A_15 = vector.load %arg0[%get3A_13, %get3A_14] : memref<4096x128xf32, #tpu.memory_space<vmem>>, vector<4096x128xf32>
    %slice3A = vector.extract_strided_slice %get3A_15 {offsets = [0, 0], sizes = [4096, 67], strides = [1, 1]} : vector<4096x128xf32> to vector<4096x67xf32>
    %sub3A_16 = vector.broadcast %mul3A_6 : vector<1x67xf32> to vector<4096x67xf32>
    %sub3A_17 = arith.subf %slice3A, %sub3A_16 : vector<4096x67xf32>
    %mul3A_18 = vector.broadcast %rsqrt3A : vector<1x67xf32> to vector<4096x67xf32>
    %mul3A_19 = arith.mulf %sub3A_17, %mul3A_18 : vector<4096x67xf32>
    %max3A = arith.constant 0.000000e+00 : f32
    %max3A_20 = vector.broadcast %max3A : f32 to vector<4096x67xf32>
    %max3A_21 = arith.maximumf %mul3A_19, %max3A_20 : vector<4096x67xf32>
    %get3A_22 = arith.constant 0 : index
    %get3A_23 = arith.constant 0 : index
    %get3A_24 = vector.load %arg4[%get3A_22, %get3A_23] : memref<67x128xf32, #tpu.memory_space<vmem>>, vector<67x128xf32>
    %dot_general3A = arith.constant dense<0.000000e+00> : vector<4096x128xf32>
    %dot_general3A_25 = tpu.matmul %max3A_21, %get3A_24, %dot_general3A {dimension_numbers = #tpu.dot_dimension_numbers<[1], [0], [0], [1], [0, 0, 1, 1], [], []>, transpose_lhs_hint = false} : vector<4096x67xf32>, vector<67x128xf32>, vector<4096x128xf32> -> vector<4096x128xf32>
    %reduce_sum3A = arith.constant dense<0.000000e+00> : vector<128xf32>
    %reduce_sum3A_26 = vector.multi_reduction <add>, %dot_general3A_25, %reduce_sum3A [0] : vector<4096x128xf32> to vector<128xf32>
    %broadcast_in_dim3A = vector.shape_cast %reduce_sum3A_26 : vector<128xf32> to vector<1x128xf32>
    %mul3A_27 = arith.constant 2.44140625E-4 : f32
    %mul3A_28 = vector.broadcast %mul3A_27 : f32 to vector<1x128xf32>
    %mul3A_29 = arith.mulf %broadcast_in_dim3A, %mul3A_28 : vector<1x128xf32>
    %mul3A_30 = arith.mulf %dot_general3A_25, %dot_general3A_25 : vector<4096x128xf32>
    %reduce_sum3A_31 = arith.constant dense<0.000000e+00> : vector<128xf32>
    %reduce_sum3A_32 = vector.multi_reduction <add>, %mul3A_30, %reduce_sum3A_31 [0] : vector<4096x128xf32> to vector<128xf32>
    %broadcast_in_dim3A_33 = vector.shape_cast %reduce_sum3A_32 : vector<128xf32> to vector<1x128xf32>
    %mul3A_34 = arith.constant 2.44140625E-4 : f32
    %mul3A_35 = vector.broadcast %mul3A_34 : f32 to vector<1x128xf32>
    %mul3A_36 = arith.mulf %broadcast_in_dim3A_33, %mul3A_35 : vector<1x128xf32>
    %mul3A_37 = arith.mulf %mul3A_29, %mul3A_29 : vector<1x128xf32>
    %sub3A_38 = arith.subf %mul3A_36, %mul3A_37 : vector<1x128xf32>
    %sub3A_39 = vector.broadcast %mul3A_29 : vector<1x128xf32> to vector<4096x128xf32>
    %sub3A_40 = arith.subf %dot_general3A_25, %sub3A_39 : vector<4096x128xf32>
    %add3A_41 = arith.constant 9.99999974E-6 : f32
    %add3A_42 = vector.broadcast %add3A_41 : f32 to vector<1x128xf32>
    %add3A_43 = arith.addf %sub3A_38, %add3A_42 : vector<1x128xf32>
    %rsqrt3A_44 = math.rsqrt %add3A_43 : vector<1x128xf32>
    %mul3A_45 = vector.broadcast %rsqrt3A_44 : vector<1x128xf32> to vector<4096x128xf32>
    %mul3A_46 = arith.mulf %sub3A_40, %mul3A_45 : vector<4096x128xf32>
    %max3A_47 = arith.constant 0.000000e+00 : f32
    %max3A_48 = vector.broadcast %max3A_47 : f32 to vector<4096x128xf32>
    %max3A_49 = arith.maximumf %mul3A_46, %max3A_48 : vector<4096x128xf32>
    %swap3A = arith.constant 0 : index
    %swap3A_50 = arith.constant 0 : index
    %swap3A_51 = vector.load %arg5[%swap3A, %swap3A_50] : memref<4096x128xf32, #tpu.memory_space<vmem>>, vector<4096x128xf32>
    tpu.vector_store %arg5[%swap3A, %swap3A_50], %max3A_49 {strides = array<i32>} : memref<4096x128xf32, #tpu.memory_space<vmem>>, vector<4096x128xf32>,
    %get3A_52 = arith.constant 0 : index
    %get3A_53 = arith.constant 0 : index
    %get3A_54 = vector.load %arg3[%get3A_52, %get3A_53] : memref<8x128xf32, #tpu.memory_space<vmem>>, vector<1x67xf32>
    %get3A_55 = arith.constant 1 : index
    %get3A_56 = arith.constant 0 : index
    %get3A_57 = vector.load %arg3[%get3A_55, %get3A_56] : memref<8x128xf32, #tpu.memory_space<vmem>>, vector<1x67xf32>
    %mul3A_58 = arith.constant 7.62939453E-6 : f32
    %mul3A_59 = vector.broadcast %mul3A_58 : f32 to vector<1x67xf32>
    %mul3A_60 = arith.mulf %get3A_54, %mul3A_59 : vector<1x67xf32>
    %mul3A_61 = arith.constant 7.62939453E-6 : f32
    %mul3A_62 = vector.broadcast %mul3A_61 : f32 to vector<1x67xf32>
    %mul3A_63 = arith.mulf %get3A_57, %mul3A_62 : vector<1x67xf32>
    %mul3A_64 = arith.mulf %mul3A_60, %mul3A_60 : vector<1x67xf32>
    %sub3A_65 = arith.subf %mul3A_63, %mul3A_64 : vector<1x67xf32>
    %add3A_66 = arith.constant 9.99999974E-6 : f32
    %add3A_67 = vector.broadcast %add3A_66 : f32 to vector<1x67xf32>
    %add3A_68 = arith.addf %sub3A_65, %add3A_67 : vector<1x67xf32>
    %rsqrt3A_69 = math.rsqrt %add3A_68 : vector<1x67xf32>
    %get3A_70 = arith.constant 0 : index
    %get3A_71 = arith.constant 0 : index
    %get3A_72 = vector.load %arg2[%get3A_70, %get3A_71] : memref<4096x128xf32, #tpu.memory_space<vmem>>, vector<4096x128xf32>
    %slice3A_73 = vector.extract_strided_slice %get3A_72 {offsets = [0, 0], sizes = [4096, 67], strides = [1, 1]} : vector<4096x128xf32> to vector<4096x67xf32>
    %sub3A_74 = vector.broadcast %mul3A_60 : vector<1x67xf32> to vector<4096x67xf32>
    %sub3A_75 = arith.subf %slice3A_73, %sub3A_74 : vector<4096x67xf32>
    %mul3A_76 = vector.broadcast %rsqrt3A_69 : vector<1x67xf32> to vector<4096x67xf32>
    %mul3A_77 = arith.mulf %sub3A_75, %mul3A_76 : vector<4096x67xf32>
    %max3A_78 = arith.constant 0.000000e+00 : f32
    %max3A_79 = vector.broadcast %max3A_78 : f32 to vector<4096x67xf32>
    %max3A_80 = arith.maximumf %mul3A_77, %max3A_79 : vector<4096x67xf32>
    %get3A_81 = arith.constant 0 : index
    %get3A_82 = arith.constant 0 : index
    %get3A_83 = vector.load %arg4[%get3A_81, %get3A_82] : memref<67x128xf32, #tpu.memory_space<vmem>>, vector<67x128xf32>
    %dot_general3A_84 = arith.constant dense<0.000000e+00> : vector<4096x128xf32>
    %dot_general3A_85 = tpu.matmul %max3A_80, %get3A_83, %dot_general3A_84 {dimension_numbers = #tpu.dot_dimension_numbers<[1], [0], [0], [1], [0, 0, 1, 1], [], []>, transpose_lhs_hint = false} : vector<4096x67xf32>, vector<67x128xf32>, vector<4096x128xf32> -> vector<4096x128xf32>
    %reduce_sum3A_86 = arith.constant dense<0.000000e+00> : vector<128xf32>
    %reduce_sum3A_87 = vector.multi_reduction <add>, %dot_general3A_85, %reduce_sum3A_86 [0] : vector<4096x128xf32> to vector<128xf32>
    %broadcast_in_dim3A_88 = vector.shape_cast %reduce_sum3A_87 : vector<128xf32> to vector<1x128xf32>
    %mul3A_89 = arith.constant 2.44140625E-4 : f32
    %mul3A_90 = vector.broadcast %mul3A_89 : f32 to vector<1x128xf32>
    %mul3A_91 = arith.mulf %broadcast_in_dim3A_88, %mul3A_90 : vector<1x128xf32>
    %mul3A_92 = arith.mulf %dot_general3A_85, %dot_general3A_85 : vector<4096x128xf32>
    %reduce_sum3A_93 = arith.constant dense<0.000000e+00> : vector<128xf32>
    %reduce_sum3A_94 = vector.multi_reduction <add>, %mul3A_92, %reduce_sum3A_93 [0] : vector<4096x128xf32> to vector<128xf32>
    %broadcast_in_dim3A_95 = vector.shape_cast %reduce_sum3A_94 : vector<128xf32> to vector<1x128xf32>
    %mul3A_96 = arith.constant 2.44140625E-4 : f32
    %mul3A_97 = vector.broadcast %mul3A_96 : f32 to vector<1x128xf32>
    %mul3A_98 = arith.mulf %broadcast_in_dim3A_95, %mul3A_97 : vector<1x128xf32>
    %mul3A_99 = arith.mulf %mul3A_91, %mul3A_91 : vector<1x128xf32>
    %sub3A_100 = arith.subf %mul3A_98, %mul3A_99 : vector<1x128xf32>
    %sub3A_101 = vector.broadcast %mul3A_91 : vector<1x128xf32> to vector<4096x128xf32>
    %sub3A_102 = arith.subf %dot_general3A_85, %sub3A_101 : vector<4096x128xf32>
    %add3A_103 = arith.constant 9.99999974E-6 : f32
    %add3A_104 = vector.broadcast %add3A_103 : f32 to vector<1x128xf32>
    %add3A_105 = arith.addf %sub3A_100, %add3A_104 : vector<1x128xf32>
    %rsqrt3A_106 = math.rsqrt %add3A_105 : vector<1x128xf32>
    %mul3A_107 = vector.broadcast %rsqrt3A_106 : vector<1x128xf32> to vector<4096x128xf32>
    %mul3A_108 = arith.mulf %sub3A_102, %mul3A_107 : vector<4096x128xf32>
    %max3A_109 = arith.constant 0.000000e+00 : f32
    %max3A_110 = vector.broadcast %max3A_109 : f32 to vector<4096x128xf32>
    %max3A_111 = arith.maximumf %mul3A_108, %max3A_110 : vector<4096x128xf32>
    %swap3A_112 = arith.constant 0 : index
    %swap3A_113 = arith.constant 0 : index
    %swap3A_114 = vector.load %arg6[%swap3A_112, %swap3A_113] : memref<4096x128xf32, #tpu.memory_space<vmem>>, vector<4096x128xf32>
    tpu.vector_store %arg6[%swap3A_112, %swap3A_113], %max3A_111 {strides = array<i32>} : memref<4096x128xf32, #tpu.memory_space<vmem>>, vector<4096x128xf32>,
    return
  }
}

</mosaic_0001>

<sc_bundles>
// kernel: kernel.10.cloned.1.call-start
scs
__scs_entry_jumppad:
0x0: {  	(pc) =	sbr.rel $0x88, $3  }
0x1: {  	(tag) =	ssettag $0x0;
	lr =	simm.s32 $0x1  }
0x2: {  	[smem:$0x3F9B] =	sst lr;
	_ =	strace $0xD0000000  }
0x3: {  	_ = 	snop  }
0x4: {  	_ = 	snop  }
0x5: {  	_ = 	snop  }
0x6: {  	_ = 	snop  }
0x7: {  	_ = 	snop  }
__scs_overlays_trampoline_lowered:
0x8: {  	[smem:$0x3FAA] =	sst s0  }
0x9: {  	[smem:$0x3FAB] =	sst s1  }
0xa: {  	[smem:$0x3FAC] =	sst s2  }
0xb: {  	[smem:$0x3FAD] =	sst s3  }
0xc: {  	[smem:$0x3FAE] =	sst s4  }
0xd: {  	[smem:$0x3FAF] =	sst s5  }
0xe: {  	[smem:$0x3FB0] =	sst s6  }
0xf: {  	[smem:$0x3FB1] =	sst s7  }
0x10: {  	[smem:$0x3FB2] =	sst s8  }
0x11: {  	[smem:$0x3FB3] =	sst s9;
	s0 =	simm.s32 @!p0 $0x0  }
0x12: {  	s1 =	sld [smem:$0x3F99];
	s0 =	simm.s32 @p0 $0x1  }
0x13: {  	[smem:$0x3FB4] =	sst s0;
	s0 =	simm.s32 @!p1 $0x0  }
0x14: {  	s2 =	sld [smem:$0x3F98];
	s0 =	simm.s32 @p1 $0x1  }
0x15: {  	[smem:$0x3FB5] =	sst s0;
	s0 =	simm.s32 @!p2 $0x0  }
0x16: {  	s3 =	sld [smem:$0x3FDB];
	s0 =	simm.s32 @p2 $0x1  }
0x17: {  	s4 =	simm.s32 $0x1BF5;
	[smem:$0x3FB7] =	sst s0  }
0x18: {  	s0 =	sld [smem:$0x3F9A];
	_ =	swait.ge [sflag:s4], $0x0  }
0x19: {  	s7 =	sld [smem:$0x3F9B]  }
0x1a: {  	s8 =	sadd.s32 $0xFFFFE003, lr  }
0x1b: {  	s9 =	sadd.s32 $0xFFFFFEF7, lr;
	s5 =	simm.s32 $0xFFFFFFFF;
	p2 =	slt.u32 s8, $0xFFFFF086  }
0x1c: {  	p1 =	slt.u32 s9, $0xF7A;
	s5 =	simm.s32 @!p2 $0x0  }
0x1d: {  	s5 =	simm.s32 @p1 $0x1;
	p0 =	seq.s32 s7, s2  }
0x1e: {  	s7 =	smul.u32 @!p0 $0xF7A, s2;
	p2 =	seq.s32 @!p0 s5, $0x0  }
0x1f: {  	s9 =	smul.u32 $0xF7A, s1;
	s8 =	simm.s32 @!p0 $0x1BF5;
	p2 =	por !p2, p0  }
0x20: {  	[sflag:s8] =	ssyncset.s32 @!p0 $0xFFFFF086;
	s6 =	sadd.s32 @!p0 s3, s7;
	s7 =	simm.s32 @!p0 $0x108  }
0x21: {  	s3 =	sadd.s32 s3, s9;
	s6 =	sadd.s32 @!p0 $0x88, s6;
	s7 =	simm.s32 @p2 $0x1082  }
0x22: {  	[simem:s7], [sflag:s8] =	dma.local @!p0 [hbm:s6], $0xF7A  }
0x23: {  	s9 =	sor.u32 $0xD0000000, s2;
	s6 =	simm.s32 $0x108;
	_ =	swait.ge @!p0 [sflag:s8], $0x0  }
0x24: {  	s3 =	sadd.s32 $0x88, s3;
	s6 =	simm.s32 @!p1 $0x1082;
	[sflag:s4] =	ssyncset.s32 $0xFFFFF086  }
0x25: {  	[simem:s6], [sflag:s4] =	dma.local [hbm:s3], $0xF7A  }
0x26: {  	[smem:$0x3F9B] =	sst s1;
	(tag) =	ssettag s2;
	_ =	strace s9  }
0x27: {  	s1 =	sld [smem:$0x3FAB]  }
0x28: {  	s2 =	sld [smem:$0x3FAC]  }
0x29: {  	s4 =	sld [smem:$0x3FAE]  }
0x2a: {  	p0 =	seq.s32 s5, $0x0;
	s5 =	sld [smem:$0x3FAF]  }
0x2b: {  	s6 =	sld [smem:$0x3FB0]  }
0x2c: {  	s7 =	sld [smem:$0x3FB1]  }
0x2d: {  	s3 =	simm.s32 $0x108;
	s8 =	sld [smem:$0x3FB2]  }
0x2e: {  	s3 =	simm.s32 @!p0 $0x1082;
	s9 =	sld [smem:$0x3FB3]  }
0x2f: {  	lr =	sadd.s32 s0, s3;
	s0 =	sld [smem:$0x3FAA]  }
0x30: {  	s3 =	sld [smem:$0x3FAD]  }
0x31: {  	[smem:$0x3FB6] =	sst s10  }
0x32: {  	s10 =	sld [smem:$0x3FB4];
	_ =	sdelay $0x3  }
0x33: {  	p0 =	seq.s32 s10, $0x1;
	s10 =	sld [smem:$0x3FB6];
	_ =	sdelay $0x3  }
0x34: {  	[smem:$0x3FB6] =	sst s10  }
0x35: {  	s10 =	sld [smem:$0x3FB5];
	_ =	sdelay $0x3  }
0x36: {  	p1 =	seq.s32 s10, $0x1;
	s10 =	sld [smem:$0x3FB6];
	_ =	sdelay $0x3  }
0x37: {  	[smem:$0x3FB6] =	sst s10  }
0x38: {  	s10 =	sld [smem:$0x3FB7]  }
0x39: {  	_ = 	snop;
	(pc) =	sbr.ind lr, $3  }
0x3a: {  	_ = 	snop  }
0x3b: {  	_ = 	snop  }
0x3c: {  	p2 =	seq.s32 s10, $0x1;
	s10 =	sld [smem:$0x3FB6]  }
0x3d: {  	_ =	shalt  }
0x3e: {  	_ =	shalt  }
0x3f: {  	_ =	shalt  }
0x40: {  	_ =	shalt  }
0x41: {  	_ =	shalt  }
0x42: {  	_ =	shalt  }
0x43: {  	_ =	shalt  }
0x44: {  	_ =	shalt  }
0x45: {  	_ =	shalt  }
0x46: {  	_ =	shalt  }
0x47: {  	_ =	shalt  }
0x48: {  	_ =	shalt  }
0x49: {  	_ =	shalt  }
0x4a: {  	_ =	shalt  }
0x4b: {  	_ =	shalt  }
0x4c: {  	_ =	shalt  }
0x4d: {  	_ =	shalt  }
0x4e: {  	_ =	shalt  }
0x4f: {  	_ =	shalt  }
0x50: {  	_ =	shalt  }
0x51: {  	_ =	shalt  }
0x52: {  	_ =	shalt  }
0x53: {  	_ =	shalt  }
0x54: {  	_ =	shalt  }
0x55: {  	_ =	shalt  }
0x56: {  	_ =	shalt  }
0x57: {  	_ =	shalt  }
0x58: {  	_ =	shalt  }
0x59: {  	_ =	shalt  }
0x5a: {  	_ =	shalt  }
0x5b: {  	_ =	shalt  }
0x5c: {  	_ =	shalt  }
0x5d: {  	_ =	shalt  }
0x5e: {  	_ =	shalt  }
0x5f: {  	_ =	shalt  }
0x60: {  	_ =	shalt  }
0x61: {  	_ =	shalt  }
0x62: {  	_ =	shalt  }
0x63: {  	_ =	shalt  }
0x64: {  	_ =	shalt  }
0x65: {  	_ =	shalt  }
0x66: {  	_ =	shalt  }
0x67: {  	_ =	shalt  }
0x68: {  	_ =	shalt  }
0x69: {  	_ =	shalt  }
0x6a: {  	_ =	shalt  }
0x6b: {  	_ =	shalt  }
0x6c: {  	_ =	shalt  }
0x6d: {  	_ =	shalt  }
0x6e: {  	_ =	shalt  }
0x6f: {  	_ =	shalt  }
0x70: {  	_ =	shalt  }
0x71: {  	_ =	shalt  }
0x72: {  	_ =	shalt  }
0x73: {  	_ =	shalt  }
0x74: {  	_ =	shalt  }
0x75: {  	_ =	shalt  }
0x76: {  	_ =	shalt  }
0x77: {  	_ =	shalt  }
0x78: {  	_ =	shalt  }
0x79: {  	_ =	shalt  }
0x7a: {  	_ =	shalt  }
0x7b: {  	_ =	shalt  }
0x7c: {  	_ =	shalt  }
0x7d: {  	_ =	shalt  }
0x7e: {  	_ =	shalt  }
0x7f: {  	_ =	shalt  }
0x80: {  	_ =	shalt  }
0x81: {  	_ =	shalt  }
0x82: {  	_ =	shalt  }
0x83: {  	_ =	shalt  }
0x84: {  	_ =	shalt  }
0x85: {  	_ =	shalt  }
0x86: {  	_ =	shalt  }
0x87: {  	_ =	shalt  }
.Lfunc_end0:
.L_simem_size_0:
called_computation_lowered:
.L_overlay_start_0:
0x88: {  	s2 =	sld [smem:$0x3FD9]  }
0x89: {  	s3 =	sld [smem:$0x3FFE];
	_ =	sdelay $0x1  }
0x8a: {  	s1 =	srdreg.scid  }
0x8b: {  	s0 =	sand.u32 $0x1, s1  }
0x8c: {  	s14 =	sshll.u32 s0, $0xA;
	s2 =	sadd.s32 s3, s2  }
0x8d: {  	s2 =	sadd.s32 s2, s14  }
0x8e: {  	[smem:$0x3FC2] =	sst s2  }
0x8f: {  	_ = 	snop  }
0x90: {  	s2 =	sld [smem:$0x3FD0];
	_ =	sdelay $0x2  }
0x91: {  	s15 =	simm.s32 $0xA;
	s4 =	simm.s32 $0x10  }
0x92: {  	[smem:s4], [sflag:s15] =	dma.local [hbm:s2], $0x1  }
0x93: {  	_ =	swait.eq [sflag:s15], $0x1  }
0x94: {  	[sflag:s15] =	ssyncset.done $0x0  }
0x95: {  	s16 =	sld [smem:$0x10];
	[sflag:s15] =	ssyncadd.s32 $0xFFFFFFFF  }
0x96: {  	s17 =	sld [smem:$0x11];
	(tm) =	ssettm $0x1  }
0x97: {  	s18 =	sld [smem:$0x3FFB];
	_ =	sdelay $0x3  }
0x98: {  	_ =	strace s18  }
0x99: {  	s4 =	sld [smem:$0x3FFC];
	_ =	sdelay $0x3  }
0x9a: {  	_ =	strace s4  }
0x9b: {  	s4 =	sld [smem:$0x3FFD];
	_ =	sdelay $0x3  }
0x9c: {  	_ =	strace s4  }
0x9d: {  	_ =	strace $0x8FFFFFFF  }
0x9e: {  	s19 =	sld [smem:$0x3FDB];
	_ =	sdelay $0x1  }
0x9f: {  	s5 =	simm.s32 $_scs_section_size  }
0xa0: {  	s6 =	simm.s32 $_size__tile_overlayer_lowered;
	s7 =	simm.s32 $_tile_overlayer_lowered  }
0xa1: {  	s22 =	simm.s32 $0x1BFF;
	s21 =	sshll.u32 s7, $0x1;
	s4 =	sadd.s32 s5, s19  }
0xa2: {  	s8 =	simm.s32 $0x0;
	s20 =	sshll.u32 s6, $0x1;
	s6 =	sadd.s32 s21, s4  }
0xa3: {  	[timem:s8], [sflag:s22] =	dma.local [hbm:s6], s20  }
0xa4: {  	_ =	swait.ge [sflag:s22], s20  }
0xa5: {  	s5 =	ssub.s32 $0x0, s20;
	[sflag:s22] =	ssyncset.done $0x0  }
0xa6: {  	[sflag:s22] =	ssyncadd.s32 s5;
	_ =	sdelay $0x1  }
0xa7: {  	s23 =	simm.s32 $0x1B8B  }
0xa8: {  	_ =	swait.ge [sflag:s23], $0x1  }
0xa9: {  	[sflag:s23] =	ssyncset.done $0x0  }
0xaa: {  	s25 =	simm.s32 $0x1B8E;
	s24 =	sld [smem:$0x3FFE];
	[sflag:s23] =	ssyncadd.s32 $0xFFFFFFFF  }
0xab: {  	s26 =	simm.s32 $execute0_lowered;
	[smem:$0x3FD2] =	sst s25  }
0xac: {  	s6 =	sshll.u32 s26, $0x1;
	_ =	strace $0x80000046;
	[dreg:$0x1] =	wrdreg $0xFFFFFFFF  }
0xad: {  	s28 =	simm.s32 $_size_execute0_lowered;
	s4 =	sadd.s32 s4, s6;
	[dreg:$0x0] =	wrdreg $0x0  }
0xae: {  	s6 =	sshll.u32 s28, $0x1;
	[dreg:$0x2] =	wrdreg s4  }
0xaf: {  	[dreg:$0x3] =	wrdreg s6  }
0xb0: {  	[dreg:$0x4] =	wrdreg $0xC0  }
0xb1: {  	_ =	task [dreg:s8], $0x5FFFF  }
0xb2: {  	[dreg:$0x1] =	wrdreg $0xFFFFFFFF  }
0xb3: {  	[dreg:$0x0] =	wrdreg $0x60  }
0xb4: {  	[dreg:$0x2] =	wrdreg s24  }
0xb5: {  	[dreg:$0x3] =	wrdreg s16  }
0xb6: {  	[dreg:$0x4] =	wrdreg s17  }
0xb7: {  	[dreg:$0x5] =	wrdreg $0x9  }
0xb8: {  	_ =	task.clear_ibuf [dreg:s8], $0x6FFFF;
	_ =	strace $0x90000046  }
0xb9: {  	s29 =	simm.s32 $0x9;
	_ =	strace $0x80000048  }
0xba: {  	_ =	swait.ge [sflag:s29], $0x1  }
0xbb: {  	[sflag:s29] =	ssyncadd.s32 $0xFFFFFFFF  }
0xbc: {  	_ =	strace $0x90000048  }
0xbd: {  	_ =	sfence  }
0xbe: {  	s30 =	sld [smem:$0x0];
	_ =	sdelay $0x2  }
0xbf: {  	s31 =	sshll.u32 s1, $0xD;
	s1 =	sshrl.u32 s1, $0x2  }
0xc0: {  	s3 =	sand.u32 $0x4000, s31;
	s1 =	sadd.s32 s1, s30  }
0xc1: {  	s0 =	sor.u32 s3, s0;
	s1 =	sshll.u32 s1, $0x11  }
0xc2: {  	s0 =	sor.u32 s1, s0  }
0xc3: {  	s0 =	sadd.s32 $0x8F2B, s0  }
0xc4: {  	[sflag:s0] =	ssyncadd.remote.s32 $0x1  }
0xc5: {  	_ =	sfence.sel $0xFFFF  }
0xc6: {  	[dreg:$0x0] =	wrdreg $0xFFFFFFFF;
	(pc) =	sbr.abs _section_cstart, $3  }
0xc7: {  	[dreg:$0x1] =	wrdreg $0xFFFFFFFF  }
0xc8: {  	_ =	task.clear_ibuf [dreg:s8], $0x2FFFF;
	_ =	strace $0x9FFFFFFF  }
0xc9: {  	(tm) =	ssettm $0x7FFFFFFF  }
tec
execute0_lowered:
.L_overlay_start_1:
0x0: {  	(tag) =	ssettag $0x1  }
0x1: {  	s4 =	rddreg [dreg:$0x0]  }
0x2: {  	s0 =	srdreg.scid;
	s7 =	rddreg [dreg:$0x1]  }
0x3: {  	s2 =	stileid.u32;
	s13 =	rddreg [dreg:$0x2];
	s3 =	simm.s32 $0x1  }
0x4: {  	s17 =	simm.s32 $0xFFFFFFFF;
	s0 =	sand.u32 $0x1, s0;
	s8 =	sand.u32 $0x7, s2  }
0x5: {  	s30 =	simm.s32 $0x0;
	s1 =	sshll.u32 s0, $0x4;
	p1 =	sne.s32 s8, $0x0  }
0x6: {  	s6 =	sshll.u32 s8, $0x7;
	s11 =	sshll.u32 s8, $0xB;
	s1 =	sor.u32 s2, s1  }
0x7: {  	s29 =	sshll.u32 s8, $0xE;
	s22 =	sshll.u32 s8, $0xC;
	p0 =	seq.s32 s1, $0x0  }
0x8: {  	s0 =	ssub.s32 $0x2, s0;
	s2 =	simm.s32 $0x0;
	p0 =	por !p1, !p0  }
0x9: {  	s5 =	sshrl.u32 s1, $0x3;
	[smem:$0x7FF] =	sst s2;
	p0 =	por !p0, !p0  }
0xa: {  	s1 =	sshll.u32 s1, $0xA;
	_ =	strace $0x80000047;
	s3 =	simm.s32 @!p0 $0x0  }
0xb: {  	s17 =	simm.s32 @!p0 $0x0;
	s9 =	ssub.s32 s5, s3;
	s3 =	simm.s32 $0x1  }
0xc: {  	s18 =	sshll.u32 s9, $0xD;
	s10 =	sshll.u32 s9, $0xA;
	s25 =	sshll.u32 s9, $0xE  }
0xd: {  	s28 =	sshll.u32 s9, $0x11;
	s21 =	sshll.u32 s9, $0xF;
	s24 =	sshrl.u32 s18, $0x3  }
0xe: {  	s6 =	sor.u32 s6, s10;
	s26 =	sor.u32 s11, s25;
	s20 =	sor.u32 s29, s28  }
0xf: {  	s23 =	sor.u32 s22, s21;
	s25 =	sshll.u32 s9, $0x12;
	s29 =	sand.u32 $0x6000, s1  }
0x10: {  	s21 =	simm.s32 $0x139B0;
	s22 =	simm.s32 $0x139E0;
	s12 =	sadd.s32 s24, s4  }
0x11: {  	s14 =	sshrl.u32 s6, $0x3;
	s5 =	sshrl.u32 s26, $0x3;
	s24 =	sshrl.u32 s0, $0x1  }
0x12: {  	s26 =	sshll.u32 s8, $0xF;
	s31 =	sadd.s32 s14, s4;
	s15 =	sadd.s32 s5, s4  }
0x13: {  	s5 =	sshrl.u32 s20, $0x3;
	s0 =	ssub.s32 s0, s24;
	s6 =	sadd.s32 $0x1E00, s12  }
0x14: {  	s7 =	sadd.s32 s7, s14;
	s24 =	simm.s32 $0x13A40;
	s16 =	sadd.s32 s5, s4  }
0x15: {  	s5 =	sshrl.u32 s23, $0x3;
	s8 =	sadd.s32 $0x4E00, s31;
	s9 =	sadd.s32 $0x5000, s31  }
0x16: {  	s10 =	sadd.s32 $0x15200, s15;
	s14 =	smax.u32 s0, $0x1;
	s31 =	sshll.u32 s17, $0xD  }
.Ltmp0:
0x17: {  	s17 =	simm.s32 $0x4000;
	s23 =	simm.s32 $0x13A10;
	(pc) =	sbr.rel .LBB2_1-.Ltmp0, $4  }
0x18: {  	s19 =	sadd.s32 s5, s4;
	s4 =	sadd.s32 $0x2E00, s12;
	s5 =	sadd.s32 $0x3E00, s12  }
0x19: {  	s12 =	sor.u32 s26, s25;
	s15 =	sadd.s32 s31, s29;
	s25 =	simm.s32 $0x79B0  }
0x1a: {  	s26 =	simm.s32 $0xB9B0;
	s11 =	sadd.s32 $0x17200, s19;
	s28 =	sshrl.u32 s12, $0x3  }
0x1b: {  	v1 =	vimm.s32 $0x0;
	v2 =	vlaneseq.u32;
	v0 =	vmov s18;
	s12 =	sadd.s32 $0x5200, s16;
	s16 =	simm.s32 $0x2000;
	s13 =	sadd.s32 s13, s28  }
.LBB2_10:
0x1c: {  	s0 =	simm.s32 $0x61B0  }
0x1d: {  	[hbm4b:s10+s2] =	stream.linear.scatter [tilespmem:s0], [sflag:$0x1], $0x800, $0x38;
	[tilespmem:$0x13AB0] =	vst v63  }
0x1e: {  	_ =	swait.ge [sflag:s3], $0x800  }
0x1f: {  	[sflag:s3] =	ssyncset.done $0x0  }
0x20: {  	s31 =	simm.s32 $0x69B0;
	[sflag:s3] =	ssyncadd.s32 $0xFFFFF800  }
0x21: {  	[hbm4b:s11+s2] =	stream.linear.scatter [tilespmem:s31], [sflag:$0x1], $0x1000, $0x38;
	[tilespmem:$0x13AB0] =	vst v63  }
0x22: {  	_ =	swait.ge [sflag:s3], $0x1000  }
0x23: {  	[sflag:s3] =	ssyncset.done $0x0  }
0x24: {  	[sflag:s3] =	ssyncadd.s32 $0xFFFFF000  }
0x25: {  	[hbm4b:s12+s2] =	stream.linear.scatter [tilespmem:s25], [sflag:$0x1], $0x4000, $0x38;
	[tilespmem:$0x13AB0] =	vst v63  }
0x26: {  	s30 =	sadd.s32 $0x1, s30;
	_ =	swait.ge [sflag:s3], $0x4000  }
0x27: {  	p0 =	sne.s32 s30, s14;
	[sflag:s3] =	ssyncset.done $0x0  }
.Ltmp1:
0x28: {  	[sflag:s3] =	ssyncadd.s32 $0xFFFFC000;
	(pc) =	sbr.rel @!p0 .LBB2_11-.Ltmp1, $4  }
0x29: {  	[hbm4b:s13+s2] =	stream.linear.scatter [tilespmem:s26], [sflag:$0x1], $0x8000, $0x38;
	[tilespmem:$0x13AB0] =	vst v63  }
0x2a: {  	_ =	swait.ge [sflag:s3], $0x8000  }
0x2b: {  	[sflag:s3] =	ssyncset.done $0x0  }
0x2c: {  	[sflag:s3] =	ssyncadd.s32 $0xFFFF8000  }
.LBB2_1:
0x2d: {  	[tilespmem:s2], [sflag:$0x1] =	stream.linear.gather [hbm4b:s4+s2], $0x2000, $0x38;
	[tilespmem:$0x13AB0] =	vst v63  }
0x2e: {  	_ =	swait.ge [sflag:s3], $0x2000  }
0x2f: {  	[sflag:s3] =	ssyncset.done $0x0  }
0x30: {  	[sflag:s3] =	ssyncadd.s32 $0xFFFFE000  }
0x31: {  	[tilespmem:s16], [sflag:$0x1] =	stream.linear.gather [hbm4b:s5+s2], $0x2000, $0x38;
	[tilespmem:$0x13AB0] =	vst v63  }
0x32: {  	_ =	swait.ge [sflag:s3], $0x2000  }
0x33: {  	[sflag:s3] =	ssyncset.done $0x0  }
0x34: {  	[sflag:s3] =	ssyncadd.s32 $0xFFFFE000  }
0x35: {  	[tilespmem:s17], [sflag:$0x1] =	stream.linear.gather [hbm4b:s6+s2], $0x2000, $0x38;
	[tilespmem:$0x13AB0] =	vst v63  }
0x36: {  	_ =	swait.ge [sflag:s3], $0x2000  }
0x37: {  	[sflag:s3] =	ssyncset.done $0x0  }
0x38: {  	s0 =	simm.s32 $0x6000;
	[sflag:s3] =	ssyncadd.s32 $0xFFFFE000  }
0x39: {  	[tilespmem:s0], [sflag:$0x1] =	stream.linear.gather [hbm4b:s7+s2], $0x80, $0x38;
	[tilespmem:$0x13AB0] =	vst v63  }
0x3a: {  	_ =	swait.ge [sflag:s3], $0x80  }
0x3b: {  	[sflag:s3] =	ssyncset.done $0x0  }
0x3c: {  	s28 =	simm.s32 $0x6090;
	[sflag:s3] =	ssyncadd.s32 $0xFFFFFF80  }
0x3d: {  	[tilespmem:s28], [sflag:$0x1] =	stream.linear.gather [hbm4b:s8+s2], $0x80, $0x38;
	[tilespmem:$0x13AB0] =	vst v63  }
0x3e: {  	_ =	swait.ge [sflag:s3], $0x80  }
0x3f: {  	[sflag:s3] =	ssyncset.done $0x0  }
.Ltmp2:
0x40: {  	s29 =	simm.s32 $0x6120;
	[sflag:s3] =	ssyncadd.s32 $0xFFFFFF80;
	(pc) =	sbr.rel .LBB2_2-.Ltmp2, $4  }
0x41: {  	[tilespmem:s29], [sflag:$0x1] =	stream.linear.gather [hbm4b:s9+s2], $0x80, $0x38;
	[tilespmem:$0x13AB0] =	vst v63  }
0x42: {  	_ =	swait.ge [sflag:s3], $0x80  }
0x43: {  	[sflag:s3] =	ssyncset.done $0x0  }
0x44: {  	s31 =	simm.s32 $0x0;
	[sflag:s3] =	ssyncadd.s32 $0xFFFFFF80  }
.LBB2_9:
0x45: {  	v3 =	vld [tilespmem:$0x13A70];
	_ =	sdelay $0x4  }
0x46: {  	(v2sf) =	vpush v3, $0x0;
	_ =	sdelay $0xc  }
0x47: {  	v3 =	vld [tilespmem:$0x139B0];
	_ =	sdelay $0x1  }
0x48: {  	s0 =	spop (v2sf)  }
0x49: {  	p0 =	slt.s32 s0, $0x10  }
0x4a: {  	s0 =	simm.s32 @!p0 $0x10  }
0x4b: {  	v5 =	vadd.s32 $0x1, v2;
	v6 =	vbroadcast v3, $0x0;
	v4 =	vmov s0  }
0x4c: {  	v7 =	vld [tilespmem:$0x13A80];
	vm0 =	vlt.s32 v4, v5  }
0x4d: {  	v3 =	vsel vm0, v6, v3  }
0x4e: {  	v43 =	vsub.s32 v3, v0  }
0x4f: {  	v6 =	vand.u32 $0x7, v3;
	v4 =	vand.u32 $0xFFFFFFF8, v43  }
0x50: {  	v4 =	vor.u32 v6, v4  }
0x51: {  	(v2sf) =	vpush v7, $0x0  }
0x52: {  	s28 =	sshll.u32 s31, $0x4  }
0x53: {  	v44 =	vmov s31;
	v8 =	vmul.u32 $0x8, v2;
	s0 =	sand.u32 $0x3FFFFFF0, s28  }
0x54: {  	v45 =	vld [tilespmem:$0x139E0];
	[tilespmem:s0+$0x61B0] =	vst v3;
	v3 =	vshll.u32 v44, $0x7  }
0x55: {  	v11 =	vor.u32 $0x1, v8;
	v10 =	vor.u32 v8, v3;
	v9 =	vld.idx.msk [tilespmem:v4+s2+$0x0], $0xffff  }
0x56: {  	v14 =	vor.u32 $0x2, v8;
	v13 =	vor.u32 v11, v3;
	v12 =	vld.idx.msk [tilespmem:v4+s16+$0x0], $0xffff  }
0x57: {  	v16 =	vor.u32 $0x3, v8;
	v15 =	vor.u32 v14, v3;
	v4 =	vld.idx.msk [tilespmem:v4+s17+$0x0], $0xffff  }
0x58: {  	v3 =	vor.u32 v16, v3;
	_ =	sdelay $0x1  }
0x59: {  	v46 =	vbroadcast v45, $0x0;
	[tilespmem:v10+s25+$0x0] =	vst.idx.msk $0xffff, v9  }
0x5a: {  	[tilespmem:v13+s25+$0x0] =	vst.idx.msk $0xffff, v12  }
0x5b: {  	v7 =	vsel vm0, v46, v45;
	[tilespmem:v15+s25+$0x0] =	vst.idx.msk $0xffff, v4  }
0x5c: {  	[tilespmem:v3+s25+$0x0] =	vst.idx.msk $0xffff, v7  }
0x5d: {  	v3 =	vld [tilespmem:$0x13A10];
	_ =	sdelay $0x1  }
0x5e: {  	s0 =	spop (v2sf)  }
0x5f: {  	p0 =	slt.s32 s0, $0x20  }
0x60: {  	s0 =	simm.s32 @!p0 $0x20  }
0x61: {  	v47 =	vmov s0;
	v48 =	vbroadcast v3, $0x0  }
0x62: {  	vm14 =	vlt.s32 v47, v5  }
0x63: {  	v3 =	vsel vm14, v48, v3  }
0x64: {  	v49 =	vsub.s32 v3, v0  }
0x65: {  	v50 =	vand.u32 $0x7, v3;
	v5 =	vand.u32 $0xFFFFFFF8, v49  }
0x66: {  	v5 =	vor.u32 v50, v5;
	_ =	sdelay $0x1  }
0x67: {  	s29 =	sshll.u32 s31, $0x5  }
0x68: {  	s0 =	sand.u32 $0x3FFFFFE0, s29  }
0x69: {  	v51 =	vld [tilespmem:$0x13A40];
	[tilespmem:s0+$0x69B0] =	vst v3;
	v3 =	vshll.u32 v44, $0x8  }
0x6a: {  	v53 =	vor.u32 v8, v3;
	v52 =	vld.idx.msk [tilespmem:v5+s2+$0x0], $0xffff  }
0x6b: {  	v11 =	vor.u32 v11, v3;
	v12 =	vld.idx.msk [tilespmem:v5+s16+$0x0], $0xffff  }
0x6c: {  	v54 =	vor.u32 v14, v3;
	v5 =	vld.idx.msk [tilespmem:v5+s17+$0x0], $0xffff  }
0x6d: {  	v55 =	vor.u32 v16, v3;
	_ =	sdelay $0x1  }
0x6e: {  	v56 =	vbroadcast v51, $0x0;
	[tilespmem:v53+s26+$0x0] =	vst.idx.msk $0xffff, v52  }
0x6f: {  	[tilespmem:v11+s26+$0x0] =	vst.idx.msk $0xffff, v12  }
0x70: {  	v9 =	vsel vm14, v56, v51;
	[tilespmem:v54+s26+$0x0] =	vst.idx.msk $0xffff, v5  }
0x71: {  	[tilespmem:v55+s26+$0x0] =	vst.idx.msk $0xffff, v9  }
0x72: {  	v5 =	vld [tilespmem:$0x13A20];
	_ =	sdelay $0x2  }
0x73: {  	v57 =	vadd.s32 $0x11, v2  }
0x74: {  	vm15 =	vlt.s32 v47, v57  }
0x75: {  	v4 =	vsel vm15, v48, v5  }
0x76: {  	v5 =	vsub.s32 v4, v0  }
0x77: {  	v7 =	vand.u32 $0x7, v4;
	v5 =	vand.u32 $0xFFFFFFF8, v5  }
0x78: {  	v5 =	vor.u32 v7, v5;
	_ =	sdelay $0x3  }
0x79: {  	v59 =	vor.u32 $0x80, v8;
	v58 =	vld [tilespmem:$0x13A50];
	[tilespmem:s0+$0x69C0] =	vst v4  }
0x7a: {  	v61 =	vor.u32 $0x81, v8;
	v4 =	vor.u32 v59, v3;
	v60 =	vld.idx.msk [tilespmem:v5+s2+$0x0], $0xffff  }
0x7b: {  	v62 =	vor.u32 $0x82, v8;
	v10 =	vor.u32 v61, v3;
	v11 =	vld.idx.msk [tilespmem:v5+s16+$0x0], $0xffff  }
0x7c: {  	s31 =	sadd.s32 $0x1, s31;
	v8 =	vor.u32 $0x83, v8;
	v12 =	vor.u32 v62, v3;
	v5 =	vld.idx.msk [tilespmem:v5+s17+$0x0], $0xffff  }
0x7d: {  	p0 =	sne.s32 s31, $0x80;
	v3 =	vor.u32 v8, v3  }
.Ltmp3:
0x7e: {  	_ = 	snop;
	(pc) =	sbr.rel @!p0 .LBB2_10-.Ltmp3, $4  }
0x7f: {  	[tilespmem:v4+s26+$0x0] =	vst.idx.msk $0xffff, v60  }
0x80: {  	[tilespmem:v10+s26+$0x0] =	vst.idx.msk $0xffff, v11  }
0x81: {  	v63 =	vsel vm15, v56, v58;
	[tilespmem:v12+s26+$0x0] =	vst.idx.msk $0xffff, v5  }
0x82: {  	[tilespmem:v3+s26+$0x0] =	vst.idx.msk $0xffff, v63  }
.LBB2_2:
0x83: {  	v3 =	vld [tilespmem:s31+$0x6000]  }
0x84: {  	v4 =	vld [tilespmem:s31+$0x6090]  }
0x85: {  	v5 =	vld [tilespmem:s31+$0x6120]  }
0x86: {  	v6 =	vld [tilespmem:$0x0]  }
0x87: {  	v7 =	vld [tilespmem:$0x2000]  }
0x88: {  	(v2sf) =	vpush v3, $0x0  }
0x89: {  	v8 =	vld [tilespmem:$0x4000];
	(v2sf) =	vpush v4, $0x0  }
0x8a: {  	(v2sf) =	vpush v5, $0x0  }
0x8b: {  	(v2sf) =	vpush v6, $0x0  }
0x8c: {  	(v2sf) =	vpush v7, $0x0;
	_ =	sdelay $0x1  }
0x8d: {  	(v2sf) =	vpush v8, $0x0;
	_ =	sdelay $0x8  }
0x8e: {  	s0 =	spop (v2sf)  }
0x8f: {  	s1 =	spop (v2sf)  }
0x90: {  	s18 =	spop (v2sf)  }
0x91: {  	s19 =	spop (v2sf)  }
0x92: {  	s20 =	spop (v2sf);
	s0 =	ssub.f32 s19, s0  }
0x93: {  	s1 =	ssub.f32 s20, s1  }
0x94: {  	s28 =	spop (v2sf);
	s0 =	smul.f32 s0, s0  }
0x95: {  	s18 =	ssub.f32 s28, s18;
	s1 =	smul.f32 s1, s1  }
0x96: {  	[tilespmem:$0x139B0] =	vst v0  }
0x97: {  	[tilespmem:$0x13A10] =	vst v0;
	s29 =	smul.f32 s18, s18;
	s0 =	sadd.f32 s1, s0  }
0x98: {  	[tilespmem:$0x13A70] =	vst v1  }
.Ltmp4:
0x99: {  	[tilespmem:$0x13A80] =	vst v1;
	s0 =	sadd.f32 s29, s0;
	(pc) =	sbr.rel .LBB2_3-.Ltmp4, $4  }
0x9a: {  	[tilespmem:$0x13A90] =	vst v1  }
0x9b: {  	[tilespmem:$0x13AA0] =	vst v1;
	v6 =	vmov s0  }
0x9c: {  	v3 =	vbroadcast v3, $0x0;
	s19 =	simm.s32 $0x4100;
	[tilespmem:$0x139E0] =	vst v6  }
0x9d: {  	v4 =	vbroadcast v4, $0x0;
	v5 =	vbroadcast v5, $0x0;
	s18 =	simm.s32 $0x2100;
	s1 =	simm.s32 $0x0;
	s0 =	simm.s32 $0x100;
	[tilespmem:$0x13A40] =	vst v6  }
.LBB2_8:
0x9e: {  	s1 =	sadd.s32 $0x200, s1  }
0x9f: {  	p0 =	sne.s32 s1, $0x2000  }
.Ltmp5:
0xa0: {  	_ = 	snop;
	(pc) =	sbr.rel @!p0 .LBB2_9-.Ltmp5, $2  }
0xa1: {  	_ =	sdelay $0x2  }
0xa2: {  	s0 =	sadd.s32 $0x200, s0;
	s18 =	sadd.s32 $0x200, s18;
	s19 =	sadd.s32 $0x200, s19  }
.LBB2_3:
0xa3: {  	v6 =	vld [tilespmem:$0x13A90]  }
0xa4: {  	v7 =	vld [tilespmem:$0x13AA0];
	_ =	sdelay $0x3  }
0xa5: {  	(v2sf) =	vpush v6, $0x0  }
0xa6: {  	(v2sf) =	vpush v7, $0x0;
	_ =	sdelay $0xd  }
0xa7: {  	s28 =	spop (v2sf)  }
0xa8: {  	s20 =	spop (v2sf)  }
0xa9: {  	s29 =	sadd.s32 s28, s20  }
0xaa: {  	p0 =	sgt.s32 s29, $0x1  }
.Ltmp6:
0xab: {  	_ = 	snop;
	(pc) =	sbr.rel @p0 .LBB2_8-.Ltmp6, $1  }
0xac: {  	_ =	sdelay $0x3  }
0xad: {  	v6 =	vld [tilespmem:s0+$0xFFFFFF00]  }
0xae: {  	v7 =	vld [tilespmem:s18+$0xFFFFFF00]  }
0xaf: {  	v8 =	vld [tilespmem:s19+$0xFFFFFF00]  }
0xb0: {  	v9 =	vld [tilespmem:s0+$0xFFFFFF10]  }
0xb1: {  	v10 =	vld [tilespmem:s18+$0xFFFFFF10]  }
0xb2: {  	v11 =	vld [tilespmem:s19+$0xFFFFFF10]  }
0xb3: {  	v12 =	vld [tilespmem:s0+$0xFFFFFF20]  }
0xb4: {  	v13 =	vld [tilespmem:s18+$0xFFFFFF20]  }
0xb5: {  	v14 =	vld [tilespmem:s19+$0xFFFFFF20];
	v6 =	vsub.f32 v6, v3;
	v7 =	vsub.f32 v7, v4  }
0xb6: {  	v15 =	vld [tilespmem:s0+$0xFFFFFF30]  }
0xb7: {  	v17 =	vld [tilespmem:s18+$0xFFFFFF30];
	v8 =	vsub.f32 v8, v5;
	v6 =	vmul.f32 v6, v6;
	v7 =	vmul.f32 v7, v7  }
0xb8: {  	v18 =	vld [tilespmem:s0+$0xFFFFFF40];
	v9 =	vsub.f32 v9, v3;
	v10 =	vsub.f32 v10, v4  }
0xb9: {  	v19 =	vld [tilespmem:s0+$0xFFFFFF60];
	v6 =	vadd.f32 v7, v6;
	v7 =	vmul.f32 v8, v8  }
0xba: {  	v20 =	vld [tilespmem:s18+$0xFFFFFF80];
	v12 =	vsub.f32 v12, v3;
	v10 =	vmul.f32 v10, v10;
	v8 =	vmul.f32 v9, v9  }
0xbb: {  	v13 =	vsub.f32 v13, v4;
	v9 =	vld [tilespmem:s19+$0xFFFFFF30];
	v16 =	vadd.f32 v7, v6  }
0xbc: {  	v21 =	vld [tilespmem:s0+$0xFFFFFFC0];
	v6 =	vsub.f32 v11, v5;
	v8 =	vadd.f32 v10, v8;
	v10 =	vmul.f32 v12, v12  }
0xbd: {  	v7 =	vld [tilespmem:s18+$0xFFFFFF40];
	v11 =	vmul.f32 v13, v13;
	v12 =	vsub.f32 v15, v3;
	v13 =	vsub.f32 v17, v4  }
0xbe: {  	v15 =	vld [tilespmem:s19+$0xFFFFFF40]  }
0xbf: {  	v14 =	vsub.f32 v14, v5;
	v17 =	vld [tilespmem:s18+$0xFFFFFF50];
	v12 =	vmul.f32 v12, v12;
	v13 =	vmul.f32 v13, v13  }
0xc0: {  	v10 =	vadd.f32 v11, v10;
	v11 =	vld [tilespmem:s0+$0xFFFFFF50];
	v6 =	vmul.f32 v6, v6;
	v9 =	vsub.f32 v9, v5  }
0xc1: {  	v18 =	vsub.f32 v18, v3;
	v14 =	vmul.f32 v14, v14;
	v12 =	vadd.f32 v13, v12;
	v13 =	vld [tilespmem:s18+$0xFFFFFF60]  }
0xc2: {  	v36 =	vadd.f32 v6, v8;
	v8 =	vld [tilespmem:s19+$0xFFFFFF50];
	v7 =	vsub.f32 v7, v4;
	v9 =	vmul.f32 v9, v9  }
0xc3: {  	v32 =	vadd.f32 v14, v10;
	v10 =	vsub.f32 v15, v5;
	v15 =	vld [tilespmem:s18+$0xFFFFFF70]  }
0xc4: {  	v6 =	vmul.f32 v18, v18;
	v7 =	vmul.f32 v7, v7;
	v12 =	vadd.f32 v9, v12;
	v9 =	vld [tilespmem:s19+$0xFFFFFF60]  }
0xc5: {  	v22 =	vld [tilespmem:s0+$0xFFFFFFE0];
	v14 =	vsub.f32 v17, v4;
	v17 =	vsub.f32 v19, v3  }
0xc6: {  	v11 =	vsub.f32 v11, v3;
	v6 =	vadd.f32 v7, v6;
	v7 =	vld [tilespmem:s0+$0xFFFFFF70]  }
0xc7: {  	v18 =	vld [tilespmem:s19+$0xFFFFFF70];
	v10 =	vmul.f32 v10, v10;
	v14 =	vmul.f32 v14, v14;
	v13 =	vsub.f32 v13, v4  }
0xc8: {  	v24 =	vld [tilespmem:s18+$0x0];
	v17 =	vmul.f32 v17, v17;
	v8 =	vsub.f32 v8, v5;
	v11 =	vmul.f32 v11, v11  }
0xc9: {  	v19 =	vld [tilespmem:s0+$0xFFFFFF80];
	v15 =	vsub.f32 v15, v4;
	v13 =	vmul.f32 v13, v13;
	v9 =	vsub.f32 v9, v5  }
0xca: {  	v27 =	vadd.f32 v10, v6;
	v6 =	vadd.f32 v14, v11;
	v10 =	vld [tilespmem:s19+$0xFFFFFF80];
	v8 =	vmul.f32 v8, v8  }
0xcb: {  	v14 =	vld [tilespmem:s0+$0xFFFFFF90];
	v11 =	vadd.f32 v13, v17;
	v9 =	vmul.f32 v9, v9;
	v7 =	vsub.f32 v7, v3  }
0xcc: {  	v17 =	vld [tilespmem:s18+$0xFFFFFF90];
	v29 =	vadd.f32 v8, v6;
	v8 =	vsub.f32 v18, v5  }
0xcd: {  	v6 =	vld [tilespmem:s19+$0xFFFFFF90];
	v13 =	vadd.f32 v9, v11;
	v7 =	vmul.f32 v7, v7;
	v9 =	vmul.f32 v15, v15  }
0xce: {  	v18 =	vsub.f32 v20, v4;
	v20 =	vld [tilespmem:s0+$0xFFFFFFB0];
	v15 =	vsub.f32 v19, v3  }
0xcf: {  	v8 =	vmul.f32 v8, v8;
	v11 =	vld [tilespmem:s0+$0xFFFFFFA0];
	v7 =	vadd.f32 v9, v7  }
0xd0: {  	v18 =	vmul.f32 v18, v18;
	v19 =	vld [tilespmem:s18+$0xFFFFFFA0];
	v9 =	vsub.f32 v10, v5;
	v15 =	vmul.f32 v15, v15  }
0xd1: {  	v21 =	vsub.f32 v21, v3;
	v25 =	vadd.f32 v8, v7;
	v8 =	vld [tilespmem:s18+$0xFFFFFFB0]  }
0xd2: {  	v14 =	vsub.f32 v14, v3;
	v10 =	vld [tilespmem:s19+$0xFFFFFFA0];
	v15 =	vadd.f32 v18, v15;
	v9 =	vmul.f32 v9, v9  }
0xd3: {  	v6 =	vsub.f32 v6, v5;
	v7 =	vsub.f32 v17, v4;
	v18 =	vld [tilespmem:s19+$0xFFFFFFB0]  }
0xd4: {  	v14 =	vmul.f32 v14, v14;
	v11 =	vsub.f32 v11, v3;
	v17 =	vadd.f32 v9, v15;
	v9 =	vld [tilespmem:s18+$0xFFFFFFC0]  }
0xd5: {  	v26 =	vld [tilespmem:s18+$0x10];
	v6 =	vmul.f32 v6, v6;
	v19 =	vsub.f32 v19, v4;
	v7 =	vmul.f32 v7, v7  }
0xd6: {  	v28 =	vld [tilespmem:s0+$0x30];
	v15 =	vsub.f32 v20, v3;
	v11 =	vmul.f32 v11, v11;
	v8 =	vsub.f32 v8, v4  }
0xd7: {  	v10 =	vsub.f32 v10, v5;
	v7 =	vadd.f32 v7, v14;
	v14 =	vmul.f32 v19, v19;
	v19 =	vld [tilespmem:s19+$0xFFFFFFC0]  }
0xd8: {  	v20 =	vld [tilespmem:s18+$0xFFFFFFD0];
	v15 =	vmul.f32 v15, v15;
	v18 =	vsub.f32 v18, v5;
	v8 =	vmul.f32 v8, v8  }
0xd9: {  	v10 =	vmul.f32 v10, v10;
	v11 =	vadd.f32 v14, v11;
	v14 =	vld [tilespmem:s0+$0xFFFFFFD0];
	v9 =	vsub.f32 v9, v4  }
0xda: {  	v34 =	vadd.f32 v6, v7;
	v8 =	vadd.f32 v8, v15;
	v15 =	vmul.f32 v18, v18;
	v18 =	vld [tilespmem:s18+$0xFFFFFFE0]  }
0xdb: {  	v6 =	vmul.f32 v21, v21;
	v21 =	vld [tilespmem:s19+$0xFFFFFFD0];
	v30 =	vadd.f32 v10, v11;
	v7 =	vmul.f32 v9, v9  }
0xdc: {  	v10 =	vsub.f32 v19, v5;
	v9 =	vadd.f32 v15, v8;
	v8 =	vld [tilespmem:s19+$0xFFFFFFE0]  }
0xdd: {  	v19 =	vsub.f32 v22, v3;
	v6 =	vadd.f32 v7, v6;
	v7 =	vld [tilespmem:s0+$0xFFFFFFF0]  }
0xde: {  	v11 =	vsub.f32 v14, v3;
	v14 =	vsub.f32 v20, v4;
	v15 =	vld [tilespmem:s18+$0xFFFFFFF0]  }
0xdf: {  	v31 =	vld [tilespmem:s0+$0x40];
	v10 =	vmul.f32 v10, v10;
	v19 =	vmul.f32 v19, v19;
	v18 =	vsub.f32 v18, v4  }
0xe0: {  	v20 =	vld [tilespmem:s19+$0xFFFFFFF0];
	v21 =	vsub.f32 v21, v5;
	v11 =	vmul.f32 v11, v11;
	v14 =	vmul.f32 v14, v14  }
0xe1: {  	v22 =	vld [tilespmem:s0+$0x0];
	v8 =	vsub.f32 v8, v5;
	v23 =	vmul.f32 v18, v18;
	v18 =	vadd.f32 v10, v6  }
0xe2: {  	v6 =	vadd.f32 v14, v11;
	v11 =	vld [tilespmem:s19+$0x0];
	v10 =	vmul.f32 v21, v21;
	v7 =	vsub.f32 v7, v3  }
0xe3: {  	v21 =	vld [tilespmem:s0+$0x10];
	v15 =	vsub.f32 v15, v4;
	v14 =	vadd.f32 v23, v19;
	v8 =	vmul.f32 v8, v8  }
0xe4: {  	v35 =	vld [tilespmem:s18+$0x50];
	v19 =	vadd.f32 v10, v6;
	v7 =	vmul.f32 v7, v7  }
0xe5: {  	v6 =	vld [tilespmem:s19+$0x10];
	v10 =	vadd.f32 v8, v14;
	v8 =	vsub.f32 v20, v5;
	v14 =	vmul.f32 v15, v15  }
0xe6: {  	v20 =	vsub.f32 v22, v3;
	v22 =	vsub.f32 v24, v4;
	v24 =	vld [tilespmem:s18+$0x20]  }
0xe7: {  	v15 =	vld [tilespmem:s0+$0x20];
	v7 =	vadd.f32 v14, v7;
	v8 =	vmul.f32 v8, v8  }
0xe8: {  	v38 =	vld [tilespmem:s18+$0x60];
	v11 =	vsub.f32 v11, v5;
	v21 =	vsub.f32 v21, v3  }
0xe9: {  	v20 =	vmul.f32 v20, v20;
	v22 =	vmul.f32 v22, v22;
	v23 =	vadd.f32 v8, v7;
	v8 =	vld [tilespmem:s18+$0x30]  }
0xea: {  	v31 =	vsub.f32 v31, v3;
	v14 =	vld [tilespmem:s19+$0x20];
	v11 =	vmul.f32 v11, v11;
	v7 =	vsub.f32 v26, v4  }
0xeb: {  	v37 =	vld [tilespmem:s0+$0x60];
	v21 =	vmul.f32 v21, v21;
	v20 =	vadd.f32 v22, v20;
	v24 =	vsub.f32 v24, v4  }
0xec: {  	v6 =	vsub.f32 v6, v5;
	v26 =	vld [tilespmem:s19+$0x30];
	v15 =	vsub.f32 v15, v3;
	v7 =	vmul.f32 v7, v7  }
0xed: {  	v22 =	vadd.f32 v11, v20;
	v11 =	vld [tilespmem:s18+$0x40];
	v20 =	vmul.f32 v24, v24;
	v24 =	vsub.f32 v28, v3  }
0xee: {  	v15 =	vmul.f32 v15, v15;
	v7 =	vadd.f32 v7, v21;
	v21 =	vld [tilespmem:s19+$0x40];
	v8 =	vsub.f32 v8, v4  }
0xef: {  	v61 =	vsub.f32 v38, v4;
	v6 =	vmul.f32 v6, v6;
	v28 =	vld [tilespmem:s0+$0x50];
	v14 =	vsub.f32 v14, v5  }
0xf0: {  	v62 =	vld [tilespmem:s0+$0x80];
	v15 =	vadd.f32 v20, v15;
	v24 =	vmul.f32 v24, v24;
	v8 =	vmul.f32 v8, v8  }
0xf1: {  	v39 =	vld [tilespmem:s18+$0x80];
	v20 =	vsub.f32 v26, v5;
	v14 =	vmul.f32 v14, v14;
	v33 =	vadd.f32 v6, v7  }
0xf2: {  	v26 =	vld [tilespmem:s19+$0x50];
	v6 =	vmul.f32 v31, v31;
	v11 =	vsub.f32 v11, v4;
	v8 =	vadd.f32 v8, v24  }
0xf3: {  	v31 =	vld [tilespmem:s19+$0x60];
	v24 =	vmul.f32 v20, v20;
	v20 =	vadd.f32 v14, v15;
	v14 =	vsub.f32 v21, v5  }
0xf4: {  	v48 =	vld [tilespmem:s19+$0xA0];
	v7 =	vmul.f32 v11, v11;
	v15 =	vsub.f32 v28, v3;
	v21 =	vsub.f32 v35, v4  }
0xf5: {  	v28 =	vsub.f32 v37, v3;
	v11 =	vadd.f32 v24, v8;
	v8 =	vld [tilespmem:s0+$0x70]  }
0xf6: {  	v35 =	vmul.f32 v61, v61;
	v6 =	vadd.f32 v7, v6;
	v7 =	vld [tilespmem:s18+$0x70];
	v14 =	vmul.f32 v14, v14  }
0xf7: {  	v43 =	vld [tilespmem:s18+$0xC0];
	v15 =	vmul.f32 v15, v15;
	v63 =	vmul.f32 v21, v21  }
0xf8: {  	v26 =	vsub.f32 v26, v5;
	v24 =	vld [tilespmem:s19+$0x70];
	v31 =	vsub.f32 v31, v5;
	v28 =	vmul.f32 v28, v28  }
0xf9: {  	v52 =	vld [tilespmem:s18+$0xD0];
	v21 =	vadd.f32 v14, v6;
	v6 =	vadd.f32 v63, v15  }
0xfa: {  	v53 =	vld [tilespmem:s19+$0xC0];
	v14 =	vmul.f32 v26, v26;
	v26 =	vadd.f32 v35, v28;
	v28 =	vmul.f32 v31, v31  }
0xfb: {  	v15 =	vld [tilespmem:s0+$0x90];
	v44 =	vsub.f32 v8, v3;
	v7 =	vsub.f32 v7, v4  }
0xfc: {  	v31 =	vld [tilespmem:s18+$0x90];
	v14 =	vadd.f32 v14, v6;
	v8 =	vadd.f32 v28, v26  }
0xfd: {  	v6 =	vld [tilespmem:s0+$0xA0];
	v24 =	vsub.f32 v24, v5;
	v26 =	vmul.f32 v44, v44;
	v7 =	vmul.f32 v7, v7  }
0xfe: {  	v46 =	vsub.f32 v62, v3;
	v47 =	vsub.f32 v39, v4;
	v28 =	vld [tilespmem:s18+$0xA0]  }
0xff: {  	v40 =	vld [tilespmem:s19+$0x80];
	v39 =	vsub.f32 v48, v5;
	v24 =	vmul.f32 v24, v24;
	v7 =	vadd.f32 v7, v26  }
0x100: {  	v45 =	vld [tilespmem:s19+$0x90];
	v43 =	vsub.f32 v43, v4;
	v15 =	vsub.f32 v15, v3  }
0x101: {  	v49 =	vld [tilespmem:s0+$0xB0];
	v7 =	vadd.f32 v24, v7;
	v24 =	vsub.f32 v31, v4  }
0x102: {  	v41 =	vld [tilespmem:s18+$0xB0];
	v38 =	vsub.f32 v52, v4;
	v58 =	vsub.f32 v53, v5;
	v15 =	vmul.f32 v15, v15  }
0x103: {  	v54 =	vld [tilespmem:s19+$0xD0];
	v42 =	vsub.f32 v6, v3;
	v28 =	vsub.f32 v28, v4;
	v24 =	vmul.f32 v24, v24  }
0x104: {  	v37 =	vmul.f32 v47, v47;
	v35 =	vmul.f32 v46, v46;
	v26 =	vsub.f32 v40, v5;
	v31 =	vld [tilespmem:s19+$0xB0]  }
0x105: {  	v50 =	vld [tilespmem:s0+$0xC0];
	v28 =	vmul.f32 v28, v28;
	v15 =	vadd.f32 v24, v15;
	v24 =	vmul.f32 v42, v42  }
0x106: {  	v56 =	vld [tilespmem:s18+$0xF0];
	v35 =	vadd.f32 v37, v35;
	v40 =	vsub.f32 v49, v3;
	v26 =	vmul.f32 v26, v26  }
0x107: {  	v46 =	vld [tilespmem:s0+$0xF0];
	v24 =	vadd.f32 v28, v24;
	v28 =	vsub.f32 v41, v4  }
0x108: {  	v59 =	vsub.f32 v54, v5;
	v40 =	vmul.f32 v40, v40;
	v6 =	vadd.f32 v26, v35  }
0x109: {  	v51 =	vld [tilespmem:s0+$0xD0];
	v26 =	vsub.f32 v45, v5;
	v31 =	vsub.f32 v31, v5;
	v28 =	vmul.f32 v28, v28  }
0x10a: {  	v43 =	vmul.f32 v43, v43;
	v55 =	vmul.f32 v38, v38;
	v37 =	vsub.f32 v50, v3;
	v44 =	vld [tilespmem:s0+$0xE0]  }
0x10b: {  	v45 =	vld [tilespmem:s18+$0xE0];
	v26 =	vmul.f32 v26, v26;
	v31 =	vmul.f32 v31, v31;
	v40 =	vadd.f32 v28, v40  }
0x10c: {  	v57 =	vld [tilespmem:s19+$0xF0];
	v38 =	vsub.f32 v56, v4;
	v37 =	vmul.f32 v37, v37;
	v62 =	vsub.f32 v46, v3  }
0x10d: {  	v28 =	vadd.f32 v26, v15;
	v15 =	vadd.f32 v31, v40;
	v31 =	vld [tilespmem:s19+$0xE0]  }
0x10e: {  	v38 =	vmul.f32 v38, v38;
	v37 =	vadd.f32 v43, v37;
	v43 =	vmul.f32 v62, v62  }
0x10f: {  	v39 =	vmul.f32 v39, v39;
	v60 =	vsub.f32 v44, v3;
	v35 =	vsub.f32 v51, v3  }
0x110: {  	v38 =	vadd.f32 v38, v43;
	v61 =	vsub.f32 v45, v4  }
0x111: {  	p0 =	sne.s32 s28, $0x0;
	v41 =	vmul.f32 v60, v60;
	v24 =	vadd.f32 v39, v24;
	v26 =	vmul.f32 v35, v35  }
.Ltmp7:
0x112: {  	v42 =	vmul.f32 v61, v61;
	v35 =	vsub.f32 v57, v5;
	v31 =	vsub.f32 v31, v5;
	(pc) =	sbr.rel @p0 .LBB2_6-.Ltmp7, $4  }
0x113: {  	v39 =	vmul.f32 v58, v58;
	v26 =	vadd.f32 v55, v26;
	v40 =	vmul.f32 v59, v59  }
0x114: {  	v41 =	vadd.f32 v42, v41;
	v63 =	vmul.f32 v35, v35;
	v31 =	vmul.f32 v31, v31  }
0x115: {  	v37 =	vadd.f32 v39, v37;
	v35 =	vadd.f32 v40, v26  }
0x116: {  	v26 =	vadd.f32 v63, v38;
	v31 =	vadd.f32 v31, v41  }
0x117: {  	v39 =	vld [tilespmem:$0x13A70];
	_ =	sdelay $0x4  }
0x118: {  	vm0 =	vlt.f32 v16, $9.999999770e-03;
	vm1 =	vlt.s32 v39, $0x10  }
0x119: {  	vm4 =	vmand vm0, vm1  }
0x11a: {  	v38 =	vmpcnt.ones.xlane vm4;
	_ =	sdelay $0x1  }
0x11b: {  	v41 =	vadd.s32 v39, v38  }
0x11c: {  	vm8 =	vlt.f32 v36, $9.999999770e-03;
	vm9 =	vlt.s32 v41, $0x10  }
0x11d: {  	vm0 =	vmand vm8, vm9  }
0x11e: {  	v56 =	vmpcnt.ones.xlane vm0;
	_ =	sdelay $0x1  }
0x11f: {  	v45 =	vadd.s32 v41, v56  }
0x120: {  	vm10 =	vlt.f32 v32, $9.999999770e-03;
	vm2 =	vlt.s32 v45, $0x10  }
0x121: {  	vm8 =	vmand vm10, vm2  }
0x122: {  	v57 =	vmpcnt.ones.xlane vm8;
	_ =	sdelay $0x1  }
0x123: {  	v53 =	vadd.s32 v45, v57  }
0x124: {  	vm11 =	vlt.f32 v12, $9.999999770e-03;
	vm12 =	vlt.s32 v53, $0x10  }
0x125: {  	vm1 =	vmand vm11, vm12  }
0x126: {  	v58 =	vmpcnt.ones.xlane vm1;
	_ =	sdelay $0x1  }
0x127: {  	v54 =	vadd.s32 v53, v58  }
0x128: {  	vm13 =	vlt.f32 v27, $9.999999770e-03;
	vm3 =	vlt.s32 v54, $0x10  }
0x129: {  	vm2 =	vmand vm13, vm3  }
0x12a: {  	v59 =	vmpcnt.ones.xlane vm2;
	_ =	sdelay $0x1  }
0x12b: {  	v55 =	vadd.s32 v54, v59  }
0x12c: {  	vm14 =	vlt.f32 v29, $9.999999770e-03;
	vm5 =	vlt.s32 v55, $0x10  }
0x12d: {  	vm10 =	vmand vm14, vm5  }
0x12e: {  	v60 =	vmpcnt.ones.xlane vm10;
	_ =	sdelay $0x1  }
0x12f: {  	v52 =	vadd.s32 v55, v60  }
0x130: {  	vm15 =	vlt.f32 v13, $9.999999770e-03;
	vm9 =	vlt.s32 v52, $0x10  }
0x131: {  	vm15 =	vmand vm15, vm9  }
0x132: {  	v61 =	vmpcnt.ones.xlane vm15;
	_ =	sdelay $0x1  }
0x133: {  	v48 =	vadd.s32 v52, v61  }
0x134: {  	vm11 =	vlt.f32 v25, $9.999999770e-03;
	vm12 =	vlt.s32 v48, $0x10  }
0x135: {  	vm14 =	vmand vm11, vm12  }
0x136: {  	v62 =	vmpcnt.ones.xlane vm14;
	_ =	sdelay $0x1  }
0x137: {  	v51 =	vadd.s32 v48, v62  }
0x138: {  	vm13 =	vlt.f32 v17, $9.999999770e-03;
	vm9 =	vlt.s32 v51, $0x10  }
0x139: {  	vm13 =	vmand vm13, vm9  }
0x13a: {  	v63 =	vmpcnt.ones.xlane vm13;
	_ =	sdelay $0x1  }
0x13b: {  	v50 =	vadd.s32 v51, v63  }
0x13c: {  	vm11 =	vlt.f32 v34, $9.999999770e-03;
	vm12 =	vlt.s32 v50, $0x10  }
0x13d: {  	vm12 =	vmand vm11, vm12  }
0x13e: {  	v40 =	vmpcnt.ones.xlane vm12;
	_ =	sdelay $0x1  }
0x13f: {  	v49 =	vadd.s32 v50, v40  }
0x140: {  	vm9 =	vlt.f32 v30, $9.999999770e-03;
	vm11 =	vlt.s32 v49, $0x10  }
0x141: {  	vm11 =	vmand vm9, vm11  }
0x142: {  	v42 =	vmpcnt.ones.xlane vm11;
	_ =	sdelay $0x1  }
0x143: {  	v47 =	vadd.s32 v49, v42  }
0x144: {  	vm3 =	vlt.f32 v9, $9.999999770e-03;
	vm9 =	vlt.s32 v47, $0x10  }
0x145: {  	vm9 =	vmand vm3, vm9  }
0x146: {  	v43 =	vmpcnt.ones.xlane vm9;
	_ =	sdelay $0x1  }
0x147: {  	v46 =	vadd.s32 v47, v43  }
0x148: {  	vm3 =	vlt.f32 v18, $9.999999770e-03;
	vm5 =	vlt.s32 v46, $0x10  }
0x149: {  	vm7 =	vmand vm3, vm5  }
0x14a: {  	v44 =	vmpcnt.ones.xlane vm7;
	_ =	sdelay $0x1  }
0x14b: {  	v44 =	vadd.s32 v46, v44  }
0x14c: {  	vm3 =	vlt.f32 v19, $9.999999770e-03;
	vm5 =	vlt.s32 v44, $0x10  }
0x14d: {  	vm6 =	vmand vm3, vm5  }
0x14e: {  	v56 =	vmpcnt.ones.xlane vm6;
	_ =	sdelay $0x1  }
0x14f: {  	v42 =	vadd.s32 v44, v56  }
0x150: {  	vm3 =	vlt.f32 v10, $9.999999770e-03;
	vm5 =	vlt.s32 v42, $0x10  }
0x151: {  	vm3 =	vmand vm3, vm5  }
0x152: {  	v58 =	vmpcnt.ones.xlane vm3;
	_ =	sdelay $0x1  }
0x153: {  	v57 =	vimm.s32 $0x0;
	v43 =	vadd.s32 v42, v58  }
0x154: {  	v38 =	vsel vm3, $0xFFFFFFFF, v57;
	vm3 =	vlt.f32 v23, $9.999999770e-03;
	vm5 =	vlt.s32 v43, $0x10  }
0x155: {  	vm3 =	vmand vm3, vm5  }
0x156: {  	v60 =	vmpcnt.ones.xlane vm3;
	_ =	sdelay $0x1  }
0x157: {  	v59 =	vimm.s32 $0x0;
	v40 =	vadd.s32 v43, v60  }
0x158: {  	[tilespmem:$0x1FFB0] =	vst v38;
	vm5 =	vlt.f32 v22, $9.999999770e-03;
	v38 =	vsel vm3, $0xFFFFFFFF, v59;
	vm3 =	vlt.s32 v40, $0x10  }
0x159: {  	vm3 =	vmand vm5, vm3  }
0x15a: {  	v61 =	vimm.s32 $0x0;
	v62 =	vmpcnt.ones.xlane vm3  }
0x15b: {  	v56 =	vsel vm4, $0x1, v1;
	[tilespmem:$0x1FFC0] =	vst v38;
	v38 =	vsel vm3, $0xFFFFFFFF, v61  }
0x15c: {  	(xrf0) =	vadd.scan.msk.s32 $0xffff, v56;
	v57 =	vsel vm0, $0x1, v1;
	[tilespmem:$0x1FFD0] =	vst v38;
	v38 =	vadd.s32 v40, v62  }
0x15d: {  	(xrf0) =	vadd.scan.msk.s32 $0xffff, v57;
	vm3 =	vlt.f32 v33, $9.999999770e-03;
	vm5 =	vlt.s32 v38, $0x10  }
0x15e: {  	v58 =	vsel vm8, $0x1, v1;
	v59 =	vimm.s32 $0x0;
	vm3 =	vmand vm3, vm5  }
0x15f: {  	(xrf0) =	vadd.scan.msk.s32 $0xffff, v58;
	v59 =	vsel vm3, $0xFFFFFFFF, v59;
	_ =	sdelay $0x2  }
0x160: {  	v60 =	vsel vm1, $0x1, v1;
	[tilespmem:$0x1FFE0] =	vst v59;
	v59, _, _ =	vpop (xrf0)  }
0x161: {  	(xrf0) =	vadd.scan.msk.s32 $0xffff, v60;
	v56 =	vsub.s32 v59, v56;
	v59 =	vmpcnt.ones.xlane vm3;
	v61, _, _ =	vpop (xrf0)  }
0x162: {  	v62 =	vsel vm2, $0x1, v1;
	v57 =	vsub.s32 v61, v57  }
0x163: {  	v56 =	vadd.s32 v39, v56;
	v39 =	vadd.s32 v38, v59;
	v57 =	vadd.s32 v41, v57;
	v41, _, _ =	vpop (xrf0)  }
0x164: {  	vm3 =	vlt.f32 v20, $9.999999770e-03;
	vm5 =	vlt.s32 v39, $0x10;
	v41 =	vsub.s32 v41, v58  }
0x165: {  	v63 =	vimm.s32 $0x0;
	(xrf0) =	vadd.scan.msk.s32 $0xffff, v62;
	vm3 =	vmand vm3, vm5  }
0x166: {  	v59 =	vsel vm3, $0xFFFFFFFF, v63  }
0x167: {  	s28 =	sadd.s32 s1, s15;
	v45 =	vadd.s32 v45, v41;
	v58 =	vmpcnt.ones.xlane vm3;
	[tilespmem:$0x1FFF0] =	vst v59;
	v59 =	vsel vm10, $0x1, v1;
	v41, _, _ =	vpop (xrf0)  }
0x168: {  	v61 =	vor.u32 s28, v2;
	(xrf0) =	vadd.scan.msk.s32 $0xffff, v59;
	v60 =	vsub.s32 v41, v60  }
0x169: {  	[tilespmem:v56+s21+$0x0] =	vst.idx.msk vm4, v61;
	v61 =	vsel vm15, $0x1, v1;
	v41 =	vadd.s32 v39, v58  }
0x16a: {  	s29 =	sadd.s32 $0x10, s28;
	vm3 =	vlt.f32 v11, $9.999999770e-03;
	[tilespmem:v56+s22+$0x0] =	vst.idx.msk vm4, v16;
	(xrf0) =	vadd.scan.msk.s32 $0xffff, v61;
	vm4 =	vlt.s32 v41, $0x10  }
0x16b: {  	v63 =	vor.u32 s29, v2;
	v53 =	vadd.s32 v53, v60;
	vm5 =	vmand vm3, vm4;
	v60, _, _ =	vpop (xrf0)  }
0x16c: {  	v58 =	vsub.s32 v60, v62;
	v60 =	vmpcnt.ones.xlane vm5  }
0x16d: {  	s29 =	sadd.s32 $0x20, s28;
	v56 =	vsel vm14, $0x1, v1;
	[tilespmem:v57+s21+$0x0] =	vst.idx.msk vm0, v63  }
0x16e: {  	[tilespmem:v57+s22+$0x0] =	vst.idx.msk vm0, v36;
	v57 =	vor.u32 s29, v2;
	(xrf0) =	vadd.scan.msk.s32 $0xffff, v56;
	v63, _, _ =	vpop (xrf0)  }
0x16f: {  	[tilespmem:v45+s21+$0x0] =	vst.idx.msk vm8, v57;
	v54 =	vadd.s32 v54, v58;
	v58 =	vsub.s32 v63, v59;
	v59 =	vsel vm13, $0x1, v1  }
0x170: {  	[tilespmem:v45+s22+$0x0] =	vst.idx.msk vm8, v32;
	v45 =	vadd.s32 v41, v60;
	v60, _, _ =	vpop (xrf0);
	(xrf0) =	vadd.scan.msk.s32 $0xffff, v59  }
0x171: {  	s29 =	sadd.s32 $0x30, s28  }
0x172: {  	v62 =	vor.u32 s29, v2;
	v55 =	vadd.s32 v55, v58  }
0x173: {  	vm0 =	vlt.f32 v21, $9.999999770e-03;
	s29 =	sadd.s32 $0x40, s28;
	[tilespmem:v53+s21+$0x0] =	vst.idx.msk vm1, v62;
	v62 =	vsub.s32 v60, v61  }
0x174: {  	vm8 =	vlt.s32 v45, $0x10;
	[tilespmem:v53+s22+$0x0] =	vst.idx.msk vm1, v12;
	v58 =	vor.u32 s29, v2;
	v53, _, _ =	vpop (xrf0);
	v52 =	vadd.s32 v52, v62  }
0x175: {  	vm8 =	vmand vm0, vm8;
	s29 =	sadd.s32 $0x50, s28;
	[tilespmem:v54+s21+$0x0] =	vst.idx.msk vm2, v58;
	v53 =	vsub.s32 v53, v56  }
0x176: {  	v60 =	vmpcnt.ones.xlane vm8;
	v63 =	vor.u32 s29, v2;
	[tilespmem:v54+s22+$0x0] =	vst.idx.msk vm2, v27;
	v53 =	vadd.s32 v48, v53;
	v61, _, _ =	vpop (xrf0)  }
0x177: {  	v57 =	vsel vm12, $0x1, v1;
	vm0 =	vlt.f32 v14, $9.999999770e-03;
	s29 =	sadd.s32 $0x60, s28;
	[tilespmem:v55+s21+$0x0] =	vst.idx.msk vm10, v63;
	v62 =	vsub.s32 v61, v59  }
0x178: {  	v48 =	vadd.s32 v45, v60;
	v60 =	vor.u32 s29, v2;
	[tilespmem:v55+s22+$0x0] =	vst.idx.msk vm10, v29;
	v55 =	vadd.s32 v51, v62  }
0x179: {  	(xrf0) =	vadd.scan.msk.s32 $0xffff, v57;
	v54 =	vsel vm11, $0x1, v1;
	s29 =	sadd.s32 $0x70, s28;
	vm4 =	vlt.s32 v48, $0x10;
	[tilespmem:v52+s21+$0x0] =	vst.idx.msk vm15, v60  }
0x17a: {  	(xrf0) =	vadd.scan.msk.s32 $0xffff, v54;
	vm10 =	vmand vm0, vm4;
	v59 =	vor.u32 s29, v2;
	[tilespmem:v52+s22+$0x0] =	vst.idx.msk vm15, v13  }
0x17b: {  	v63 =	vmpcnt.ones.xlane vm10;
	s29 =	sadd.s32 $0x80, s28;
	[tilespmem:v53+s21+$0x0] =	vst.idx.msk vm14, v59  }
0x17c: {  	v62 =	vor.u32 s29, v2;
	[tilespmem:v53+s22+$0x0] =	vst.idx.msk vm14, v25  }
0x17d: {  	v58 =	vsel vm9, $0x1, v1;
	v51 =	vadd.s32 v48, v63;
	[tilespmem:v55+s21+$0x0] =	vst.idx.msk vm13, v62;
	v62 =	vld [tilespmem:$0x1FFB0]  }
0x17e: {  	(xrf0) =	vadd.scan.msk.s32 $0xffff, v58;
	vm15 =	vlt.f32 v8, $9.999999770e-03;
	v59 =	vsel vm7, $0x1, v1;
	vm4 =	vlt.s32 v51, $0x10  }
0x17f: {  	v60, _, _ =	vpop (xrf0);
	(xrf0) =	vadd.scan.msk.s32 $0xffff, v59;
	vm14 =	vmand vm15, vm4  }
0x180: {  	v52 =	vsub.s32 v60, v57;
	v61, _, _ =	vpop (xrf0);
	v63 =	vmpcnt.ones.xlane vm14  }
0x181: {  	v50 =	vadd.s32 v50, v52;
	v53 =	vsel vm6, $0x1, v1;
	v52 =	vsub.s32 v61, v54  }
0x182: {  	v52 =	vadd.s32 v49, v52;
	v49 =	vadd.s32 v51, v63;
	v63 =	vld [tilespmem:$0x1FFC0];
	vm4 =	vnez.u8 v62  }
0x183: {  	(xrf0) =	vadd.scan.msk.s32 $0xffff, v53;
	v57 =	vsel vm4, $0x1, v1  }
0x184: {  	s29 =	sadd.s32 $0x90, s28;
	v60, _, _ =	vpop (xrf0);
	(xrf0) =	vadd.scan.msk.s32 $0xffff, v57  }
0x185: {  	v56 =	vor.u32 s29, v2;
	v61 =	vsub.s32 v60, v58;
	[tilespmem:v55+s22+$0x0] =	vst.idx.msk vm13, v17;
	v58, _, _ =	vpop (xrf0)  }
0x186: {  	[tilespmem:v50+s21+$0x0] =	vst.idx.msk vm12, v56;
	v55 =	vsub.s32 v58, v59  }
0x187: {  	[tilespmem:v50+s22+$0x0] =	vst.idx.msk vm12, v34;
	v50 =	vadd.s32 v46, v55;
	v55 =	vld [tilespmem:$0x1FFD0];
	vm15 =	vnez.u8 v63  }
0x188: {  	vm0 =	vlt.f32 v7, $9.999999770e-03;
	s29 =	sadd.s32 $0xA0, s28;
	vm13 =	vlt.s32 v49, $0x10;
	v54 =	vsel vm15, $0x1, v1  }
0x189: {  	v60 =	vor.u32 s29, v2;
	v47 =	vadd.s32 v47, v61;
	vm13 =	vmand vm0, vm13;
	v62, _, _ =	vpop (xrf0);
	(xrf0) =	vadd.scan.msk.s32 $0xffff, v54  }
0x18a: {  	s29 =	sadd.s32 $0xB0, s28;
	v61 =	vmpcnt.ones.xlane vm13;
	[tilespmem:v52+s21+$0x0] =	vst.idx.msk vm11, v60;
	v59, _, _ =	vpop (xrf0)  }
0x18b: {  	v58 =	vor.u32 s29, v2;
	[tilespmem:v52+s22+$0x0] =	vst.idx.msk vm11, v30;
	v52 =	vsub.s32 v59, v57;
	v57 =	vld [tilespmem:$0x1FFE0]  }
0x18c: {  	vm11 =	vlt.f32 v6, $9.999999770e-03;
	v46 =	vadd.s32 v49, v61;
	vm2 =	vnez.u8 v55;
	v59 =	vld [tilespmem:$0x1FFF0]  }
0x18d: {  	v63 =	vsub.s32 v62, v53;
	vm12 =	vlt.s32 v46, $0x10;
	v53 =	vsel vm2, $0x1, v1  }
0x18e: {  	s29 =	sadd.s32 $0xC0, s28;
	[tilespmem:v47+s21+$0x0] =	vst.idx.msk vm9, v58;
	vm11 =	vmand vm11, vm12;
	(xrf0) =	vadd.scan.msk.s32 $0xffff, v53  }
0x18f: {  	v60 =	vor.u32 s29, v2;
	v44 =	vadd.s32 v44, v63;
	[tilespmem:v47+s22+$0x0] =	vst.idx.msk vm9, v9;
	v62 =	vmpcnt.ones.xlane vm11;
	v61, _, _ =	vpop (xrf0)  }
0x190: {  	[tilespmem:v50+s21+$0x0] =	vst.idx.msk vm7, v60;
	v42 =	vadd.s32 v42, v52;
	v63 =	vsub.s32 v61, v54;
	vm3 =	vnez.u8 v57  }
0x191: {  	[tilespmem:v50+s22+$0x0] =	vst.idx.msk vm7, v18;
	v54 =	vadd.s32 v46, v62;
	vm9 =	vnez.u8 v59;
	v52 =	vsel vm3, $0x1, v1  }
0x192: {  	s29 =	sadd.s32 $0xD0, s28;
	vm7 =	vlt.f32 v28, $9.999999770e-03;
	vm12 =	vlt.s32 v54, $0x10;
	v50 =	vsel vm9, $0x1, v1;
	(xrf0) =	vadd.scan.msk.s32 $0xffff, v52  }
0x193: {  	v58 =	vor.u32 s29, v2;
	vm7 =	vmand vm7, vm12;
	(xrf0) =	vadd.scan.msk.s32 $0xffff, v50  }
0x194: {  	[tilespmem:v44+s21+$0x0] =	vst.idx.msk vm6, v58;
	v60, _, _ =	vpop (xrf0);
	v62 =	vmpcnt.ones.xlane vm7  }
0x195: {  	[tilespmem:v44+s22+$0x0] =	vst.idx.msk vm6, v19;
	vm6 =	vlt.f32 v24, $9.999999770e-03;
	v47 =	vsub.s32 v60, v53  }
0x196: {  	s29 =	sadd.s32 $0xE0, s28;
	v43 =	vadd.s32 v43, v63;
	v40 =	vadd.s32 v40, v47;
	v47 =	vadd.s32 v54, v62  }
0x197: {  	v61 =	vor.u32 s29, v2;
	v63 =	vsel vm5, $0x1, v1;
	vm12 =	vlt.s32 v47, $0x10  }
0x198: {  	[tilespmem:v42+s21+$0x0] =	vst.idx.msk vm4, v61;
	vm0 =	vmand vm6, vm12;
	(xrf0) =	vadd.scan.msk.s32 $0xffff, v63;
	v56, _, _ =	vpop (xrf0)  }
0x199: {  	s29 =	sadd.s32 $0xF0, s28;
	v57 =	vsel vm8, $0x1, v1;
	[tilespmem:v42+s22+$0x0] =	vst.idx.msk vm4, v10;
	v60 =	vmpcnt.ones.xlane vm0;
	v42 =	vsub.s32 v56, v52;
	v59, _, _ =	vpop (xrf0)  }
0x19a: {  	v55 =	vor.u32 s29, v2;
	(xrf0) =	vadd.scan.msk.s32 $0xffff, v57;
	v38 =	vadd.s32 v38, v42;
	v42 =	vsub.s32 v59, v50  }
0x19b: {  	v61 =	vsel vm10, $0x1, v1;
	[tilespmem:v43+s21+$0x0] =	vst.idx.msk vm15, v55;
	v39 =	vadd.s32 v39, v42;
	v42 =	vadd.s32 v47, v60  }
0x19c: {  	s29 =	sadd.s32 $0x100, s28;
	[tilespmem:v43+s22+$0x0] =	vst.idx.msk vm15, v23;
	vm15 =	vlt.f32 v15, $9.999999770e-03;
	(xrf0) =	vadd.scan.msk.s32 $0xffff, v61;
	vm4 =	vlt.s32 v42, $0x10  }
0x19d: {  	v58 =	vor.u32 s29, v2;
	v52 =	vsel vm14, $0x1, v1;
	vm1 =	vmand vm15, vm4  }
0x19e: {  	s29 =	sadd.s32 $0x110, s28;
	vm6 =	vlt.f32 v37, $9.999999770e-03;
	v43 =	vsel vm13, $0x1, v1;
	v62, _, _ =	vpop (xrf0);
	(xrf0) =	vadd.scan.msk.s32 $0xffff, v52;
	v53 =	vmpcnt.ones.xlane vm1  }
0x19f: {  	[tilespmem:v40+s21+$0x0] =	vst.idx.msk vm2, v58;
	v50 =	vsel vm0, $0x1, v1;
	v44 =	vsub.s32 v62, v63;
	v63 =	vor.u32 s29, v2;
	s29 =	sadd.s32 $0x120, s28  }
0x1a0: {  	[tilespmem:v40+s22+$0x0] =	vst.idx.msk vm2, v22;
	v41 =	vadd.s32 v41, v44;
	v55 =	vor.u32 s29, v2;
	v56, _, _ =	vpop (xrf0);
	v44 =	vadd.s32 v42, v53  }
0x1a1: {  	s29 =	sadd.s32 $0x130, s28;
	(xrf0) =	vadd.scan.msk.s32 $0xffff, v43;
	[tilespmem:v38+s21+$0x0] =	vst.idx.msk vm3, v63;
	v57 =	vsub.s32 v56, v57;
	vm12 =	vlt.s32 v44, $0x10  }
0x1a2: {  	v58 =	vor.u32 s29, v2;
	v59, _, _ =	vpop (xrf0);
	[tilespmem:v38+s22+$0x0] =	vst.idx.msk vm3, v33;
	v38 =	vadd.s32 v45, v57;
	vm2 =	vmand vm6, vm12  }
0x1a3: {  	s29 =	sadd.s32 $0x140, s28;
	vm15 =	vlt.f32 v35, $9.999999770e-03;
	v60 =	vsub.s32 v59, v61;
	[tilespmem:v39+s21+$0x0] =	vst.idx.msk vm9, v55;
	v62 =	vmpcnt.ones.xlane vm2  }
0x1a4: {  	v63 =	vsel vm11, $0x1, v1;
	v61, _, _ =	vpop (xrf0);
	v53 =	vor.u32 s29, v2;
	[tilespmem:v39+s22+$0x0] =	vst.idx.msk vm9, v20;
	v39 =	vadd.s32 v48, v60  }
0x1a5: {  	(xrf0) =	vadd.scan.msk.s32 $0xffff, v63;
	v40 =	vsub.s32 v61, v52;
	[tilespmem:v41+s21+$0x0] =	vst.idx.msk vm5, v58;
	v45 =	vadd.s32 v44, v62  }
0x1a6: {  	s29 =	sadd.s32 $0x150, s28;
	v55 =	vsel vm7, $0x1, v1;
	v40 =	vadd.s32 v51, v40;
	[tilespmem:v41+s22+$0x0] =	vst.idx.msk vm5, v11;
	vm9 =	vlt.s32 v45, $0x10  }
0x1a7: {  	v57 =	vor.u32 s29, v2;
	v56, _, _ =	vpop (xrf0);
	(xrf0) =	vadd.scan.msk.s32 $0xffff, v55;
	[tilespmem:v38+s21+$0x0] =	vst.idx.msk vm8, v53;
	vm3 =	vmand vm15, vm9  }
0x1a8: {  	(xrf0) =	vadd.scan.msk.s32 $0xffff, v50;
	[tilespmem:v38+s22+$0x0] =	vst.idx.msk vm8, v21;
	v38 =	vsub.s32 v56, v43;
	v58 =	vmpcnt.ones.xlane vm3  }
0x1a9: {  	s29 =	sadd.s32 $0x160, s28;
	[tilespmem:v39+s21+$0x0] =	vst.idx.msk vm10, v57;
	v38 =	vadd.s32 v49, v38  }
0x1aa: {  	v59 =	vor.u32 s29, v2;
	v49 =	vsel vm1, $0x1, v1;
	[tilespmem:v39+s22+$0x0] =	vst.idx.msk vm10, v14;
	v43 =	vadd.s32 v45, v58  }
0x1ab: {  	v60, _, _ =	vpop (xrf0);
	(xrf0) =	vadd.scan.msk.s32 $0xffff, v49;
	vm10 =	vlt.f32 v31, $9.999999770e-03;
	[tilespmem:v40+s21+$0x0] =	vst.idx.msk vm14, v59;
	vm12 =	vlt.s32 v43, $0x10  }
0x1ac: {  	s29 =	sadd.s32 $0x170, s28;
	v39 =	vsub.s32 v60, v63;
	[tilespmem:v40+s22+$0x0] =	vst.idx.msk vm14, v8;
	v40 =	vsel vm2, $0x1, v1;
	vm4 =	vmand vm10, vm12  }
0x1ad: {  	v61 =	vor.u32 s29, v2;
	v39 =	vadd.s32 v46, v39;
	v62, _, _ =	vpop (xrf0);
	(xrf0) =	vadd.scan.msk.s32 $0xffff, v40;
	v63 =	vmpcnt.ones.xlane vm4  }
0x1ae: {  	v57 =	vsel vm3, $0x1, v1;
	v55 =	vsub.s32 v62, v55;
	v56, _, _ =	vpop (xrf0);
	[tilespmem:v38+s21+$0x0] =	vst.idx.msk vm13, v61  }
0x1af: {  	v41 =	vadd.s32 v54, v55;
	v46 =	vsub.s32 v56, v50;
	(xrf0) =	vadd.scan.msk.s32 $0xffff, v57;
	v50 =	vadd.s32 v43, v63  }
0x1b0: {  	s29 =	sadd.s32 $0x180, s28;
	[tilespmem:v38+s22+$0x0] =	vst.idx.msk vm13, v7;
	v58 =	vsel vm4, $0x1, v1;
	vm13 =	vlt.f32 v26, $9.999999770e-03;
	vm14 =	vlt.s32 v50, $0x10  }
0x1b1: {  	v59 =	vor.u32 s29, v2;
	v46 =	vadd.s32 v47, v46;
	v60, _, _ =	vpop (xrf0);
	(xrf0) =	vadd.scan.msk.s32 $0xffff, v58;
	vm5 =	vmand vm13, vm14  }
0x1b2: {  	s29 =	sadd.s32 $0x190, s28;
	[tilespmem:v39+s21+$0x0] =	vst.idx.msk vm11, v59;
	v47 =	vsub.s32 v60, v49;
	v61 =	vsel vm5, $0x1, v1  }
0x1b3: {  	v62 =	vor.u32 s29, v2;
	[tilespmem:v39+s22+$0x0] =	vst.idx.msk vm11, v6;
	v42 =	vadd.s32 v42, v47;
	v63, _, _ =	vpop (xrf0);
	(xrf0) =	vadd.scan.msk.s32 $0xffff, v61  }
0x1b4: {  	s29 =	sadd.s32 $0x1A0, s28;
	[tilespmem:v41+s21+$0x0] =	vst.idx.msk vm7, v62;
	v47 =	vsub.s32 v63, v40  }
0x1b5: {  	v52 =	vor.u32 s29, v2;
	v51, _, _ =	vpop (xrf0);
	[tilespmem:v41+s22+$0x0] =	vst.idx.msk vm7, v28;
	v39 =	vadd.s32 v44, v47  }
0x1b6: {  	s29 =	sadd.s32 $0x1B0, s28;
	[tilespmem:v46+s21+$0x0] =	vst.idx.msk vm0, v52;
	v40 =	vsub.s32 v51, v57  }
0x1b7: {  	v54 =	vor.u32 s29, v2;
	v53, _, _ =	vpop (xrf0);
	[tilespmem:v46+s22+$0x0] =	vst.idx.msk vm0, v24;
	v40 =	vadd.s32 v45, v40  }
0x1b8: {  	s29 =	sadd.s32 $0x1C0, s28;
	[tilespmem:v42+s21+$0x0] =	vst.idx.msk vm1, v54;
	v38 =	vsub.s32 v53, v58  }
0x1b9: {  	v55 =	vor.u32 s29, v2;
	[tilespmem:v42+s22+$0x0] =	vst.idx.msk vm1, v15;
	v38 =	vadd.s32 v43, v38;
	v56, _, _ =	vpop (xrf0)  }
0x1ba: {  	s29 =	sadd.s32 $0x1D0, s28;
	[tilespmem:v39+s21+$0x0] =	vst.idx.msk vm2, v55;
	v57 =	vsub.s32 v56, v61  }
0x1bb: {  	v58 =	vor.u32 s29, v2;
	[tilespmem:v39+s22+$0x0] =	vst.idx.msk vm2, v37;
	v41 =	vadd.s32 v50, v57  }
0x1bc: {  	s29 =	sadd.s32 $0x1E0, s28;
	[tilespmem:v40+s21+$0x0] =	vst.idx.msk vm3, v58  }
0x1bd: {  	v59 =	vor.u32 s29, v2;
	[tilespmem:v40+s22+$0x0] =	vst.idx.msk vm3, v35  }
0x1be: {  	v60 =	vmpcnt.ones.xlane vm5;
	s28 =	sadd.s32 $0x1F0, s28;
	[tilespmem:v38+s21+$0x0] =	vst.idx.msk vm4, v59  }
0x1bf: {  	v61 =	vor.u32 s28, v2;
	[tilespmem:v38+s22+$0x0] =	vst.idx.msk vm4, v31  }
0x1c0: {  	v62 =	vadd.s32 v50, v60;
	[tilespmem:v41+s21+$0x0] =	vst.idx.msk vm5, v61  }
0x1c1: {  	vm15 =	vgt.s32 v62, $0xF;
	[tilespmem:v41+s22+$0x0] =	vst.idx.msk vm5, v26  }
0x1c2: {  	v63 =	vsel vm15, $0x1, v1;
	[tilespmem:$0x13A70] =	vst v62  }
0x1c3: {  	[tilespmem:$0x13A90] =	vst v63  }
.LBB2_6:
0x1c4: {  	p0 =	sne.s32 s20, $0x0  }
.Ltmp8:
0x1c5: {  	_ = 	snop;
	(pc) =	sbr.rel @p0 .LBB2_8-.Ltmp8, $1  }
0x1c6: {  	_ =	sdelay $0x3  }
0x1c7: {  	v39 =	vld [tilespmem:$0x13A80];
	_ =	sdelay $0x4  }
0x1c8: {  	vm0 =	vlt.f32 v16, $3.999999910e-02;
	vm1 =	vlt.s32 v39, $0x20  }
0x1c9: {  	vm4 =	vmand vm0, vm1  }
0x1ca: {  	v38 =	vmpcnt.ones.xlane vm4;
	_ =	sdelay $0x1  }
0x1cb: {  	v41 =	vadd.s32 v39, v38  }
0x1cc: {  	vm8 =	vlt.f32 v36, $3.999999910e-02;
	vm9 =	vlt.s32 v41, $0x20  }
0x1cd: {  	vm0 =	vmand vm8, vm9  }
0x1ce: {  	v56 =	vmpcnt.ones.xlane vm0;
	_ =	sdelay $0x1  }
0x1cf: {  	v52 =	vadd.s32 v41, v56  }
0x1d0: {  	vm10 =	vlt.f32 v32, $3.999999910e-02;
	vm2 =	vlt.s32 v52, $0x20  }
0x1d1: {  	vm8 =	vmand vm10, vm2  }
0x1d2: {  	v57 =	vmpcnt.ones.xlane vm8;
	_ =	sdelay $0x1  }
0x1d3: {  	v53 =	vadd.s32 v52, v57  }
0x1d4: {  	vm11 =	vlt.f32 v12, $3.999999910e-02;
	vm12 =	vlt.s32 v53, $0x20  }
0x1d5: {  	vm1 =	vmand vm11, vm12  }
0x1d6: {  	v58 =	vmpcnt.ones.xlane vm1;
	_ =	sdelay $0x1  }
0x1d7: {  	v54 =	vadd.s32 v53, v58  }
0x1d8: {  	vm13 =	vlt.f32 v27, $3.999999910e-02;
	vm3 =	vlt.s32 v54, $0x20  }
0x1d9: {  	vm2 =	vmand vm13, vm3  }
0x1da: {  	v59 =	vmpcnt.ones.xlane vm2;
	_ =	sdelay $0x1  }
0x1db: {  	v55 =	vadd.s32 v54, v59  }
0x1dc: {  	vm14 =	vlt.f32 v29, $3.999999910e-02;
	vm5 =	vlt.s32 v55, $0x20  }
0x1dd: {  	vm10 =	vmand vm14, vm5  }
0x1de: {  	v60 =	vmpcnt.ones.xlane vm10;
	_ =	sdelay $0x1  }
0x1df: {  	v51 =	vadd.s32 v55, v60  }
0x1e0: {  	vm15 =	vlt.f32 v13, $3.999999910e-02;
	vm9 =	vlt.s32 v51, $0x20  }
0x1e1: {  	vm15 =	vmand vm15, vm9  }
0x1e2: {  	v61 =	vmpcnt.ones.xlane vm15;
	_ =	sdelay $0x1  }
0x1e3: {  	v50 =	vadd.s32 v51, v61  }
0x1e4: {  	vm11 =	vlt.f32 v25, $3.999999910e-02;
	vm12 =	vlt.s32 v50, $0x20  }
0x1e5: {  	vm14 =	vmand vm11, vm12  }
0x1e6: {  	v62 =	vmpcnt.ones.xlane vm14;
	_ =	sdelay $0x1  }
0x1e7: {  	v49 =	vadd.s32 v50, v62  }
0x1e8: {  	vm13 =	vlt.f32 v17, $3.999999910e-02;
	vm9 =	vlt.s32 v49, $0x20  }
0x1e9: {  	vm13 =	vmand vm13, vm9  }
0x1ea: {  	v63 =	vmpcnt.ones.xlane vm13;
	_ =	sdelay $0x1  }
0x1eb: {  	v48 =	vadd.s32 v49, v63  }
0x1ec: {  	vm11 =	vlt.f32 v34, $3.999999910e-02;
	vm12 =	vlt.s32 v48, $0x20  }
0x1ed: {  	vm12 =	vmand vm11, vm12  }
0x1ee: {  	v40 =	vmpcnt.ones.xlane vm12;
	_ =	sdelay $0x1  }
0x1ef: {  	v47 =	vadd.s32 v48, v40  }
0x1f0: {  	vm9 =	vlt.f32 v30, $3.999999910e-02;
	vm11 =	vlt.s32 v47, $0x20  }
0x1f1: {  	vm11 =	vmand vm9, vm11  }
0x1f2: {  	v42 =	vmpcnt.ones.xlane vm11;
	_ =	sdelay $0x1  }
0x1f3: {  	v46 =	vadd.s32 v47, v42  }
0x1f4: {  	vm3 =	vlt.f32 v9, $3.999999910e-02;
	vm9 =	vlt.s32 v46, $0x20  }
0x1f5: {  	vm9 =	vmand vm3, vm9  }
0x1f6: {  	v43 =	vmpcnt.ones.xlane vm9;
	_ =	sdelay $0x1  }
0x1f7: {  	v45 =	vadd.s32 v46, v43  }
0x1f8: {  	vm3 =	vlt.f32 v18, $3.999999910e-02;
	vm5 =	vlt.s32 v45, $0x20  }
0x1f9: {  	vm7 =	vmand vm3, vm5  }
0x1fa: {  	v44 =	vmpcnt.ones.xlane vm7;
	_ =	sdelay $0x1  }
0x1fb: {  	v44 =	vadd.s32 v45, v44  }
0x1fc: {  	vm3 =	vlt.f32 v19, $3.999999910e-02;
	vm5 =	vlt.s32 v44, $0x20  }
0x1fd: {  	vm6 =	vmand vm3, vm5  }
0x1fe: {  	v56 =	vmpcnt.ones.xlane vm6;
	_ =	sdelay $0x1  }
0x1ff: {  	v42 =	vadd.s32 v44, v56  }
0x200: {  	vm3 =	vlt.f32 v10, $3.999999910e-02;
	vm5 =	vlt.s32 v42, $0x20  }
0x201: {  	vm3 =	vmand vm3, vm5  }
0x202: {  	v58 =	vmpcnt.ones.xlane vm3;
	_ =	sdelay $0x1  }
0x203: {  	v57 =	vimm.s32 $0x0;
	v43 =	vadd.s32 v42, v58  }
0x204: {  	v38 =	vsel vm3, $0xFFFFFFFF, v57;
	vm3 =	vlt.f32 v23, $3.999999910e-02;
	vm5 =	vlt.s32 v43, $0x20  }
0x205: {  	vm3 =	vmand vm3, vm5  }
0x206: {  	v60 =	vmpcnt.ones.xlane vm3;
	_ =	sdelay $0x1  }
0x207: {  	v59 =	vimm.s32 $0x0;
	v40 =	vadd.s32 v43, v60  }
0x208: {  	[tilespmem:$0x1FF60] =	vst v38;
	vm5 =	vlt.f32 v22, $3.999999910e-02;
	v38 =	vsel vm3, $0xFFFFFFFF, v59;
	vm3 =	vlt.s32 v40, $0x20  }
0x209: {  	vm3 =	vmand vm5, vm3  }
0x20a: {  	v61 =	vimm.s32 $0x0;
	v62 =	vmpcnt.ones.xlane vm3  }
0x20b: {  	v56 =	vsel vm4, $0x1, v1;
	[tilespmem:$0x1FF70] =	vst v38;
	v38 =	vsel vm3, $0xFFFFFFFF, v61  }
0x20c: {  	(xrf0) =	vadd.scan.msk.s32 $0xffff, v56;
	[tilespmem:$0x1FF80] =	vst v38;
	v38 =	vadd.s32 v40, v62  }
0x20d: {  	vm3 =	vlt.f32 v33, $3.999999910e-02;
	vm5 =	vlt.s32 v38, $0x20  }
0x20e: {  	v57 =	vsel vm0, $0x1, v1;
	v59 =	vimm.s32 $0x0;
	vm3 =	vmand vm3, vm5  }
0x20f: {  	(xrf0) =	vadd.scan.msk.s32 $0xffff, v57;
	v59 =	vsel vm3, $0xFFFFFFFF, v59  }
0x210: {  	v58 =	vsel vm8, $0x1, v1  }
0x211: {  	(xrf0) =	vadd.scan.msk.s32 $0xffff, v58  }
0x212: {  	[tilespmem:$0x1FF90] =	vst v59;
	v59, _, _ =	vpop (xrf0)  }
0x213: {  	v56 =	vsub.s32 v59, v56;
	v59 =	vmpcnt.ones.xlane vm3  }
0x214: {  	v60 =	vsel vm1, $0x1, v1  }
0x215: {  	v62 =	vsel vm2, $0x1, v1;
	(xrf0) =	vadd.scan.msk.s32 $0xffff, v60;
	v61, _, _ =	vpop (xrf0);
	v56 =	vadd.s32 v39, v56;
	v39 =	vadd.s32 v38, v59  }
0x216: {  	vm3 =	vlt.f32 v20, $3.999999910e-02;
	v57 =	vsub.s32 v61, v57;
	vm5 =	vlt.s32 v39, $0x20  }
0x217: {  	v63 =	vimm.s32 $0x0;
	(xrf0) =	vadd.scan.msk.s32 $0xffff, v62;
	v57 =	vadd.s32 v41, v57;
	v41, _, _ =	vpop (xrf0);
	vm3 =	vmand vm3, vm5  }
0x218: {  	s20 =	sadd.s32 s1, s15;
	v41 =	vsub.s32 v41, v58;
	v59 =	vsel vm3, $0xFFFFFFFF, v63  }
0x219: {  	v61 =	vor.u32 s20, v2;
	v58 =	vmpcnt.ones.xlane vm3;
	[tilespmem:$0x1FFA0] =	vst v59;
	v59 =	vsel vm10, $0x1, v1  }
0x21a: {  	v52 =	vadd.s32 v52, v41;
	[tilespmem:v56+s23+$0x0] =	vst.idx.msk vm4, v61;
	v61 =	vsel vm15, $0x1, v1;
	(xrf0) =	vadd.scan.msk.s32 $0xffff, v59  }
0x21b: {  	s28 =	sadd.s32 $0x10, s20;
	v41, _, _ =	vpop (xrf0);
	(xrf0) =	vadd.scan.msk.s32 $0xffff, v61  }
0x21c: {  	v63 =	vor.u32 s28, v2;
	[tilespmem:v56+s24+$0x0] =	vst.idx.msk vm4, v16;
	v56 =	vsel vm14, $0x1, v1  }
0x21d: {  	s29 =	sadd.s32 $0x20, s20;
	v60 =	vsub.s32 v41, v60;
	v41 =	vadd.s32 v39, v58;
	[tilespmem:v57+s23+$0x0] =	vst.idx.msk vm0, v63;
	v58, _, _ =	vpop (xrf0);
	(xrf0) =	vadd.scan.msk.s32 $0xffff, v56  }
0x21e: {  	v53 =	vadd.s32 v53, v60;
	v60 =	vor.u32 s29, v2;
	[tilespmem:v57+s24+$0x0] =	vst.idx.msk vm0, v36  }
0x21f: {  	vm3 =	vlt.f32 v11, $3.999999910e-02;
	vm4 =	vlt.s32 v41, $0x20;
	[tilespmem:v52+s23+$0x0] =	vst.idx.msk vm8, v60  }
0x220: {  	vm5 =	vmand vm3, vm4;
	v16 =	vsub.s32 v58, v62;
	[tilespmem:v52+s24+$0x0] =	vst.idx.msk vm8, v32;
	v52 =	vsel vm13, $0x1, v1;
	v58, _, _ =	vpop (xrf0)  }
0x221: {  	s29 =	sadd.s32 $0x30, s20;
	v62 =	vmpcnt.ones.xlane vm5;
	v60, _, _ =	vpop (xrf0);
	(xrf0) =	vadd.scan.msk.s32 $0xffff, v52  }
0x222: {  	v63 =	vor.u32 s29, v2;
	s29 =	sadd.s32 $0x40, s20;
	v54 =	vadd.s32 v54, v16  }
0x223: {  	v16 =	vadd.s32 v41, v62;
	[tilespmem:v53+s23+$0x0] =	vst.idx.msk vm1, v63;
	v63 =	vor.u32 s29, v2;
	v57, _, _ =	vpop (xrf0)  }
0x224: {  	v59 =	vsub.s32 v58, v59;
	[tilespmem:v53+s24+$0x0] =	vst.idx.msk vm1, v12;
	v58 =	vsel vm12, $0x1, v1;
	v12 =	vsub.s32 v57, v56  }
0x225: {  	v62 =	vsub.s32 v60, v61;
	(xrf0) =	vadd.scan.msk.s32 $0xffff, v58;
	v61 =	vadd.s32 v50, v12;
	v50 =	vsel vm11, $0x1, v1  }
0x226: {  	vm0 =	vlt.f32 v21, $3.999999910e-02;
	v53 =	vsel vm9, $0x1, v1;
	(xrf0) =	vadd.scan.msk.s32 $0xffff, v50  }
0x227: {  	vm8 =	vlt.s32 v16, $0x20;
	v32 =	vadd.s32 v55, v59;
	[tilespmem:v54+s23+$0x0] =	vst.idx.msk vm2, v63;
	v63, _, _ =	vpop (xrf0);
	(xrf0) =	vadd.scan.msk.s32 $0xffff, v53  }
0x228: {  	s29 =	sadd.s32 $0x50, s20;
	vm8 =	vmand vm0, vm8  }
0x229: {  	v59 =	vmpcnt.ones.xlane vm8;
	v60 =	vor.u32 s29, v2  }
0x22a: {  	v36 =	vadd.s32 v51, v62  }
0x22b: {  	[tilespmem:v54+s24+$0x0] =	vst.idx.msk vm2, v27;
	v12 =	vadd.s32 v16, v59;
	v57, _, _ =	vpop (xrf0)  }
0x22c: {  	vm0 =	vlt.f32 v14, $3.999999910e-02;
	s29 =	sadd.s32 $0x60, s20;
	vm4 =	vlt.s32 v12, $0x20;
	[tilespmem:v32+s23+$0x0] =	vst.idx.msk vm10, v60;
	v60, _, _ =	vpop (xrf0)  }
0x22d: {  	v62 =	vor.u32 s29, v2;
	[tilespmem:v32+s24+$0x0] =	vst.idx.msk vm10, v29;
	vm10 =	vmand vm0, vm4;
	v51, _, _ =	vpop (xrf0)  }
0x22e: {  	s29 =	sadd.s32 $0x70, s20;
	v54 =	vsub.s32 v63, v52;
	v55 =	vmpcnt.ones.xlane vm10;
	v52 =	vsub.s32 v51, v53;
	v53 =	vld [tilespmem:$0x1FF60]  }
0x22f: {  	v56 =	vor.u32 s29, v2;
	[tilespmem:v36+s23+$0x0] =	vst.idx.msk vm15, v62;
	v29 =	vadd.s32 v49, v54  }
0x230: {  	v32 =	vsel vm6, $0x1, v1;
	v49 =	vsel vm7, $0x1, v1;
	[tilespmem:v36+s24+$0x0] =	vst.idx.msk vm15, v13;
	v13 =	vadd.s32 v12, v55  }
0x231: {  	v58 =	vsub.s32 v57, v58;
	vm15 =	vlt.f32 v8, $3.999999910e-02;
	[tilespmem:v61+s23+$0x0] =	vst.idx.msk vm14, v56;
	vm4 =	vlt.s32 v13, $0x20  }
0x232: {  	s29 =	sadd.s32 $0x80, s20;
	(xrf0) =	vadd.scan.msk.s32 $0xffff, v49;
	v59 =	vadd.s32 v48, v58;
	[tilespmem:v61+s24+$0x0] =	vst.idx.msk vm14, v25;
	vm14 =	vmand vm15, vm4  }
0x233: {  	v55 =	vld [tilespmem:$0x1FF70];
	v61 =	vor.u32 s29, v2;
	v62 =	vmpcnt.ones.xlane vm14;
	vm4 =	vnez.u8 v53  }
0x234: {  	(xrf0) =	vadd.scan.msk.s32 $0xffff, v32;
	v27 =	vsub.s32 v60, v50;
	[tilespmem:v29+s23+$0x0] =	vst.idx.msk vm13, v61;
	v54 =	vsel vm4, $0x1, v1  }
0x235: {  	s29 =	sadd.s32 $0x90, s20;
	v27 =	vadd.s32 v47, v27;
	[tilespmem:v29+s24+$0x0] =	vst.idx.msk vm13, v17;
	v17 =	vadd.s32 v13, v62;
	v62 =	vld [tilespmem:$0x1FF80];
	(xrf0) =	vadd.scan.msk.s32 $0xffff, v54  }
0x236: {  	vm0 =	vlt.f32 v7, $3.999999910e-02;
	v63 =	vor.u32 s29, v2;
	s29 =	sadd.s32 $0xA0, s20  }
0x237: {  	v57 =	vor.u32 s29, v2;
	s29 =	sadd.s32 $0xB0, s20;
	v29 =	vadd.s32 v46, v52;
	vm13 =	vlt.s32 v17, $0x20  }
0x238: {  	v36 =	vor.u32 s29, v2;
	vm15 =	vnez.u8 v55;
	[tilespmem:v59+s23+$0x0] =	vst.idx.msk vm12, v63;
	v56, _, _ =	vpop (xrf0);
	vm13 =	vmand vm0, vm13  }
0x239: {  	v48 =	vsel vm15, $0x1, v1;
	[tilespmem:v59+s24+$0x0] =	vst.idx.msk vm12, v34;
	v58 =	vsub.s32 v56, v49;
	v59 =	vmpcnt.ones.xlane vm13  }
0x23a: {  	v60, _, _ =	vpop (xrf0);
	[tilespmem:v27+s23+$0x0] =	vst.idx.msk vm11, v57;
	v34 =	vadd.s32 v45, v58;
	vm2 =	vnez.u8 v62;
	(xrf0) =	vadd.scan.msk.s32 $0xffff, v48  }
0x23b: {  	v56 =	vld [tilespmem:$0x1FFA0];
	v61 =	vsub.s32 v60, v32;
	[tilespmem:v27+s24+$0x0] =	vst.idx.msk vm11, v30;
	v25 =	vadd.s32 v17, v59;
	v63 =	vsel vm2, $0x1, v1;
	v45, _, _ =	vpop (xrf0)  }
0x23c: {  	s29 =	sadd.s32 $0xC0, s20;
	vm11 =	vlt.f32 v6, $3.999999910e-02;
	vm12 =	vlt.s32 v25, $0x20;
	(xrf0) =	vadd.scan.msk.s32 $0xffff, v63;
	v49 =	vsub.s32 v45, v54;
	v54 =	vld [tilespmem:$0x1FF90]  }
0x23d: {  	v46 =	vor.u32 s29, v2;
	s29 =	sadd.s32 $0xD0, s20;
	v27 =	vadd.s32 v44, v61;
	[tilespmem:v29+s23+$0x0] =	vst.idx.msk vm9, v36;
	vm11 =	vmand vm11, vm12  }
0x23e: {  	v55 =	vor.u32 s29, v2;
	s29 =	sadd.s32 $0xE0, s20;
	[tilespmem:v29+s24+$0x0] =	vst.idx.msk vm9, v9;
	v51 =	vmpcnt.ones.xlane vm11  }
0x23f: {  	v58 =	vor.u32 s29, v2;
	[tilespmem:v34+s23+$0x0] =	vst.idx.msk vm7, v46;
	v52 =	vadd.s32 v42, v49  }
0x240: {  	vm9 =	vnez.u8 v56;
	[tilespmem:v34+s24+$0x0] =	vst.idx.msk vm7, v18;
	vm7 =	vlt.f32 v28, $3.999999910e-02;
	v36 =	vadd.s32 v25, v51;
	v50, _, _ =	vpop (xrf0)  }
0x241: {  	vm12 =	vlt.s32 v36, $0x20;
	v53 =	vsub.s32 v50, v48;
	vm3 =	vnez.u8 v54  }
0x242: {  	[tilespmem:v27+s23+$0x0] =	vst.idx.msk vm6, v55;
	vm7 =	vmand vm7, vm12;
	v57, _, _ =	vpop (xrf0);
	v29 =	vadd.s32 v43, v53;
	v32 =	vsel vm3, $0x1, v1  }
0x243: {  	[tilespmem:v27+s24+$0x0] =	vst.idx.msk vm6, v19;
	v60 =	vmpcnt.ones.xlane vm7;
	v59 =	vsub.s32 v57, v63;
	(xrf0) =	vadd.scan.msk.s32 $0xffff, v32  }
0x244: {  	v18 =	vsel vm9, $0x1, v1;
	v61 =	vadd.s32 v40, v59;
	[tilespmem:v52+s23+$0x0] =	vst.idx.msk vm4, v58  }
0x245: {  	s29 =	sadd.s32 $0xF0, s20;
	v62 =	vsel vm5, $0x1, v1;
	[tilespmem:v52+s24+$0x0] =	vst.idx.msk vm4, v10;
	v10 =	vadd.s32 v36, v60;
	(xrf0) =	vadd.scan.msk.s32 $0xffff, v18  }
0x246: {  	vm6 =	vlt.f32 v24, $3.999999910e-02;
	v63 =	vor.u32 s29, v2;
	vm12 =	vlt.s32 v10, $0x20  }
0x247: {  	s29 =	sadd.s32 $0x100, s20;
	[tilespmem:v29+s23+$0x0] =	vst.idx.msk vm15, v63;
	(xrf0) =	vadd.scan.msk.s32 $0xffff, v62;
	vm0 =	vmand vm6, vm12  }
0x248: {  	v40 =	vsel vm8, $0x1, v1;
	v42 =	vor.u32 s29, v2;
	[tilespmem:v29+s24+$0x0] =	vst.idx.msk vm15, v23;
	v44 =	vmpcnt.ones.xlane vm0  }
0x249: {  	[tilespmem:v61+s23+$0x0] =	vst.idx.msk vm2, v42;
	v34, _, _ =	vpop (xrf0);
	(xrf0) =	vadd.scan.msk.s32 $0xffff, v40  }
0x24a: {  	v45 =	vsel vm10, $0x1, v1;
	[tilespmem:v61+s24+$0x0] =	vst.idx.msk vm2, v22;
	v22 =	vadd.s32 v10, v44;
	v9 =	vsub.s32 v34, v32  }
0x24b: {  	vm15 =	vlt.f32 v15, $3.999999910e-02;
	vm4 =	vlt.s32 v22, $0x20;
	v43, _, _ =	vpop (xrf0);
	v9 =	vadd.s32 v38, v9  }
0x24c: {  	v47 =	vsel vm14, $0x1, v1;
	s29 =	sadd.s32 $0x110, s20;
	(xrf0) =	vadd.scan.msk.s32 $0xffff, v45;
	vm1 =	vmand vm15, vm4;
	v18 =	vsub.s32 v43, v18  }
0x24d: {  	v48 =	vor.u32 s29, v2;
	s29 =	sadd.s32 $0x120, s20;
	v46, _, _ =	vpop (xrf0);
	v49 =	vmpcnt.ones.xlane vm1;
	v18 =	vadd.s32 v39, v18  }
0x24e: {  	v53 =	vsel vm13, $0x1, v1;
	v50 =	vor.u32 s29, v2;
	(xrf0) =	vadd.scan.msk.s32 $0xffff, v47;
	v27 =	vsub.s32 v46, v62  }
0x24f: {  	vm6 =	vlt.f32 v37, $3.999999910e-02;
	v27 =	vadd.s32 v41, v27;
	v29 =	vadd.s32 v22, v49;
	v51, _, _ =	vpop (xrf0)  }
0x250: {  	s29 =	sadd.s32 $0x130, s20;
	vm12 =	vlt.s32 v29, $0x20;
	(xrf0) =	vadd.scan.msk.s32 $0xffff, v53;
	[tilespmem:v9+s23+$0x0] =	vst.idx.msk vm3, v48;
	v52 =	vsub.s32 v51, v40  }
0x251: {  	v54 =	vor.u32 s29, v2;
	vm2 =	vmand vm6, vm12;
	[tilespmem:v9+s24+$0x0] =	vst.idx.msk vm3, v33;
	v9 =	vadd.s32 v16, v52  }
0x252: {  	s29 =	sadd.s32 $0x140, s20;
	v61 =	vsel vm11, $0x1, v1;
	vm15 =	vlt.f32 v35, $3.999999910e-02;
	v55, _, _ =	vpop (xrf0);
	v58 =	vmpcnt.ones.xlane vm2;
	[tilespmem:v18+s23+$0x0] =	vst.idx.msk vm9, v50  }
0x253: {  	v32 =	vsel vm0, $0x1, v1;
	v62 =	vor.u32 s29, v2;
	v56 =	vsub.s32 v55, v45;
	[tilespmem:v18+s24+$0x0] =	vst.idx.msk vm9, v20  }
0x254: {  	(xrf0) =	vadd.scan.msk.s32 $0xffff, v61;
	v57, _, _ =	vpop (xrf0);
	v59 =	vadd.s32 v12, v56;
	v63 =	vadd.s32 v29, v58;
	[tilespmem:v27+s23+$0x0] =	vst.idx.msk vm5, v54  }
0x255: {  	v60 =	vsub.s32 v57, v47;
	vm9 =	vlt.s32 v63, $0x20;
	[tilespmem:v27+s24+$0x0] =	vst.idx.msk vm5, v11;
	v27 =	vsel vm7, $0x1, v1  }
0x256: {  	v12 =	vadd.s32 v13, v60;
	vm3 =	vmand vm15, vm9;
	v30, _, _ =	vpop (xrf0);
	[tilespmem:v9+s23+$0x0] =	vst.idx.msk vm8, v62;
	(xrf0) =	vadd.scan.msk.s32 $0xffff, v27  }
0x257: {  	s29 =	sadd.s32 $0x150, s20;
	v34 =	vmpcnt.ones.xlane vm3;
	[tilespmem:v9+s24+$0x0] =	vst.idx.msk vm8, v21;
	v9 =	vsub.s32 v30, v53;
	(xrf0) =	vadd.scan.msk.s32 $0xffff, v32  }
0x258: {  	v39 =	vsel vm1, $0x1, v1;
	v33 =	vor.u32 s29, v2;
	s29 =	sadd.s32 $0x160, s20;
	v9 =	vadd.s32 v17, v9  }
0x259: {  	v43 =	vsel vm2, $0x1, v1;
	v38 =	vor.u32 s29, v2;
	v40 =	vadd.s32 v63, v34;
	[tilespmem:v59+s23+$0x0] =	vst.idx.msk vm10, v33  }
0x25a: {  	s29 =	sadd.s32 $0x170, s20;
	v41, _, _ =	vpop (xrf0);
	(xrf0) =	vadd.scan.msk.s32 $0xffff, v39;
	vm12 =	vlt.s32 v40, $0x20;
	[tilespmem:v59+s24+$0x0] =	vst.idx.msk vm10, v14;
	vm10 =	vlt.f32 v31, $3.999999910e-02  }
0x25b: {  	v44 =	vor.u32 s29, v2;
	v42 =	vsub.s32 v41, v61;
	[tilespmem:v12+s23+$0x0] =	vst.idx.msk vm14, v38;
	vm4 =	vmand vm10, vm12  }
0x25c: {  	[tilespmem:v12+s24+$0x0] =	vst.idx.msk vm14, v8;
	v8 =	vadd.s32 v25, v42;
	v46 =	vmpcnt.ones.xlane vm4;
	v45, _, _ =	vpop (xrf0);
	(xrf0) =	vadd.scan.msk.s32 $0xffff, v43  }
0x25d: {  	v49 =	vsel vm3, $0x1, v1;
	[tilespmem:v9+s23+$0x0] =	vst.idx.msk vm13, v44;
	v47 =	vsub.s32 v45, v27;
	v48, _, _ =	vpop (xrf0)  }
0x25e: {  	(xrf0) =	vadd.scan.msk.s32 $0xffff, v49;
	v50 =	vadd.s32 v40, v46;
	v12 =	vadd.s32 v36, v47;
	v16 =	vsub.s32 v48, v32  }
0x25f: {  	s29 =	sadd.s32 $0x180, s20;
	[tilespmem:v9+s24+$0x0] =	vst.idx.msk vm13, v7;
	v7 =	vsel vm4, $0x1, v1;
	vm13 =	vlt.f32 v26, $3.999999910e-02;
	vm14 =	vlt.s32 v50, $0x20  }
0x260: {  	v51 =	vor.u32 s29, v2;
	v52, _, _ =	vpop (xrf0);
	vm5 =	vmand vm13, vm14;
	v10 =	vadd.s32 v10, v16;
	(xrf0) =	vadd.scan.msk.s32 $0xffff, v7  }
0x261: {  	s29 =	sadd.s32 $0x190, s20;
	v53 =	vsub.s32 v52, v39;
	[tilespmem:v8+s23+$0x0] =	vst.idx.msk vm11, v51;
	v54 =	vsel vm5, $0x1, v1  }
0x262: {  	v55 =	vadd.s32 v22, v53;
	[tilespmem:v8+s24+$0x0] =	vst.idx.msk vm11, v6;
	v6 =	vor.u32 s29, v2;
	v56, _, _ =	vpop (xrf0);
	(xrf0) =	vadd.scan.msk.s32 $0xffff, v54  }
0x263: {  	s29 =	sadd.s32 $0x1A0, s20;
	[tilespmem:v12+s23+$0x0] =	vst.idx.msk vm7, v6;
	v6 =	vsub.s32 v56, v43  }
0x264: {  	v58 =	vor.u32 s29, v2;
	v57, _, _ =	vpop (xrf0);
	[tilespmem:v12+s24+$0x0] =	vst.idx.msk vm7, v28;
	v6 =	vadd.s32 v29, v6  }
0x265: {  	s29 =	sadd.s32 $0x1B0, s20;
	v9 =	vsub.s32 v57, v49;
	[tilespmem:v10+s23+$0x0] =	vst.idx.msk vm0, v58  }
0x266: {  	v60 =	vor.u32 s29, v2;
	v59, _, _ =	vpop (xrf0);
	v9 =	vadd.s32 v63, v9;
	[tilespmem:v10+s24+$0x0] =	vst.idx.msk vm0, v24  }
0x267: {  	s29 =	sadd.s32 $0x1C0, s20;
	v7 =	vsub.s32 v59, v7;
	[tilespmem:v55+s23+$0x0] =	vst.idx.msk vm1, v60  }
0x268: {  	v61 =	vor.u32 s29, v2;
	v7 =	vadd.s32 v40, v7;
	[tilespmem:v55+s24+$0x0] =	vst.idx.msk vm1, v15;
	v62, _, _ =	vpop (xrf0)  }
0x269: {  	s29 =	sadd.s32 $0x1D0, s20;
	[tilespmem:v6+s23+$0x0] =	vst.idx.msk vm2, v61;
	v63 =	vsub.s32 v62, v54  }
0x26a: {  	[tilespmem:v6+s24+$0x0] =	vst.idx.msk vm2, v37;
	v6 =	vor.u32 s29, v2;
	v8 =	vadd.s32 v50, v63  }
0x26b: {  	s29 =	sadd.s32 $0x1E0, s20;
	[tilespmem:v9+s23+$0x0] =	vst.idx.msk vm3, v6  }
0x26c: {  	v6 =	vor.u32 s29, v2;
	[tilespmem:v9+s24+$0x0] =	vst.idx.msk vm3, v35  }
0x26d: {  	s20 =	sadd.s32 $0x1F0, s20;
	[tilespmem:v7+s23+$0x0] =	vst.idx.msk vm4, v6;
	v6 =	vmpcnt.ones.xlane vm5  }
.Ltmp9:
0x26e: {  	[tilespmem:v7+s24+$0x0] =	vst.idx.msk vm4, v31;
	v7 =	vor.u32 s20, v2;
	(pc) =	sbr.rel .LBB2_8-.Ltmp9, $4  }
0x26f: {  	[tilespmem:v8+s23+$0x0] =	vst.idx.msk vm5, v7;
	v6 =	vadd.s32 v50, v6  }
0x270: {  	[tilespmem:v8+s24+$0x0] =	vst.idx.msk vm5, v26;
	vm15 =	vgt.s32 v6, $0x1F  }
0x271: {  	[tilespmem:$0x13A80] =	vst v6;
	v6 =	vsel vm15, $0x1, v1  }
0x272: {  	[tilespmem:$0x13AA0] =	vst v6  }
.LBB2_11:
0x273: {  	_ =	sfence.sel $0x180000  }
0x274: {  	[bflag:$0x0] =	sbarrier.arrive $0xFFFF  }
0x275: {  	_ =	strace $0x90000047  }
0x276: {  	s0 =	stileid.u32;
	[bflag:$0x2] =	sbarrier.arrive $0xFFFF  }
0x277: {  	p0 =	sne.s32 s0, $0x0;
	s0 =	rddreg [dreg:$0x3]  }
0x278: {  	s0 =	sadd.s32 @!p0 $0x100000, s0  }
0x279: {  	[sflag:s0] =	ssyncadd.tile.s32 @!p0 $0x1;
	_ =	shalt  }
.Lfunc_end2:
_tile_overlayer_lowered:
.L_overlay_start_2:
0x27a: {  	(tag) =	ssettag $0x2  }
0x27b: {  	s0 =	rddreg [dreg:$0x0];
	s2 =	stileid.u32  }
0x27c: {  	s1 =	rddreg [dreg:$0x1];
	p0 =	sne.s32 s2, $0x0  }
0x27d: {  	s3 =	rddreg [dreg:$0x2];
	[bflag:$0x3] =	sbarrier.arrive $0xFFFF;
	s2 =	simm.s32 @!p0 $0x1C01  }
0x27e: {  	[timem:s3], [sflag:s2] =	dma.local @!p0 [hbm:s0], s1  }
0x27f: {  	s0 =	simm.s32 @!p0 $0x1  }
0x280: {  	_ =	swait.ge @!p0 [sflag:s0], s1  }
0x281: {  	s1 =	ssub.s32 @!p0 $0x0, s1;
	[sflag:s0] =	ssyncset.done @!p0 $0x0  }
0x282: {  	[sflag:s0] =	ssyncadd.s32 @!p0 s1  }
0x283: {  	[bflag:$0x3] =	sbarrier.arrive $0xFFFF  }
0x284: {  	_ =	shalt  }

// kernel: kernel.13.cloned.1.call-start
scs
__scs_entry_jumppad:
0x0: {  	(pc) =	sbr.rel $0x88, $3  }
0x1: {  	(tag) =	ssettag $0x0;
	lr =	simm.s32 $0x1  }
0x2: {  	[smem:$0x3F9B] =	sst lr;
	_ =	strace $0xD0000000  }
0x3: {  	_ = 	snop  }
0x4: {  	_ = 	snop  }
0x5: {  	_ = 	snop  }
0x6: {  	_ = 	snop  }
0x7: {  	_ = 	snop  }
__scs_overlays_trampoline_lowered:
0x8: {  	[smem:$0x3FAA] =	sst s0  }
0x9: {  	[smem:$0x3FAB] =	sst s1  }
0xa: {  	[smem:$0x3FAC] =	sst s2  }
0xb: {  	[smem:$0x3FAD] =	sst s3  }
0xc: {  	[smem:$0x3FAE] =	sst s4  }
0xd: {  	[smem:$0x3FAF] =	sst s5  }
0xe: {  	[smem:$0x3FB0] =	sst s6  }
0xf: {  	[smem:$0x3FB1] =	sst s7  }
0x10: {  	[smem:$0x3FB2] =	sst s8  }
0x11: {  	[smem:$0x3FB3] =	sst s9;
	s0 =	simm.s32 @!p0 $0x0  }
0x12: {  	s1 =	sld [smem:$0x3F99];
	s0 =	simm.s32 @p0 $0x1  }
0x13: {  	[smem:$0x3FB4] =	sst s0;
	s0 =	simm.s32 @!p1 $0x0  }
0x14: {  	s2 =	sld [smem:$0x3F98];
	s0 =	simm.s32 @p1 $0x1  }
0x15: {  	[smem:$0x3FB5] =	sst s0;
	s0 =	simm.s32 @!p2 $0x0  }
0x16: {  	s3 =	sld [smem:$0x3FDB];
	s0 =	simm.s32 @p2 $0x1  }
0x17: {  	s4 =	simm.s32 $0x1BF5;
	[smem:$0x3FB7] =	sst s0  }
0x18: {  	s0 =	sld [smem:$0x3F9A];
	_ =	swait.ge [sflag:s4], $0x0  }
0x19: {  	s7 =	sld [smem:$0x3F9B]  }
0x1a: {  	s8 =	sadd.s32 $0xFFFFE003, lr  }
0x1b: {  	s9 =	sadd.s32 $0xFFFFFEF7, lr;
	s5 =	simm.s32 $0xFFFFFFFF;
	p2 =	slt.u32 s8, $0xFFFFF086  }
0x1c: {  	p1 =	slt.u32 s9, $0xF7A;
	s5 =	simm.s32 @!p2 $0x0  }
0x1d: {  	s5 =	simm.s32 @p1 $0x1;
	p0 =	seq.s32 s7, s2  }
0x1e: {  	s7 =	smul.u32 @!p0 $0xF7A, s2;
	p2 =	seq.s32 @!p0 s5, $0x0  }
0x1f: {  	s9 =	smul.u32 $0xF7A, s1;
	s8 =	simm.s32 @!p0 $0x1BF5;
	p2 =	por !p2, p0  }
0x20: {  	[sflag:s8] =	ssyncset.s32 @!p0 $0xFFFFF086;
	s6 =	sadd.s32 @!p0 s3, s7;
	s7 =	simm.s32 @!p0 $0x108  }
0x21: {  	s3 =	sadd.s32 s3, s9;
	s6 =	sadd.s32 @!p0 $0x88, s6;
	s7 =	simm.s32 @p2 $0x1082  }
0x22: {  	[simem:s7], [sflag:s8] =	dma.local @!p0 [hbm:s6], $0xF7A  }
0x23: {  	s9 =	sor.u32 $0xD0000000, s2;
	s6 =	simm.s32 $0x108;
	_ =	swait.ge @!p0 [sflag:s8], $0x0  }
0x24: {  	s3 =	sadd.s32 $0x88, s3;
	s6 =	simm.s32 @!p1 $0x1082;
	[sflag:s4] =	ssyncset.s32 $0xFFFFF086  }
0x25: {  	[simem:s6], [sflag:s4] =	dma.local [hbm:s3], $0xF7A  }
0x26: {  	[smem:$0x3F9B] =	sst s1;
	(tag) =	ssettag s2;
	_ =	strace s9  }
0x27: {  	s1 =	sld [smem:$0x3FAB]  }
0x28: {  	s2 =	sld [smem:$0x3FAC]  }
0x29: {  	s4 =	sld [smem:$0x3FAE]  }
0x2a: {  	p0 =	seq.s32 s5, $0x0;
	s5 =	sld [smem:$0x3FAF]  }
0x2b: {  	s6 =	sld [smem:$0x3FB0]  }
0x2c: {  	s7 =	sld [smem:$0x3FB1]  }
0x2d: {  	s3 =	simm.s32 $0x108;
	s8 =	sld [smem:$0x3FB2]  }
0x2e: {  	s3 =	simm.s32 @!p0 $0x1082;
	s9 =	sld [smem:$0x3FB3]  }
0x2f: {  	lr =	sadd.s32 s0, s3;
	s0 =	sld [smem:$0x3FAA]  }
0x30: {  	s3 =	sld [smem:$0x3FAD]  }
0x31: {  	[smem:$0x3FB6] =	sst s10  }
0x32: {  	s10 =	sld [smem:$0x3FB4];
	_ =	sdelay $0x3  }
0x33: {  	p0 =	seq.s32 s10, $0x1;
	s10 =	sld [smem:$0x3FB6];
	_ =	sdelay $0x3  }
0x34: {  	[smem:$0x3FB6] =	sst s10  }
0x35: {  	s10 =	sld [smem:$0x3FB5];
	_ =	sdelay $0x3  }
0x36: {  	p1 =	seq.s32 s10, $0x1;
	s10 =	sld [smem:$0x3FB6];
	_ =	sdelay $0x3  }
0x37: {  	[smem:$0x3FB6] =	sst s10  }
0x38: {  	s10 =	sld [smem:$0x3FB7]  }
0x39: {  	_ = 	snop;
	(pc) =	sbr.ind lr, $3  }
0x3a: {  	_ = 	snop  }
0x3b: {  	_ = 	snop  }
0x3c: {  	p2 =	seq.s32 s10, $0x1;
	s10 =	sld [smem:$0x3FB6]  }
0x3d: {  	_ =	shalt  }
0x3e: {  	_ =	shalt  }
0x3f: {  	_ =	shalt  }
0x40: {  	_ =	shalt  }
0x41: {  	_ =	shalt  }
0x42: {  	_ =	shalt  }
0x43: {  	_ =	shalt  }
0x44: {  	_ =	shalt  }
0x45: {  	_ =	shalt  }
0x46: {  	_ =	shalt  }
0x47: {  	_ =	shalt  }
0x48: {  	_ =	shalt  }
0x49: {  	_ =	shalt  }
0x4a: {  	_ =	shalt  }
0x4b: {  	_ =	shalt  }
0x4c: {  	_ =	shalt  }
0x4d: {  	_ =	shalt  }
0x4e: {  	_ =	shalt  }
0x4f: {  	_ =	shalt  }
0x50: {  	_ =	shalt  }
0x51: {  	_ =	shalt  }
0x52: {  	_ =	shalt  }
0x53: {  	_ =	shalt  }
0x54: {  	_ =	shalt  }
0x55: {  	_ =	shalt  }
0x56: {  	_ =	shalt  }
0x57: {  	_ =	shalt  }
0x58: {  	_ =	shalt  }
0x59: {  	_ =	shalt  }
0x5a: {  	_ =	shalt  }
0x5b: {  	_ =	shalt  }
0x5c: {  	_ =	shalt  }
0x5d: {  	_ =	shalt  }
0x5e: {  	_ =	shalt  }
0x5f: {  	_ =	shalt  }
0x60: {  	_ =	shalt  }
0x61: {  	_ =	shalt  }
0x62: {  	_ =	shalt  }
0x63: {  	_ =	shalt  }
0x64: {  	_ =	shalt  }
0x65: {  	_ =	shalt  }
0x66: {  	_ =	shalt  }
0x67: {  	_ =	shalt  }
0x68: {  	_ =	shalt  }
0x69: {  	_ =	shalt  }
0x6a: {  	_ =	shalt  }
0x6b: {  	_ =	shalt  }
0x6c: {  	_ =	shalt  }
0x6d: {  	_ =	shalt  }
0x6e: {  	_ =	shalt  }
0x6f: {  	_ =	shalt  }
0x70: {  	_ =	shalt  }
0x71: {  	_ =	shalt  }
0x72: {  	_ =	shalt  }
0x73: {  	_ =	shalt  }
0x74: {  	_ =	shalt  }
0x75: {  	_ =	shalt  }
0x76: {  	_ =	shalt  }
0x77: {  	_ =	shalt  }
0x78: {  	_ =	shalt  }
0x79: {  	_ =	shalt  }
0x7a: {  	_ =	shalt  }
0x7b: {  	_ =	shalt  }
0x7c: {  	_ =	shalt  }
0x7d: {  	_ =	shalt  }
0x7e: {  	_ =	shalt  }
0x7f: {  	_ =	shalt  }
0x80: {  	_ =	shalt  }
0x81: {  	_ =	shalt  }
0x82: {  	_ =	shalt  }
0x83: {  	_ =	shalt  }
0x84: {  	_ =	shalt  }
0x85: {  	_ =	shalt  }
0x86: {  	_ =	shalt  }
0x87: {  	_ =	shalt  }
.Lfunc_end0:
.L_simem_size_0:
called_computation.1_lowered:
.L_overlay_start_0:
0x88: {  	s2 =	sld [smem:$0x3FD9]  }
0x89: {  	s3 =	sld [smem:$0x3FFE];
	_ =	sdelay $0x1  }
0x8a: {  	s1 =	srdreg.scid  }
0x8b: {  	s0 =	sand.u32 $0x1, s1  }
0x8c: {  	s16 =	sshll.u32 s0, $0xA;
	s2 =	sadd.s32 s3, s2  }
0x8d: {  	s2 =	sadd.s32 s2, s16  }
0x8e: {  	[smem:$0x3FC2] =	sst s2  }
0x8f: {  	_ = 	snop  }
0x90: {  	(tm) =	ssettm $0x1  }
0x91: {  	s17 =	sld [smem:$0x3FFB];
	_ =	sdelay $0x3  }
0x92: {  	_ =	strace s17  }
0x93: {  	s2 =	sld [smem:$0x3FFC];
	_ =	sdelay $0x3  }
0x94: {  	_ =	strace s2  }
0x95: {  	s2 =	sld [smem:$0x3FFD];
	_ =	sdelay $0x3  }
0x96: {  	_ =	strace s2  }
0x97: {  	_ =	strace $0x8FFFFFFF  }
0x98: {  	s18 =	sld [smem:$0x3FDB];
	_ =	sdelay $0x1  }
0x99: {  	s19 =	simm.s32 $_scs_section_size  }
0x9a: {  	s4 =	simm.s32 $_size__tile_overlayer_lowered;
	s5 =	simm.s32 $_tile_overlayer_lowered  }
0x9b: {  	s22 =	simm.s32 $0x1BFF;
	s21 =	sshll.u32 s5, $0x1;
	s2 =	sadd.s32 s19, s18  }
0x9c: {  	s6 =	simm.s32 $0x0;
	s20 =	sshll.u32 s4, $0x1;
	s4 =	sadd.s32 s21, s2  }
0x9d: {  	[timem:s6], [sflag:s22] =	dma.local [hbm:s4], s20  }
0x9e: {  	_ =	swait.ge [sflag:s22], s20  }
0x9f: {  	s3 =	ssub.s32 $0x0, s20;
	[sflag:s22] =	ssyncset.done $0x0  }
0xa0: {  	[sflag:s22] =	ssyncadd.s32 s3;
	_ =	sdelay $0x1  }
0xa1: {  	s23 =	simm.s32 $0x1B8B  }
0xa2: {  	_ =	swait.ge [sflag:s23], $0x1  }
0xa3: {  	[sflag:s23] =	ssyncset.done $0x0  }
0xa4: {  	s25 =	simm.s32 $0x1B8E;
	s24 =	sld [smem:$0x3FFE];
	[sflag:s23] =	ssyncadd.s32 $0xFFFFFFFF  }
0xa5: {  	s26 =	simm.s32 $execute0_lowered;
	[smem:$0x3FD2] =	sst s25  }
0xa6: {  	s4 =	sshll.u32 s26, $0x1;
	_ =	strace $0x80000049;
	[dreg:$0x1] =	wrdreg $0xFFFFFFFF  }
0xa7: {  	s28 =	simm.s32 $_size_execute0_lowered;
	s2 =	sadd.s32 s2, s4;
	[dreg:$0x0] =	wrdreg $0x0  }
0xa8: {  	s4 =	sshll.u32 s28, $0x1;
	[dreg:$0x2] =	wrdreg s2  }
0xa9: {  	[dreg:$0x3] =	wrdreg s4  }
0xaa: {  	[dreg:$0x4] =	wrdreg $0xC0  }
0xab: {  	_ =	task [dreg:s6], $0x5FFFF  }
0xac: {  	[dreg:$0x1] =	wrdreg $0xFFFFFFFF  }
0xad: {  	[dreg:$0x0] =	wrdreg $0x60  }
0xae: {  	[dreg:$0x2] =	wrdreg s24  }
0xaf: {  	[dreg:$0x3] =	wrdreg $0x9  }
0xb0: {  	_ =	task.clear_ibuf [dreg:s6], $0x4FFFF;
	_ =	strace $0x90000049  }
0xb1: {  	s29 =	simm.s32 $0x9;
	_ =	strace $0x8000004B  }
0xb2: {  	_ =	swait.ge [sflag:s29], $0x1  }
0xb3: {  	[sflag:s29] =	ssyncadd.s32 $0xFFFFFFFF  }
0xb4: {  	_ =	strace $0x9000004B  }
0xb5: {  	_ =	sfence  }
0xb6: {  	s30 =	sld [smem:$0x0];
	_ =	sdelay $0x2  }
0xb7: {  	s31 =	sshll.u32 s1, $0xD;
	s1 =	sshrl.u32 s1, $0x2  }
0xb8: {  	s3 =	sand.u32 $0x4000, s31;
	s1 =	sadd.s32 s1, s30  }
0xb9: {  	s0 =	sor.u32 s3, s0;
	s1 =	sshll.u32 s1, $0x11  }
0xba: {  	s0 =	sor.u32 s1, s0  }
0xbb: {  	s0 =	sadd.s32 $0x8F2B, s0  }
0xbc: {  	[sflag:s0] =	ssyncadd.remote.s32 $0x1  }
0xbd: {  	_ =	sfence.sel $0xFFFF  }
0xbe: {  	[dreg:$0x0] =	wrdreg $0xFFFFFFFF;
	(pc) =	sbr.abs _section_cstart, $3  }
0xbf: {  	[dreg:$0x1] =	wrdreg $0xFFFFFFFF  }
0xc0: {  	_ =	task.clear_ibuf [dreg:s6], $0x2FFFF;
	_ =	strace $0x9FFFFFFF  }
0xc1: {  	(tm) =	ssettm $0x7FFFFFFF  }
tec
execute0_lowered:
.L_overlay_start_1:
0x0: {  	(tag) =	ssettag $0x1  }
0x1: {  	s4 =	rddreg [dreg:$0x0]  }
0x2: {  	s0 =	rddreg [dreg:$0x1];
	s3 =	srdreg.scid  }
0x3: {  	s2 =	simm.s32 $0x0;
	s1 =	stileid.u32;
	s12 =	simm.s32 $0x0  }
0x4: {  	s5 =	sand.u32 $0x1, s3;
	[smem:$0x7FF] =	sst s2;
	s6 =	sshll.u32 s1, $0xB  }
0x5: {  	s7 =	sshll.u32 s1, $0xC;
	s29 =	sshll.u32 s1, $0xE;
	s30 =	sshll.u32 s1, $0xF  }
0x6: {  	s3 =	sshll.u32 s5, $0xF;
	s23 =	sshll.u32 s5, $0x10;
	_ =	strace $0x8000004A  }
0x7: {  	s26 =	sshll.u32 s5, $0x12;
	s9 =	ssub.s32 $0x2, s5;
	s5 =	sshll.u32 s5, $0x13  }
0x8: {  	s3 =	sor.u32 s6, s3;
	s6 =	sor.u32 s7, s23;
	s10 =	sshrl.u32 s9, $0x1  }
0x9: {  	s11 =	sadd.s32 s5, s4;
	s8 =	sshrl.u32 s3, $0x3;
	s3 =	sadd.s32 $0x1B200, s4  }
0xa: {  	s6 =	sshrl.u32 s6, $0x3;
	s28 =	ssub.s32 s9, s10;
	s31 =	sadd.s32 s30, s11  }
0xb: {  	s9 =	simm.s32 $0x2;
	s10 =	simm.s32 $0x80;
	s11 =	simm.s32 $0x1  }
0xc: {  	s24 =	sadd.s32 s8, s4;
	s25 =	sadd.s32 s6, s4;
	s6 =	sadd.s32 s26, s4  }
0xd: {  	s4 =	smax.u32 s28, $0x1;
	s7 =	sadd.s32 $0xDB200, s31;
	s5 =	sadd.s32 s29, s6  }
0xe: {  	s6 =	sadd.s32 $0x15200, s24;
	s8 =	sadd.s32 $0x17200, s25;
	s5 =	sadd.s32 $0x5B200, s5  }
.LBB2_1:
0xf: {  	s13 =	sadd.s32 $0x0, s6  }
0x10: {  	[tilespmem:s2], [sflag:$0x2] =	stream.linear.gather [hbm4b:s13+s2], $0x80, $0x38;
	[tilespmem:$0x2080] =	vst v63  }
0x11: {  	_ =	swait.ge [sflag:s9], $0x80  }
0x12: {  	[sflag:s9] =	ssyncset.done $0x0  }
0x13: {  	[sflag:s9] =	ssyncadd.s32 $0xFFFFFF80  }
0x14: {  	[tilespmem:s10], [sflag:$0x1] =	stream.indirect.gather [hbm4b:s3+s10], $0x40, s2, s10, $0xb8;
	[tilespmem:$0x2080] =	vst v63  }
0x15: {  	_ =	swait.ge [sflag:s11], $0x2000  }
0x16: {  	[sflag:s11] =	ssyncset.done $0x0  }
0x17: {  	[sflag:s11] =	ssyncadd.s32 $0xFFFFE000  }
0x18: {  	[hbm4b:s5+s2] =	stream.linear.scatter [tilespmem:s10], [sflag:$0x2], $0x2000, $0x38;
	[tilespmem:$0x2080] =	vst v63  }
0x19: {  	s16 =	sadd.s32 $0x10, s6;
	_ =	swait.ge [sflag:s9], $0x2000  }
0x1a: {  	s14 =	simm.s32 $0x20;
	s13 =	sadd.s32 $0x400, s5;
	[sflag:s9] =	ssyncset.done $0x0  }
.LBB2_2:
0x1b: {  	s17 =	sadd.s32 s14, s6;
	s15 =	simm.s32 $0x0;
	[sflag:s9] =	ssyncadd.s32 $0xFFFFE000  }
0x1c: {  	[tilespmem:s15], [sflag:$0x2] =	stream.linear.gather [hbm4b:s16+s15], $0x80, $0x38;
	[tilespmem:$0x2080] =	vst v63  }
0x1d: {  	p0 =	sne.s32 s14, $0xF0;
	s14 =	sadd.s32 $0x10, s14;
	_ =	swait.ge [sflag:s9], $0x80  }
0x1e: {  	s16 =	smov.u32 s17;
	[sflag:s9] =	ssyncset.done $0x0  }
0x1f: {  	[sflag:s9] =	ssyncadd.s32 $0xFFFFFF80  }
0x20: {  	[tilespmem:s10], [sflag:$0x1] =	stream.indirect.gather [hbm4b:s3+s10], $0x40, s15, s10, $0xb8;
	[tilespmem:$0x2080] =	vst v63  }
0x21: {  	_ =	swait.ge [sflag:s11], $0x2000  }
.Ltmp0:
0x22: {  	[sflag:s11] =	ssyncset.done $0x0;
	(pc) =	sbr.rel @p0 .LBB2_2-.Ltmp0, $4  }
0x23: {  	[sflag:s11] =	ssyncadd.s32 $0xFFFFE000  }
0x24: {  	[hbm4b:s13+s15] =	stream.linear.scatter [tilespmem:s10], [sflag:$0x2], $0x2000, $0x38;
	[tilespmem:$0x2080] =	vst v63  }
0x25: {  	_ =	swait.ge [sflag:s9], $0x2000  }
0x26: {  	s13 =	sadd.s32 $0x400, s13;
	[sflag:s9] =	ssyncset.done $0x0  }
0x27: {  	[sflag:s9] =	ssyncadd.s32 $0xFFFFE000  }
0x28: {  	[tilespmem:s15], [sflag:$0x2] =	stream.linear.gather [hbm4b:s16+s15], $0x80, $0x38;
	[tilespmem:$0x2080] =	vst v63  }
0x29: {  	_ =	swait.ge [sflag:s9], $0x80  }
0x2a: {  	[sflag:s9] =	ssyncset.done $0x0  }
0x2b: {  	[sflag:s9] =	ssyncadd.s32 $0xFFFFFF80  }
0x2c: {  	[tilespmem:s10], [sflag:$0x1] =	stream.indirect.gather [hbm4b:s3+s10], $0x40, s15, s10, $0xb8;
	[tilespmem:$0x2080] =	vst v63  }
0x2d: {  	_ =	swait.ge [sflag:s11], $0x2000  }
0x2e: {  	p1 =	por $0x1, $0x1;
	[sflag:s11] =	ssyncset.done $0x0  }
.Ltmp1:
0x2f: {  	[sflag:s11] =	ssyncadd.s32 $0xFFFFE000;
	(pc) =	sbr.rel @!p1 .LBB2_8-.Ltmp1, $4  }
0x30: {  	[hbm4b:s13+s15] =	stream.linear.scatter [tilespmem:s10], [sflag:$0x2], $0x2000, $0x38;
	[tilespmem:$0x2080] =	vst v63  }
0x31: {  	_ =	swait.ge [sflag:s9], $0x2000  }
0x32: {  	p0 =	por $0x0, $0x0;
	[sflag:s9] =	ssyncset.done $0x0  }
0x33: {  	s14 =	smov.u32 s7;
	s13 =	simm.s32 $0x10;
	[sflag:s9] =	ssyncadd.s32 $0xFFFFE000  }
0x34: {  	s14 =	sadd.s32 $0x0, s8  }
0x35: {  	[tilespmem:s2], [sflag:$0x2] =	stream.linear.gather [hbm4b:s14+s2], $0x80, $0x38;
	[tilespmem:$0x2080] =	vst v63  }
0x36: {  	_ =	swait.ge [sflag:s9], $0x80  }
0x37: {  	[sflag:s9] =	ssyncset.done $0x0  }
0x38: {  	[sflag:s9] =	ssyncadd.s32 $0xFFFFFF80  }
0x39: {  	[tilespmem:s10], [sflag:$0x1] =	stream.indirect.gather [hbm4b:s3+s10], $0x40, s2, s10, $0xb8;
	[tilespmem:$0x2080] =	vst v63  }
0x3a: {  	p1 =	por $0x1, $0x1;
	_ =	swait.ge [sflag:s11], $0x2000  }
.Ltmp2:
0x3b: {  	[sflag:s11] =	ssyncset.done $0x0;
	(pc) =	sbr.rel @!p1 .LBB2_5-.Ltmp2, $4  }
0x3c: {  	[sflag:s11] =	ssyncadd.s32 $0xFFFFE000  }
0x3d: {  	[hbm4b:s7+s2] =	stream.linear.scatter [tilespmem:s10], [sflag:$0x2], $0x2000, $0x38;
	[tilespmem:$0x2080] =	vst v63  }
0x3e: {  	s15 =	simm.s32 $0x20;
	_ =	swait.ge [sflag:s9], $0x2000  }
0x3f: {  	p0 =	por $0x1, $0x1;
	s14 =	sadd.s32 $0x400, s7;
	[sflag:s9] =	ssyncset.done $0x0  }
.LBB2_6:
0x40: {  	s16 =	sadd.s32 s13, s8  }
0x41: {  	[sflag:s9] =	ssyncadd.s32 $0xFFFFE000;
	s13 =	smov.u32 s15;
	s17 =	sadd.s32 $0x10, s15  }
0x42: {  	[tilespmem:s2], [sflag:$0x2] =	stream.linear.gather [hbm4b:s16+s2], $0x80, $0x38;
	[tilespmem:$0x2080] =	vst v63  }
0x43: {  	p1 =	sne.s32 s15, $0x1F0;
	_ =	swait.ge [sflag:s9], $0x80  }
0x44: {  	[sflag:s9] =	ssyncset.done $0x0  }
0x45: {  	[sflag:s9] =	ssyncadd.s32 $0xFFFFFF80  }
0x46: {  	[tilespmem:s10], [sflag:$0x1] =	stream.indirect.gather [hbm4b:s3+s10], $0x40, s2, s10, $0xb8;
	[tilespmem:$0x2080] =	vst v63  }
0x47: {  	_ =	swait.ge [sflag:s11], $0x2000  }
.Ltmp3:
0x48: {  	[sflag:s11] =	ssyncset.done $0x0;
	(pc) =	sbr.rel @p1 .LBB2_6-.Ltmp3, $4  }
0x49: {  	[sflag:s11] =	ssyncadd.s32 $0xFFFFE000  }
0x4a: {  	[hbm4b:s14+s2] =	stream.linear.scatter [tilespmem:s10], [sflag:$0x2], $0x2000, $0x38;
	[tilespmem:$0x2080] =	vst v63  }
0x4b: {  	_ =	swait.ge [sflag:s9], $0x2000  }
0x4c: {  	s15 =	smov.u32 s17;
	s14 =	sadd.s32 $0x400, s14;
	[sflag:s9] =	ssyncset.done $0x0  }
0x4d: {  	s15 =	smov.u32 s13  }
.LBB2_8:
0x4e: {  	s13 =	sadd.s32 s15, s8;
	[sflag:s9] =	ssyncadd.s32 @p0 $0xFFFFE000  }
0x4f: {  	[tilespmem:s2], [sflag:$0x2] =	stream.linear.gather [hbm4b:s13+s2], $0x80, $0x38;
	[tilespmem:$0x2080] =	vst v63  }
0x50: {  	_ =	swait.ge [sflag:s9], $0x80  }
0x51: {  	[sflag:s9] =	ssyncset.done $0x0  }
0x52: {  	[sflag:s9] =	ssyncadd.s32 $0xFFFFFF80  }
0x53: {  	[tilespmem:s10], [sflag:$0x1] =	stream.indirect.gather [hbm4b:s3+s10], $0x40, s2, s10, $0xb8;
	[tilespmem:$0x2080] =	vst v63  }
0x54: {  	_ =	swait.ge [sflag:s11], $0x2000  }
0x55: {  	s12 =	sadd.s32 $0x1, s12;
	[sflag:s11] =	ssyncset.done $0x0  }
0x56: {  	p0 =	sne.s32 s12, s4;
	[sflag:s11] =	ssyncadd.s32 $0xFFFFE000  }
0x57: {  	[hbm4b:s14+s2] =	stream.linear.scatter [tilespmem:s10], [sflag:$0x2], $0x2000, $0x38;
	[tilespmem:$0x2080] =	vst v63  }
.Ltmp4:
0x58: {  	_ = 	snop;
	(pc) =	sbr.rel @p0 .LBB2_1-.Ltmp4, $4  }
.Ltmp5:
0x59: {  	_ = 	snop;
	(pc) =	sbr.rel @!p0 .LBB2_9-.Ltmp5, $4  }
0x5a: {  	_ =	swait.ge [sflag:s9], $0x2000  }
0x5b: {  	[sflag:s9] =	ssyncset.done $0x0  }
0x5c: {  	[sflag:s9] =	ssyncadd.s32 $0xFFFFE000  }
0x5d: {  	_ = 	snop  }
.LBB2_5:
.Ltmp6:
0x5e: {  	(pc) =	sbr.rel .LBB2_8-.Ltmp6, $2  }
0x5f: {  	_ =	sdelay $0x2  }
0x60: {  	s15 =	simm.s32 $0x10  }
.LBB2_9:
0x61: {  	_ =	sfence.sel $0x180000  }
0x62: {  	[bflag:$0x0] =	sbarrier.arrive $0xFFFF  }
0x63: {  	p0 =	sne.s32 s1, $0x0;
	_ =	strace $0x9000004A  }
0x64: {  	s0 =	sadd.s32 @!p0 $0x100000, s0;
	[bflag:$0x2] =	sbarrier.arrive $0xFFFF  }
0x65: {  	[sflag:s0] =	ssyncadd.tile.s32 @!p0 $0x1;
	_ =	shalt  }
.Lfunc_end2:
_tile_overlayer_lowered:
.L_overlay_start_2:
0x66: {  	(tag) =	ssettag $0x2  }
0x67: {  	s0 =	rddreg [dreg:$0x0];
	s2 =	stileid.u32  }
0x68: {  	s1 =	rddreg [dreg:$0x1];
	p0 =	sne.s32 s2, $0x0  }
0x69: {  	s3 =	rddreg [dreg:$0x2];
	[bflag:$0x3] =	sbarrier.arrive $0xFFFF;
	s2 =	simm.s32 @!p0 $0x1C02  }
0x6a: {  	[timem:s3], [sflag:s2] =	dma.local @!p0 [hbm:s0], s1  }
0x6b: {  	s0 =	simm.s32 @!p0 $0x2  }
0x6c: {  	_ =	swait.ge @!p0 [sflag:s0], s1  }
0x6d: {  	s1 =	ssub.s32 @!p0 $0x0, s1;
	[sflag:s0] =	ssyncset.done @!p0 $0x0  }
0x6e: {  	[sflag:s0] =	ssyncadd.s32 @!p0 s1  }
0x6f: {  	[bflag:$0x3] =	sbarrier.arrive $0xFFFF  }
0x70: {  	_ =	shalt  }

</sc_bundles>
